<compile_context>
chip_gen: v7x
topology: tpu7x:2x2x1
jax: 0.10.2.dev20260603
libtpu: 0.0.44.dev20260713+nightly
codegen_flags: <defaults>
</compile_context>

<pallas_src>
import functools

import jax
import jax.numpy as jnp
from jax import lax
from jax.experimental import pallas as pl
from jax.experimental.pallas import tpu as pltpu
from jax.experimental.pallas import tpu_sc as plsc

B = 16384
D = 64
H = 128
NC = 2
NS = 16
NW = NC * NS
BPW = B // NW
HPW = BPW // 2
NG = HPW // 16

BLK = 2048


@functools.lru_cache(maxsize=None)
def _gather_fn():
    mesh = plsc.VectorSubcoreMesh(core_axis_name="c", subcore_axis_name="s")

    @functools.partial(
        pl.kernel,
        mesh=mesh,
        out_type=[
            jax.ShapeDtypeStruct((B // 8, 8, D), jnp.float32),
            jax.ShapeDtypeStruct((B // 8, 8, D), jnp.float32),
        ],
        scratch_types=[
            pltpu.VMEM((BPW,), jnp.int32),
            pltpu.VMEM((BPW,), jnp.int32),
            pltpu.VMEM((BPW // 8, 8, D), jnp.float32),
            pltpu.SemaphoreType.DMA,
            pltpu.SemaphoreType.DMA,
        ],
    )
    def gather(user_hbm, book_hbm, utab3, btab3, u_out, b_out,
               uidx, bidx, buf, sem_u, sem_b):
        wid = lax.axis_index("s") * NC + lax.axis_index("c")
        base = wid * BPW
        pltpu.sync_copy(user_hbm.at[pl.ds(base, BPW)], uidx)
        pltpu.sync_copy(book_hbm.at[pl.ds(base, BPW)], bidx)

        def drain16(tab3, sem):
            for _ in range(16):
                pltpu.make_async_copy(
                    tab3.at[0, 0], buf.at[0, 0], sem).wait()

        def fire16(idxv, tab3, tile0, g, sem):
            tv = lax.shift_right_logical(idxv, 3)
            sv = lax.bitwise_and(idxv, 7)
            for lane in range(16):
                row = tile0 + g * 2 + lane // 8
                pltpu.async_copy(
                    tab3.at[tv[lane], sv[lane]],
                    buf.at[row, lane % 8], sem)

        for half in range(2):
            off = half * HPW

            def body(g, _):
                uv = uidx[pl.ds(off + g * 16, 16)]
                bv = bidx[pl.ds(off + g * 16, 16)]
                fire16(uv, utab3, 0, g, sem_u)
                fire16(bv, btab3, 32, g, sem_b)

                @pl.when(g > 0)
                def _d():
                    drain16(utab3, sem_u)
                    drain16(btab3, sem_b)
                return _
            lax.fori_loop(0, NG, body, None)
            drain16(utab3, sem_u)
            drain16(btab3, sem_b)
            pltpu.sync_copy(
                buf.at[pl.ds(0, HPW // 8)],
                u_out.at[pl.ds((base + off) // 8, HPW // 8)])
            pltpu.sync_copy(
                buf.at[pl.ds(32, HPW // 8)],
                b_out.at[pl.ds((base + off) // 8, HPW // 8)])

    return gather


def _combine_body(tag_ref, w_ref, b_ref, u_ref, bk_ref, out_ref):
    proj = jnp.dot(tag_ref[...], w_ref[...],
                   preferred_element_type=jnp.float32)
    integ = bk_ref[...] + proj + b_ref[...]
    out_ref[...] = jnp.sum(u_ref[...] * integ, axis=1)


def _combine(tag, W, b2, U, Bk):
    return pl.pallas_call(
        _combine_body,
        grid=(B // BLK,),
        in_specs=[
            pl.BlockSpec((BLK, H), lambda i: (i, 0)),
            pl.BlockSpec((H, D), lambda i: (0, 0)),
            pl.BlockSpec((1, D), lambda i: (0, 0)),
            pl.BlockSpec((BLK, D), lambda i: (i, 0)),
            pl.BlockSpec((BLK, D), lambda i: (i, 0)),
        ],
        out_specs=pl.BlockSpec((BLK,), lambda i: (i,)),
        out_shape=jax.ShapeDtypeStruct((B,), jnp.float32),
    )(tag, W, b2, U, Bk)


def kernel(user, book, tag_embedding, user_table, book_table, W_lin, b_lin):
    U3, Bk3 = _gather_fn()(
        user, book,
        user_table.reshape(user_table.shape[0] // 8, 8, D),
        book_table.reshape(book_table.shape[0] // 8, 8, D))
    return _combine(tag_embedding, W_lin, b_lin.reshape(1, D),
                    U3.reshape(B, D), Bk3.reshape(B, D))

# --- scband reference (transcript-rebuilt; emitter-appended) ---
"""Pipeline reference for scband-matrix-factorization-14474039787713 (READ-ONLY COPY).

The authoritative reference and input builder live on the scoring server;
editing this copy changes nothing except your own understanding.
"""

import jax, jax.numpy as jnp
import numpy as np

NUM_USERS = 1000000
NUM_BOOKS = 100000
EMBED_DIM = 64
HIDDEN_STATE = 128
BATCH = 16384

def setup_inputs(seed: int = 0) -> dict:
    key = jax.random.key(seed)
    k_user, k_book, k_tag, k_ut, k_bt, k_w, k_b = jax.random.split(key, 7)
    user = jax.random.randint(k_user, (BATCH,), 0, NUM_USERS, dtype=jnp.int64 if jax.config.jax_enable_x64 else jnp.int32).astype(jnp.int32)
    book = jax.random.randint(k_book, (BATCH,), 0, NUM_BOOKS).astype(jnp.int32)
    tag_embedding = jax.random.normal(k_tag, (BATCH, HIDDEN_STATE), dtype=jnp.float32)
    user_table = jax.random.normal(k_ut, (NUM_USERS, EMBED_DIM), dtype=jnp.float32) * 0.02
    book_table = jax.random.normal(k_bt, (NUM_BOOKS, EMBED_DIM), dtype=jnp.float32) * 0.02
    W_lin = jax.random.normal(k_w, (HIDDEN_STATE, EMBED_DIM), dtype=jnp.float32) * (1.0 / np.sqrt(HIDDEN_STATE))
    b_lin = jnp.zeros((EMBED_DIM,), dtype=jnp.float32)
    return {"user": user, "book": book, "tag_embedding": tag_embedding,
            "user_table": user_table, "book_table": book_table,
            "W_lin": W_lin, "b_lin": b_lin}

def reference(user, book, tag_embedding, user_table, book_table, W_lin, b_lin):
    user_embedding = jnp.take(user_table, user, axis=0)
    book_embedding = jnp.take(book_table, book, axis=0)
    tag_embedding_proj = tag_embedding @ W_lin + b_lin
    book_integrate = book_embedding + tag_embedding_proj
    return (user_embedding * book_integrate).sum(axis=1)

if __name__ == "__main__":
    import jax
    _d = setup_inputs()
    print(jax.jit(kernel)(*tuple(_d.values())))

</pallas_src>

<mosaic_0001>
#map = affine_map<(d0, d1) -> (0)>
#map1 = affine_map<(d0, d1) -> (0, 0, 0)>
module attributes {stable_mosaic.version = 14 : i64} {
  func.func @gather(%arg0: i32, %arg1: i32, %arg2: memref<16384xi32, #tpu.memory_space<hbm>>, %arg3: memref<16384xi32, #tpu.memory_space<hbm>>, %arg4: memref<125000x8x64xf32, #tpu.memory_space<hbm>>, %arg5: memref<12500x8x64xf32, #tpu.memory_space<hbm>>, %arg6: memref<2048x8x64xf32, #tpu.memory_space<hbm>>, %arg7: memref<2048x8x64xf32, #tpu.memory_space<hbm>>, %arg8: memref<512xi32, #tpu.memory_space<vmem>>, %arg9: memref<512xi32, #tpu.memory_space<vmem>>, %arg10: memref<64x8x64xf32, #tpu.memory_space<vmem>>, %arg11: memref<!tpu.dma_semaphore, #tpu.memory_space<semaphore_mem>>, %arg12: memref<!tpu.dma_semaphore, #tpu.memory_space<semaphore_mem>>) attributes {dimension_semantics = [#tpu.dimension_semantics<core_parallel>, #tpu.dimension_semantics<subcore_parallel>], iteration_bounds = array<i64: 2, 16>, scalar_prefetch = 0 : i64, scratch_operands = 5 : i64, tpu.core_type = #tpu.core_type<sc_vector_subcore>, window_params = [{transform_indices = #map}, {transform_indices = #map}, {transform_indices = #map1}, {transform_indices = #map1}, {transform_indices = #map1}, {transform_indices = #map1}]} {
    %mul3A = arith.constant 2 : i32
    %mul3A_0 = arith.muli %arg1, %mul3A : i32
    %add3A = arith.addi %mul3A_0, %arg0 : i32
    %mul3A_1 = arith.constant 512 : i32
    %mul3A_2 = arith.muli %add3A, %mul3A_1 : i32
    "tpu.region"() ({
      %run_scoped3A = tpu.sem_alloc : memref<!tpu.dma_semaphore, #tpu.memory_space<semaphore_mem>>
      %dma_start3A = tpu.memref_slice %arg2[%mul3A_2] : memref<16384xi32, #tpu.memory_space<hbm>> -> memref<512xi32, #tpu.memory_space<hbm>>
      %dma_start3A_1131 = tpu.memref_slice %arg2[%mul3A_2] : memref<16384xi32, #tpu.memory_space<hbm>> -> memref<512xi32, #tpu.memory_space<hbm>>
      tpu.enqueue_dma source(%dma_start3A_1131 : memref<512xi32, #tpu.memory_space<hbm>>) target(%arg8 : memref<512xi32, #tpu.memory_space<vmem>>) target_semaphore(%run_scoped3A : memref<!tpu.dma_semaphore, #tpu.memory_space<semaphore_mem>>)
      %dma_wait3A_1132 = tpu.memref_slice %arg2[%mul3A_2] : memref<16384xi32, #tpu.memory_space<hbm>> -> memref<512xi32, #tpu.memory_space<hbm>>
      %dma_wait3A_1133 = tpu.memref_slice %arg2[%mul3A_2] : memref<16384xi32, #tpu.memory_space<hbm>> -> memref<512xi32, #tpu.memory_space<hbm>>
      tpu.wait_dma2 semaphore(%run_scoped3A : memref<!tpu.dma_semaphore, #tpu.memory_space<semaphore_mem>>) src(%dma_wait3A_1133 : memref<512xi32, #tpu.memory_space<hbm>>) dst(%arg8 : memref<512xi32, #tpu.memory_space<vmem>>)
      tpu.yield
    }) : () -> ()
    "tpu.region"() ({
      %run_scoped3A = tpu.sem_alloc : memref<!tpu.dma_semaphore, #tpu.memory_space<semaphore_mem>>
      %dma_start3A = tpu.memref_slice %arg3[%mul3A_2] : memref<16384xi32, #tpu.memory_space<hbm>> -> memref<512xi32, #tpu.memory_space<hbm>>
      %dma_start3A_1131 = tpu.memref_slice %arg3[%mul3A_2] : memref<16384xi32, #tpu.memory_space<hbm>> -> memref<512xi32, #tpu.memory_space<hbm>>
      tpu.enqueue_dma source(%dma_start3A_1131 : memref<512xi32, #tpu.memory_space<hbm>>) target(%arg9 : memref<512xi32, #tpu.memory_space<vmem>>) target_semaphore(%run_scoped3A : memref<!tpu.dma_semaphore, #tpu.memory_space<semaphore_mem>>)
      %dma_wait3A_1132 = tpu.memref_slice %arg3[%mul3A_2] : memref<16384xi32, #tpu.memory_space<hbm>> -> memref<512xi32, #tpu.memory_space<hbm>>
      %dma_wait3A_1133 = tpu.memref_slice %arg3[%mul3A_2] : memref<16384xi32, #tpu.memory_space<hbm>> -> memref<512xi32, #tpu.memory_space<hbm>>
      tpu.wait_dma2 semaphore(%run_scoped3A : memref<!tpu.dma_semaphore, #tpu.memory_space<semaphore_mem>>) src(%dma_wait3A_1133 : memref<512xi32, #tpu.memory_space<hbm>>) dst(%arg9 : memref<512xi32, #tpu.memory_space<vmem>>)
      tpu.yield
    }) : () -> ()
    %scan3A = arith.constant 0 : i32
    %scan3A_3 = arith.constant 16 : i32
    %scan3A_4 = arith.addi %scan3A, %scan3A_3 : i32
    %scan3A_5 = arith.constant 1 : i32
    scf.for %scan3A_1131 = %scan3A to %scan3A_4 step %scan3A_5  : i32 {
      %mul3A_1132 = arith.constant 16 : i32
      %mul3A_1133 = arith.muli %scan3A_1131, %mul3A_1132 : i32
      %add3A_1134 = arith.constant 0 : i32
      %add3A_1135 = arith.addi %add3A_1134, %mul3A_1133 : i32
      %get3A = arith.index_cast %add3A_1135 : i32 to index
      %get3A_1136 = tpu.vector_load %arg8[%get3A] {strides = array<i32>} : memref<512xi32, #tpu.memory_space<vmem>>, vector<16xi32>,
      %get3A_1137 = vector.shape_cast %get3A_1136 : vector<16xi32> to vector<16xi32>
      %mul3A_1138 = arith.constant 16 : i32
      %mul3A_1139 = arith.muli %scan3A_1131, %mul3A_1138 : i32
      %add3A_1140 = arith.constant 0 : i32
      %add3A_1141 = arith.addi %add3A_1140, %mul3A_1139 : i32
      %get3A_1142 = arith.index_cast %add3A_1141 : i32 to index
      %get3A_1143 = tpu.vector_load %arg9[%get3A_1142] {strides = array<i32>} : memref<512xi32, #tpu.memory_space<vmem>>, vector<16xi32>,
      %get3A_1144 = vector.shape_cast %get3A_1143 : vector<16xi32> to vector<16xi32>
      %shift_right_logical3A = arith.constant 3 : i32
      %shift_right_logical3A_1145 = vector.broadcast %shift_right_logical3A : i32 to vector<16xi32>
      %shift_right_logical3A_1146 = arith.shrui %get3A_1137, %shift_right_logical3A_1145 : vector<16xi32>
      %and3A_1147 = arith.constant 7 : i32
      %and3A_1148 = vector.broadcast %and3A_1147 : i32 to vector<16xi32>
      %and3A_1149 = arith.andi %get3A_1137, %and3A_1148 : vector<16xi32>
      %mul3A_1150 = arith.constant 2 : i32
      %mul3A_1151 = arith.muli %scan3A_1131, %mul3A_1150 : i32
      %add3A_1152 = arith.constant 0 : i32
      %add3A_1153 = arith.addi %add3A_1152, %mul3A_1151 : i32
      %add3A_1154 = arith.constant 0 : i32
      %add3A_1155 = arith.addi %add3A_1153, %add3A_1154 : i32
      %slice3A = vector.extract_strided_slice %shift_right_logical3A_1146 {offsets = [0], sizes = [1], strides = [1]} : vector<16xi32> to vector<1xi32>
      %squeeze3A = vector.extract %slice3A[0] : i32 from vector<1xi32>
      %slice3A_1156 = vector.extract_strided_slice %and3A_1149 {offsets = [0], sizes = [1], strides = [1]} : vector<16xi32> to vector<1xi32>
      %squeeze3A_1157 = vector.extract %slice3A_1156[0] : i32 from vector<1xi32>
      %dma_start3A = arith.constant 0 : i32
      %dma_start3A_1158 = arith.constant 0 : i32
      %dma_start3A_1159 = tpu.memref_slice %arg10[%add3A_1155, %dma_start3A, %dma_start3A_1158] : memref<64x8x64xf32, #tpu.memory_space<vmem>> -> memref<1x1x64xf32, #tpu.memory_space<vmem>>
      %dma_start3A_1160 = tpu.memref_squeeze %dma_start3A_1159 : memref<1x1x64xf32, #tpu.memory_space<vmem>> -> memref<64xf32, #tpu.memory_space<vmem>>
      %dma_start3A_1161 = arith.constant 0 : i32
      %dma_start3A_1162 = tpu.memref_slice %arg4[%squeeze3A, %squeeze3A_1157, %dma_start3A_1161] : memref<125000x8x64xf32, #tpu.memory_space<hbm>> -> memref<1x1x64xf32, #tpu.memory_space<hbm>>
      %dma_start3A_1163 = tpu.memref_squeeze %dma_start3A_1162 : memref<1x1x64xf32, #tpu.memory_space<hbm>> -> memref<64xf32, #tpu.memory_space<hbm>>
      %dma_start3A_1164 = arith.constant 0 : i32
      %dma_start3A_1165 = tpu.memref_slice %arg10[%add3A_1155, %dma_start3A, %dma_start3A_1164] : memref<64x8x64xf32, #tpu.memory_space<vmem>> -> memref<1x1x64xf32, #tpu.memory_space<vmem>>
      %dma_start3A_1166 = tpu.memref_squeeze %dma_start3A_1165 : memref<1x1x64xf32, #tpu.memory_space<vmem>> -> memref<64xf32, #tpu.memory_space<vmem>>
      %dma_start3A_1167 = arith.constant 0 : i32
      %dma_start3A_1168 = tpu.memref_slice %arg4[%squeeze3A, %squeeze3A_1157, %dma_start3A_1167] : memref<125000x8x64xf32, #tpu.memory_space<hbm>> -> memref<1x1x64xf32, #tpu.memory_space<hbm>>
      %dma_start3A_1169 = tpu.memref_squeeze %dma_start3A_1168 : memref<1x1x64xf32, #tpu.memory_space<hbm>> -> memref<64xf32, #tpu.memory_space<hbm>>
      tpu.enqueue_dma source(%dma_start3A_1169 : memref<64xf32, #tpu.memory_space<hbm>>) target(%dma_start3A_1166 : memref<64xf32, #tpu.memory_space<vmem>>) target_semaphore(%arg11 : memref<!tpu.dma_semaphore, #tpu.memory_space<semaphore_mem>>)
      %mul3A_1170 = arith.constant 2 : i32
      %mul3A_1171 = arith.muli %scan3A_1131, %mul3A_1170 : i32
      %add3A_1172 = arith.constant 0 : i32
      %add3A_1173 = arith.addi %add3A_1172, %mul3A_1171 : i32
      %add3A_1174 = arith.constant 0 : i32
      %add3A_1175 = arith.addi %add3A_1173, %add3A_1174 : i32
      %slice3A_1176 = vector.extract_strided_slice %shift_right_logical3A_1146 {offsets = [1], sizes = [1], strides = [1]} : vector<16xi32> to vector<1xi32>
      %squeeze3A_1177 = vector.extract %slice3A_1176[0] : i32 from vector<1xi32>
      %slice3A_1178 = vector.extract_strided_slice %and3A_1149 {offsets = [1], sizes = [1], strides = [1]} : vector<16xi32> to vector<1xi32>
      %squeeze3A_1179 = vector.extract %slice3A_1178[0] : i32 from vector<1xi32>
      %dma_start3A_1180 = arith.constant 1 : i32
      %dma_start3A_1181 = arith.constant 0 : i32
      %dma_start3A_1182 = tpu.memref_slice %arg10[%add3A_1175, %dma_start3A_1180, %dma_start3A_1181] : memref<64x8x64xf32, #tpu.memory_space<vmem>> -> memref<1x1x64xf32, #tpu.memory_space<vmem>>
      %dma_start3A_1183 = tpu.memref_squeeze %dma_start3A_1182 : memref<1x1x64xf32, #tpu.memory_space<vmem>> -> memref<64xf32, #tpu.memory_space<vmem>>
      %dma_start3A_1184 = arith.constant 0 : i32
      %dma_start3A_1185 = tpu.memref_slice %arg4[%squeeze3A_1177, %squeeze3A_1179, %dma_start3A_1184] : memref<125000x8x64xf32, #tpu.memory_space<hbm>> -> memref<1x1x64xf32, #tpu.memory_space<hbm>>
      %dma_start3A_1186 = tpu.memref_squeeze %dma_start3A_1185 : memref<1x1x64xf32, #tpu.memory_space<hbm>> -> memref<64xf32, #tpu.memory_space<hbm>>
      %dma_start3A_1187 = arith.constant 0 : i32
      %dma_start3A_1188 = tpu.memref_slice %arg10[%add3A_1175, %dma_start3A_1180, %dma_start3A_1187] : memref<64x8x64xf32, #tpu.memory_space<vmem>> -> memref<1x1x64xf32, #tpu.memory_space<vmem>>
      %dma_start3A_1189 = tpu.memref_squeeze %dma_start3A_1188 : memref<1x1x64xf32, #tpu.memory_space<vmem>> -> memref<64xf32, #tpu.memory_space<vmem>>
      %dma_start3A_1190 = arith.constant 0 : i32
      %dma_start3A_1191 = tpu.memref_slice %arg4[%squeeze3A_1177, %squeeze3A_1179, %dma_start3A_1190] : memref<125000x8x64xf32, #tpu.memory_space<hbm>> -> memref<1x1x64xf32, #tpu.memory_space<hbm>>
      %dma_start3A_1192 = tpu.memref_squeeze %dma_start3A_1191 : memref<1x1x64xf32, #tpu.memory_space<hbm>> -> memref<64xf32, #tpu.memory_space<hbm>>
      tpu.enqueue_dma source(%dma_start3A_1192 : memref<64xf32, #tpu.memory_space<hbm>>) target(%dma_start3A_1189 : memref<64xf32, #tpu.memory_space<vmem>>) target_semaphore(%arg11 : memref<!tpu.dma_semaphore, #tpu.memory_space<semaphore_mem>>)
      %mul3A_1193 = arith.constant 2 : i32
      %mul3A_1194 = arith.muli %scan3A_1131, %mul3A_1193 : i32
      %add3A_1195 = arith.constant 0 : i32
      %add3A_1196 = arith.addi %add3A_1195, %mul3A_1194 : i32
      %add3A_1197 = arith.constant 0 : i32
      %add3A_1198 = arith.addi %add3A_1196, %add3A_1197 : i32
      %slice3A_1199 = vector.extract_strided_slice %shift_right_logical3A_1146 {offsets = [2], sizes = [1], strides = [1]} : vector<16xi32> to vector<1xi32>
      %squeeze3A_1200 = vector.extract %slice3A_1199[0] : i32 from vector<1xi32>
      %slice3A_1201 = vector.extract_strided_slice %and3A_1149 {offsets = [2], sizes = [1], strides = [1]} : vector<16xi32> to vector<1xi32>
      %squeeze3A_1202 = vector.extract %slice3A_1201[0] : i32 from vector<1xi32>
      %dma_start3A_1203 = arith.constant 2 : i32
      %dma_start3A_1204 = arith.constant 0 : i32
      %dma_start3A_1205 = tpu.memref_slice %arg10[%add3A_1198, %dma_start3A_1203, %dma_start3A_1204] : memref<64x8x64xf32, #tpu.memory_space<vmem>> -> memref<1x1x64xf32, #tpu.memory_space<vmem>>
      %dma_start3A_1206 = tpu.memref_squeeze %dma_start3A_1205 : memref<1x1x64xf32, #tpu.memory_space<vmem>> -> memref<64xf32, #tpu.memory_space<vmem>>
      %dma_start3A_1207 = arith.constant 0 : i32
      %dma_start3A_1208 = tpu.memref_slice %arg4[%squeeze3A_1200, %squeeze3A_1202, %dma_start3A_1207] : memref<125000x8x64xf32, #tpu.memory_space<hbm>> -> memref<1x1x64xf32, #tpu.memory_space<hbm>>
      %dma_start3A_1209 = tpu.memref_squeeze %dma_start3A_1208 : memref<1x1x64xf32, #tpu.memory_space<hbm>> -> memref<64xf32, #tpu.memory_space<hbm>>
      %dma_start3A_1210 = arith.constant 0 : i32
      %dma_start3A_1211 = tpu.memref_slice %arg10[%add3A_1198, %dma_start3A_1203, %dma_start3A_1210] : memref<64x8x64xf32, #tpu.memory_space<vmem>> -> memref<1x1x64xf32, #tpu.memory_space<vmem>>
      %dma_start3A_1212 = tpu.memref_squeeze %dma_start3A_1211 : memref<1x1x64xf32, #tpu.memory_space<vmem>> -> memref<64xf32, #tpu.memory_space<vmem>>
      %dma_start3A_1213 = arith.constant 0 : i32
      %dma_start3A_1214 = tpu.memref_slice %arg4[%squeeze3A_1200, %squeeze3A_1202, %dma_start3A_1213] : memref<125000x8x64xf32, #tpu.memory_space<hbm>> -> memref<1x1x64xf32, #tpu.memory_space<hbm>>
      %dma_start3A_1215 = tpu.memref_squeeze %dma_start3A_1214 : memref<1x1x64xf32, #tpu.memory_space<hbm>> -> memref<64xf32, #tpu.memory_space<hbm>>
      tpu.enqueue_dma source(%dma_start3A_1215 : memref<64xf32, #tpu.memory_space<hbm>>) target(%dma_start3A_1212 : memref<64xf32, #tpu.memory_space<vmem>>) target_semaphore(%arg11 : memref<!tpu.dma_semaphore, #tpu.memory_space<semaphore_mem>>)
      %mul3A_1216 = arith.constant 2 : i32
      %mul3A_1217 = arith.muli %scan3A_1131, %mul3A_1216 : i32
      %add3A_1218 = arith.constant 0 : i32
      %add3A_1219 = arith.addi %add3A_1218, %mul3A_1217 : i32
      %add3A_1220 = arith.constant 0 : i32
      %add3A_1221 = arith.addi %add3A_1219, %add3A_1220 : i32
      %slice3A_1222 = vector.extract_strided_slice %shift_right_logical3A_1146 {offsets = [3], sizes = [1], strides = [1]} : vector<16xi32> to vector<1xi32>
      %squeeze3A_1223 = vector.extract %slice3A_1222[0] : i32 from vector<1xi32>
      %slice3A_1224 = vector.extract_strided_slice %and3A_1149 {offsets = [3], sizes = [1], strides = [1]} : vector<16xi32> to vector<1xi32>
      %squeeze3A_1225 = vector.extract %slice3A_1224[0] : i32 from vector<1xi32>
      %dma_start3A_1226 = arith.constant 3 : i32
      %dma_start3A_1227 = arith.constant 0 : i32
      %dma_start3A_1228 = tpu.memref_slice %arg10[%add3A_1221, %dma_start3A_1226, %dma_start3A_1227] : memref<64x8x64xf32, #tpu.memory_space<vmem>> -> memref<1x1x64xf32, #tpu.memory_space<vmem>>
      %dma_start3A_1229 = tpu.memref_squeeze %dma_start3A_1228 : memref<1x1x64xf32, #tpu.memory_space<vmem>> -> memref<64xf32, #tpu.memory_space<vmem>>
      %dma_start3A_1230 = arith.constant 0 : i32
      %dma_start3A_1231 = tpu.memref_slice %arg4[%squeeze3A_1223, %squeeze3A_1225, %dma_start3A_1230] : memref<125000x8x64xf32, #tpu.memory_space<hbm>> -> memref<1x1x64xf32, #tpu.memory_space<hbm>>
      %dma_start3A_1232 = tpu.memref_squeeze %dma_start3A_1231 : memref<1x1x64xf32, #tpu.memory_space<hbm>> -> memref<64xf32, #tpu.memory_space<hbm>>
      %dma_start3A_1233 = arith.constant 0 : i32
      %dma_start3A_1234 = tpu.memref_slice %arg10[%add3A_1221, %dma_start3A_1226, %dma_start3A_1233] : memref<64x8x64xf32, #tpu.memory_space<vmem>> -> memref<1x1x64xf32, #tpu.memory_space<vmem>>
      %dma_start3A_1235 = tpu.memref_squeeze %dma_start3A_1234 : memref<1x1x64xf32, #tpu.memory_space<vmem>> -> memref<64xf32, #tpu.memory_space<vmem>>
      %dma_start3A_1236 = arith.constant 0 : i32
      %dma_start3A_1237 = tpu.memref_slice %arg4[%squeeze3A_1223, %squeeze3A_1225, %dma_start3A_1236] : memref<125000x8x64xf32, #tpu.memory_space<hbm>> -> memref<1x1x64xf32, #tpu.memory_space<hbm>>
      %dma_start3A_1238 = tpu.memref_squeeze %dma_start3A_1237 : memref<1x1x64xf32, #tpu.memory_space<hbm>> -> memref<64xf32, #tpu.memory_space<hbm>>
      tpu.enqueue_dma source(%dma_start3A_1238 : memref<64xf32, #tpu.memory_space<hbm>>) target(%dma_start3A_1235 : memref<64xf32, #tpu.memory_space<vmem>>) target_semaphore(%arg11 : memref<!tpu.dma_semaphore, #tpu.memory_space<semaphore_mem>>)
      %mul3A_1239 = arith.constant 2 : i32
      %mul3A_1240 = arith.muli %scan3A_1131, %mul3A_1239 : i32
      %add3A_1241 = arith.constant 0 : i32
      %add3A_1242 = arith.addi %add3A_1241, %mul3A_1240 : i32
      %add3A_1243 = arith.constant 0 : i32
      %add3A_1244 = arith.addi %add3A_1242, %add3A_1243 : i32
      %slice3A_1245 = vector.extract_strided_slice %shift_right_logical3A_1146 {offsets = [4], sizes = [1], strides = [1]} : vector<16xi32> to vector<1xi32>
      %squeeze3A_1246 = vector.extract %slice3A_1245[0] : i32 from vector<1xi32>
      %slice3A_1247 = vector.extract_strided_slice %and3A_1149 {offsets = [4], sizes = [1], strides = [1]} : vector<16xi32> to vector<1xi32>
      %squeeze3A_1248 = vector.extract %slice3A_1247[0] : i32 from vector<1xi32>
      %dma_start3A_1249 = arith.constant 4 : i32
      %dma_start3A_1250 = arith.constant 0 : i32
      %dma_start3A_1251 = tpu.memref_slice %arg10[%add3A_1244, %dma_start3A_1249, %dma_start3A_1250] : memref<64x8x64xf32, #tpu.memory_space<vmem>> -> memref<1x1x64xf32, #tpu.memory_space<vmem>>
      %dma_start3A_1252 = tpu.memref_squeeze %dma_start3A_1251 : memref<1x1x64xf32, #tpu.memory_space<vmem>> -> memref<64xf32, #tpu.memory_space<vmem>>
      %dma_start3A_1253 = arith.constant 0 : i32
      %dma_start3A_1254 = tpu.memref_slice %arg4[%squeeze3A_1246, %squeeze3A_1248, %dma_start3A_1253] : memref<125000x8x64xf32, #tpu.memory_space<hbm>> -> memref<1x1x64xf32, #tpu.memory_space<hbm>>
      %dma_start3A_1255 = tpu.memref_squeeze %dma_start3A_1254 : memref<1x1x64xf32, #tpu.memory_space<hbm>> -> memref<64xf32, #tpu.memory_space<hbm>>
      %dma_start3A_1256 = arith.constant 0 : i32
      %dma_start3A_1257 = tpu.memref_slice %arg10[%add3A_1244, %dma_start3A_1249, %dma_start3A_1256] : memref<64x8x64xf32, #tpu.memory_space<vmem>> -> memref<1x1x64xf32, #tpu.memory_space<vmem>>
      %dma_start3A_1258 = tpu.memref_squeeze %dma_start3A_1257 : memref<1x1x64xf32, #tpu.memory_space<vmem>> -> memref<64xf32, #tpu.memory_space<vmem>>
      %dma_start3A_1259 = arith.constant 0 : i32
      %dma_start3A_1260 = tpu.memref_slice %arg4[%squeeze3A_1246, %squeeze3A_1248, %dma_start3A_1259] : memref<125000x8x64xf32, #tpu.memory_space<hbm>> -> memref<1x1x64xf32, #tpu.memory_space<hbm>>
      %dma_start3A_1261 = tpu.memref_squeeze %dma_start3A_1260 : memref<1x1x64xf32, #tpu.memory_space<hbm>> -> memref<64xf32, #tpu.memory_space<hbm>>
      tpu.enqueue_dma source(%dma_start3A_1261 : memref<64xf32, #tpu.memory_space<hbm>>) target(%dma_start3A_1258 : memref<64xf32, #tpu.memory_space<vmem>>) target_semaphore(%arg11 : memref<!tpu.dma_semaphore, #tpu.memory_space<semaphore_mem>>)
      %mul3A_1262 = arith.constant 2 : i32
      %mul3A_1263 = arith.muli %scan3A_1131, %mul3A_1262 : i32
      %add3A_1264 = arith.constant 0 : i32
      %add3A_1265 = arith.addi %add3A_1264, %mul3A_1263 : i32
      %add3A_1266 = arith.constant 0 : i32
      %add3A_1267 = arith.addi %add3A_1265, %add3A_1266 : i32
      %slice3A_1268 = vector.extract_strided_slice %shift_right_logical3A_1146 {offsets = [5], sizes = [1], strides = [1]} : vector<16xi32> to vector<1xi32>
      %squeeze3A_1269 = vector.extract %slice3A_1268[0] : i32 from vector<1xi32>
      %slice3A_1270 = vector.extract_strided_slice %and3A_1149 {offsets = [5], sizes = [1], strides = [1]} : vector<16xi32> to vector<1xi32>
      %squeeze3A_1271 = vector.extract %slice3A_1270[0] : i32 from vector<1xi32>
      %dma_start3A_1272 = arith.constant 5 : i32
      %dma_start3A_1273 = arith.constant 0 : i32
      %dma_start3A_1274 = tpu.memref_slice %arg10[%add3A_1267, %dma_start3A_1272, %dma_start3A_1273] : memref<64x8x64xf32, #tpu.memory_space<vmem>> -> memref<1x1x64xf32, #tpu.memory_space<vmem>>
      %dma_start3A_1275 = tpu.memref_squeeze %dma_start3A_1274 : memref<1x1x64xf32, #tpu.memory_space<vmem>> -> memref<64xf32, #tpu.memory_space<vmem>>
      %dma_start3A_1276 = arith.constant 0 : i32
      %dma_start3A_1277 = tpu.memref_slice %arg4[%squeeze3A_1269, %squeeze3A_1271, %dma_start3A_1276] : memref<125000x8x64xf32, #tpu.memory_space<hbm>> -> memref<1x1x64xf32, #tpu.memory_space<hbm>>
      %dma_start3A_1278 = tpu.memref_squeeze %dma_start3A_1277 : memref<1x1x64xf32, #tpu.memory_space<hbm>> -> memref<64xf32, #tpu.memory_space<hbm>>
      %dma_start3A_1279 = arith.constant 0 : i32
      %dma_start3A_1280 = tpu.memref_slice %arg10[%add3A_1267, %dma_start3A_1272, %dma_start3A_1279] : memref<64x8x64xf32, #tpu.memory_space<vmem>> -> memref<1x1x64xf32, #tpu.memory_space<vmem>>
      %dma_start3A_1281 = tpu.memref_squeeze %dma_start3A_1280 : memref<1x1x64xf32, #tpu.memory_space<vmem>> -> memref<64xf32, #tpu.memory_space<vmem>>
      %dma_start3A_1282 = arith.constant 0 : i32
      %dma_start3A_1283 = tpu.memref_slice %arg4[%squeeze3A_1269, %squeeze3A_1271, %dma_start3A_1282] : memref<125000x8x64xf32, #tpu.memory_space<hbm>> -> memref<1x1x64xf32, #tpu.memory_space<hbm>>
      %dma_start3A_1284 = tpu.memref_squeeze %dma_start3A_1283 : memref<1x1x64xf32, #tpu.memory_space<hbm>> -> memref<64xf32, #tpu.memory_space<hbm>>
      tpu.enqueue_dma source(%dma_start3A_1284 : memref<64xf32, #tpu.memory_space<hbm>>) target(%dma_start3A_1281 : memref<64xf32, #tpu.memory_space<vmem>>) target_semaphore(%arg11 : memref<!tpu.dma_semaphore, #tpu.memory_space<semaphore_mem>>)
      %mul3A_1285 = arith.constant 2 : i32
      %mul3A_1286 = arith.muli %scan3A_1131, %mul3A_1285 : i32
      %add3A_1287 = arith.constant 0 : i32
      %add3A_1288 = arith.addi %add3A_1287, %mul3A_1286 : i32
      %add3A_1289 = arith.constant 0 : i32
      %add3A_1290 = arith.addi %add3A_1288, %add3A_1289 : i32
      %slice3A_1291 = vector.extract_strided_slice %shift_right_logical3A_1146 {offsets = [6], sizes = [1], strides = [1]} : vector<16xi32> to vector<1xi32>
      %squeeze3A_1292 = vector.extract %slice3A_1291[0] : i32 from vector<1xi32>
      %slice3A_1293 = vector.extract_strided_slice %and3A_1149 {offsets = [6], sizes = [1], strides = [1]} : vector<16xi32> to vector<1xi32>
      %squeeze3A_1294 = vector.extract %slice3A_1293[0] : i32 from vector<1xi32>
      %dma_start3A_1295 = arith.constant 6 : i32
      %dma_start3A_1296 = arith.constant 0 : i32
      %dma_start3A_1297 = tpu.memref_slice %arg10[%add3A_1290, %dma_start3A_1295, %dma_start3A_1296] : memref<64x8x64xf32, #tpu.memory_space<vmem>> -> memref<1x1x64xf32, #tpu.memory_space<vmem>>
      %dma_start3A_1298 = tpu.memref_squeeze %dma_start3A_1297 : memref<1x1x64xf32, #tpu.memory_space<vmem>> -> memref<64xf32, #tpu.memory_space<vmem>>
      %dma_start3A_1299 = arith.constant 0 : i32
      %dma_start3A_1300 = tpu.memref_slice %arg4[%squeeze3A_1292, %squeeze3A_1294, %dma_start3A_1299] : memref<125000x8x64xf32, #tpu.memory_space<hbm>> -> memref<1x1x64xf32, #tpu.memory_space<hbm>>
      %dma_start3A_1301 = tpu.memref_squeeze %dma_start3A_1300 : memref<1x1x64xf32, #tpu.memory_space<hbm>> -> memref<64xf32, #tpu.memory_space<hbm>>
      %dma_start3A_1302 = arith.constant 0 : i32
      %dma_start3A_1303 = tpu.memref_slice %arg10[%add3A_1290, %dma_start3A_1295, %dma_start3A_1302] : memref<64x8x64xf32, #tpu.memory_space<vmem>> -> memref<1x1x64xf32, #tpu.memory_space<vmem>>
      %dma_start3A_1304 = tpu.memref_squeeze %dma_start3A_1303 : memref<1x1x64xf32, #tpu.memory_space<vmem>> -> memref<64xf32, #tpu.memory_space<vmem>>
      %dma_start3A_1305 = arith.constant 0 : i32
      %dma_start3A_1306 = tpu.memref_slice %arg4[%squeeze3A_1292, %squeeze3A_1294, %dma_start3A_1305] : memref<125000x8x64xf32, #tpu.memory_space<hbm>> -> memref<1x1x64xf32, #tpu.memory_space<hbm>>
      %dma_start3A_1307 = tpu.memref_squeeze %dma_start3A_1306 : memref<1x1x64xf32, #tpu.memory_space<hbm>> -> memref<64xf32, #tpu.memory_space<hbm>>
      tpu.enqueue_dma source(%dma_start3A_1307 : memref<64xf32, #tpu.memory_space<hbm>>) target(%dma_start3A_1304 : memref<64xf32, #tpu.memory_space<vmem>>) target_semaphore(%arg11 : memref<!tpu.dma_semaphore, #tpu.memory_space<semaphore_mem>>)
      %mul3A_1308 = arith.constant 2 : i32
      %mul3A_1309 = arith.muli %scan3A_1131, %mul3A_1308 : i32
      %add3A_1310 = arith.constant 0 : i32
      %add3A_1311 = arith.addi %add3A_1310, %mul3A_1309 : i32
      %add3A_1312 = arith.constant 0 : i32
      %add3A_1313 = arith.addi %add3A_1311, %add3A_1312 : i32
      %slice3A_1314 = vector.extract_strided_slice %shift_right_logical3A_1146 {offsets = [7], sizes = [1], strides = [1]} : vector<16xi32> to vector<1xi32>
      %squeeze3A_1315 = vector.extract %slice3A_1314[0] : i32 from vector<1xi32>
      %slice3A_1316 = vector.extract_strided_slice %and3A_1149 {offsets = [7], sizes = [1], strides = [1]} : vector<16xi32> to vector<1xi32>
      %squeeze3A_1317 = vector.extract %slice3A_1316[0] : i32 from vector<1xi32>
      %dma_start3A_1318 = arith.constant 7 : i32
      %dma_start3A_1319 = arith.constant 0 : i32
      %dma_start3A_1320 = tpu.memref_slice %arg10[%add3A_1313, %dma_start3A_1318, %dma_start3A_1319] : memref<64x8x64xf32, #tpu.memory_space<vmem>> -> memref<1x1x64xf32, #tpu.memory_space<vmem>>
      %dma_start3A_1321 = tpu.memref_squeeze %dma_start3A_1320 : memref<1x1x64xf32, #tpu.memory_space<vmem>> -> memref<64xf32, #tpu.memory_space<vmem>>
      %dma_start3A_1322 = arith.constant 0 : i32
      %dma_start3A_1323 = tpu.memref_slice %arg4[%squeeze3A_1315, %squeeze3A_1317, %dma_start3A_1322] : memref<125000x8x64xf32, #tpu.memory_space<hbm>> -> memref<1x1x64xf32, #tpu.memory_space<hbm>>
      %dma_start3A_1324 = tpu.memref_squeeze %dma_start3A_1323 : memref<1x1x64xf32, #tpu.memory_space<hbm>> -> memref<64xf32, #tpu.memory_space<hbm>>
      %dma_start3A_1325 = arith.constant 0 : i32
      %dma_start3A_1326 = tpu.memref_slice %arg10[%add3A_1313, %dma_start3A_1318, %dma_start3A_1325] : memref<64x8x64xf32, #tpu.memory_space<vmem>> -> memref<1x1x64xf32, #tpu.memory_space<vmem>>
      %dma_start3A_1327 = tpu.memref_squeeze %dma_start3A_1326 : memref<1x1x64xf32, #tpu.memory_space<vmem>> -> memref<64xf32, #tpu.memory_space<vmem>>
      %dma_start3A_1328 = arith.constant 0 : i32
      %dma_start3A_1329 = tpu.memref_slice %arg4[%squeeze3A_1315, %squeeze3A_1317, %dma_start3A_1328] : memref<125000x8x64xf32, #tpu.memory_space<hbm>> -> memref<1x1x64xf32, #tpu.memory_space<hbm>>
      %dma_start3A_1330 = tpu.memref_squeeze %dma_start3A_1329 : memref<1x1x64xf32, #tpu.memory_space<hbm>> -> memref<64xf32, #tpu.memory_space<hbm>>
      tpu.enqueue_dma source(%dma_start3A_1330 : memref<64xf32, #tpu.memory_space<hbm>>) target(%dma_start3A_1327 : memref<64xf32, #tpu.memory_space<vmem>>) target_semaphore(%arg11 : memref<!tpu.dma_semaphore, #tpu.memory_space<semaphore_mem>>)
      %mul3A_1331 = arith.constant 2 : i32
      %mul3A_1332 = arith.muli %scan3A_1131, %mul3A_1331 : i32
      %add3A_1333 = arith.constant 0 : i32
      %add3A_1334 = arith.addi %add3A_1333, %mul3A_1332 : i32
      %add3A_1335 = arith.constant 1 : i32
      %add3A_1336 = arith.addi %add3A_1334, %add3A_1335 : i32
      %slice3A_1337 = vector.extract_strided_slice %shift_right_logical3A_1146 {offsets = [8], sizes = [1], strides = [1]} : vector<16xi32> to vector<1xi32>
      %squeeze3A_1338 = vector.extract %slice3A_1337[0] : i32 from vector<1xi32>
      %slice3A_1339 = vector.extract_strided_slice %and3A_1149 {offsets = [8], sizes = [1], strides = [1]} : vector<16xi32> to vector<1xi32>
      %squeeze3A_1340 = vector.extract %slice3A_1339[0] : i32 from vector<1xi32>
      %dma_start3A_1341 = arith.constant 0 : i32
      %dma_start3A_1342 = arith.constant 0 : i32
      %dma_start3A_1343 = tpu.memref_slice %arg10[%add3A_1336, %dma_start3A_1341, %dma_start3A_1342] : memref<64x8x64xf32, #tpu.memory_space<vmem>> -> memref<1x1x64xf32, #tpu.memory_space<vmem>>
      %dma_start3A_1344 = tpu.memref_squeeze %dma_start3A_1343 : memref<1x1x64xf32, #tpu.memory_space<vmem>> -> memref<64xf32, #tpu.memory_space<vmem>>
      %dma_start3A_1345 = arith.constant 0 : i32
      %dma_start3A_1346 = tpu.memref_slice %arg4[%squeeze3A_1338, %squeeze3A_1340, %dma_start3A_1345] : memref<125000x8x64xf32, #tpu.memory_space<hbm>> -> memref<1x1x64xf32, #tpu.memory_space<hbm>>
      %dma_start3A_1347 = tpu.memref_squeeze %dma_start3A_1346 : memref<1x1x64xf32, #tpu.memory_space<hbm>> -> memref<64xf32, #tpu.memory_space<hbm>>
      %dma_start3A_1348 = arith.constant 0 : i32
      %dma_start3A_1349 = tpu.memref_slice %arg10[%add3A_1336, %dma_start3A_1341, %dma_start3A_1348] : memref<64x8x64xf32, #tpu.memory_space<vmem>> -> memref<1x1x64xf32, #tpu.memory_space<vmem>>
      %dma_start3A_1350 = tpu.memref_squeeze %dma_start3A_1349 : memref<1x1x64xf32, #tpu.memory_space<vmem>> -> memref<64xf32, #tpu.memory_space<vmem>>
      %dma_start3A_1351 = arith.constant 0 : i32
      %dma_start3A_1352 = tpu.memref_slice %arg4[%squeeze3A_1338, %squeeze3A_1340, %dma_start3A_1351] : memref<125000x8x64xf32, #tpu.memory_space<hbm>> -> memref<1x1x64xf32, #tpu.memory_space<hbm>>
      %dma_start3A_1353 = tpu.memref_squeeze %dma_start3A_1352 : memref<1x1x64xf32, #tpu.memory_space<hbm>> -> memref<64xf32, #tpu.memory_space<hbm>>
      tpu.enqueue_dma source(%dma_start3A_1353 : memref<64xf32, #tpu.memory_space<hbm>>) target(%dma_start3A_1350 : memref<64xf32, #tpu.memory_space<vmem>>) target_semaphore(%arg11 : memref<!tpu.dma_semaphore, #tpu.memory_space<semaphore_mem>>)
      %mul3A_1354 = arith.constant 2 : i32
      %mul3A_1355 = arith.muli %scan3A_1131, %mul3A_1354 : i32
      %add3A_1356 = arith.constant 0 : i32
      %add3A_1357 = arith.addi %add3A_1356, %mul3A_1355 : i32
      %add3A_1358 = arith.constant 1 : i32
      %add3A_1359 = arith.addi %add3A_1357, %add3A_1358 : i32
      %slice3A_1360 = vector.extract_strided_slice %shift_right_logical3A_1146 {offsets = [9], sizes = [1], strides = [1]} : vector<16xi32> to vector<1xi32>
      %squeeze3A_1361 = vector.extract %slice3A_1360[0] : i32 from vector<1xi32>
      %slice3A_1362 = vector.extract_strided_slice %and3A_1149 {offsets = [9], sizes = [1], strides = [1]} : vector<16xi32> to vector<1xi32>
      %squeeze3A_1363 = vector.extract %slice3A_1362[0] : i32 from vector<1xi32>
      %dma_start3A_1364 = arith.constant 1 : i32
      %dma_start3A_1365 = arith.constant 0 : i32
      %dma_start3A_1366 = tpu.memref_slice %arg10[%add3A_1359, %dma_start3A_1364, %dma_start3A_1365] : memref<64x8x64xf32, #tpu.memory_space<vmem>> -> memref<1x1x64xf32, #tpu.memory_space<vmem>>
      %dma_start3A_1367 = tpu.memref_squeeze %dma_start3A_1366 : memref<1x1x64xf32, #tpu.memory_space<vmem>> -> memref<64xf32, #tpu.memory_space<vmem>>
      %dma_start3A_1368 = arith.constant 0 : i32
      %dma_start3A_1369 = tpu.memref_slice %arg4[%squeeze3A_1361, %squeeze3A_1363, %dma_start3A_1368] : memref<125000x8x64xf32, #tpu.memory_space<hbm>> -> memref<1x1x64xf32, #tpu.memory_space<hbm>>
      %dma_start3A_1370 = tpu.memref_squeeze %dma_start3A_1369 : memref<1x1x64xf32, #tpu.memory_space<hbm>> -> memref<64xf32, #tpu.memory_space<hbm>>
      %dma_start3A_1371 = arith.constant 0 : i32
      %dma_start3A_1372 = tpu.memref_slice %arg10[%add3A_1359, %dma_start3A_1364, %dma_start3A_1371] : memref<64x8x64xf32, #tpu.memory_space<vmem>> -> memref<1x1x64xf32, #tpu.memory_space<vmem>>
      %dma_start3A_1373 = tpu.memref_squeeze %dma_start3A_1372 : memref<1x1x64xf32, #tpu.memory_space<vmem>> -> memref<64xf32, #tpu.memory_space<vmem>>
      %dma_start3A_1374 = arith.constant 0 : i32
      %dma_start3A_1375 = tpu.memref_slice %arg4[%squeeze3A_1361, %squeeze3A_1363, %dma_start3A_1374] : memref<125000x8x64xf32, #tpu.memory_space<hbm>> -> memref<1x1x64xf32, #tpu.memory_space<hbm>>
      %dma_start3A_1376 = tpu.memref_squeeze %dma_start3A_1375 : memref<1x1x64xf32, #tpu.memory_space<hbm>> -> memref<64xf32, #tpu.memory_space<hbm>>
      tpu.enqueue_dma source(%dma_start3A_1376 : memref<64xf32, #tpu.memory_space<hbm>>) target(%dma_start3A_1373 : memref<64xf32, #tpu.memory_space<vmem>>) target_semaphore(%arg11 : memref<!tpu.dma_semaphore, #tpu.memory_space<semaphore_mem>>)
      %mul3A_1377 = arith.constant 2 : i32
      %mul3A_1378 = arith.muli %scan3A_1131, %mul3A_1377 : i32
      %add3A_1379 = arith.constant 0 : i32
      %add3A_1380 = arith.addi %add3A_1379, %mul3A_1378 : i32
      %add3A_1381 = arith.constant 1 : i32
      %add3A_1382 = arith.addi %add3A_1380, %add3A_1381 : i32
      %slice3A_1383 = vector.extract_strided_slice %shift_right_logical3A_1146 {offsets = [10], sizes = [1], strides = [1]} : vector<16xi32> to vector<1xi32>
      %squeeze3A_1384 = vector.extract %slice3A_1383[0] : i32 from vector<1xi32>
      %slice3A_1385 = vector.extract_strided_slice %and3A_1149 {offsets = [10], sizes = [1], strides = [1]} : vector<16xi32> to vector<1xi32>
      %squeeze3A_1386 = vector.extract %slice3A_1385[0] : i32 from vector<1xi32>
      %dma_start3A_1387 = arith.constant 2 : i32
      %dma_start3A_1388 = arith.constant 0 : i32
      %dma_start3A_1389 = tpu.memref_slice %arg10[%add3A_1382, %dma_start3A_1387, %dma_start3A_1388] : memref<64x8x64xf32, #tpu.memory_space<vmem>> -> memref<1x1x64xf32, #tpu.memory_space<vmem>>
      %dma_start3A_1390 = tpu.memref_squeeze %dma_start3A_1389 : memref<1x1x64xf32, #tpu.memory_space<vmem>> -> memref<64xf32, #tpu.memory_space<vmem>>
      %dma_start3A_1391 = arith.constant 0 : i32
      %dma_start3A_1392 = tpu.memref_slice %arg4[%squeeze3A_1384, %squeeze3A_1386, %dma_start3A_1391] : memref<125000x8x64xf32, #tpu.memory_space<hbm>> -> memref<1x1x64xf32, #tpu.memory_space<hbm>>
      %dma_start3A_1393 = tpu.memref_squeeze %dma_start3A_1392 : memref<1x1x64xf32, #tpu.memory_space<hbm>> -> memref<64xf32, #tpu.memory_space<hbm>>
      %dma_start3A_1394 = arith.constant 0 : i32
      %dma_start3A_1395 = tpu.memref_slice %arg10[%add3A_1382, %dma_start3A_1387, %dma_start3A_1394] : memref<64x8x64xf32, #tpu.memory_space<vmem>> -> memref<1x1x64xf32, #tpu.memory_space<vmem>>
      %dma_start3A_1396 = tpu.memref_squeeze %dma_start3A_1395 : memref<1x1x64xf32, #tpu.memory_space<vmem>> -> memref<64xf32, #tpu.memory_space<vmem>>
      %dma_start3A_1397 = arith.constant 0 : i32
      %dma_start3A_1398 = tpu.memref_slice %arg4[%squeeze3A_1384, %squeeze3A_1386, %dma_start3A_1397] : memref<125000x8x64xf32, #tpu.memory_space<hbm>> -> memref<1x1x64xf32, #tpu.memory_space<hbm>>
      %dma_start3A_1399 = tpu.memref_squeeze %dma_start3A_1398 : memref<1x1x64xf32, #tpu.memory_space<hbm>> -> memref<64xf32, #tpu.memory_space<hbm>>
      tpu.enqueue_dma source(%dma_start3A_1399 : memref<64xf32, #tpu.memory_space<hbm>>) target(%dma_start3A_1396 : memref<64xf32, #tpu.memory_space<vmem>>) target_semaphore(%arg11 : memref<!tpu.dma_semaphore, #tpu.memory_space<semaphore_mem>>)
      %mul3A_1400 = arith.constant 2 : i32
      %mul3A_1401 = arith.muli %scan3A_1131, %mul3A_1400 : i32
      %add3A_1402 = arith.constant 0 : i32
      %add3A_1403 = arith.addi %add3A_1402, %mul3A_1401 : i32
      %add3A_1404 = arith.constant 1 : i32
      %add3A_1405 = arith.addi %add3A_1403, %add3A_1404 : i32
      %slice3A_1406 = vector.extract_strided_slice %shift_right_logical3A_1146 {offsets = [11], sizes = [1], strides = [1]} : vector<16xi32> to vector<1xi32>
      %squeeze3A_1407 = vector.extract %slice3A_1406[0] : i32 from vector<1xi32>
      %slice3A_1408 = vector.extract_strided_slice %and3A_1149 {offsets = [11], sizes = [1], strides = [1]} : vector<16xi32> to vector<1xi32>
      %squeeze3A_1409 = vector.extract %slice3A_1408[0] : i32 from vector<1xi32>
      %dma_start3A_1410 = arith.constant 3 : i32
      %dma_start3A_1411 = arith.constant 0 : i32
      %dma_start3A_1412 = tpu.memref_slice %arg10[%add3A_1405, %dma_start3A_1410, %dma_start3A_1411] : memref<64x8x64xf32, #tpu.memory_space<vmem>> -> memref<1x1x64xf32, #tpu.memory_space<vmem>>
      %dma_start3A_1413 = tpu.memref_squeeze %dma_start3A_1412 : memref<1x1x64xf32, #tpu.memory_space<vmem>> -> memref<64xf32, #tpu.memory_space<vmem>>
      %dma_start3A_1414 = arith.constant 0 : i32
      %dma_start3A_1415 = tpu.memref_slice %arg4[%squeeze3A_1407, %squeeze3A_1409, %dma_start3A_1414] : memref<125000x8x64xf32, #tpu.memory_space<hbm>> -> memref<1x1x64xf32, #tpu.memory_space<hbm>>
      %dma_start3A_1416 = tpu.memref_squeeze %dma_start3A_1415 : memref<1x1x64xf32, #tpu.memory_space<hbm>> -> memref<64xf32, #tpu.memory_space<hbm>>
      %dma_start3A_1417 = arith.constant 0 : i32
      %dma_start3A_1418 = tpu.memref_slice %arg10[%add3A_1405, %dma_start3A_1410, %dma_start3A_1417] : memref<64x8x64xf32, #tpu.memory_space<vmem>> -> memref<1x1x64xf32, #tpu.memory_space<vmem>>
      %dma_start3A_1419 = tpu.memref_squeeze %dma_start3A_1418 : memref<1x1x64xf32, #tpu.memory_space<vmem>> -> memref<64xf32, #tpu.memory_space<vmem>>
      %dma_start3A_1420 = arith.constant 0 : i32
      %dma_start3A_1421 = tpu.memref_slice %arg4[%squeeze3A_1407, %squeeze3A_1409, %dma_start3A_1420] : memref<125000x8x64xf32, #tpu.memory_space<hbm>> -> memref<1x1x64xf32, #tpu.memory_space<hbm>>
      %dma_start3A_1422 = tpu.memref_squeeze %dma_start3A_1421 : memref<1x1x64xf32, #tpu.memory_space<hbm>> -> memref<64xf32, #tpu.memory_space<hbm>>
      tpu.enqueue_dma source(%dma_start3A_1422 : memref<64xf32, #tpu.memory_space<hbm>>) target(%dma_start3A_1419 : memref<64xf32, #tpu.memory_space<vmem>>) target_semaphore(%arg11 : memref<!tpu.dma_semaphore, #tpu.memory_space<semaphore_mem>>)
      %mul3A_1423 = arith.constant 2 : i32
      %mul3A_1424 = arith.muli %scan3A_1131, %mul3A_1423 : i32
      %add3A_1425 = arith.constant 0 : i32
      %add3A_1426 = arith.addi %add3A_1425, %mul3A_1424 : i32
      %add3A_1427 = arith.constant 1 : i32
      %add3A_1428 = arith.addi %add3A_1426, %add3A_1427 : i32
      %slice3A_1429 = vector.extract_strided_slice %shift_right_logical3A_1146 {offsets = [12], sizes = [1], strides = [1]} : vector<16xi32> to vector<1xi32>
      %squeeze3A_1430 = vector.extract %slice3A_1429[0] : i32 from vector<1xi32>
      %slice3A_1431 = vector.extract_strided_slice %and3A_1149 {offsets = [12], sizes = [1], strides = [1]} : vector<16xi32> to vector<1xi32>
      %squeeze3A_1432 = vector.extract %slice3A_1431[0] : i32 from vector<1xi32>
      %dma_start3A_1433 = arith.constant 4 : i32
      %dma_start3A_1434 = arith.constant 0 : i32
      %dma_start3A_1435 = tpu.memref_slice %arg10[%add3A_1428, %dma_start3A_1433, %dma_start3A_1434] : memref<64x8x64xf32, #tpu.memory_space<vmem>> -> memref<1x1x64xf32, #tpu.memory_space<vmem>>
      %dma_start3A_1436 = tpu.memref_squeeze %dma_start3A_1435 : memref<1x1x64xf32, #tpu.memory_space<vmem>> -> memref<64xf32, #tpu.memory_space<vmem>>
      %dma_start3A_1437 = arith.constant 0 : i32
      %dma_start3A_1438 = tpu.memref_slice %arg4[%squeeze3A_1430, %squeeze3A_1432, %dma_start3A_1437] : memref<125000x8x64xf32, #tpu.memory_space<hbm>> -> memref<1x1x64xf32, #tpu.memory_space<hbm>>
      %dma_start3A_1439 = tpu.memref_squeeze %dma_start3A_1438 : memref<1x1x64xf32, #tpu.memory_space<hbm>> -> memref<64xf32, #tpu.memory_space<hbm>>
      %dma_start3A_1440 = arith.constant 0 : i32
      %dma_start3A_1441 = tpu.memref_slice %arg10[%add3A_1428, %dma_start3A_1433, %dma_start3A_1440] : memref<64x8x64xf32, #tpu.memory_space<vmem>> -> memref<1x1x64xf32, #tpu.memory_space<vmem>>
      %dma_start3A_1442 = tpu.memref_squeeze %dma_start3A_1441 : memref<1x1x64xf32, #tpu.memory_space<vmem>> -> memref<64xf32, #tpu.memory_space<vmem>>
      %dma_start3A_1443 = arith.constant 0 : i32
      %dma_start3A_1444 = tpu.memref_slice %arg4[%squeeze3A_1430, %squeeze3A_1432, %dma_start3A_1443] : memref<125000x8x64xf32, #tpu.memory_space<hbm>> -> memref<1x1x64xf32, #tpu.memory_space<hbm>>
      %dma_start3A_1445 = tpu.memref_squeeze %dma_start3A_1444 : memref<1x1x64xf32, #tpu.memory_space<hbm>> -> memref<64xf32, #tpu.memory_space<hbm>>
      tpu.enqueue_dma source(%dma_start3A_1445 : memref<64xf32, #tpu.memory_space<hbm>>) target(%dma_start3A_1442 : memref<64xf32, #tpu.memory_space<vmem>>) target_semaphore(%arg11 : memref<!tpu.dma_semaphore, #tpu.memory_space<semaphore_mem>>)
      %mul3A_1446 = arith.constant 2 : i32
      %mul3A_1447 = arith.muli %scan3A_1131, %mul3A_1446 : i32
      %add3A_1448 = arith.constant 0 : i32
      %add3A_1449 = arith.addi %add3A_1448, %mul3A_1447 : i32
      %add3A_1450 = arith.constant 1 : i32
      %add3A_1451 = arith.addi %add3A_1449, %add3A_1450 : i32
      %slice3A_1452 = vector.extract_strided_slice %shift_right_logical3A_1146 {offsets = [13], sizes = [1], strides = [1]} : vector<16xi32> to vector<1xi32>
      %squeeze3A_1453 = vector.extract %slice3A_1452[0] : i32 from vector<1xi32>
      %slice3A_1454 = vector.extract_strided_slice %and3A_1149 {offsets = [13], sizes = [1], strides = [1]} : vector<16xi32> to vector<1xi32>
      %squeeze3A_1455 = vector.extract %slice3A_1454[0] : i32 from vector<1xi32>
      %dma_start3A_1456 = arith.constant 5 : i32
      %dma_start3A_1457 = arith.constant 0 : i32
      %dma_start3A_1458 = tpu.memref_slice %arg10[%add3A_1451, %dma_start3A_1456, %dma_start3A_1457] : memref<64x8x64xf32, #tpu.memory_space<vmem>> -> memref<1x1x64xf32, #tpu.memory_space<vmem>>
      %dma_start3A_1459 = tpu.memref_squeeze %dma_start3A_1458 : memref<1x1x64xf32, #tpu.memory_space<vmem>> -> memref<64xf32, #tpu.memory_space<vmem>>
      %dma_start3A_1460 = arith.constant 0 : i32
      %dma_start3A_1461 = tpu.memref_slice %arg4[%squeeze3A_1453, %squeeze3A_1455, %dma_start3A_1460] : memref<125000x8x64xf32, #tpu.memory_space<hbm>> -> memref<1x1x64xf32, #tpu.memory_space<hbm>>
      %dma_start3A_1462 = tpu.memref_squeeze %dma_start3A_1461 : memref<1x1x64xf32, #tpu.memory_space<hbm>> -> memref<64xf32, #tpu.memory_space<hbm>>
      %dma_start3A_1463 = arith.constant 0 : i32
      %dma_start3A_1464 = tpu.memref_slice %arg10[%add3A_1451, %dma_start3A_1456, %dma_start3A_1463] : memref<64x8x64xf32, #tpu.memory_space<vmem>> -> memref<1x1x64xf32, #tpu.memory_space<vmem>>
      %dma_start3A_1465 = tpu.memref_squeeze %dma_start3A_1464 : memref<1x1x64xf32, #tpu.memory_space<vmem>> -> memref<64xf32, #tpu.memory_space<vmem>>
      %dma_start3A_1466 = arith.constant 0 : i32
      %dma_start3A_1467 = tpu.memref_slice %arg4[%squeeze3A_1453, %squeeze3A_1455, %dma_start3A_1466] : memref<125000x8x64xf32, #tpu.memory_space<hbm>> -> memref<1x1x64xf32, #tpu.memory_space<hbm>>
      %dma_start3A_1468 = tpu.memref_squeeze %dma_start3A_1467 : memref<1x1x64xf32, #tpu.memory_space<hbm>> -> memref<64xf32, #tpu.memory_space<hbm>>
      tpu.enqueue_dma source(%dma_start3A_1468 : memref<64xf32, #tpu.memory_space<hbm>>) target(%dma_start3A_1465 : memref<64xf32, #tpu.memory_space<vmem>>) target_semaphore(%arg11 : memref<!tpu.dma_semaphore, #tpu.memory_space<semaphore_mem>>)
      %mul3A_1469 = arith.constant 2 : i32
      %mul3A_1470 = arith.muli %scan3A_1131, %mul3A_1469 : i32
      %add3A_1471 = arith.constant 0 : i32
      %add3A_1472 = arith.addi %add3A_1471, %mul3A_1470 : i32
      %add3A_1473 = arith.constant 1 : i32
      %add3A_1474 = arith.addi %add3A_1472, %add3A_1473 : i32
      %slice3A_1475 = vector.extract_strided_slice %shift_right_logical3A_1146 {offsets = [14], sizes = [1], strides = [1]} : vector<16xi32> to vector<1xi32>
      %squeeze3A_1476 = vector.extract %slice3A_1475[0] : i32 from vector<1xi32>
      %slice3A_1477 = vector.extract_strided_slice %and3A_1149 {offsets = [14], sizes = [1], strides = [1]} : vector<16xi32> to vector<1xi32>
      %squeeze3A_1478 = vector.extract %slice3A_1477[0] : i32 from vector<1xi32>
      %dma_start3A_1479 = arith.constant 6 : i32
      %dma_start3A_1480 = arith.constant 0 : i32
      %dma_start3A_1481 = tpu.memref_slice %arg10[%add3A_1474, %dma_start3A_1479, %dma_start3A_1480] : memref<64x8x64xf32, #tpu.memory_space<vmem>> -> memref<1x1x64xf32, #tpu.memory_space<vmem>>
      %dma_start3A_1482 = tpu.memref_squeeze %dma_start3A_1481 : memref<1x1x64xf32, #tpu.memory_space<vmem>> -> memref<64xf32, #tpu.memory_space<vmem>>
      %dma_start3A_1483 = arith.constant 0 : i32
      %dma_start3A_1484 = tpu.memref_slice %arg4[%squeeze3A_1476, %squeeze3A_1478, %dma_start3A_1483] : memref<125000x8x64xf32, #tpu.memory_space<hbm>> -> memref<1x1x64xf32, #tpu.memory_space<hbm>>
      %dma_start3A_1485 = tpu.memref_squeeze %dma_start3A_1484 : memref<1x1x64xf32, #tpu.memory_space<hbm>> -> memref<64xf32, #tpu.memory_space<hbm>>
      %dma_start3A_1486 = arith.constant 0 : i32
      %dma_start3A_1487 = tpu.memref_slice %arg10[%add3A_1474, %dma_start3A_1479, %dma_start3A_1486] : memref<64x8x64xf32, #tpu.memory_space<vmem>> -> memref<1x1x64xf32, #tpu.memory_space<vmem>>
      %dma_start3A_1488 = tpu.memref_squeeze %dma_start3A_1487 : memref<1x1x64xf32, #tpu.memory_space<vmem>> -> memref<64xf32, #tpu.memory_space<vmem>>
      %dma_start3A_1489 = arith.constant 0 : i32
      %dma_start3A_1490 = tpu.memref_slice %arg4[%squeeze3A_1476, %squeeze3A_1478, %dma_start3A_1489] : memref<125000x8x64xf32, #tpu.memory_space<hbm>> -> memref<1x1x64xf32, #tpu.memory_space<hbm>>
      %dma_start3A_1491 = tpu.memref_squeeze %dma_start3A_1490 : memref<1x1x64xf32, #tpu.memory_space<hbm>> -> memref<64xf32, #tpu.memory_space<hbm>>
      tpu.enqueue_dma source(%dma_start3A_1491 : memref<64xf32, #tpu.memory_space<hbm>>) target(%dma_start3A_1488 : memref<64xf32, #tpu.memory_space<vmem>>) target_semaphore(%arg11 : memref<!tpu.dma_semaphore, #tpu.memory_space<semaphore_mem>>)
      %mul3A_1492 = arith.constant 2 : i32
      %mul3A_1493 = arith.muli %scan3A_1131, %mul3A_1492 : i32
      %add3A_1494 = arith.constant 0 : i32
      %add3A_1495 = arith.addi %add3A_1494, %mul3A_1493 : i32
      %add3A_1496 = arith.constant 1 : i32
      %add3A_1497 = arith.addi %add3A_1495, %add3A_1496 : i32
      %slice3A_1498 = vector.extract_strided_slice %shift_right_logical3A_1146 {offsets = [15], sizes = [1], strides = [1]} : vector<16xi32> to vector<1xi32>
      %squeeze3A_1499 = vector.extract %slice3A_1498[0] : i32 from vector<1xi32>
      %slice3A_1500 = vector.extract_strided_slice %and3A_1149 {offsets = [15], sizes = [1], strides = [1]} : vector<16xi32> to vector<1xi32>
      %squeeze3A_1501 = vector.extract %slice3A_1500[0] : i32 from vector<1xi32>
      %dma_start3A_1502 = arith.constant 7 : i32
      %dma_start3A_1503 = arith.constant 0 : i32
      %dma_start3A_1504 = tpu.memref_slice %arg10[%add3A_1497, %dma_start3A_1502, %dma_start3A_1503] : memref<64x8x64xf32, #tpu.memory_space<vmem>> -> memref<1x1x64xf32, #tpu.memory_space<vmem>>
      %dma_start3A_1505 = tpu.memref_squeeze %dma_start3A_1504 : memref<1x1x64xf32, #tpu.memory_space<vmem>> -> memref<64xf32, #tpu.memory_space<vmem>>
      %dma_start3A_1506 = arith.constant 0 : i32
      %dma_start3A_1507 = tpu.memref_slice %arg4[%squeeze3A_1499, %squeeze3A_1501, %dma_start3A_1506] : memref<125000x8x64xf32, #tpu.memory_space<hbm>> -> memref<1x1x64xf32, #tpu.memory_space<hbm>>
      %dma_start3A_1508 = tpu.memref_squeeze %dma_start3A_1507 : memref<1x1x64xf32, #tpu.memory_space<hbm>> -> memref<64xf32, #tpu.memory_space<hbm>>
      %dma_start3A_1509 = arith.constant 0 : i32
      %dma_start3A_1510 = tpu.memref_slice %arg10[%add3A_1497, %dma_start3A_1502, %dma_start3A_1509] : memref<64x8x64xf32, #tpu.memory_space<vmem>> -> memref<1x1x64xf32, #tpu.memory_space<vmem>>
      %dma_start3A_1511 = tpu.memref_squeeze %dma_start3A_1510 : memref<1x1x64xf32, #tpu.memory_space<vmem>> -> memref<64xf32, #tpu.memory_space<vmem>>
      %dma_start3A_1512 = arith.constant 0 : i32
      %dma_start3A_1513 = tpu.memref_slice %arg4[%squeeze3A_1499, %squeeze3A_1501, %dma_start3A_1512] : memref<125000x8x64xf32, #tpu.memory_space<hbm>> -> memref<1x1x64xf32, #tpu.memory_space<hbm>>
      %dma_start3A_1514 = tpu.memref_squeeze %dma_start3A_1513 : memref<1x1x64xf32, #tpu.memory_space<hbm>> -> memref<64xf32, #tpu.memory_space<hbm>>
      tpu.enqueue_dma source(%dma_start3A_1514 : memref<64xf32, #tpu.memory_space<hbm>>) target(%dma_start3A_1511 : memref<64xf32, #tpu.memory_space<vmem>>) target_semaphore(%arg11 : memref<!tpu.dma_semaphore, #tpu.memory_space<semaphore_mem>>)
      %shift_right_logical3A_1515 = arith.constant 3 : i32
      %shift_right_logical3A_1516 = vector.broadcast %shift_right_logical3A_1515 : i32 to vector<16xi32>
      %shift_right_logical3A_1517 = arith.shrui %get3A_1144, %shift_right_logical3A_1516 : vector<16xi32>
      %and3A_1518 = arith.constant 7 : i32
      %and3A_1519 = vector.broadcast %and3A_1518 : i32 to vector<16xi32>
      %and3A_1520 = arith.andi %get3A_1144, %and3A_1519 : vector<16xi32>
      %mul3A_1521 = arith.constant 2 : i32
      %mul3A_1522 = arith.muli %scan3A_1131, %mul3A_1521 : i32
      %add3A_1523 = arith.constant 32 : i32
      %add3A_1524 = arith.addi %add3A_1523, %mul3A_1522 : i32
      %add3A_1525 = arith.constant 0 : i32
      %add3A_1526 = arith.addi %add3A_1524, %add3A_1525 : i32
      %slice3A_1527 = vector.extract_strided_slice %shift_right_logical3A_1517 {offsets = [0], sizes = [1], strides = [1]} : vector<16xi32> to vector<1xi32>
      %squeeze3A_1528 = vector.extract %slice3A_1527[0] : i32 from vector<1xi32>
      %slice3A_1529 = vector.extract_strided_slice %and3A_1520 {offsets = [0], sizes = [1], strides = [1]} : vector<16xi32> to vector<1xi32>
      %squeeze3A_1530 = vector.extract %slice3A_1529[0] : i32 from vector<1xi32>
      %dma_start3A_1531 = arith.constant 0 : i32
      %dma_start3A_1532 = arith.constant 0 : i32
      %dma_start3A_1533 = tpu.memref_slice %arg10[%add3A_1526, %dma_start3A_1531, %dma_start3A_1532] : memref<64x8x64xf32, #tpu.memory_space<vmem>> -> memref<1x1x64xf32, #tpu.memory_space<vmem>>
      %dma_start3A_1534 = tpu.memref_squeeze %dma_start3A_1533 : memref<1x1x64xf32, #tpu.memory_space<vmem>> -> memref<64xf32, #tpu.memory_space<vmem>>
      %dma_start3A_1535 = arith.constant 0 : i32
      %dma_start3A_1536 = tpu.memref_slice %arg5[%squeeze3A_1528, %squeeze3A_1530, %dma_start3A_1535] : memref<12500x8x64xf32, #tpu.memory_space<hbm>> -> memref<1x1x64xf32, #tpu.memory_space<hbm>>
      %dma_start3A_1537 = tpu.memref_squeeze %dma_start3A_1536 : memref<1x1x64xf32, #tpu.memory_space<hbm>> -> memref<64xf32, #tpu.memory_space<hbm>>
      %dma_start3A_1538 = arith.constant 0 : i32
      %dma_start3A_1539 = tpu.memref_slice %arg10[%add3A_1526, %dma_start3A_1531, %dma_start3A_1538] : memref<64x8x64xf32, #tpu.memory_space<vmem>> -> memref<1x1x64xf32, #tpu.memory_space<vmem>>
      %dma_start3A_1540 = tpu.memref_squeeze %dma_start3A_1539 : memref<1x1x64xf32, #tpu.memory_space<vmem>> -> memref<64xf32, #tpu.memory_space<vmem>>
      %dma_start3A_1541 = arith.constant 0 : i32
      %dma_start3A_1542 = tpu.memref_slice %arg5[%squeeze3A_1528, %squeeze3A_1530, %dma_start3A_1541] : memref<12500x8x64xf32, #tpu.memory_space<hbm>> -> memref<1x1x64xf32, #tpu.memory_space<hbm>>
      %dma_start3A_1543 = tpu.memref_squeeze %dma_start3A_1542 : memref<1x1x64xf32, #tpu.memory_space<hbm>> -> memref<64xf32, #tpu.memory_space<hbm>>
      tpu.enqueue_dma source(%dma_start3A_1543 : memref<64xf32, #tpu.memory_space<hbm>>) target(%dma_start3A_1540 : memref<64xf32, #tpu.memory_space<vmem>>) target_semaphore(%arg12 : memref<!tpu.dma_semaphore, #tpu.memory_space<semaphore_mem>>)
      %mul3A_1544 = arith.constant 2 : i32
      %mul3A_1545 = arith.muli %scan3A_1131, %mul3A_1544 : i32
      %add3A_1546 = arith.constant 32 : i32
      %add3A_1547 = arith.addi %add3A_1546, %mul3A_1545 : i32
      %add3A_1548 = arith.constant 0 : i32
      %add3A_1549 = arith.addi %add3A_1547, %add3A_1548 : i32
      %slice3A_1550 = vector.extract_strided_slice %shift_right_logical3A_1517 {offsets = [1], sizes = [1], strides = [1]} : vector<16xi32> to vector<1xi32>
      %squeeze3A_1551 = vector.extract %slice3A_1550[0] : i32 from vector<1xi32>
      %slice3A_1552 = vector.extract_strided_slice %and3A_1520 {offsets = [1], sizes = [1], strides = [1]} : vector<16xi32> to vector<1xi32>
      %squeeze3A_1553 = vector.extract %slice3A_1552[0] : i32 from vector<1xi32>
      %dma_start3A_1554 = arith.constant 1 : i32
      %dma_start3A_1555 = arith.constant 0 : i32
      %dma_start3A_1556 = tpu.memref_slice %arg10[%add3A_1549, %dma_start3A_1554, %dma_start3A_1555] : memref<64x8x64xf32, #tpu.memory_space<vmem>> -> memref<1x1x64xf32, #tpu.memory_space<vmem>>
      %dma_start3A_1557 = tpu.memref_squeeze %dma_start3A_1556 : memref<1x1x64xf32, #tpu.memory_space<vmem>> -> memref<64xf32, #tpu.memory_space<vmem>>
      %dma_start3A_1558 = arith.constant 0 : i32
      %dma_start3A_1559 = tpu.memref_slice %arg5[%squeeze3A_1551, %squeeze3A_1553, %dma_start3A_1558] : memref<12500x8x64xf32, #tpu.memory_space<hbm>> -> memref<1x1x64xf32, #tpu.memory_space<hbm>>
      %dma_start3A_1560 = tpu.memref_squeeze %dma_start3A_1559 : memref<1x1x64xf32, #tpu.memory_space<hbm>> -> memref<64xf32, #tpu.memory_space<hbm>>
      %dma_start3A_1561 = arith.constant 0 : i32
      %dma_start3A_1562 = tpu.memref_slice %arg10[%add3A_1549, %dma_start3A_1554, %dma_start3A_1561] : memref<64x8x64xf32, #tpu.memory_space<vmem>> -> memref<1x1x64xf32, #tpu.memory_space<vmem>>
      %dma_start3A_1563 = tpu.memref_squeeze %dma_start3A_1562 : memref<1x1x64xf32, #tpu.memory_space<vmem>> -> memref<64xf32, #tpu.memory_space<vmem>>
      %dma_start3A_1564 = arith.constant 0 : i32
      %dma_start3A_1565 = tpu.memref_slice %arg5[%squeeze3A_1551, %squeeze3A_1553, %dma_start3A_1564] : memref<12500x8x64xf32, #tpu.memory_space<hbm>> -> memref<1x1x64xf32, #tpu.memory_space<hbm>>
      %dma_start3A_1566 = tpu.memref_squeeze %dma_start3A_1565 : memref<1x1x64xf32, #tpu.memory_space<hbm>> -> memref<64xf32, #tpu.memory_space<hbm>>
      tpu.enqueue_dma source(%dma_start3A_1566 : memref<64xf32, #tpu.memory_space<hbm>>) target(%dma_start3A_1563 : memref<64xf32, #tpu.memory_space<vmem>>) target_semaphore(%arg12 : memref<!tpu.dma_semaphore, #tpu.memory_space<semaphore_mem>>)
      %mul3A_1567 = arith.constant 2 : i32
      %mul3A_1568 = arith.muli %scan3A_1131, %mul3A_1567 : i32
      %add3A_1569 = arith.constant 32 : i32
      %add3A_1570 = arith.addi %add3A_1569, %mul3A_1568 : i32
      %add3A_1571 = arith.constant 0 : i32
      %add3A_1572 = arith.addi %add3A_1570, %add3A_1571 : i32
      %slice3A_1573 = vector.extract_strided_slice %shift_right_logical3A_1517 {offsets = [2], sizes = [1], strides = [1]} : vector<16xi32> to vector<1xi32>
      %squeeze3A_1574 = vector.extract %slice3A_1573[0] : i32 from vector<1xi32>
      %slice3A_1575 = vector.extract_strided_slice %and3A_1520 {offsets = [2], sizes = [1], strides = [1]} : vector<16xi32> to vector<1xi32>
      %squeeze3A_1576 = vector.extract %slice3A_1575[0] : i32 from vector<1xi32>
      %dma_start3A_1577 = arith.constant 2 : i32
      %dma_start3A_1578 = arith.constant 0 : i32
      %dma_start3A_1579 = tpu.memref_slice %arg10[%add3A_1572, %dma_start3A_1577, %dma_start3A_1578] : memref<64x8x64xf32, #tpu.memory_space<vmem>> -> memref<1x1x64xf32, #tpu.memory_space<vmem>>
      %dma_start3A_1580 = tpu.memref_squeeze %dma_start3A_1579 : memref<1x1x64xf32, #tpu.memory_space<vmem>> -> memref<64xf32, #tpu.memory_space<vmem>>
      %dma_start3A_1581 = arith.constant 0 : i32
      %dma_start3A_1582 = tpu.memref_slice %arg5[%squeeze3A_1574, %squeeze3A_1576, %dma_start3A_1581] : memref<12500x8x64xf32, #tpu.memory_space<hbm>> -> memref<1x1x64xf32, #tpu.memory_space<hbm>>
      %dma_start3A_1583 = tpu.memref_squeeze %dma_start3A_1582 : memref<1x1x64xf32, #tpu.memory_space<hbm>> -> memref<64xf32, #tpu.memory_space<hbm>>
      %dma_start3A_1584 = arith.constant 0 : i32
      %dma_start3A_1585 = tpu.memref_slice %arg10[%add3A_1572, %dma_start3A_1577, %dma_start3A_1584] : memref<64x8x64xf32, #tpu.memory_space<vmem>> -> memref<1x1x64xf32, #tpu.memory_space<vmem>>
      %dma_start3A_1586 = tpu.memref_squeeze %dma_start3A_1585 : memref<1x1x64xf32, #tpu.memory_space<vmem>> -> memref<64xf32, #tpu.memory_space<vmem>>
      %dma_start3A_1587 = arith.constant 0 : i32
      %dma_start3A_1588 = tpu.memref_slice %arg5[%squeeze3A_1574, %squeeze3A_1576, %dma_start3A_1587] : memref<12500x8x64xf32, #tpu.memory_space<hbm>> -> memref<1x1x64xf32, #tpu.memory_space<hbm>>
      %dma_start3A_1589 = tpu.memref_squeeze %dma_start3A_1588 : memref<1x1x64xf32, #tpu.memory_space<hbm>> -> memref<64xf32, #tpu.memory_space<hbm>>
      tpu.enqueue_dma source(%dma_start3A_1589 : memref<64xf32, #tpu.memory_space<hbm>>) target(%dma_start3A_1586 : memref<64xf32, #tpu.memory_space<vmem>>) target_semaphore(%arg12 : memref<!tpu.dma_semaphore, #tpu.memory_space<semaphore_mem>>)
      %mul3A_1590 = arith.constant 2 : i32
      %mul3A_1591 = arith.muli %scan3A_1131, %mul3A_1590 : i32
      %add3A_1592 = arith.constant 32 : i32
      %add3A_1593 = arith.addi %add3A_1592, %mul3A_1591 : i32
      %add3A_1594 = arith.constant 0 : i32
      %add3A_1595 = arith.addi %add3A_1593, %add3A_1594 : i32
      %slice3A_1596 = vector.extract_strided_slice %shift_right_logical3A_1517 {offsets = [3], sizes = [1], strides = [1]} : vector<16xi32> to vector<1xi32>
      %squeeze3A_1597 = vector.extract %slice3A_1596[0] : i32 from vector<1xi32>
      %slice3A_1598 = vector.extract_strided_slice %and3A_1520 {offsets = [3], sizes = [1], strides = [1]} : vector<16xi32> to vector<1xi32>
      %squeeze3A_1599 = vector.extract %slice3A_1598[0] : i32 from vector<1xi32>
      %dma_start3A_1600 = arith.constant 3 : i32
      %dma_start3A_1601 = arith.constant 0 : i32
      %dma_start3A_1602 = tpu.memref_slice %arg10[%add3A_1595, %dma_start3A_1600, %dma_start3A_1601] : memref<64x8x64xf32, #tpu.memory_space<vmem>> -> memref<1x1x64xf32, #tpu.memory_space<vmem>>
      %dma_start3A_1603 = tpu.memref_squeeze %dma_start3A_1602 : memref<1x1x64xf32, #tpu.memory_space<vmem>> -> memref<64xf32, #tpu.memory_space<vmem>>
      %dma_start3A_1604 = arith.constant 0 : i32
      %dma_start3A_1605 = tpu.memref_slice %arg5[%squeeze3A_1597, %squeeze3A_1599, %dma_start3A_1604] : memref<12500x8x64xf32, #tpu.memory_space<hbm>> -> memref<1x1x64xf32, #tpu.memory_space<hbm>>
      %dma_start3A_1606 = tpu.memref_squeeze %dma_start3A_1605 : memref<1x1x64xf32, #tpu.memory_space<hbm>> -> memref<64xf32, #tpu.memory_space<hbm>>
      %dma_start3A_1607 = arith.constant 0 : i32
      %dma_start3A_1608 = tpu.memref_slice %arg10[%add3A_1595, %dma_start3A_1600, %dma_start3A_1607] : memref<64x8x64xf32, #tpu.memory_space<vmem>> -> memref<1x1x64xf32, #tpu.memory_space<vmem>>
      %dma_start3A_1609 = tpu.memref_squeeze %dma_start3A_1608 : memref<1x1x64xf32, #tpu.memory_space<vmem>> -> memref<64xf32, #tpu.memory_space<vmem>>
      %dma_start3A_1610 = arith.constant 0 : i32
      %dma_start3A_1611 = tpu.memref_slice %arg5[%squeeze3A_1597, %squeeze3A_1599, %dma_start3A_1610] : memref<12500x8x64xf32, #tpu.memory_space<hbm>> -> memref<1x1x64xf32, #tpu.memory_space<hbm>>
      %dma_start3A_1612 = tpu.memref_squeeze %dma_start3A_1611 : memref<1x1x64xf32, #tpu.memory_space<hbm>> -> memref<64xf32, #tpu.memory_space<hbm>>
      tpu.enqueue_dma source(%dma_start3A_1612 : memref<64xf32, #tpu.memory_space<hbm>>) target(%dma_start3A_1609 : memref<64xf32, #tpu.memory_space<vmem>>) target_semaphore(%arg12 : memref<!tpu.dma_semaphore, #tpu.memory_space<semaphore_mem>>)
      %mul3A_1613 = arith.constant 2 : i32
      %mul3A_1614 = arith.muli %scan3A_1131, %mul3A_1613 : i32
      %add3A_1615 = arith.constant 32 : i32
      %add3A_1616 = arith.addi %add3A_1615, %mul3A_1614 : i32
      %add3A_1617 = arith.constant 0 : i32
      %add3A_1618 = arith.addi %add3A_1616, %add3A_1617 : i32
      %slice3A_1619 = vector.extract_strided_slice %shift_right_logical3A_1517 {offsets = [4], sizes = [1], strides = [1]} : vector<16xi32> to vector<1xi32>
      %squeeze3A_1620 = vector.extract %slice3A_1619[0] : i32 from vector<1xi32>
      %slice3A_1621 = vector.extract_strided_slice %and3A_1520 {offsets = [4], sizes = [1], strides = [1]} : vector<16xi32> to vector<1xi32>
      %squeeze3A_1622 = vector.extract %slice3A_1621[0] : i32 from vector<1xi32>
      %dma_start3A_1623 = arith.constant 4 : i32
      %dma_start3A_1624 = arith.constant 0 : i32
      %dma_start3A_1625 = tpu.memref_slice %arg10[%add3A_1618, %dma_start3A_1623, %dma_start3A_1624] : memref<64x8x64xf32, #tpu.memory_space<vmem>> -> memref<1x1x64xf32, #tpu.memory_space<vmem>>
      %dma_start3A_1626 = tpu.memref_squeeze %dma_start3A_1625 : memref<1x1x64xf32, #tpu.memory_space<vmem>> -> memref<64xf32, #tpu.memory_space<vmem>>
      %dma_start3A_1627 = arith.constant 0 : i32
      %dma_start3A_1628 = tpu.memref_slice %arg5[%squeeze3A_1620, %squeeze3A_1622, %dma_start3A_1627] : memref<12500x8x64xf32, #tpu.memory_space<hbm>> -> memref<1x1x64xf32, #tpu.memory_space<hbm>>
      %dma_start3A_1629 = tpu.memref_squeeze %dma_start3A_1628 : memref<1x1x64xf32, #tpu.memory_space<hbm>> -> memref<64xf32, #tpu.memory_space<hbm>>
      %dma_start3A_1630 = arith.constant 0 : i32
      %dma_start3A_1631 = tpu.memref_slice %arg10[%add3A_1618, %dma_start3A_1623, %dma_start3A_1630] : memref<64x8x64xf32, #tpu.memory_space<vmem>> -> memref<1x1x64xf32, #tpu.memory_space<vmem>>
      %dma_start3A_1632 = tpu.memref_squeeze %dma_start3A_1631 : memref<1x1x64xf32, #tpu.memory_space<vmem>> -> memref<64xf32, #tpu.memory_space<vmem>>
      %dma_start3A_1633 = arith.constant 0 : i32
      %dma_start3A_1634 = tpu.memref_slice %arg5[%squeeze3A_1620, %squeeze3A_1622, %dma_start3A_1633] : memref<12500x8x64xf32, #tpu.memory_space<hbm>> -> memref<1x1x64xf32, #tpu.memory_space<hbm>>
      %dma_start3A_1635 = tpu.memref_squeeze %dma_start3A_1634 : memref<1x1x64xf32, #tpu.memory_space<hbm>> -> memref<64xf32, #tpu.memory_space<hbm>>
      tpu.enqueue_dma source(%dma_start3A_1635 : memref<64xf32, #tpu.memory_space<hbm>>) target(%dma_start3A_1632 : memref<64xf32, #tpu.memory_space<vmem>>) target_semaphore(%arg12 : memref<!tpu.dma_semaphore, #tpu.memory_space<semaphore_mem>>)
      %mul3A_1636 = arith.constant 2 : i32
      %mul3A_1637 = arith.muli %scan3A_1131, %mul3A_1636 : i32
      %add3A_1638 = arith.constant 32 : i32
      %add3A_1639 = arith.addi %add3A_1638, %mul3A_1637 : i32
      %add3A_1640 = arith.constant 0 : i32
      %add3A_1641 = arith.addi %add3A_1639, %add3A_1640 : i32
      %slice3A_1642 = vector.extract_strided_slice %shift_right_logical3A_1517 {offsets = [5], sizes = [1], strides = [1]} : vector<16xi32> to vector<1xi32>
      %squeeze3A_1643 = vector.extract %slice3A_1642[0] : i32 from vector<1xi32>
      %slice3A_1644 = vector.extract_strided_slice %and3A_1520 {offsets = [5], sizes = [1], strides = [1]} : vector<16xi32> to vector<1xi32>
      %squeeze3A_1645 = vector.extract %slice3A_1644[0] : i32 from vector<1xi32>
      %dma_start3A_1646 = arith.constant 5 : i32
      %dma_start3A_1647 = arith.constant 0 : i32
      %dma_start3A_1648 = tpu.memref_slice %arg10[%add3A_1641, %dma_start3A_1646, %dma_start3A_1647] : memref<64x8x64xf32, #tpu.memory_space<vmem>> -> memref<1x1x64xf32, #tpu.memory_space<vmem>>
      %dma_start3A_1649 = tpu.memref_squeeze %dma_start3A_1648 : memref<1x1x64xf32, #tpu.memory_space<vmem>> -> memref<64xf32, #tpu.memory_space<vmem>>
      %dma_start3A_1650 = arith.constant 0 : i32
      %dma_start3A_1651 = tpu.memref_slice %arg5[%squeeze3A_1643, %squeeze3A_1645, %dma_start3A_1650] : memref<12500x8x64xf32, #tpu.memory_space<hbm>> -> memref<1x1x64xf32, #tpu.memory_space<hbm>>
      %dma_start3A_1652 = tpu.memref_squeeze %dma_start3A_1651 : memref<1x1x64xf32, #tpu.memory_space<hbm>> -> memref<64xf32, #tpu.memory_space<hbm>>
      %dma_start3A_1653 = arith.constant 0 : i32
      %dma_start3A_1654 = tpu.memref_slice %arg10[%add3A_1641, %dma_start3A_1646, %dma_start3A_1653] : memref<64x8x64xf32, #tpu.memory_space<vmem>> -> memref<1x1x64xf32, #tpu.memory_space<vmem>>
      %dma_start3A_1655 = tpu.memref_squeeze %dma_start3A_1654 : memref<1x1x64xf32, #tpu.memory_space<vmem>> -> memref<64xf32, #tpu.memory_space<vmem>>
      %dma_start3A_1656 = arith.constant 0 : i32
      %dma_start3A_1657 = tpu.memref_slice %arg5[%squeeze3A_1643, %squeeze3A_1645, %dma_start3A_1656] : memref<12500x8x64xf32, #tpu.memory_space<hbm>> -> memref<1x1x64xf32, #tpu.memory_space<hbm>>
      %dma_start3A_1658 = tpu.memref_squeeze %dma_start3A_1657 : memref<1x1x64xf32, #tpu.memory_space<hbm>> -> memref<64xf32, #tpu.memory_space<hbm>>
      tpu.enqueue_dma source(%dma_start3A_1658 : memref<64xf32, #tpu.memory_space<hbm>>) target(%dma_start3A_1655 : memref<64xf32, #tpu.memory_space<vmem>>) target_semaphore(%arg12 : memref<!tpu.dma_semaphore, #tpu.memory_space<semaphore_mem>>)
      %mul3A_1659 = arith.constant 2 : i32
      %mul3A_1660 = arith.muli %scan3A_1131, %mul3A_1659 : i32
      %add3A_1661 = arith.constant 32 : i32
      %add3A_1662 = arith.addi %add3A_1661, %mul3A_1660 : i32
      %add3A_1663 = arith.constant 0 : i32
      %add3A_1664 = arith.addi %add3A_1662, %add3A_1663 : i32
      %slice3A_1665 = vector.extract_strided_slice %shift_right_logical3A_1517 {offsets = [6], sizes = [1], strides = [1]} : vector<16xi32> to vector<1xi32>
      %squeeze3A_1666 = vector.extract %slice3A_1665[0] : i32 from vector<1xi32>
      %slice3A_1667 = vector.extract_strided_slice %and3A_1520 {offsets = [6], sizes = [1], strides = [1]} : vector<16xi32> to vector<1xi32>
      %squeeze3A_1668 = vector.extract %slice3A_1667[0] : i32 from vector<1xi32>
      %dma_start3A_1669 = arith.constant 6 : i32
      %dma_start3A_1670 = arith.constant 0 : i32
      %dma_start3A_1671 = tpu.memref_slice %arg10[%add3A_1664, %dma_start3A_1669, %dma_start3A_1670] : memref<64x8x64xf32, #tpu.memory_space<vmem>> -> memref<1x1x64xf32, #tpu.memory_space<vmem>>
      %dma_start3A_1672 = tpu.memref_squeeze %dma_start3A_1671 : memref<1x1x64xf32, #tpu.memory_space<vmem>> -> memref<64xf32, #tpu.memory_space<vmem>>
      %dma_start3A_1673 = arith.constant 0 : i32
      %dma_start3A_1674 = tpu.memref_slice %arg5[%squeeze3A_1666, %squeeze3A_1668, %dma_start3A_1673] : memref<12500x8x64xf32, #tpu.memory_space<hbm>> -> memref<1x1x64xf32, #tpu.memory_space<hbm>>
      %dma_start3A_1675 = tpu.memref_squeeze %dma_start3A_1674 : memref<1x1x64xf32, #tpu.memory_space<hbm>> -> memref<64xf32, #tpu.memory_space<hbm>>
      %dma_start3A_1676 = arith.constant 0 : i32
      %dma_start3A_1677 = tpu.memref_slice %arg10[%add3A_1664, %dma_start3A_1669, %dma_start3A_1676] : memref<64x8x64xf32, #tpu.memory_space<vmem>> -> memref<1x1x64xf32, #tpu.memory_space<vmem>>
      %dma_start3A_1678 = tpu.memref_squeeze %dma_start3A_1677 : memref<1x1x64xf32, #tpu.memory_space<vmem>> -> memref<64xf32, #tpu.memory_space<vmem>>
      %dma_start3A_1679 = arith.constant 0 : i32
      %dma_start3A_1680 = tpu.memref_slice %arg5[%squeeze3A_1666, %squeeze3A_1668, %dma_start3A_1679] : memref<12500x8x64xf32, #tpu.memory_space<hbm>> -> memref<1x1x64xf32, #tpu.memory_space<hbm>>
      %dma_start3A_1681 = tpu.memref_squeeze %dma_start3A_1680 : memref<1x1x64xf32, #tpu.memory_space<hbm>> -> memref<64xf32, #tpu.memory_space<hbm>>
      tpu.enqueue_dma source(%dma_start3A_1681 : memref<64xf32, #tpu.memory_space<hbm>>) target(%dma_start3A_1678 : memref<64xf32, #tpu.memory_space<vmem>>) target_semaphore(%arg12 : memref<!tpu.dma_semaphore, #tpu.memory_space<semaphore_mem>>)
      %mul3A_1682 = arith.constant 2 : i32
      %mul3A_1683 = arith.muli %scan3A_1131, %mul3A_1682 : i32
      %add3A_1684 = arith.constant 32 : i32
      %add3A_1685 = arith.addi %add3A_1684, %mul3A_1683 : i32
      %add3A_1686 = arith.constant 0 : i32
      %add3A_1687 = arith.addi %add3A_1685, %add3A_1686 : i32
      %slice3A_1688 = vector.extract_strided_slice %shift_right_logical3A_1517 {offsets = [7], sizes = [1], strides = [1]} : vector<16xi32> to vector<1xi32>
      %squeeze3A_1689 = vector.extract %slice3A_1688[0] : i32 from vector<1xi32>
      %slice3A_1690 = vector.extract_strided_slice %and3A_1520 {offsets = [7], sizes = [1], strides = [1]} : vector<16xi32> to vector<1xi32>
      %squeeze3A_1691 = vector.extract %slice3A_1690[0] : i32 from vector<1xi32>
      %dma_start3A_1692 = arith.constant 7 : i32
      %dma_start3A_1693 = arith.constant 0 : i32
      %dma_start3A_1694 = tpu.memref_slice %arg10[%add3A_1687, %dma_start3A_1692, %dma_start3A_1693] : memref<64x8x64xf32, #tpu.memory_space<vmem>> -> memref<1x1x64xf32, #tpu.memory_space<vmem>>
      %dma_start3A_1695 = tpu.memref_squeeze %dma_start3A_1694 : memref<1x1x64xf32, #tpu.memory_space<vmem>> -> memref<64xf32, #tpu.memory_space<vmem>>
      %dma_start3A_1696 = arith.constant 0 : i32
      %dma_start3A_1697 = tpu.memref_slice %arg5[%squeeze3A_1689, %squeeze3A_1691, %dma_start3A_1696] : memref<12500x8x64xf32, #tpu.memory_space<hbm>> -> memref<1x1x64xf32, #tpu.memory_space<hbm>>
      %dma_start3A_1698 = tpu.memref_squeeze %dma_start3A_1697 : memref<1x1x64xf32, #tpu.memory_space<hbm>> -> memref<64xf32, #tpu.memory_space<hbm>>
      %dma_start3A_1699 = arith.constant 0 : i32
      %dma_start3A_1700 = tpu.memref_slice %arg10[%add3A_1687, %dma_start3A_1692, %dma_start3A_1699] : memref<64x8x64xf32, #tpu.memory_space<vmem>> -> memref<1x1x64xf32, #tpu.memory_space<vmem>>
      %dma_start3A_1701 = tpu.memref_squeeze %dma_start3A_1700 : memref<1x1x64xf32, #tpu.memory_space<vmem>> -> memref<64xf32, #tpu.memory_space<vmem>>
      %dma_start3A_1702 = arith.constant 0 : i32
      %dma_start3A_1703 = tpu.memref_slice %arg5[%squeeze3A_1689, %squeeze3A_1691, %dma_start3A_1702] : memref<12500x8x64xf32, #tpu.memory_space<hbm>> -> memref<1x1x64xf32, #tpu.memory_space<hbm>>
      %dma_start3A_1704 = tpu.memref_squeeze %dma_start3A_1703 : memref<1x1x64xf32, #tpu.memory_space<hbm>> -> memref<64xf32, #tpu.memory_space<hbm>>
      tpu.enqueue_dma source(%dma_start3A_1704 : memref<64xf32, #tpu.memory_space<hbm>>) target(%dma_start3A_1701 : memref<64xf32, #tpu.memory_space<vmem>>) target_semaphore(%arg12 : memref<!tpu.dma_semaphore, #tpu.memory_space<semaphore_mem>>)
      %mul3A_1705 = arith.constant 2 : i32
      %mul3A_1706 = arith.muli %scan3A_1131, %mul3A_1705 : i32
      %add3A_1707 = arith.constant 32 : i32
      %add3A_1708 = arith.addi %add3A_1707, %mul3A_1706 : i32
      %add3A_1709 = arith.constant 1 : i32
      %add3A_1710 = arith.addi %add3A_1708, %add3A_1709 : i32
      %slice3A_1711 = vector.extract_strided_slice %shift_right_logical3A_1517 {offsets = [8], sizes = [1], strides = [1]} : vector<16xi32> to vector<1xi32>
      %squeeze3A_1712 = vector.extract %slice3A_1711[0] : i32 from vector<1xi32>
      %slice3A_1713 = vector.extract_strided_slice %and3A_1520 {offsets = [8], sizes = [1], strides = [1]} : vector<16xi32> to vector<1xi32>
      %squeeze3A_1714 = vector.extract %slice3A_1713[0] : i32 from vector<1xi32>
      %dma_start3A_1715 = arith.constant 0 : i32
      %dma_start3A_1716 = arith.constant 0 : i32
      %dma_start3A_1717 = tpu.memref_slice %arg10[%add3A_1710, %dma_start3A_1715, %dma_start3A_1716] : memref<64x8x64xf32, #tpu.memory_space<vmem>> -> memref<1x1x64xf32, #tpu.memory_space<vmem>>
      %dma_start3A_1718 = tpu.memref_squeeze %dma_start3A_1717 : memref<1x1x64xf32, #tpu.memory_space<vmem>> -> memref<64xf32, #tpu.memory_space<vmem>>
      %dma_start3A_1719 = arith.constant 0 : i32
      %dma_start3A_1720 = tpu.memref_slice %arg5[%squeeze3A_1712, %squeeze3A_1714, %dma_start3A_1719] : memref<12500x8x64xf32, #tpu.memory_space<hbm>> -> memref<1x1x64xf32, #tpu.memory_space<hbm>>
      %dma_start3A_1721 = tpu.memref_squeeze %dma_start3A_1720 : memref<1x1x64xf32, #tpu.memory_space<hbm>> -> memref<64xf32, #tpu.memory_space<hbm>>
      %dma_start3A_1722 = arith.constant 0 : i32
      %dma_start3A_1723 = tpu.memref_slice %arg10[%add3A_1710, %dma_start3A_1715, %dma_start3A_1722] : memref<64x8x64xf32, #tpu.memory_space<vmem>> -> memref<1x1x64xf32, #tpu.memory_space<vmem>>
      %dma_start3A_1724 = tpu.memref_squeeze %dma_start3A_1723 : memref<1x1x64xf32, #tpu.memory_space<vmem>> -> memref<64xf32, #tpu.memory_space<vmem>>
      %dma_start3A_1725 = arith.constant 0 : i32
      %dma_start3A_1726 = tpu.memref_slice %arg5[%squeeze3A_1712, %squeeze3A_1714, %dma_start3A_1725] : memref<12500x8x64xf32, #tpu.memory_space<hbm>> -> memref<1x1x64xf32, #tpu.memory_space<hbm>>
      %dma_start3A_1727 = tpu.memref_squeeze %dma_start3A_1726 : memref<1x1x64xf32, #tpu.memory_space<hbm>> -> memref<64xf32, #tpu.memory_space<hbm>>
      tpu.enqueue_dma source(%dma_start3A_1727 : memref<64xf32, #tpu.memory_space<hbm>>) target(%dma_start3A_1724 : memref<64xf32, #tpu.memory_space<vmem>>) target_semaphore(%arg12 : memref<!tpu.dma_semaphore, #tpu.memory_space<semaphore_mem>>)
      %mul3A_1728 = arith.constant 2 : i32
      %mul3A_1729 = arith.muli %scan3A_1131, %mul3A_1728 : i32
      %add3A_1730 = arith.constant 32 : i32
      %add3A_1731 = arith.addi %add3A_1730, %mul3A_1729 : i32
      %add3A_1732 = arith.constant 1 : i32
      %add3A_1733 = arith.addi %add3A_1731, %add3A_1732 : i32
      %slice3A_1734 = vector.extract_strided_slice %shift_right_logical3A_1517 {offsets = [9], sizes = [1], strides = [1]} : vector<16xi32> to vector<1xi32>
      %squeeze3A_1735 = vector.extract %slice3A_1734[0] : i32 from vector<1xi32>
      %slice3A_1736 = vector.extract_strided_slice %and3A_1520 {offsets = [9], sizes = [1], strides = [1]} : vector<16xi32> to vector<1xi32>
      %squeeze3A_1737 = vector.extract %slice3A_1736[0] : i32 from vector<1xi32>
      %dma_start3A_1738 = arith.constant 1 : i32
      %dma_start3A_1739 = arith.constant 0 : i32
      %dma_start3A_1740 = tpu.memref_slice %arg10[%add3A_1733, %dma_start3A_1738, %dma_start3A_1739] : memref<64x8x64xf32, #tpu.memory_space<vmem>> -> memref<1x1x64xf32, #tpu.memory_space<vmem>>
      %dma_start3A_1741 = tpu.memref_squeeze %dma_start3A_1740 : memref<1x1x64xf32, #tpu.memory_space<vmem>> -> memref<64xf32, #tpu.memory_space<vmem>>
      %dma_start3A_1742 = arith.constant 0 : i32
      %dma_start3A_1743 = tpu.memref_slice %arg5[%squeeze3A_1735, %squeeze3A_1737, %dma_start3A_1742] : memref<12500x8x64xf32, #tpu.memory_space<hbm>> -> memref<1x1x64xf32, #tpu.memory_space<hbm>>
      %dma_start3A_1744 = tpu.memref_squeeze %dma_start3A_1743 : memref<1x1x64xf32, #tpu.memory_space<hbm>> -> memref<64xf32, #tpu.memory_space<hbm>>
      %dma_start3A_1745 = arith.constant 0 : i32
      %dma_start3A_1746 = tpu.memref_slice %arg10[%add3A_1733, %dma_start3A_1738, %dma_start3A_1745] : memref<64x8x64xf32, #tpu.memory_space<vmem>> -> memref<1x1x64xf32, #tpu.memory_space<vmem>>
      %dma_start3A_1747 = tpu.memref_squeeze %dma_start3A_1746 : memref<1x1x64xf32, #tpu.memory_space<vmem>> -> memref<64xf32, #tpu.memory_space<vmem>>
      %dma_start3A_1748 = arith.constant 0 : i32
      %dma_start3A_1749 = tpu.memref_slice %arg5[%squeeze3A_1735, %squeeze3A_1737, %dma_start3A_1748] : memref<12500x8x64xf32, #tpu.memory_space<hbm>> -> memref<1x1x64xf32, #tpu.memory_space<hbm>>
      %dma_start3A_1750 = tpu.memref_squeeze %dma_start3A_1749 : memref<1x1x64xf32, #tpu.memory_space<hbm>> -> memref<64xf32, #tpu.memory_space<hbm>>
      tpu.enqueue_dma source(%dma_start3A_1750 : memref<64xf32, #tpu.memory_space<hbm>>) target(%dma_start3A_1747 : memref<64xf32, #tpu.memory_space<vmem>>) target_semaphore(%arg12 : memref<!tpu.dma_semaphore, #tpu.memory_space<semaphore_mem>>)
      %mul3A_1751 = arith.constant 2 : i32
      %mul3A_1752 = arith.muli %scan3A_1131, %mul3A_1751 : i32
      %add3A_1753 = arith.constant 32 : i32
      %add3A_1754 = arith.addi %add3A_1753, %mul3A_1752 : i32
      %add3A_1755 = arith.constant 1 : i32
      %add3A_1756 = arith.addi %add3A_1754, %add3A_1755 : i32
      %slice3A_1757 = vector.extract_strided_slice %shift_right_logical3A_1517 {offsets = [10], sizes = [1], strides = [1]} : vector<16xi32> to vector<1xi32>
      %squeeze3A_1758 = vector.extract %slice3A_1757[0] : i32 from vector<1xi32>
      %slice3A_1759 = vector.extract_strided_slice %and3A_1520 {offsets = [10], sizes = [1], strides = [1]} : vector<16xi32> to vector<1xi32>
      %squeeze3A_1760 = vector.extract %slice3A_1759[0] : i32 from vector<1xi32>
      %dma_start3A_1761 = arith.constant 2 : i32
      %dma_start3A_1762 = arith.constant 0 : i32
      %dma_start3A_1763 = tpu.memref_slice %arg10[%add3A_1756, %dma_start3A_1761, %dma_start3A_1762] : memref<64x8x64xf32, #tpu.memory_space<vmem>> -> memref<1x1x64xf32, #tpu.memory_space<vmem>>
      %dma_start3A_1764 = tpu.memref_squeeze %dma_start3A_1763 : memref<1x1x64xf32, #tpu.memory_space<vmem>> -> memref<64xf32, #tpu.memory_space<vmem>>
      %dma_start3A_1765 = arith.constant 0 : i32
      %dma_start3A_1766 = tpu.memref_slice %arg5[%squeeze3A_1758, %squeeze3A_1760, %dma_start3A_1765] : memref<12500x8x64xf32, #tpu.memory_space<hbm>> -> memref<1x1x64xf32, #tpu.memory_space<hbm>>
      %dma_start3A_1767 = tpu.memref_squeeze %dma_start3A_1766 : memref<1x1x64xf32, #tpu.memory_space<hbm>> -> memref<64xf32, #tpu.memory_space<hbm>>
      %dma_start3A_1768 = arith.constant 0 : i32
      %dma_start3A_1769 = tpu.memref_slice %arg10[%add3A_1756, %dma_start3A_1761, %dma_start3A_1768] : memref<64x8x64xf32, #tpu.memory_space<vmem>> -> memref<1x1x64xf32, #tpu.memory_space<vmem>>
      %dma_start3A_1770 = tpu.memref_squeeze %dma_start3A_1769 : memref<1x1x64xf32, #tpu.memory_space<vmem>> -> memref<64xf32, #tpu.memory_space<vmem>>
      %dma_start3A_1771 = arith.constant 0 : i32
      %dma_start3A_1772 = tpu.memref_slice %arg5[%squeeze3A_1758, %squeeze3A_1760, %dma_start3A_1771] : memref<12500x8x64xf32, #tpu.memory_space<hbm>> -> memref<1x1x64xf32, #tpu.memory_space<hbm>>
      %dma_start3A_1773 = tpu.memref_squeeze %dma_start3A_1772 : memref<1x1x64xf32, #tpu.memory_space<hbm>> -> memref<64xf32, #tpu.memory_space<hbm>>
      tpu.enqueue_dma source(%dma_start3A_1773 : memref<64xf32, #tpu.memory_space<hbm>>) target(%dma_start3A_1770 : memref<64xf32, #tpu.memory_space<vmem>>) target_semaphore(%arg12 : memref<!tpu.dma_semaphore, #tpu.memory_space<semaphore_mem>>)
      %mul3A_1774 = arith.constant 2 : i32
      %mul3A_1775 = arith.muli %scan3A_1131, %mul3A_1774 : i32
      %add3A_1776 = arith.constant 32 : i32
      %add3A_1777 = arith.addi %add3A_1776, %mul3A_1775 : i32
      %add3A_1778 = arith.constant 1 : i32
      %add3A_1779 = arith.addi %add3A_1777, %add3A_1778 : i32
      %slice3A_1780 = vector.extract_strided_slice %shift_right_logical3A_1517 {offsets = [11], sizes = [1], strides = [1]} : vector<16xi32> to vector<1xi32>
      %squeeze3A_1781 = vector.extract %slice3A_1780[0] : i32 from vector<1xi32>
      %slice3A_1782 = vector.extract_strided_slice %and3A_1520 {offsets = [11], sizes = [1], strides = [1]} : vector<16xi32> to vector<1xi32>
      %squeeze3A_1783 = vector.extract %slice3A_1782[0] : i32 from vector<1xi32>
      %dma_start3A_1784 = arith.constant 3 : i32
      %dma_start3A_1785 = arith.constant 0 : i32
      %dma_start3A_1786 = tpu.memref_slice %arg10[%add3A_1779, %dma_start3A_1784, %dma_start3A_1785] : memref<64x8x64xf32, #tpu.memory_space<vmem>> -> memref<1x1x64xf32, #tpu.memory_space<vmem>>
      %dma_start3A_1787 = tpu.memref_squeeze %dma_start3A_1786 : memref<1x1x64xf32, #tpu.memory_space<vmem>> -> memref<64xf32, #tpu.memory_space<vmem>>
      %dma_start3A_1788 = arith.constant 0 : i32
      %dma_start3A_1789 = tpu.memref_slice %arg5[%squeeze3A_1781, %squeeze3A_1783, %dma_start3A_1788] : memref<12500x8x64xf32, #tpu.memory_space<hbm>> -> memref<1x1x64xf32, #tpu.memory_space<hbm>>
      %dma_start3A_1790 = tpu.memref_squeeze %dma_start3A_1789 : memref<1x1x64xf32, #tpu.memory_space<hbm>> -> memref<64xf32, #tpu.memory_space<hbm>>
      %dma_start3A_1791 = arith.constant 0 : i32
      %dma_start3A_1792 = tpu.memref_slice %arg10[%add3A_1779, %dma_start3A_1784, %dma_start3A_1791] : memref<64x8x64xf32, #tpu.memory_space<vmem>> -> memref<1x1x64xf32, #tpu.memory_space<vmem>>
      %dma_start3A_1793 = tpu.memref_squeeze %dma_start3A_1792 : memref<1x1x64xf32, #tpu.memory_space<vmem>> -> memref<64xf32, #tpu.memory_space<vmem>>
      %dma_start3A_1794 = arith.constant 0 : i32
      %dma_start3A_1795 = tpu.memref_slice %arg5[%squeeze3A_1781, %squeeze3A_1783, %dma_start3A_1794] : memref<12500x8x64xf32, #tpu.memory_space<hbm>> -> memref<1x1x64xf32, #tpu.memory_space<hbm>>
      %dma_start3A_1796 = tpu.memref_squeeze %dma_start3A_1795 : memref<1x1x64xf32, #tpu.memory_space<hbm>> -> memref<64xf32, #tpu.memory_space<hbm>>
      tpu.enqueue_dma source(%dma_start3A_1796 : memref<64xf32, #tpu.memory_space<hbm>>) target(%dma_start3A_1793 : memref<64xf32, #tpu.memory_space<vmem>>) target_semaphore(%arg12 : memref<!tpu.dma_semaphore, #tpu.memory_space<semaphore_mem>>)
      %mul3A_1797 = arith.constant 2 : i32
      %mul3A_1798 = arith.muli %scan3A_1131, %mul3A_1797 : i32
      %add3A_1799 = arith.constant 32 : i32
      %add3A_1800 = arith.addi %add3A_1799, %mul3A_1798 : i32
      %add3A_1801 = arith.constant 1 : i32
      %add3A_1802 = arith.addi %add3A_1800, %add3A_1801 : i32
      %slice3A_1803 = vector.extract_strided_slice %shift_right_logical3A_1517 {offsets = [12], sizes = [1], strides = [1]} : vector<16xi32> to vector<1xi32>
      %squeeze3A_1804 = vector.extract %slice3A_1803[0] : i32 from vector<1xi32>
      %slice3A_1805 = vector.extract_strided_slice %and3A_1520 {offsets = [12], sizes = [1], strides = [1]} : vector<16xi32> to vector<1xi32>
      %squeeze3A_1806 = vector.extract %slice3A_1805[0] : i32 from vector<1xi32>
      %dma_start3A_1807 = arith.constant 4 : i32
      %dma_start3A_1808 = arith.constant 0 : i32
      %dma_start3A_1809 = tpu.memref_slice %arg10[%add3A_1802, %dma_start3A_1807, %dma_start3A_1808] : memref<64x8x64xf32, #tpu.memory_space<vmem>> -> memref<1x1x64xf32, #tpu.memory_space<vmem>>
      %dma_start3A_1810 = tpu.memref_squeeze %dma_start3A_1809 : memref<1x1x64xf32, #tpu.memory_space<vmem>> -> memref<64xf32, #tpu.memory_space<vmem>>
      %dma_start3A_1811 = arith.constant 0 : i32
      %dma_start3A_1812 = tpu.memref_slice %arg5[%squeeze3A_1804, %squeeze3A_1806, %dma_start3A_1811] : memref<12500x8x64xf32, #tpu.memory_space<hbm>> -> memref<1x1x64xf32, #tpu.memory_space<hbm>>
      %dma_start3A_1813 = tpu.memref_squeeze %dma_start3A_1812 : memref<1x1x64xf32, #tpu.memory_space<hbm>> -> memref<64xf32, #tpu.memory_space<hbm>>
      %dma_start3A_1814 = arith.constant 0 : i32
      %dma_start3A_1815 = tpu.memref_slice %arg10[%add3A_1802, %dma_start3A_1807, %dma_start3A_1814] : memref<64x8x64xf32, #tpu.memory_space<vmem>> -> memref<1x1x64xf32, #tpu.memory_space<vmem>>
      %dma_start3A_1816 = tpu.memref_squeeze %dma_start3A_1815 : memref<1x1x64xf32, #tpu.memory_space<vmem>> -> memref<64xf32, #tpu.memory_space<vmem>>
      %dma_start3A_1817 = arith.constant 0 : i32
      %dma_start3A_1818 = tpu.memref_slice %arg5[%squeeze3A_1804, %squeeze3A_1806, %dma_start3A_1817] : memref<12500x8x64xf32, #tpu.memory_space<hbm>> -> memref<1x1x64xf32, #tpu.memory_space<hbm>>
      %dma_start3A_1819 = tpu.memref_squeeze %dma_start3A_1818 : memref<1x1x64xf32, #tpu.memory_space<hbm>> -> memref<64xf32, #tpu.memory_space<hbm>>
      tpu.enqueue_dma source(%dma_start3A_1819 : memref<64xf32, #tpu.memory_space<hbm>>) target(%dma_start3A_1816 : memref<64xf32, #tpu.memory_space<vmem>>) target_semaphore(%arg12 : memref<!tpu.dma_semaphore, #tpu.memory_space<semaphore_mem>>)
      %mul3A_1820 = arith.constant 2 : i32
      %mul3A_1821 = arith.muli %scan3A_1131, %mul3A_1820 : i32
      %add3A_1822 = arith.constant 32 : i32
      %add3A_1823 = arith.addi %add3A_1822, %mul3A_1821 : i32
      %add3A_1824 = arith.constant 1 : i32
      %add3A_1825 = arith.addi %add3A_1823, %add3A_1824 : i32
      %slice3A_1826 = vector.extract_strided_slice %shift_right_logical3A_1517 {offsets = [13], sizes = [1], strides = [1]} : vector<16xi32> to vector<1xi32>
      %squeeze3A_1827 = vector.extract %slice3A_1826[0] : i32 from vector<1xi32>
      %slice3A_1828 = vector.extract_strided_slice %and3A_1520 {offsets = [13], sizes = [1], strides = [1]} : vector<16xi32> to vector<1xi32>
      %squeeze3A_1829 = vector.extract %slice3A_1828[0] : i32 from vector<1xi32>
      %dma_start3A_1830 = arith.constant 5 : i32
      %dma_start3A_1831 = arith.constant 0 : i32
      %dma_start3A_1832 = tpu.memref_slice %arg10[%add3A_1825, %dma_start3A_1830, %dma_start3A_1831] : memref<64x8x64xf32, #tpu.memory_space<vmem>> -> memref<1x1x64xf32, #tpu.memory_space<vmem>>
      %dma_start3A_1833 = tpu.memref_squeeze %dma_start3A_1832 : memref<1x1x64xf32, #tpu.memory_space<vmem>> -> memref<64xf32, #tpu.memory_space<vmem>>
      %dma_start3A_1834 = arith.constant 0 : i32
      %dma_start3A_1835 = tpu.memref_slice %arg5[%squeeze3A_1827, %squeeze3A_1829, %dma_start3A_1834] : memref<12500x8x64xf32, #tpu.memory_space<hbm>> -> memref<1x1x64xf32, #tpu.memory_space<hbm>>
      %dma_start3A_1836 = tpu.memref_squeeze %dma_start3A_1835 : memref<1x1x64xf32, #tpu.memory_space<hbm>> -> memref<64xf32, #tpu.memory_space<hbm>>
      %dma_start3A_1837 = arith.constant 0 : i32
      %dma_start3A_1838 = tpu.memref_slice %arg10[%add3A_1825, %dma_start3A_1830, %dma_start3A_1837] : memref<64x8x64xf32, #tpu.memory_space<vmem>> -> memref<1x1x64xf32, #tpu.memory_space<vmem>>
      %dma_start3A_1839 = tpu.memref_squeeze %dma_start3A_1838 : memref<1x1x64xf32, #tpu.memory_space<vmem>> -> memref<64xf32, #tpu.memory_space<vmem>>
      %dma_start3A_1840 = arith.constant 0 : i32
      %dma_start3A_1841 = tpu.memref_slice %arg5[%squeeze3A_1827, %squeeze3A_1829, %dma_start3A_1840] : memref<12500x8x64xf32, #tpu.memory_space<hbm>> -> memref<1x1x64xf32, #tpu.memory_space<hbm>>
      %dma_start3A_1842 = tpu.memref_squeeze %dma_start3A_1841 : memref<1x1x64xf32, #tpu.memory_space<hbm>> -> memref<64xf32, #tpu.memory_space<hbm>>
      tpu.enqueue_dma source(%dma_start3A_1842 : memref<64xf32, #tpu.memory_space<hbm>>) target(%dma_start3A_1839 : memref<64xf32, #tpu.memory_space<vmem>>) target_semaphore(%arg12 : memref<!tpu.dma_semaphore, #tpu.memory_space<semaphore_mem>>)
      %mul3A_1843 = arith.constant 2 : i32
      %mul3A_1844 = arith.muli %scan3A_1131, %mul3A_1843 : i32
      %add3A_1845 = arith.constant 32 : i32
      %add3A_1846 = arith.addi %add3A_1845, %mul3A_1844 : i32
      %add3A_1847 = arith.constant 1 : i32
      %add3A_1848 = arith.addi %add3A_1846, %add3A_1847 : i32
      %slice3A_1849 = vector.extract_strided_slice %shift_right_logical3A_1517 {offsets = [14], sizes = [1], strides = [1]} : vector<16xi32> to vector<1xi32>
      %squeeze3A_1850 = vector.extract %slice3A_1849[0] : i32 from vector<1xi32>
      %slice3A_1851 = vector.extract_strided_slice %and3A_1520 {offsets = [14], sizes = [1], strides = [1]} : vector<16xi32> to vector<1xi32>
      %squeeze3A_1852 = vector.extract %slice3A_1851[0] : i32 from vector<1xi32>
      %dma_start3A_1853 = arith.constant 6 : i32
      %dma_start3A_1854 = arith.constant 0 : i32
      %dma_start3A_1855 = tpu.memref_slice %arg10[%add3A_1848, %dma_start3A_1853, %dma_start3A_1854] : memref<64x8x64xf32, #tpu.memory_space<vmem>> -> memref<1x1x64xf32, #tpu.memory_space<vmem>>
      %dma_start3A_1856 = tpu.memref_squeeze %dma_start3A_1855 : memref<1x1x64xf32, #tpu.memory_space<vmem>> -> memref<64xf32, #tpu.memory_space<vmem>>
      %dma_start3A_1857 = arith.constant 0 : i32
      %dma_start3A_1858 = tpu.memref_slice %arg5[%squeeze3A_1850, %squeeze3A_1852, %dma_start3A_1857] : memref<12500x8x64xf32, #tpu.memory_space<hbm>> -> memref<1x1x64xf32, #tpu.memory_space<hbm>>
      %dma_start3A_1859 = tpu.memref_squeeze %dma_start3A_1858 : memref<1x1x64xf32, #tpu.memory_space<hbm>> -> memref<64xf32, #tpu.memory_space<hbm>>
      %dma_start3A_1860 = arith.constant 0 : i32
      %dma_start3A_1861 = tpu.memref_slice %arg10[%add3A_1848, %dma_start3A_1853, %dma_start3A_1860] : memref<64x8x64xf32, #tpu.memory_space<vmem>> -> memref<1x1x64xf32, #tpu.memory_space<vmem>>
      %dma_start3A_1862 = tpu.memref_squeeze %dma_start3A_1861 : memref<1x1x64xf32, #tpu.memory_space<vmem>> -> memref<64xf32, #tpu.memory_space<vmem>>
      %dma_start3A_1863 = arith.constant 0 : i32
      %dma_start3A_1864 = tpu.memref_slice %arg5[%squeeze3A_1850, %squeeze3A_1852, %dma_start3A_1863] : memref<12500x8x64xf32, #tpu.memory_space<hbm>> -> memref<1x1x64xf32, #tpu.memory_space<hbm>>
      %dma_start3A_1865 = tpu.memref_squeeze %dma_start3A_1864 : memref<1x1x64xf32, #tpu.memory_space<hbm>> -> memref<64xf32, #tpu.memory_space<hbm>>
      tpu.enqueue_dma source(%dma_start3A_1865 : memref<64xf32, #tpu.memory_space<hbm>>) target(%dma_start3A_1862 : memref<64xf32, #tpu.memory_space<vmem>>) target_semaphore(%arg12 : memref<!tpu.dma_semaphore, #tpu.memory_space<semaphore_mem>>)
      %mul3A_1866 = arith.constant 2 : i32
      %mul3A_1867 = arith.muli %scan3A_1131, %mul3A_1866 : i32
      %add3A_1868 = arith.constant 32 : i32
      %add3A_1869 = arith.addi %add3A_1868, %mul3A_1867 : i32
      %add3A_1870 = arith.constant 1 : i32
      %add3A_1871 = arith.addi %add3A_1869, %add3A_1870 : i32
      %slice3A_1872 = vector.extract_strided_slice %shift_right_logical3A_1517 {offsets = [15], sizes = [1], strides = [1]} : vector<16xi32> to vector<1xi32>
      %squeeze3A_1873 = vector.extract %slice3A_1872[0] : i32 from vector<1xi32>
      %slice3A_1874 = vector.extract_strided_slice %and3A_1520 {offsets = [15], sizes = [1], strides = [1]} : vector<16xi32> to vector<1xi32>
      %squeeze3A_1875 = vector.extract %slice3A_1874[0] : i32 from vector<1xi32>
      %dma_start3A_1876 = arith.constant 7 : i32
      %dma_start3A_1877 = arith.constant 0 : i32
      %dma_start3A_1878 = tpu.memref_slice %arg10[%add3A_1871, %dma_start3A_1876, %dma_start3A_1877] : memref<64x8x64xf32, #tpu.memory_space<vmem>> -> memref<1x1x64xf32, #tpu.memory_space<vmem>>
      %dma_start3A_1879 = tpu.memref_squeeze %dma_start3A_1878 : memref<1x1x64xf32, #tpu.memory_space<vmem>> -> memref<64xf32, #tpu.memory_space<vmem>>
      %dma_start3A_1880 = arith.constant 0 : i32
      %dma_start3A_1881 = tpu.memref_slice %arg5[%squeeze3A_1873, %squeeze3A_1875, %dma_start3A_1880] : memref<12500x8x64xf32, #tpu.memory_space<hbm>> -> memref<1x1x64xf32, #tpu.memory_space<hbm>>
      %dma_start3A_1882 = tpu.memref_squeeze %dma_start3A_1881 : memref<1x1x64xf32, #tpu.memory_space<hbm>> -> memref<64xf32, #tpu.memory_space<hbm>>
      %dma_start3A_1883 = arith.constant 0 : i32
      %dma_start3A_1884 = tpu.memref_slice %arg10[%add3A_1871, %dma_start3A_1876, %dma_start3A_1883] : memref<64x8x64xf32, #tpu.memory_space<vmem>> -> memref<1x1x64xf32, #tpu.memory_space<vmem>>
      %dma_start3A_1885 = tpu.memref_squeeze %dma_start3A_1884 : memref<1x1x64xf32, #tpu.memory_space<vmem>> -> memref<64xf32, #tpu.memory_space<vmem>>
      %dma_start3A_1886 = arith.constant 0 : i32
      %dma_start3A_1887 = tpu.memref_slice %arg5[%squeeze3A_1873, %squeeze3A_1875, %dma_start3A_1886] : memref<12500x8x64xf32, #tpu.memory_space<hbm>> -> memref<1x1x64xf32, #tpu.memory_space<hbm>>
      %dma_start3A_1888 = tpu.memref_squeeze %dma_start3A_1887 : memref<1x1x64xf32, #tpu.memory_space<hbm>> -> memref<64xf32, #tpu.memory_space<hbm>>
      tpu.enqueue_dma source(%dma_start3A_1888 : memref<64xf32, #tpu.memory_space<hbm>>) target(%dma_start3A_1885 : memref<64xf32, #tpu.memory_space<vmem>>) target_semaphore(%arg12 : memref<!tpu.dma_semaphore, #tpu.memory_space<semaphore_mem>>)
      %gt3A = arith.constant 0 : i32
      %gt3A_1889 = arith.cmpi sgt, %scan3A_1131, %gt3A : i32
      %convert_element_type3A = arith.extui %gt3A_1889 : i1 to i32
      %cond3A = arith.constant 0 : i32
      %cond3A_1890 = arith.cmpi ne, %convert_element_type3A, %cond3A : i32
      scf.if %cond3A_1890 {
        %dma_wait3A_1891 = arith.constant 0 : i32
        %dma_wait3A_1892 = arith.constant 0 : i32
        %dma_wait3A_1893 = arith.constant 0 : i32
        %dma_wait3A_1894 = arith.constant 0 : i32
        %dma_wait3A_1895 = arith.constant 0 : i32
        %dma_wait3A_1896 = tpu.memref_slice %arg10[%dma_wait3A_1893, %dma_wait3A_1894, %dma_wait3A_1895] : memref<64x8x64xf32, #tpu.memory_space<vmem>> -> memref<1x1x64xf32, #tpu.memory_space<vmem>>
        %dma_wait3A_1897 = tpu.memref_squeeze %dma_wait3A_1896 : memref<1x1x64xf32, #tpu.memory_space<vmem>> -> memref<64xf32, #tpu.memory_space<vmem>>
        %dma_wait3A_1898 = arith.constant 0 : i32
        %dma_wait3A_1899 = tpu.memref_slice %arg4[%dma_wait3A_1891, %dma_wait3A_1892, %dma_wait3A_1898] : memref<125000x8x64xf32, #tpu.memory_space<hbm>> -> memref<1x1x64xf32, #tpu.memory_space<hbm>>
        %dma_wait3A_1900 = tpu.memref_squeeze %dma_wait3A_1899 : memref<1x1x64xf32, #tpu.memory_space<hbm>> -> memref<64xf32, #tpu.memory_space<hbm>>
        %dma_wait3A_1901 = arith.constant 0 : i32
        %dma_wait3A_1902 = tpu.memref_slice %arg10[%dma_wait3A_1893, %dma_wait3A_1894, %dma_wait3A_1901] : memref<64x8x64xf32, #tpu.memory_space<vmem>> -> memref<1x1x64xf32, #tpu.memory_space<vmem>>
        %dma_wait3A_1903 = tpu.memref_squeeze %dma_wait3A_1902 : memref<1x1x64xf32, #tpu.memory_space<vmem>> -> memref<64xf32, #tpu.memory_space<vmem>>
        %dma_wait3A_1904 = arith.constant 0 : i32
        %dma_wait3A_1905 = tpu.memref_slice %arg4[%dma_wait3A_1891, %dma_wait3A_1892, %dma_wait3A_1904] : memref<125000x8x64xf32, #tpu.memory_space<hbm>> -> memref<1x1x64xf32, #tpu.memory_space<hbm>>
        %dma_wait3A_1906 = tpu.memref_squeeze %dma_wait3A_1905 : memref<1x1x64xf32, #tpu.memory_space<hbm>> -> memref<64xf32, #tpu.memory_space<hbm>>
        tpu.wait_dma2 semaphore(%arg11 : memref<!tpu.dma_semaphore, #tpu.memory_space<semaphore_mem>>) src(%dma_wait3A_1906 : memref<64xf32, #tpu.memory_space<hbm>>) dst(%dma_wait3A_1903 : memref<64xf32, #tpu.memory_space<vmem>>)
        %dma_wait3A_1907 = arith.constant 0 : i32
        %dma_wait3A_1908 = arith.constant 0 : i32
        %dma_wait3A_1909 = arith.constant 0 : i32
        %dma_wait3A_1910 = arith.constant 0 : i32
        %dma_wait3A_1911 = arith.constant 0 : i32
        %dma_wait3A_1912 = tpu.memref_slice %arg10[%dma_wait3A_1909, %dma_wait3A_1910, %dma_wait3A_1911] : memref<64x8x64xf32, #tpu.memory_space<vmem>> -> memref<1x1x64xf32, #tpu.memory_space<vmem>>
        %dma_wait3A_1913 = tpu.memref_squeeze %dma_wait3A_1912 : memref<1x1x64xf32, #tpu.memory_space<vmem>> -> memref<64xf32, #tpu.memory_space<vmem>>
        %dma_wait3A_1914 = arith.constant 0 : i32
        %dma_wait3A_1915 = tpu.memref_slice %arg4[%dma_wait3A_1907, %dma_wait3A_1908, %dma_wait3A_1914] : memref<125000x8x64xf32, #tpu.memory_space<hbm>> -> memref<1x1x64xf32, #tpu.memory_space<hbm>>
        %dma_wait3A_1916 = tpu.memref_squeeze %dma_wait3A_1915 : memref<1x1x64xf32, #tpu.memory_space<hbm>> -> memref<64xf32, #tpu.memory_space<hbm>>
        %dma_wait3A_1917 = arith.constant 0 : i32
        %dma_wait3A_1918 = tpu.memref_slice %arg10[%dma_wait3A_1909, %dma_wait3A_1910, %dma_wait3A_1917] : memref<64x8x64xf32, #tpu.memory_space<vmem>> -> memref<1x1x64xf32, #tpu.memory_space<vmem>>
        %dma_wait3A_1919 = tpu.memref_squeeze %dma_wait3A_1918 : memref<1x1x64xf32, #tpu.memory_space<vmem>> -> memref<64xf32, #tpu.memory_space<vmem>>
        %dma_wait3A_1920 = arith.constant 0 : i32
        %dma_wait3A_1921 = tpu.memref_slice %arg4[%dma_wait3A_1907, %dma_wait3A_1908, %dma_wait3A_1920] : memref<125000x8x64xf32, #tpu.memory_space<hbm>> -> memref<1x1x64xf32, #tpu.memory_space<hbm>>
        %dma_wait3A_1922 = tpu.memref_squeeze %dma_wait3A_1921 : memref<1x1x64xf32, #tpu.memory_space<hbm>> -> memref<64xf32, #tpu.memory_space<hbm>>
        tpu.wait_dma2 semaphore(%arg11 : memref<!tpu.dma_semaphore, #tpu.memory_space<semaphore_mem>>) src(%dma_wait3A_1922 : memref<64xf32, #tpu.memory_space<hbm>>) dst(%dma_wait3A_1919 : memref<64xf32, #tpu.memory_space<vmem>>)
        %dma_wait3A_1923 = arith.constant 0 : i32
        %dma_wait3A_1924 = arith.constant 0 : i32
        %dma_wait3A_1925 = arith.constant 0 : i32
        %dma_wait3A_1926 = arith.constant 0 : i32
        %dma_wait3A_1927 = arith.constant 0 : i32
        %dma_wait3A_1928 = tpu.memref_slice %arg10[%dma_wait3A_1925, %dma_wait3A_1926, %dma_wait3A_1927] : memref<64x8x64xf32, #tpu.memory_space<vmem>> -> memref<1x1x64xf32, #tpu.memory_space<vmem>>
        %dma_wait3A_1929 = tpu.memref_squeeze %dma_wait3A_1928 : memref<1x1x64xf32, #tpu.memory_space<vmem>> -> memref<64xf32, #tpu.memory_space<vmem>>
        %dma_wait3A_1930 = arith.constant 0 : i32
        %dma_wait3A_1931 = tpu.memref_slice %arg4[%dma_wait3A_1923, %dma_wait3A_1924, %dma_wait3A_1930] : memref<125000x8x64xf32, #tpu.memory_space<hbm>> -> memref<1x1x64xf32, #tpu.memory_space<hbm>>
        %dma_wait3A_1932 = tpu.memref_squeeze %dma_wait3A_1931 : memref<1x1x64xf32, #tpu.memory_space<hbm>> -> memref<64xf32, #tpu.memory_space<hbm>>
        %dma_wait3A_1933 = arith.constant 0 : i32
        %dma_wait3A_1934 = tpu.memref_slice %arg10[%dma_wait3A_1925, %dma_wait3A_1926, %dma_wait3A_1933] : memref<64x8x64xf32, #tpu.memory_space<vmem>> -> memref<1x1x64xf32, #tpu.memory_space<vmem>>
        %dma_wait3A_1935 = tpu.memref_squeeze %dma_wait3A_1934 : memref<1x1x64xf32, #tpu.memory_space<vmem>> -> memref<64xf32, #tpu.memory_space<vmem>>
        %dma_wait3A_1936 = arith.constant 0 : i32
        %dma_wait3A_1937 = tpu.memref_slice %arg4[%dma_wait3A_1923, %dma_wait3A_1924, %dma_wait3A_1936] : memref<125000x8x64xf32, #tpu.memory_space<hbm>> -> memref<1x1x64xf32, #tpu.memory_space<hbm>>
        %dma_wait3A_1938 = tpu.memref_squeeze %dma_wait3A_1937 : memref<1x1x64xf32, #tpu.memory_space<hbm>> -> memref<64xf32, #tpu.memory_space<hbm>>
        tpu.wait_dma2 semaphore(%arg11 : memref<!tpu.dma_semaphore, #tpu.memory_space<semaphore_mem>>) src(%dma_wait3A_1938 : memref<64xf32, #tpu.memory_space<hbm>>) dst(%dma_wait3A_1935 : memref<64xf32, #tpu.memory_space<vmem>>)
        %dma_wait3A_1939 = arith.constant 0 : i32
        %dma_wait3A_1940 = arith.constant 0 : i32
        %dma_wait3A_1941 = arith.constant 0 : i32
        %dma_wait3A_1942 = arith.constant 0 : i32
        %dma_wait3A_1943 = arith.constant 0 : i32
        %dma_wait3A_1944 = tpu.memref_slice %arg10[%dma_wait3A_1941, %dma_wait3A_1942, %dma_wait3A_1943] : memref<64x8x64xf32, #tpu.memory_space<vmem>> -> memref<1x1x64xf32, #tpu.memory_space<vmem>>
        %dma_wait3A_1945 = tpu.memref_squeeze %dma_wait3A_1944 : memref<1x1x64xf32, #tpu.memory_space<vmem>> -> memref<64xf32, #tpu.memory_space<vmem>>
        %dma_wait3A_1946 = arith.constant 0 : i32
        %dma_wait3A_1947 = tpu.memref_slice %arg4[%dma_wait3A_1939, %dma_wait3A_1940, %dma_wait3A_1946] : memref<125000x8x64xf32, #tpu.memory_space<hbm>> -> memref<1x1x64xf32, #tpu.memory_space<hbm>>
        %dma_wait3A_1948 = tpu.memref_squeeze %dma_wait3A_1947 : memref<1x1x64xf32, #tpu.memory_space<hbm>> -> memref<64xf32, #tpu.memory_space<hbm>>
        %dma_wait3A_1949 = arith.constant 0 : i32
        %dma_wait3A_1950 = tpu.memref_slice %arg10[%dma_wait3A_1941, %dma_wait3A_1942, %dma_wait3A_1949] : memref<64x8x64xf32, #tpu.memory_space<vmem>> -> memref<1x1x64xf32, #tpu.memory_space<vmem>>
        %dma_wait3A_1951 = tpu.memref_squeeze %dma_wait3A_1950 : memref<1x1x64xf32, #tpu.memory_space<vmem>> -> memref<64xf32, #tpu.memory_space<vmem>>
        %dma_wait3A_1952 = arith.constant 0 : i32
        %dma_wait3A_1953 = tpu.memref_slice %arg4[%dma_wait3A_1939, %dma_wait3A_1940, %dma_wait3A_1952] : memref<125000x8x64xf32, #tpu.memory_space<hbm>> -> memref<1x1x64xf32, #tpu.memory_space<hbm>>
        %dma_wait3A_1954 = tpu.memref_squeeze %dma_wait3A_1953 : memref<1x1x64xf32, #tpu.memory_space<hbm>> -> memref<64xf32, #tpu.memory_space<hbm>>
        tpu.wait_dma2 semaphore(%arg11 : memref<!tpu.dma_semaphore, #tpu.memory_space<semaphore_mem>>) src(%dma_wait3A_1954 : memref<64xf32, #tpu.memory_space<hbm>>) dst(%dma_wait3A_1951 : memref<64xf32, #tpu.memory_space<vmem>>)
        %dma_wait3A_1955 = arith.constant 0 : i32
        %dma_wait3A_1956 = arith.constant 0 : i32
        %dma_wait3A_1957 = arith.constant 0 : i32
        %dma_wait3A_1958 = arith.constant 0 : i32
        %dma_wait3A_1959 = arith.constant 0 : i32
        %dma_wait3A_1960 = tpu.memref_slice %arg10[%dma_wait3A_1957, %dma_wait3A_1958, %dma_wait3A_1959] : memref<64x8x64xf32, #tpu.memory_space<vmem>> -> memref<1x1x64xf32, #tpu.memory_space<vmem>>
        %dma_wait3A_1961 = tpu.memref_squeeze %dma_wait3A_1960 : memref<1x1x64xf32, #tpu.memory_space<vmem>> -> memref<64xf32, #tpu.memory_space<vmem>>
        %dma_wait3A_1962 = arith.constant 0 : i32
        %dma_wait3A_1963 = tpu.memref_slice %arg4[%dma_wait3A_1955, %dma_wait3A_1956, %dma_wait3A_1962] : memref<125000x8x64xf32, #tpu.memory_space<hbm>> -> memref<1x1x64xf32, #tpu.memory_space<hbm>>
        %dma_wait3A_1964 = tpu.memref_squeeze %dma_wait3A_1963 : memref<1x1x64xf32, #tpu.memory_space<hbm>> -> memref<64xf32, #tpu.memory_space<hbm>>
        %dma_wait3A_1965 = arith.constant 0 : i32
        %dma_wait3A_1966 = tpu.memref_slice %arg10[%dma_wait3A_1957, %dma_wait3A_1958, %dma_wait3A_1965] : memref<64x8x64xf32, #tpu.memory_space<vmem>> -> memref<1x1x64xf32, #tpu.memory_space<vmem>>
        %dma_wait3A_1967 = tpu.memref_squeeze %dma_wait3A_1966 : memref<1x1x64xf32, #tpu.memory_space<vmem>> -> memref<64xf32, #tpu.memory_space<vmem>>
        %dma_wait3A_1968 = arith.constant 0 : i32
        %dma_wait3A_1969 = tpu.memref_slice %arg4[%dma_wait3A_1955, %dma_wait3A_1956, %dma_wait3A_1968] : memref<125000x8x64xf32, #tpu.memory_space<hbm>> -> memref<1x1x64xf32, #tpu.memory_space<hbm>>
        %dma_wait3A_1970 = tpu.memref_squeeze %dma_wait3A_1969 : memref<1x1x64xf32, #tpu.memory_space<hbm>> -> memref<64xf32, #tpu.memory_space<hbm>>
        tpu.wait_dma2 semaphore(%arg11 : memref<!tpu.dma_semaphore, #tpu.memory_space<semaphore_mem>>) src(%dma_wait3A_1970 : memref<64xf32, #tpu.memory_space<hbm>>) dst(%dma_wait3A_1967 : memref<64xf32, #tpu.memory_space<vmem>>)
        %dma_wait3A_1971 = arith.constant 0 : i32
        %dma_wait3A_1972 = arith.constant 0 : i32
        %dma_wait3A_1973 = arith.constant 0 : i32
        %dma_wait3A_1974 = arith.constant 0 : i32
        %dma_wait3A_1975 = arith.constant 0 : i32
        %dma_wait3A_1976 = tpu.memref_slice %arg10[%dma_wait3A_1973, %dma_wait3A_1974, %dma_wait3A_1975] : memref<64x8x64xf32, #tpu.memory_space<vmem>> -> memref<1x1x64xf32, #tpu.memory_space<vmem>>
        %dma_wait3A_1977 = tpu.memref_squeeze %dma_wait3A_1976 : memref<1x1x64xf32, #tpu.memory_space<vmem>> -> memref<64xf32, #tpu.memory_space<vmem>>
        %dma_wait3A_1978 = arith.constant 0 : i32
        %dma_wait3A_1979 = tpu.memref_slice %arg4[%dma_wait3A_1971, %dma_wait3A_1972, %dma_wait3A_1978] : memref<125000x8x64xf32, #tpu.memory_space<hbm>> -> memref<1x1x64xf32, #tpu.memory_space<hbm>>
        %dma_wait3A_1980 = tpu.memref_squeeze %dma_wait3A_1979 : memref<1x1x64xf32, #tpu.memory_space<hbm>> -> memref<64xf32, #tpu.memory_space<hbm>>
        %dma_wait3A_1981 = arith.constant 0 : i32
        %dma_wait3A_1982 = tpu.memref_slice %arg10[%dma_wait3A_1973, %dma_wait3A_1974, %dma_wait3A_1981] : memref<64x8x64xf32, #tpu.memory_space<vmem>> -> memref<1x1x64xf32, #tpu.memory_space<vmem>>
        %dma_wait3A_1983 = tpu.memref_squeeze %dma_wait3A_1982 : memref<1x1x64xf32, #tpu.memory_space<vmem>> -> memref<64xf32, #tpu.memory_space<vmem>>
        %dma_wait3A_1984 = arith.constant 0 : i32
        %dma_wait3A_1985 = tpu.memref_slice %arg4[%dma_wait3A_1971, %dma_wait3A_1972, %dma_wait3A_1984] : memref<125000x8x64xf32, #tpu.memory_space<hbm>> -> memref<1x1x64xf32, #tpu.memory_space<hbm>>
        %dma_wait3A_1986 = tpu.memref_squeeze %dma_wait3A_1985 : memref<1x1x64xf32, #tpu.memory_space<hbm>> -> memref<64xf32, #tpu.memory_space<hbm>>
        tpu.wait_dma2 semaphore(%arg11 : memref<!tpu.dma_semaphore, #tpu.memory_space<semaphore_mem>>) src(%dma_wait3A_1986 : memref<64xf32, #tpu.memory_space<hbm>>) dst(%dma_wait3A_1983 : memref<64xf32, #tpu.memory_space<vmem>>)
        %dma_wait3A_1987 = arith.constant 0 : i32
        %dma_wait3A_1988 = arith.constant 0 : i32
        %dma_wait3A_1989 = arith.constant 0 : i32
        %dma_wait3A_1990 = arith.constant 0 : i32
        %dma_wait3A_1991 = arith.constant 0 : i32
        %dma_wait3A_1992 = tpu.memref_slice %arg10[%dma_wait3A_1989, %dma_wait3A_1990, %dma_wait3A_1991] : memref<64x8x64xf32, #tpu.memory_space<vmem>> -> memref<1x1x64xf32, #tpu.memory_space<vmem>>
        %dma_wait3A_1993 = tpu.memref_squeeze %dma_wait3A_1992 : memref<1x1x64xf32, #tpu.memory_space<vmem>> -> memref<64xf32, #tpu.memory_space<vmem>>
        %dma_wait3A_1994 = arith.constant 0 : i32
        %dma_wait3A_1995 = tpu.memref_slice %arg4[%dma_wait3A_1987, %dma_wait3A_1988, %dma_wait3A_1994] : memref<125000x8x64xf32, #tpu.memory_space<hbm>> -> memref<1x1x64xf32, #tpu.memory_space<hbm>>
        %dma_wait3A_1996 = tpu.memref_squeeze %dma_wait3A_1995 : memref<1x1x64xf32, #tpu.memory_space<hbm>> -> memref<64xf32, #tpu.memory_space<hbm>>
        %dma_wait3A_1997 = arith.constant 0 : i32
        %dma_wait3A_1998 = tpu.memref_slice %arg10[%dma_wait3A_1989, %dma_wait3A_1990, %dma_wait3A_1997] : memref<64x8x64xf32, #tpu.memory_space<vmem>> -> memref<1x1x64xf32, #tpu.memory_space<vmem>>
        %dma_wait3A_1999 = tpu.memref_squeeze %dma_wait3A_1998 : memref<1x1x64xf32, #tpu.memory_space<vmem>> -> memref<64xf32, #tpu.memory_space<vmem>>
        %dma_wait3A_2000 = arith.constant 0 : i32
        %dma_wait3A_2001 = tpu.memref_slice %arg4[%dma_wait3A_1987, %dma_wait3A_1988, %dma_wait3A_2000] : memref<125000x8x64xf32, #tpu.memory_space<hbm>> -> memref<1x1x64xf32, #tpu.memory_space<hbm>>
        %dma_wait3A_2002 = tpu.memref_squeeze %dma_wait3A_2001 : memref<1x1x64xf32, #tpu.memory_space<hbm>> -> memref<64xf32, #tpu.memory_space<hbm>>
        tpu.wait_dma2 semaphore(%arg11 : memref<!tpu.dma_semaphore, #tpu.memory_space<semaphore_mem>>) src(%dma_wait3A_2002 : memref<64xf32, #tpu.memory_space<hbm>>) dst(%dma_wait3A_1999 : memref<64xf32, #tpu.memory_space<vmem>>)
        %dma_wait3A_2003 = arith.constant 0 : i32
        %dma_wait3A_2004 = arith.constant 0 : i32
        %dma_wait3A_2005 = arith.constant 0 : i32
        %dma_wait3A_2006 = arith.constant 0 : i32
        %dma_wait3A_2007 = arith.constant 0 : i32
        %dma_wait3A_2008 = tpu.memref_slice %arg10[%dma_wait3A_2005, %dma_wait3A_2006, %dma_wait3A_2007] : memref<64x8x64xf32, #tpu.memory_space<vmem>> -> memref<1x1x64xf32, #tpu.memory_space<vmem>>
        %dma_wait3A_2009 = tpu.memref_squeeze %dma_wait3A_2008 : memref<1x1x64xf32, #tpu.memory_space<vmem>> -> memref<64xf32, #tpu.memory_space<vmem>>
        %dma_wait3A_2010 = arith.constant 0 : i32
        %dma_wait3A_2011 = tpu.memref_slice %arg4[%dma_wait3A_2003, %dma_wait3A_2004, %dma_wait3A_2010] : memref<125000x8x64xf32, #tpu.memory_space<hbm>> -> memref<1x1x64xf32, #tpu.memory_space<hbm>>
        %dma_wait3A_2012 = tpu.memref_squeeze %dma_wait3A_2011 : memref<1x1x64xf32, #tpu.memory_space<hbm>> -> memref<64xf32, #tpu.memory_space<hbm>>
        %dma_wait3A_2013 = arith.constant 0 : i32
        %dma_wait3A_2014 = tpu.memref_slice %arg10[%dma_wait3A_2005, %dma_wait3A_2006, %dma_wait3A_2013] : memref<64x8x64xf32, #tpu.memory_space<vmem>> -> memref<1x1x64xf32, #tpu.memory_space<vmem>>
        %dma_wait3A_2015 = tpu.memref_squeeze %dma_wait3A_2014 : memref<1x1x64xf32, #tpu.memory_space<vmem>> -> memref<64xf32, #tpu.memory_space<vmem>>
        %dma_wait3A_2016 = arith.constant 0 : i32
        %dma_wait3A_2017 = tpu.memref_slice %arg4[%dma_wait3A_2003, %dma_wait3A_2004, %dma_wait3A_2016] : memref<125000x8x64xf32, #tpu.memory_space<hbm>> -> memref<1x1x64xf32, #tpu.memory_space<hbm>>
        %dma_wait3A_2018 = tpu.memref_squeeze %dma_wait3A_2017 : memref<1x1x64xf32, #tpu.memory_space<hbm>> -> memref<64xf32, #tpu.memory_space<hbm>>
        tpu.wait_dma2 semaphore(%arg11 : memref<!tpu.dma_semaphore, #tpu.memory_space<semaphore_mem>>) src(%dma_wait3A_2018 : memref<64xf32, #tpu.memory_space<hbm>>) dst(%dma_wait3A_2015 : memref<64xf32, #tpu.memory_space<vmem>>)
        %dma_wait3A_2019 = arith.constant 0 : i32
        %dma_wait3A_2020 = arith.constant 0 : i32
        %dma_wait3A_2021 = arith.constant 0 : i32
        %dma_wait3A_2022 = arith.constant 0 : i32
        %dma_wait3A_2023 = arith.constant 0 : i32
        %dma_wait3A_2024 = tpu.memref_slice %arg10[%dma_wait3A_2021, %dma_wait3A_2022, %dma_wait3A_2023] : memref<64x8x64xf32, #tpu.memory_space<vmem>> -> memref<1x1x64xf32, #tpu.memory_space<vmem>>
        %dma_wait3A_2025 = tpu.memref_squeeze %dma_wait3A_2024 : memref<1x1x64xf32, #tpu.memory_space<vmem>> -> memref<64xf32, #tpu.memory_space<vmem>>
        %dma_wait3A_2026 = arith.constant 0 : i32
        %dma_wait3A_2027 = tpu.memref_slice %arg4[%dma_wait3A_2019, %dma_wait3A_2020, %dma_wait3A_2026] : memref<125000x8x64xf32, #tpu.memory_space<hbm>> -> memref<1x1x64xf32, #tpu.memory_space<hbm>>
        %dma_wait3A_2028 = tpu.memref_squeeze %dma_wait3A_2027 : memref<1x1x64xf32, #tpu.memory_space<hbm>> -> memref<64xf32, #tpu.memory_space<hbm>>
        %dma_wait3A_2029 = arith.constant 0 : i32
        %dma_wait3A_2030 = tpu.memref_slice %arg10[%dma_wait3A_2021, %dma_wait3A_2022, %dma_wait3A_2029] : memref<64x8x64xf32, #tpu.memory_space<vmem>> -> memref<1x1x64xf32, #tpu.memory_space<vmem>>
        %dma_wait3A_2031 = tpu.memref_squeeze %dma_wait3A_2030 : memref<1x1x64xf32, #tpu.memory_space<vmem>> -> memref<64xf32, #tpu.memory_space<vmem>>
        %dma_wait3A_2032 = arith.constant 0 : i32
        %dma_wait3A_2033 = tpu.memref_slice %arg4[%dma_wait3A_2019, %dma_wait3A_2020, %dma_wait3A_2032] : memref<125000x8x64xf32, #tpu.memory_space<hbm>> -> memref<1x1x64xf32, #tpu.memory_space<hbm>>
        %dma_wait3A_2034 = tpu.memref_squeeze %dma_wait3A_2033 : memref<1x1x64xf32, #tpu.memory_space<hbm>> -> memref<64xf32, #tpu.memory_space<hbm>>
        tpu.wait_dma2 semaphore(%arg11 : memref<!tpu.dma_semaphore, #tpu.memory_space<semaphore_mem>>) src(%dma_wait3A_2034 : memref<64xf32, #tpu.memory_space<hbm>>) dst(%dma_wait3A_2031 : memref<64xf32, #tpu.memory_space<vmem>>)
        %dma_wait3A_2035 = arith.constant 0 : i32
        %dma_wait3A_2036 = arith.constant 0 : i32
        %dma_wait3A_2037 = arith.constant 0 : i32
        %dma_wait3A_2038 = arith.constant 0 : i32
        %dma_wait3A_2039 = arith.constant 0 : i32
        %dma_wait3A_2040 = tpu.memref_slice %arg10[%dma_wait3A_2037, %dma_wait3A_2038, %dma_wait3A_2039] : memref<64x8x64xf32, #tpu.memory_space<vmem>> -> memref<1x1x64xf32, #tpu.memory_space<vmem>>
        %dma_wait3A_2041 = tpu.memref_squeeze %dma_wait3A_2040 : memref<1x1x64xf32, #tpu.memory_space<vmem>> -> memref<64xf32, #tpu.memory_space<vmem>>
        %dma_wait3A_2042 = arith.constant 0 : i32
        %dma_wait3A_2043 = tpu.memref_slice %arg4[%dma_wait3A_2035, %dma_wait3A_2036, %dma_wait3A_2042] : memref<125000x8x64xf32, #tpu.memory_space<hbm>> -> memref<1x1x64xf32, #tpu.memory_space<hbm>>
        %dma_wait3A_2044 = tpu.memref_squeeze %dma_wait3A_2043 : memref<1x1x64xf32, #tpu.memory_space<hbm>> -> memref<64xf32, #tpu.memory_space<hbm>>
        %dma_wait3A_2045 = arith.constant 0 : i32
        %dma_wait3A_2046 = tpu.memref_slice %arg10[%dma_wait3A_2037, %dma_wait3A_2038, %dma_wait3A_2045] : memref<64x8x64xf32, #tpu.memory_space<vmem>> -> memref<1x1x64xf32, #tpu.memory_space<vmem>>
        %dma_wait3A_2047 = tpu.memref_squeeze %dma_wait3A_2046 : memref<1x1x64xf32, #tpu.memory_space<vmem>> -> memref<64xf32, #tpu.memory_space<vmem>>
        %dma_wait3A_2048 = arith.constant 0 : i32
        %dma_wait3A_2049 = tpu.memref_slice %arg4[%dma_wait3A_2035, %dma_wait3A_2036, %dma_wait3A_2048] : memref<125000x8x64xf32, #tpu.memory_space<hbm>> -> memref<1x1x64xf32, #tpu.memory_space<hbm>>
        %dma_wait3A_2050 = tpu.memref_squeeze %dma_wait3A_2049 : memref<1x1x64xf32, #tpu.memory_space<hbm>> -> memref<64xf32, #tpu.memory_space<hbm>>
        tpu.wait_dma2 semaphore(%arg11 : memref<!tpu.dma_semaphore, #tpu.memory_space<semaphore_mem>>) src(%dma_wait3A_2050 : memref<64xf32, #tpu.memory_space<hbm>>) dst(%dma_wait3A_2047 : memref<64xf32, #tpu.memory_space<vmem>>)
        %dma_wait3A_2051 = arith.constant 0 : i32
        %dma_wait3A_2052 = arith.constant 0 : i32
        %dma_wait3A_2053 = arith.constant 0 : i32
        %dma_wait3A_2054 = arith.constant 0 : i32
        %dma_wait3A_2055 = arith.constant 0 : i32
        %dma_wait3A_2056 = tpu.memref_slice %arg10[%dma_wait3A_2053, %dma_wait3A_2054, %dma_wait3A_2055] : memref<64x8x64xf32, #tpu.memory_space<vmem>> -> memref<1x1x64xf32, #tpu.memory_space<vmem>>
        %dma_wait3A_2057 = tpu.memref_squeeze %dma_wait3A_2056 : memref<1x1x64xf32, #tpu.memory_space<vmem>> -> memref<64xf32, #tpu.memory_space<vmem>>
        %dma_wait3A_2058 = arith.constant 0 : i32
        %dma_wait3A_2059 = tpu.memref_slice %arg4[%dma_wait3A_2051, %dma_wait3A_2052, %dma_wait3A_2058] : memref<125000x8x64xf32, #tpu.memory_space<hbm>> -> memref<1x1x64xf32, #tpu.memory_space<hbm>>
        %dma_wait3A_2060 = tpu.memref_squeeze %dma_wait3A_2059 : memref<1x1x64xf32, #tpu.memory_space<hbm>> -> memref<64xf32, #tpu.memory_space<hbm>>
        %dma_wait3A_2061 = arith.constant 0 : i32
        %dma_wait3A_2062 = tpu.memref_slice %arg10[%dma_wait3A_2053, %dma_wait3A_2054, %dma_wait3A_2061] : memref<64x8x64xf32, #tpu.memory_space<vmem>> -> memref<1x1x64xf32, #tpu.memory_space<vmem>>
        %dma_wait3A_2063 = tpu.memref_squeeze %dma_wait3A_2062 : memref<1x1x64xf32, #tpu.memory_space<vmem>> -> memref<64xf32, #tpu.memory_space<vmem>>
        %dma_wait3A_2064 = arith.constant 0 : i32
        %dma_wait3A_2065 = tpu.memref_slice %arg4[%dma_wait3A_2051, %dma_wait3A_2052, %dma_wait3A_2064] : memref<125000x8x64xf32, #tpu.memory_space<hbm>> -> memref<1x1x64xf32, #tpu.memory_space<hbm>>
        %dma_wait3A_2066 = tpu.memref_squeeze %dma_wait3A_2065 : memref<1x1x64xf32, #tpu.memory_space<hbm>> -> memref<64xf32, #tpu.memory_space<hbm>>
        tpu.wait_dma2 semaphore(%arg11 : memref<!tpu.dma_semaphore, #tpu.memory_space<semaphore_mem>>) src(%dma_wait3A_2066 : memref<64xf32, #tpu.memory_space<hbm>>) dst(%dma_wait3A_2063 : memref<64xf32, #tpu.memory_space<vmem>>)
        %dma_wait3A_2067 = arith.constant 0 : i32
        %dma_wait3A_2068 = arith.constant 0 : i32
        %dma_wait3A_2069 = arith.constant 0 : i32
        %dma_wait3A_2070 = arith.constant 0 : i32
        %dma_wait3A_2071 = arith.constant 0 : i32
        %dma_wait3A_2072 = tpu.memref_slice %arg10[%dma_wait3A_2069, %dma_wait3A_2070, %dma_wait3A_2071] : memref<64x8x64xf32, #tpu.memory_space<vmem>> -> memref<1x1x64xf32, #tpu.memory_space<vmem>>
        %dma_wait3A_2073 = tpu.memref_squeeze %dma_wait3A_2072 : memref<1x1x64xf32, #tpu.memory_space<vmem>> -> memref<64xf32, #tpu.memory_space<vmem>>
        %dma_wait3A_2074 = arith.constant 0 : i32
        %dma_wait3A_2075 = tpu.memref_slice %arg4[%dma_wait3A_2067, %dma_wait3A_2068, %dma_wait3A_2074] : memref<125000x8x64xf32, #tpu.memory_space<hbm>> -> memref<1x1x64xf32, #tpu.memory_space<hbm>>
        %dma_wait3A_2076 = tpu.memref_squeeze %dma_wait3A_2075 : memref<1x1x64xf32, #tpu.memory_space<hbm>> -> memref<64xf32, #tpu.memory_space<hbm>>
        %dma_wait3A_2077 = arith.constant 0 : i32
        %dma_wait3A_2078 = tpu.memref_slice %arg10[%dma_wait3A_2069, %dma_wait3A_2070, %dma_wait3A_2077] : memref<64x8x64xf32, #tpu.memory_space<vmem>> -> memref<1x1x64xf32, #tpu.memory_space<vmem>>
        %dma_wait3A_2079 = tpu.memref_squeeze %dma_wait3A_2078 : memref<1x1x64xf32, #tpu.memory_space<vmem>> -> memref<64xf32, #tpu.memory_space<vmem>>
        %dma_wait3A_2080 = arith.constant 0 : i32
        %dma_wait3A_2081 = tpu.memref_slice %arg4[%dma_wait3A_2067, %dma_wait3A_2068, %dma_wait3A_2080] : memref<125000x8x64xf32, #tpu.memory_space<hbm>> -> memref<1x1x64xf32, #tpu.memory_space<hbm>>
        %dma_wait3A_2082 = tpu.memref_squeeze %dma_wait3A_2081 : memref<1x1x64xf32, #tpu.memory_space<hbm>> -> memref<64xf32, #tpu.memory_space<hbm>>
        tpu.wait_dma2 semaphore(%arg11 : memref<!tpu.dma_semaphore, #tpu.memory_space<semaphore_mem>>) src(%dma_wait3A_2082 : memref<64xf32, #tpu.memory_space<hbm>>) dst(%dma_wait3A_2079 : memref<64xf32, #tpu.memory_space<vmem>>)
        %dma_wait3A_2083 = arith.constant 0 : i32
        %dma_wait3A_2084 = arith.constant 0 : i32
        %dma_wait3A_2085 = arith.constant 0 : i32
        %dma_wait3A_2086 = arith.constant 0 : i32
        %dma_wait3A_2087 = arith.constant 0 : i32
        %dma_wait3A_2088 = tpu.memref_slice %arg10[%dma_wait3A_2085, %dma_wait3A_2086, %dma_wait3A_2087] : memref<64x8x64xf32, #tpu.memory_space<vmem>> -> memref<1x1x64xf32, #tpu.memory_space<vmem>>
        %dma_wait3A_2089 = tpu.memref_squeeze %dma_wait3A_2088 : memref<1x1x64xf32, #tpu.memory_space<vmem>> -> memref<64xf32, #tpu.memory_space<vmem>>
        %dma_wait3A_2090 = arith.constant 0 : i32
        %dma_wait3A_2091 = tpu.memref_slice %arg4[%dma_wait3A_2083, %dma_wait3A_2084, %dma_wait3A_2090] : memref<125000x8x64xf32, #tpu.memory_space<hbm>> -> memref<1x1x64xf32, #tpu.memory_space<hbm>>
        %dma_wait3A_2092 = tpu.memref_squeeze %dma_wait3A_2091 : memref<1x1x64xf32, #tpu.memory_space<hbm>> -> memref<64xf32, #tpu.memory_space<hbm>>
        %dma_wait3A_2093 = arith.constant 0 : i32
        %dma_wait3A_2094 = tpu.memref_slice %arg10[%dma_wait3A_2085, %dma_wait3A_2086, %dma_wait3A_2093] : memref<64x8x64xf32, #tpu.memory_space<vmem>> -> memref<1x1x64xf32, #tpu.memory_space<vmem>>
        %dma_wait3A_2095 = tpu.memref_squeeze %dma_wait3A_2094 : memref<1x1x64xf32, #tpu.memory_space<vmem>> -> memref<64xf32, #tpu.memory_space<vmem>>
        %dma_wait3A_2096 = arith.constant 0 : i32
        %dma_wait3A_2097 = tpu.memref_slice %arg4[%dma_wait3A_2083, %dma_wait3A_2084, %dma_wait3A_2096] : memref<125000x8x64xf32, #tpu.memory_space<hbm>> -> memref<1x1x64xf32, #tpu.memory_space<hbm>>
        %dma_wait3A_2098 = tpu.memref_squeeze %dma_wait3A_2097 : memref<1x1x64xf32, #tpu.memory_space<hbm>> -> memref<64xf32, #tpu.memory_space<hbm>>
        tpu.wait_dma2 semaphore(%arg11 : memref<!tpu.dma_semaphore, #tpu.memory_space<semaphore_mem>>) src(%dma_wait3A_2098 : memref<64xf32, #tpu.memory_space<hbm>>) dst(%dma_wait3A_2095 : memref<64xf32, #tpu.memory_space<vmem>>)
        %dma_wait3A_2099 = arith.constant 0 : i32
        %dma_wait3A_2100 = arith.constant 0 : i32
        %dma_wait3A_2101 = arith.constant 0 : i32
        %dma_wait3A_2102 = arith.constant 0 : i32
        %dma_wait3A_2103 = arith.constant 0 : i32
        %dma_wait3A_2104 = tpu.memref_slice %arg10[%dma_wait3A_2101, %dma_wait3A_2102, %dma_wait3A_2103] : memref<64x8x64xf32, #tpu.memory_space<vmem>> -> memref<1x1x64xf32, #tpu.memory_space<vmem>>
        %dma_wait3A_2105 = tpu.memref_squeeze %dma_wait3A_2104 : memref<1x1x64xf32, #tpu.memory_space<vmem>> -> memref<64xf32, #tpu.memory_space<vmem>>
        %dma_wait3A_2106 = arith.constant 0 : i32
        %dma_wait3A_2107 = tpu.memref_slice %arg4[%dma_wait3A_2099, %dma_wait3A_2100, %dma_wait3A_2106] : memref<125000x8x64xf32, #tpu.memory_space<hbm>> -> memref<1x1x64xf32, #tpu.memory_space<hbm>>
        %dma_wait3A_2108 = tpu.memref_squeeze %dma_wait3A_2107 : memref<1x1x64xf32, #tpu.memory_space<hbm>> -> memref<64xf32, #tpu.memory_space<hbm>>
        %dma_wait3A_2109 = arith.constant 0 : i32
        %dma_wait3A_2110 = tpu.memref_slice %arg10[%dma_wait3A_2101, %dma_wait3A_2102, %dma_wait3A_2109] : memref<64x8x64xf32, #tpu.memory_space<vmem>> -> memref<1x1x64xf32, #tpu.memory_space<vmem>>
        %dma_wait3A_2111 = tpu.memref_squeeze %dma_wait3A_2110 : memref<1x1x64xf32, #tpu.memory_space<vmem>> -> memref<64xf32, #tpu.memory_space<vmem>>
        %dma_wait3A_2112 = arith.constant 0 : i32
        %dma_wait3A_2113 = tpu.memref_slice %arg4[%dma_wait3A_2099, %dma_wait3A_2100, %dma_wait3A_2112] : memref<125000x8x64xf32, #tpu.memory_space<hbm>> -> memref<1x1x64xf32, #tpu.memory_space<hbm>>
        %dma_wait3A_2114 = tpu.memref_squeeze %dma_wait3A_2113 : memref<1x1x64xf32, #tpu.memory_space<hbm>> -> memref<64xf32, #tpu.memory_space<hbm>>
        tpu.wait_dma2 semaphore(%arg11 : memref<!tpu.dma_semaphore, #tpu.memory_space<semaphore_mem>>) src(%dma_wait3A_2114 : memref<64xf32, #tpu.memory_space<hbm>>) dst(%dma_wait3A_2111 : memref<64xf32, #tpu.memory_space<vmem>>)
        %dma_wait3A_2115 = arith.constant 0 : i32
        %dma_wait3A_2116 = arith.constant 0 : i32
        %dma_wait3A_2117 = arith.constant 0 : i32
        %dma_wait3A_2118 = arith.constant 0 : i32
        %dma_wait3A_2119 = arith.constant 0 : i32
        %dma_wait3A_2120 = tpu.memref_slice %arg10[%dma_wait3A_2117, %dma_wait3A_2118, %dma_wait3A_2119] : memref<64x8x64xf32, #tpu.memory_space<vmem>> -> memref<1x1x64xf32, #tpu.memory_space<vmem>>
        %dma_wait3A_2121 = tpu.memref_squeeze %dma_wait3A_2120 : memref<1x1x64xf32, #tpu.memory_space<vmem>> -> memref<64xf32, #tpu.memory_space<vmem>>
        %dma_wait3A_2122 = arith.constant 0 : i32
        %dma_wait3A_2123 = tpu.memref_slice %arg4[%dma_wait3A_2115, %dma_wait3A_2116, %dma_wait3A_2122] : memref<125000x8x64xf32, #tpu.memory_space<hbm>> -> memref<1x1x64xf32, #tpu.memory_space<hbm>>
        %dma_wait3A_2124 = tpu.memref_squeeze %dma_wait3A_2123 : memref<1x1x64xf32, #tpu.memory_space<hbm>> -> memref<64xf32, #tpu.memory_space<hbm>>
        %dma_wait3A_2125 = arith.constant 0 : i32
        %dma_wait3A_2126 = tpu.memref_slice %arg10[%dma_wait3A_2117, %dma_wait3A_2118, %dma_wait3A_2125] : memref<64x8x64xf32, #tpu.memory_space<vmem>> -> memref<1x1x64xf32, #tpu.memory_space<vmem>>
        %dma_wait3A_2127 = tpu.memref_squeeze %dma_wait3A_2126 : memref<1x1x64xf32, #tpu.memory_space<vmem>> -> memref<64xf32, #tpu.memory_space<vmem>>
        %dma_wait3A_2128 = arith.constant 0 : i32
        %dma_wait3A_2129 = tpu.memref_slice %arg4[%dma_wait3A_2115, %dma_wait3A_2116, %dma_wait3A_2128] : memref<125000x8x64xf32, #tpu.memory_space<hbm>> -> memref<1x1x64xf32, #tpu.memory_space<hbm>>
        %dma_wait3A_2130 = tpu.memref_squeeze %dma_wait3A_2129 : memref<1x1x64xf32, #tpu.memory_space<hbm>> -> memref<64xf32, #tpu.memory_space<hbm>>
        tpu.wait_dma2 semaphore(%arg11 : memref<!tpu.dma_semaphore, #tpu.memory_space<semaphore_mem>>) src(%dma_wait3A_2130 : memref<64xf32, #tpu.memory_space<hbm>>) dst(%dma_wait3A_2127 : memref<64xf32, #tpu.memory_space<vmem>>)
        %dma_wait3A_2131 = arith.constant 0 : i32
        %dma_wait3A_2132 = arith.constant 0 : i32
        %dma_wait3A_2133 = arith.constant 0 : i32
        %dma_wait3A_2134 = arith.constant 0 : i32
        %dma_wait3A_2135 = arith.constant 0 : i32
        %dma_wait3A_2136 = tpu.memref_slice %arg10[%dma_wait3A_2133, %dma_wait3A_2134, %dma_wait3A_2135] : memref<64x8x64xf32, #tpu.memory_space<vmem>> -> memref<1x1x64xf32, #tpu.memory_space<vmem>>
        %dma_wait3A_2137 = tpu.memref_squeeze %dma_wait3A_2136 : memref<1x1x64xf32, #tpu.memory_space<vmem>> -> memref<64xf32, #tpu.memory_space<vmem>>
        %dma_wait3A_2138 = arith.constant 0 : i32
        %dma_wait3A_2139 = tpu.memref_slice %arg4[%dma_wait3A_2131, %dma_wait3A_2132, %dma_wait3A_2138] : memref<125000x8x64xf32, #tpu.memory_space<hbm>> -> memref<1x1x64xf32, #tpu.memory_space<hbm>>
        %dma_wait3A_2140 = tpu.memref_squeeze %dma_wait3A_2139 : memref<1x1x64xf32, #tpu.memory_space<hbm>> -> memref<64xf32, #tpu.memory_space<hbm>>
        %dma_wait3A_2141 = arith.constant 0 : i32
        %dma_wait3A_2142 = tpu.memref_slice %arg10[%dma_wait3A_2133, %dma_wait3A_2134, %dma_wait3A_2141] : memref<64x8x64xf32, #tpu.memory_space<vmem>> -> memref<1x1x64xf32, #tpu.memory_space<vmem>>
        %dma_wait3A_2143 = tpu.memref_squeeze %dma_wait3A_2142 : memref<1x1x64xf32, #tpu.memory_space<vmem>> -> memref<64xf32, #tpu.memory_space<vmem>>
        %dma_wait3A_2144 = arith.constant 0 : i32
        %dma_wait3A_2145 = tpu.memref_slice %arg4[%dma_wait3A_2131, %dma_wait3A_2132, %dma_wait3A_2144] : memref<125000x8x64xf32, #tpu.memory_space<hbm>> -> memref<1x1x64xf32, #tpu.memory_space<hbm>>
        %dma_wait3A_2146 = tpu.memref_squeeze %dma_wait3A_2145 : memref<1x1x64xf32, #tpu.memory_space<hbm>> -> memref<64xf32, #tpu.memory_space<hbm>>
        tpu.wait_dma2 semaphore(%arg11 : memref<!tpu.dma_semaphore, #tpu.memory_space<semaphore_mem>>) src(%dma_wait3A_2146 : memref<64xf32, #tpu.memory_space<hbm>>) dst(%dma_wait3A_2143 : memref<64xf32, #tpu.memory_space<vmem>>)
        %dma_wait3A_2147 = arith.constant 0 : i32
        %dma_wait3A_2148 = arith.constant 0 : i32
        %dma_wait3A_2149 = arith.constant 0 : i32
        %dma_wait3A_2150 = arith.constant 0 : i32
        %dma_wait3A_2151 = arith.constant 0 : i32
        %dma_wait3A_2152 = tpu.memref_slice %arg10[%dma_wait3A_2149, %dma_wait3A_2150, %dma_wait3A_2151] : memref<64x8x64xf32, #tpu.memory_space<vmem>> -> memref<1x1x64xf32, #tpu.memory_space<vmem>>
        %dma_wait3A_2153 = tpu.memref_squeeze %dma_wait3A_2152 : memref<1x1x64xf32, #tpu.memory_space<vmem>> -> memref<64xf32, #tpu.memory_space<vmem>>
        %dma_wait3A_2154 = arith.constant 0 : i32
        %dma_wait3A_2155 = tpu.memref_slice %arg5[%dma_wait3A_2147, %dma_wait3A_2148, %dma_wait3A_2154] : memref<12500x8x64xf32, #tpu.memory_space<hbm>> -> memref<1x1x64xf32, #tpu.memory_space<hbm>>
        %dma_wait3A_2156 = tpu.memref_squeeze %dma_wait3A_2155 : memref<1x1x64xf32, #tpu.memory_space<hbm>> -> memref<64xf32, #tpu.memory_space<hbm>>
        %dma_wait3A_2157 = arith.constant 0 : i32
        %dma_wait3A_2158 = tpu.memref_slice %arg10[%dma_wait3A_2149, %dma_wait3A_2150, %dma_wait3A_2157] : memref<64x8x64xf32, #tpu.memory_space<vmem>> -> memref<1x1x64xf32, #tpu.memory_space<vmem>>
        %dma_wait3A_2159 = tpu.memref_squeeze %dma_wait3A_2158 : memref<1x1x64xf32, #tpu.memory_space<vmem>> -> memref<64xf32, #tpu.memory_space<vmem>>
        %dma_wait3A_2160 = arith.constant 0 : i32
        %dma_wait3A_2161 = tpu.memref_slice %arg5[%dma_wait3A_2147, %dma_wait3A_2148, %dma_wait3A_2160] : memref<12500x8x64xf32, #tpu.memory_space<hbm>> -> memref<1x1x64xf32, #tpu.memory_space<hbm>>
        %dma_wait3A_2162 = tpu.memref_squeeze %dma_wait3A_2161 : memref<1x1x64xf32, #tpu.memory_space<hbm>> -> memref<64xf32, #tpu.memory_space<hbm>>
        tpu.wait_dma2 semaphore(%arg12 : memref<!tpu.dma_semaphore, #tpu.memory_space<semaphore_mem>>) src(%dma_wait3A_2162 : memref<64xf32, #tpu.memory_space<hbm>>) dst(%dma_wait3A_2159 : memref<64xf32, #tpu.memory_space<vmem>>)
        %dma_wait3A_2163 = arith.constant 0 : i32
        %dma_wait3A_2164 = arith.constant 0 : i32
        %dma_wait3A_2165 = arith.constant 0 : i32
        %dma_wait3A_2166 = arith.constant 0 : i32
        %dma_wait3A_2167 = arith.constant 0 : i32
        %dma_wait3A_2168 = tpu.memref_slice %arg10[%dma_wait3A_2165, %dma_wait3A_2166, %dma_wait3A_2167] : memref<64x8x64xf32, #tpu.memory_space<vmem>> -> memref<1x1x64xf32, #tpu.memory_space<vmem>>
        %dma_wait3A_2169 = tpu.memref_squeeze %dma_wait3A_2168 : memref<1x1x64xf32, #tpu.memory_space<vmem>> -> memref<64xf32, #tpu.memory_space<vmem>>
        %dma_wait3A_2170 = arith.constant 0 : i32
        %dma_wait3A_2171 = tpu.memref_slice %arg5[%dma_wait3A_2163, %dma_wait3A_2164, %dma_wait3A_2170] : memref<12500x8x64xf32, #tpu.memory_space<hbm>> -> memref<1x1x64xf32, #tpu.memory_space<hbm>>
        %dma_wait3A_2172 = tpu.memref_squeeze %dma_wait3A_2171 : memref<1x1x64xf32, #tpu.memory_space<hbm>> -> memref<64xf32, #tpu.memory_space<hbm>>
        %dma_wait3A_2173 = arith.constant 0 : i32
        %dma_wait3A_2174 = tpu.memref_slice %arg10[%dma_wait3A_2165, %dma_wait3A_2166, %dma_wait3A_2173] : memref<64x8x64xf32, #tpu.memory_space<vmem>> -> memref<1x1x64xf32, #tpu.memory_space<vmem>>
        %dma_wait3A_2175 = tpu.memref_squeeze %dma_wait3A_2174 : memref<1x1x64xf32, #tpu.memory_space<vmem>> -> memref<64xf32, #tpu.memory_space<vmem>>
        %dma_wait3A_2176 = arith.constant 0 : i32
        %dma_wait3A_2177 = tpu.memref_slice %arg5[%dma_wait3A_2163, %dma_wait3A_2164, %dma_wait3A_2176] : memref<12500x8x64xf32, #tpu.memory_space<hbm>> -> memref<1x1x64xf32, #tpu.memory_space<hbm>>
        %dma_wait3A_2178 = tpu.memref_squeeze %dma_wait3A_2177 : memref<1x1x64xf32, #tpu.memory_space<hbm>> -> memref<64xf32, #tpu.memory_space<hbm>>
        tpu.wait_dma2 semaphore(%arg12 : memref<!tpu.dma_semaphore, #tpu.memory_space<semaphore_mem>>) src(%dma_wait3A_2178 : memref<64xf32, #tpu.memory_space<hbm>>) dst(%dma_wait3A_2175 : memref<64xf32, #tpu.memory_space<vmem>>)
        %dma_wait3A_2179 = arith.constant 0 : i32
        %dma_wait3A_2180 = arith.constant 0 : i32
        %dma_wait3A_2181 = arith.constant 0 : i32
        %dma_wait3A_2182 = arith.constant 0 : i32
        %dma_wait3A_2183 = arith.constant 0 : i32
        %dma_wait3A_2184 = tpu.memref_slice %arg10[%dma_wait3A_2181, %dma_wait3A_2182, %dma_wait3A_2183] : memref<64x8x64xf32, #tpu.memory_space<vmem>> -> memref<1x1x64xf32, #tpu.memory_space<vmem>>
        %dma_wait3A_2185 = tpu.memref_squeeze %dma_wait3A_2184 : memref<1x1x64xf32, #tpu.memory_space<vmem>> -> memref<64xf32, #tpu.memory_space<vmem>>
        %dma_wait3A_2186 = arith.constant 0 : i32
        %dma_wait3A_2187 = tpu.memref_slice %arg5[%dma_wait3A_2179, %dma_wait3A_2180, %dma_wait3A_2186] : memref<12500x8x64xf32, #tpu.memory_space<hbm>> -> memref<1x1x64xf32, #tpu.memory_space<hbm>>
        %dma_wait3A_2188 = tpu.memref_squeeze %dma_wait3A_2187 : memref<1x1x64xf32, #tpu.memory_space<hbm>> -> memref<64xf32, #tpu.memory_space<hbm>>
        %dma_wait3A_2189 = arith.constant 0 : i32
        %dma_wait3A_2190 = tpu.memref_slice %arg10[%dma_wait3A_2181, %dma_wait3A_2182, %dma_wait3A_2189] : memref<64x8x64xf32, #tpu.memory_space<vmem>> -> memref<1x1x64xf32, #tpu.memory_space<vmem>>
        %dma_wait3A_2191 = tpu.memref_squeeze %dma_wait3A_2190 : memref<1x1x64xf32, #tpu.memory_space<vmem>> -> memref<64xf32, #tpu.memory_space<vmem>>
        %dma_wait3A_2192 = arith.constant 0 : i32
        %dma_wait3A_2193 = tpu.memref_slice %arg5[%dma_wait3A_2179, %dma_wait3A_2180, %dma_wait3A_2192] : memref<12500x8x64xf32, #tpu.memory_space<hbm>> -> memref<1x1x64xf32, #tpu.memory_space<hbm>>
        %dma_wait3A_2194 = tpu.memref_squeeze %dma_wait3A_2193 : memref<1x1x64xf32, #tpu.memory_space<hbm>> -> memref<64xf32, #tpu.memory_space<hbm>>
        tpu.wait_dma2 semaphore(%arg12 : memref<!tpu.dma_semaphore, #tpu.memory_space<semaphore_mem>>) src(%dma_wait3A_2194 : memref<64xf32, #tpu.memory_space<hbm>>) dst(%dma_wait3A_2191 : memref<64xf32, #tpu.memory_space<vmem>>)
        %dma_wait3A_2195 = arith.constant 0 : i32
        %dma_wait3A_2196 = arith.constant 0 : i32
        %dma_wait3A_2197 = arith.constant 0 : i32
        %dma_wait3A_2198 = arith.constant 0 : i32
        %dma_wait3A_2199 = arith.constant 0 : i32
        %dma_wait3A_2200 = tpu.memref_slice %arg10[%dma_wait3A_2197, %dma_wait3A_2198, %dma_wait3A_2199] : memref<64x8x64xf32, #tpu.memory_space<vmem>> -> memref<1x1x64xf32, #tpu.memory_space<vmem>>
        %dma_wait3A_2201 = tpu.memref_squeeze %dma_wait3A_2200 : memref<1x1x64xf32, #tpu.memory_space<vmem>> -> memref<64xf32, #tpu.memory_space<vmem>>
        %dma_wait3A_2202 = arith.constant 0 : i32
        %dma_wait3A_2203 = tpu.memref_slice %arg5[%dma_wait3A_2195, %dma_wait3A_2196, %dma_wait3A_2202] : memref<12500x8x64xf32, #tpu.memory_space<hbm>> -> memref<1x1x64xf32, #tpu.memory_space<hbm>>
        %dma_wait3A_2204 = tpu.memref_squeeze %dma_wait3A_2203 : memref<1x1x64xf32, #tpu.memory_space<hbm>> -> memref<64xf32, #tpu.memory_space<hbm>>
        %dma_wait3A_2205 = arith.constant 0 : i32
        %dma_wait3A_2206 = tpu.memref_slice %arg10[%dma_wait3A_2197, %dma_wait3A_2198, %dma_wait3A_2205] : memref<64x8x64xf32, #tpu.memory_space<vmem>> -> memref<1x1x64xf32, #tpu.memory_space<vmem>>
        %dma_wait3A_2207 = tpu.memref_squeeze %dma_wait3A_2206 : memref<1x1x64xf32, #tpu.memory_space<vmem>> -> memref<64xf32, #tpu.memory_space<vmem>>
        %dma_wait3A_2208 = arith.constant 0 : i32
        %dma_wait3A_2209 = tpu.memref_slice %arg5[%dma_wait3A_2195, %dma_wait3A_2196, %dma_wait3A_2208] : memref<12500x8x64xf32, #tpu.memory_space<hbm>> -> memref<1x1x64xf32, #tpu.memory_space<hbm>>
        %dma_wait3A_2210 = tpu.memref_squeeze %dma_wait3A_2209 : memref<1x1x64xf32, #tpu.memory_space<hbm>> -> memref<64xf32, #tpu.memory_space<hbm>>
        tpu.wait_dma2 semaphore(%arg12 : memref<!tpu.dma_semaphore, #tpu.memory_space<semaphore_mem>>) src(%dma_wait3A_2210 : memref<64xf32, #tpu.memory_space<hbm>>) dst(%dma_wait3A_2207 : memref<64xf32, #tpu.memory_space<vmem>>)
        %dma_wait3A_2211 = arith.constant 0 : i32
        %dma_wait3A_2212 = arith.constant 0 : i32
        %dma_wait3A_2213 = arith.constant 0 : i32
        %dma_wait3A_2214 = arith.constant 0 : i32
        %dma_wait3A_2215 = arith.constant 0 : i32
        %dma_wait3A_2216 = tpu.memref_slice %arg10[%dma_wait3A_2213, %dma_wait3A_2214, %dma_wait3A_2215] : memref<64x8x64xf32, #tpu.memory_space<vmem>> -> memref<1x1x64xf32, #tpu.memory_space<vmem>>
        %dma_wait3A_2217 = tpu.memref_squeeze %dma_wait3A_2216 : memref<1x1x64xf32, #tpu.memory_space<vmem>> -> memref<64xf32, #tpu.memory_space<vmem>>
        %dma_wait3A_2218 = arith.constant 0 : i32
        %dma_wait3A_2219 = tpu.memref_slice %arg5[%dma_wait3A_2211, %dma_wait3A_2212, %dma_wait3A_2218] : memref<12500x8x64xf32, #tpu.memory_space<hbm>> -> memref<1x1x64xf32, #tpu.memory_space<hbm>>
        %dma_wait3A_2220 = tpu.memref_squeeze %dma_wait3A_2219 : memref<1x1x64xf32, #tpu.memory_space<hbm>> -> memref<64xf32, #tpu.memory_space<hbm>>
        %dma_wait3A_2221 = arith.constant 0 : i32
        %dma_wait3A_2222 = tpu.memref_slice %arg10[%dma_wait3A_2213, %dma_wait3A_2214, %dma_wait3A_2221] : memref<64x8x64xf32, #tpu.memory_space<vmem>> -> memref<1x1x64xf32, #tpu.memory_space<vmem>>
        %dma_wait3A_2223 = tpu.memref_squeeze %dma_wait3A_2222 : memref<1x1x64xf32, #tpu.memory_space<vmem>> -> memref<64xf32, #tpu.memory_space<vmem>>
        %dma_wait3A_2224 = arith.constant 0 : i32
        %dma_wait3A_2225 = tpu.memref_slice %arg5[%dma_wait3A_2211, %dma_wait3A_2212, %dma_wait3A_2224] : memref<12500x8x64xf32, #tpu.memory_space<hbm>> -> memref<1x1x64xf32, #tpu.memory_space<hbm>>
        %dma_wait3A_2226 = tpu.memref_squeeze %dma_wait3A_2225 : memref<1x1x64xf32, #tpu.memory_space<hbm>> -> memref<64xf32, #tpu.memory_space<hbm>>
        tpu.wait_dma2 semaphore(%arg12 : memref<!tpu.dma_semaphore, #tpu.memory_space<semaphore_mem>>) src(%dma_wait3A_2226 : memref<64xf32, #tpu.memory_space<hbm>>) dst(%dma_wait3A_2223 : memref<64xf32, #tpu.memory_space<vmem>>)
        %dma_wait3A_2227 = arith.constant 0 : i32
        %dma_wait3A_2228 = arith.constant 0 : i32
        %dma_wait3A_2229 = arith.constant 0 : i32
        %dma_wait3A_2230 = arith.constant 0 : i32
        %dma_wait3A_2231 = arith.constant 0 : i32
        %dma_wait3A_2232 = tpu.memref_slice %arg10[%dma_wait3A_2229, %dma_wait3A_2230, %dma_wait3A_2231] : memref<64x8x64xf32, #tpu.memory_space<vmem>> -> memref<1x1x64xf32, #tpu.memory_space<vmem>>
        %dma_wait3A_2233 = tpu.memref_squeeze %dma_wait3A_2232 : memref<1x1x64xf32, #tpu.memory_space<vmem>> -> memref<64xf32, #tpu.memory_space<vmem>>
        %dma_wait3A_2234 = arith.constant 0 : i32
        %dma_wait3A_2235 = tpu.memref_slice %arg5[%dma_wait3A_2227, %dma_wait3A_2228, %dma_wait3A_2234] : memref<12500x8x64xf32, #tpu.memory_space<hbm>> -> memref<1x1x64xf32, #tpu.memory_space<hbm>>
        %dma_wait3A_2236 = tpu.memref_squeeze %dma_wait3A_2235 : memref<1x1x64xf32, #tpu.memory_space<hbm>> -> memref<64xf32, #tpu.memory_space<hbm>>
        %dma_wait3A_2237 = arith.constant 0 : i32
        %dma_wait3A_2238 = tpu.memref_slice %arg10[%dma_wait3A_2229, %dma_wait3A_2230, %dma_wait3A_2237] : memref<64x8x64xf32, #tpu.memory_space<vmem>> -> memref<1x1x64xf32, #tpu.memory_space<vmem>>
        %dma_wait3A_2239 = tpu.memref_squeeze %dma_wait3A_2238 : memref<1x1x64xf32, #tpu.memory_space<vmem>> -> memref<64xf32, #tpu.memory_space<vmem>>
        %dma_wait3A_2240 = arith.constant 0 : i32
        %dma_wait3A_2241 = tpu.memref_slice %arg5[%dma_wait3A_2227, %dma_wait3A_2228, %dma_wait3A_2240] : memref<12500x8x64xf32, #tpu.memory_space<hbm>> -> memref<1x1x64xf32, #tpu.memory_space<hbm>>
        %dma_wait3A_2242 = tpu.memref_squeeze %dma_wait3A_2241 : memref<1x1x64xf32, #tpu.memory_space<hbm>> -> memref<64xf32, #tpu.memory_space<hbm>>
        tpu.wait_dma2 semaphore(%arg12 : memref<!tpu.dma_semaphore, #tpu.memory_space<semaphore_mem>>) src(%dma_wait3A_2242 : memref<64xf32, #tpu.memory_space<hbm>>) dst(%dma_wait3A_2239 : memref<64xf32, #tpu.memory_space<vmem>>)
        %dma_wait3A_2243 = arith.constant 0 : i32
        %dma_wait3A_2244 = arith.constant 0 : i32
        %dma_wait3A_2245 = arith.constant 0 : i32
        %dma_wait3A_2246 = arith.constant 0 : i32
        %dma_wait3A_2247 = arith.constant 0 : i32
        %dma_wait3A_2248 = tpu.memref_slice %arg10[%dma_wait3A_2245, %dma_wait3A_2246, %dma_wait3A_2247] : memref<64x8x64xf32, #tpu.memory_space<vmem>> -> memref<1x1x64xf32, #tpu.memory_space<vmem>>
        %dma_wait3A_2249 = tpu.memref_squeeze %dma_wait3A_2248 : memref<1x1x64xf32, #tpu.memory_space<vmem>> -> memref<64xf32, #tpu.memory_space<vmem>>
        %dma_wait3A_2250 = arith.constant 0 : i32
        %dma_wait3A_2251 = tpu.memref_slice %arg5[%dma_wait3A_2243, %dma_wait3A_2244, %dma_wait3A_2250] : memref<12500x8x64xf32, #tpu.memory_space<hbm>> -> memref<1x1x64xf32, #tpu.memory_space<hbm>>
        %dma_wait3A_2252 = tpu.memref_squeeze %dma_wait3A_2251 : memref<1x1x64xf32, #tpu.memory_space<hbm>> -> memref<64xf32, #tpu.memory_space<hbm>>
        %dma_wait3A_2253 = arith.constant 0 : i32
        %dma_wait3A_2254 = tpu.memref_slice %arg10[%dma_wait3A_2245, %dma_wait3A_2246, %dma_wait3A_2253] : memref<64x8x64xf32, #tpu.memory_space<vmem>> -> memref<1x1x64xf32, #tpu.memory_space<vmem>>
        %dma_wait3A_2255 = tpu.memref_squeeze %dma_wait3A_2254 : memref<1x1x64xf32, #tpu.memory_space<vmem>> -> memref<64xf32, #tpu.memory_space<vmem>>
        %dma_wait3A_2256 = arith.constant 0 : i32
        %dma_wait3A_2257 = tpu.memref_slice %arg5[%dma_wait3A_2243, %dma_wait3A_2244, %dma_wait3A_2256] : memref<12500x8x64xf32, #tpu.memory_space<hbm>> -> memref<1x1x64xf32, #tpu.memory_space<hbm>>
        %dma_wait3A_2258 = tpu.memref_squeeze %dma_wait3A_2257 : memref<1x1x64xf32, #tpu.memory_space<hbm>> -> memref<64xf32, #tpu.memory_space<hbm>>
        tpu.wait_dma2 semaphore(%arg12 : memref<!tpu.dma_semaphore, #tpu.memory_space<semaphore_mem>>) src(%dma_wait3A_2258 : memref<64xf32, #tpu.memory_space<hbm>>) dst(%dma_wait3A_2255 : memref<64xf32, #tpu.memory_space<vmem>>)
        %dma_wait3A_2259 = arith.constant 0 : i32
        %dma_wait3A_2260 = arith.constant 0 : i32
        %dma_wait3A_2261 = arith.constant 0 : i32
        %dma_wait3A_2262 = arith.constant 0 : i32
        %dma_wait3A_2263 = arith.constant 0 : i32
        %dma_wait3A_2264 = tpu.memref_slice %arg10[%dma_wait3A_2261, %dma_wait3A_2262, %dma_wait3A_2263] : memref<64x8x64xf32, #tpu.memory_space<vmem>> -> memref<1x1x64xf32, #tpu.memory_space<vmem>>
        %dma_wait3A_2265 = tpu.memref_squeeze %dma_wait3A_2264 : memref<1x1x64xf32, #tpu.memory_space<vmem>> -> memref<64xf32, #tpu.memory_space<vmem>>
        %dma_wait3A_2266 = arith.constant 0 : i32
        %dma_wait3A_2267 = tpu.memref_slice %arg5[%dma_wait3A_2259, %dma_wait3A_2260, %dma_wait3A_2266] : memref<12500x8x64xf32, #tpu.memory_space<hbm>> -> memref<1x1x64xf32, #tpu.memory_space<hbm>>
        %dma_wait3A_2268 = tpu.memref_squeeze %dma_wait3A_2267 : memref<1x1x64xf32, #tpu.memory_space<hbm>> -> memref<64xf32, #tpu.memory_space<hbm>>
        %dma_wait3A_2269 = arith.constant 0 : i32
        %dma_wait3A_2270 = tpu.memref_slice %arg10[%dma_wait3A_2261, %dma_wait3A_2262, %dma_wait3A_2269] : memref<64x8x64xf32, #tpu.memory_space<vmem>> -> memref<1x1x64xf32, #tpu.memory_space<vmem>>
        %dma_wait3A_2271 = tpu.memref_squeeze %dma_wait3A_2270 : memref<1x1x64xf32, #tpu.memory_space<vmem>> -> memref<64xf32, #tpu.memory_space<vmem>>
        %dma_wait3A_2272 = arith.constant 0 : i32
        %dma_wait3A_2273 = tpu.memref_slice %arg5[%dma_wait3A_2259, %dma_wait3A_2260, %dma_wait3A_2272] : memref<12500x8x64xf32, #tpu.memory_space<hbm>> -> memref<1x1x64xf32, #tpu.memory_space<hbm>>
        %dma_wait3A_2274 = tpu.memref_squeeze %dma_wait3A_2273 : memref<1x1x64xf32, #tpu.memory_space<hbm>> -> memref<64xf32, #tpu.memory_space<hbm>>
        tpu.wait_dma2 semaphore(%arg12 : memref<!tpu.dma_semaphore, #tpu.memory_space<semaphore_mem>>) src(%dma_wait3A_2274 : memref<64xf32, #tpu.memory_space<hbm>>) dst(%dma_wait3A_2271 : memref<64xf32, #tpu.memory_space<vmem>>)
        %dma_wait3A_2275 = arith.constant 0 : i32
        %dma_wait3A_2276 = arith.constant 0 : i32
        %dma_wait3A_2277 = arith.constant 0 : i32
        %dma_wait3A_2278 = arith.constant 0 : i32
        %dma_wait3A_2279 = arith.constant 0 : i32
        %dma_wait3A_2280 = tpu.memref_slice %arg10[%dma_wait3A_2277, %dma_wait3A_2278, %dma_wait3A_2279] : memref<64x8x64xf32, #tpu.memory_space<vmem>> -> memref<1x1x64xf32, #tpu.memory_space<vmem>>
        %dma_wait3A_2281 = tpu.memref_squeeze %dma_wait3A_2280 : memref<1x1x64xf32, #tpu.memory_space<vmem>> -> memref<64xf32, #tpu.memory_space<vmem>>
        %dma_wait3A_2282 = arith.constant 0 : i32
        %dma_wait3A_2283 = tpu.memref_slice %arg5[%dma_wait3A_2275, %dma_wait3A_2276, %dma_wait3A_2282] : memref<12500x8x64xf32, #tpu.memory_space<hbm>> -> memref<1x1x64xf32, #tpu.memory_space<hbm>>
        %dma_wait3A_2284 = tpu.memref_squeeze %dma_wait3A_2283 : memref<1x1x64xf32, #tpu.memory_space<hbm>> -> memref<64xf32, #tpu.memory_space<hbm>>
        %dma_wait3A_2285 = arith.constant 0 : i32
        %dma_wait3A_2286 = tpu.memref_slice %arg10[%dma_wait3A_2277, %dma_wait3A_2278, %dma_wait3A_2285] : memref<64x8x64xf32, #tpu.memory_space<vmem>> -> memref<1x1x64xf32, #tpu.memory_space<vmem>>
        %dma_wait3A_2287 = tpu.memref_squeeze %dma_wait3A_2286 : memref<1x1x64xf32, #tpu.memory_space<vmem>> -> memref<64xf32, #tpu.memory_space<vmem>>
        %dma_wait3A_2288 = arith.constant 0 : i32
        %dma_wait3A_2289 = tpu.memref_slice %arg5[%dma_wait3A_2275, %dma_wait3A_2276, %dma_wait3A_2288] : memref<12500x8x64xf32, #tpu.memory_space<hbm>> -> memref<1x1x64xf32, #tpu.memory_space<hbm>>
        %dma_wait3A_2290 = tpu.memref_squeeze %dma_wait3A_2289 : memref<1x1x64xf32, #tpu.memory_space<hbm>> -> memref<64xf32, #tpu.memory_space<hbm>>
        tpu.wait_dma2 semaphore(%arg12 : memref<!tpu.dma_semaphore, #tpu.memory_space<semaphore_mem>>) src(%dma_wait3A_2290 : memref<64xf32, #tpu.memory_space<hbm>>) dst(%dma_wait3A_2287 : memref<64xf32, #tpu.memory_space<vmem>>)
        %dma_wait3A_2291 = arith.constant 0 : i32
        %dma_wait3A_2292 = arith.constant 0 : i32
        %dma_wait3A_2293 = arith.constant 0 : i32
        %dma_wait3A_2294 = arith.constant 0 : i32
        %dma_wait3A_2295 = arith.constant 0 : i32
        %dma_wait3A_2296 = tpu.memref_slice %arg10[%dma_wait3A_2293, %dma_wait3A_2294, %dma_wait3A_2295] : memref<64x8x64xf32, #tpu.memory_space<vmem>> -> memref<1x1x64xf32, #tpu.memory_space<vmem>>
        %dma_wait3A_2297 = tpu.memref_squeeze %dma_wait3A_2296 : memref<1x1x64xf32, #tpu.memory_space<vmem>> -> memref<64xf32, #tpu.memory_space<vmem>>
        %dma_wait3A_2298 = arith.constant 0 : i32
        %dma_wait3A_2299 = tpu.memref_slice %arg5[%dma_wait3A_2291, %dma_wait3A_2292, %dma_wait3A_2298] : memref<12500x8x64xf32, #tpu.memory_space<hbm>> -> memref<1x1x64xf32, #tpu.memory_space<hbm>>
        %dma_wait3A_2300 = tpu.memref_squeeze %dma_wait3A_2299 : memref<1x1x64xf32, #tpu.memory_space<hbm>> -> memref<64xf32, #tpu.memory_space<hbm>>
        %dma_wait3A_2301 = arith.constant 0 : i32
        %dma_wait3A_2302 = tpu.memref_slice %arg10[%dma_wait3A_2293, %dma_wait3A_2294, %dma_wait3A_2301] : memref<64x8x64xf32, #tpu.memory_space<vmem>> -> memref<1x1x64xf32, #tpu.memory_space<vmem>>
        %dma_wait3A_2303 = tpu.memref_squeeze %dma_wait3A_2302 : memref<1x1x64xf32, #tpu.memory_space<vmem>> -> memref<64xf32, #tpu.memory_space<vmem>>
        %dma_wait3A_2304 = arith.constant 0 : i32
        %dma_wait3A_2305 = tpu.memref_slice %arg5[%dma_wait3A_2291, %dma_wait3A_2292, %dma_wait3A_2304] : memref<12500x8x64xf32, #tpu.memory_space<hbm>> -> memref<1x1x64xf32, #tpu.memory_space<hbm>>
        %dma_wait3A_2306 = tpu.memref_squeeze %dma_wait3A_2305 : memref<1x1x64xf32, #tpu.memory_space<hbm>> -> memref<64xf32, #tpu.memory_space<hbm>>
        tpu.wait_dma2 semaphore(%arg12 : memref<!tpu.dma_semaphore, #tpu.memory_space<semaphore_mem>>) src(%dma_wait3A_2306 : memref<64xf32, #tpu.memory_space<hbm>>) dst(%dma_wait3A_2303 : memref<64xf32, #tpu.memory_space<vmem>>)
        %dma_wait3A_2307 = arith.constant 0 : i32
        %dma_wait3A_2308 = arith.constant 0 : i32
        %dma_wait3A_2309 = arith.constant 0 : i32
        %dma_wait3A_2310 = arith.constant 0 : i32
        %dma_wait3A_2311 = arith.constant 0 : i32
        %dma_wait3A_2312 = tpu.memref_slice %arg10[%dma_wait3A_2309, %dma_wait3A_2310, %dma_wait3A_2311] : memref<64x8x64xf32, #tpu.memory_space<vmem>> -> memref<1x1x64xf32, #tpu.memory_space<vmem>>
        %dma_wait3A_2313 = tpu.memref_squeeze %dma_wait3A_2312 : memref<1x1x64xf32, #tpu.memory_space<vmem>> -> memref<64xf32, #tpu.memory_space<vmem>>
        %dma_wait3A_2314 = arith.constant 0 : i32
        %dma_wait3A_2315 = tpu.memref_slice %arg5[%dma_wait3A_2307, %dma_wait3A_2308, %dma_wait3A_2314] : memref<12500x8x64xf32, #tpu.memory_space<hbm>> -> memref<1x1x64xf32, #tpu.memory_space<hbm>>
        %dma_wait3A_2316 = tpu.memref_squeeze %dma_wait3A_2315 : memref<1x1x64xf32, #tpu.memory_space<hbm>> -> memref<64xf32, #tpu.memory_space<hbm>>
        %dma_wait3A_2317 = arith.constant 0 : i32
        %dma_wait3A_2318 = tpu.memref_slice %arg10[%dma_wait3A_2309, %dma_wait3A_2310, %dma_wait3A_2317] : memref<64x8x64xf32, #tpu.memory_space<vmem>> -> memref<1x1x64xf32, #tpu.memory_space<vmem>>
        %dma_wait3A_2319 = tpu.memref_squeeze %dma_wait3A_2318 : memref<1x1x64xf32, #tpu.memory_space<vmem>> -> memref<64xf32, #tpu.memory_space<vmem>>
        %dma_wait3A_2320 = arith.constant 0 : i32
        %dma_wait3A_2321 = tpu.memref_slice %arg5[%dma_wait3A_2307, %dma_wait3A_2308, %dma_wait3A_2320] : memref<12500x8x64xf32, #tpu.memory_space<hbm>> -> memref<1x1x64xf32, #tpu.memory_space<hbm>>
        %dma_wait3A_2322 = tpu.memref_squeeze %dma_wait3A_2321 : memref<1x1x64xf32, #tpu.memory_space<hbm>> -> memref<64xf32, #tpu.memory_space<hbm>>
        tpu.wait_dma2 semaphore(%arg12 : memref<!tpu.dma_semaphore, #tpu.memory_space<semaphore_mem>>) src(%dma_wait3A_2322 : memref<64xf32, #tpu.memory_space<hbm>>) dst(%dma_wait3A_2319 : memref<64xf32, #tpu.memory_space<vmem>>)
        %dma_wait3A_2323 = arith.constant 0 : i32
        %dma_wait3A_2324 = arith.constant 0 : i32
        %dma_wait3A_2325 = arith.constant 0 : i32
        %dma_wait3A_2326 = arith.constant 0 : i32
        %dma_wait3A_2327 = arith.constant 0 : i32
        %dma_wait3A_2328 = tpu.memref_slice %arg10[%dma_wait3A_2325, %dma_wait3A_2326, %dma_wait3A_2327] : memref<64x8x64xf32, #tpu.memory_space<vmem>> -> memref<1x1x64xf32, #tpu.memory_space<vmem>>
        %dma_wait3A_2329 = tpu.memref_squeeze %dma_wait3A_2328 : memref<1x1x64xf32, #tpu.memory_space<vmem>> -> memref<64xf32, #tpu.memory_space<vmem>>
        %dma_wait3A_2330 = arith.constant 0 : i32
        %dma_wait3A_2331 = tpu.memref_slice %arg5[%dma_wait3A_2323, %dma_wait3A_2324, %dma_wait3A_2330] : memref<12500x8x64xf32, #tpu.memory_space<hbm>> -> memref<1x1x64xf32, #tpu.memory_space<hbm>>
        %dma_wait3A_2332 = tpu.memref_squeeze %dma_wait3A_2331 : memref<1x1x64xf32, #tpu.memory_space<hbm>> -> memref<64xf32, #tpu.memory_space<hbm>>
        %dma_wait3A_2333 = arith.constant 0 : i32
        %dma_wait3A_2334 = tpu.memref_slice %arg10[%dma_wait3A_2325, %dma_wait3A_2326, %dma_wait3A_2333] : memref<64x8x64xf32, #tpu.memory_space<vmem>> -> memref<1x1x64xf32, #tpu.memory_space<vmem>>
        %dma_wait3A_2335 = tpu.memref_squeeze %dma_wait3A_2334 : memref<1x1x64xf32, #tpu.memory_space<vmem>> -> memref<64xf32, #tpu.memory_space<vmem>>
        %dma_wait3A_2336 = arith.constant 0 : i32
        %dma_wait3A_2337 = tpu.memref_slice %arg5[%dma_wait3A_2323, %dma_wait3A_2324, %dma_wait3A_2336] : memref<12500x8x64xf32, #tpu.memory_space<hbm>> -> memref<1x1x64xf32, #tpu.memory_space<hbm>>
        %dma_wait3A_2338 = tpu.memref_squeeze %dma_wait3A_2337 : memref<1x1x64xf32, #tpu.memory_space<hbm>> -> memref<64xf32, #tpu.memory_space<hbm>>
        tpu.wait_dma2 semaphore(%arg12 : memref<!tpu.dma_semaphore, #tpu.memory_space<semaphore_mem>>) src(%dma_wait3A_2338 : memref<64xf32, #tpu.memory_space<hbm>>) dst(%dma_wait3A_2335 : memref<64xf32, #tpu.memory_space<vmem>>)
        %dma_wait3A_2339 = arith.constant 0 : i32
        %dma_wait3A_2340 = arith.constant 0 : i32
        %dma_wait3A_2341 = arith.constant 0 : i32
        %dma_wait3A_2342 = arith.constant 0 : i32
        %dma_wait3A_2343 = arith.constant 0 : i32
        %dma_wait3A_2344 = tpu.memref_slice %arg10[%dma_wait3A_2341, %dma_wait3A_2342, %dma_wait3A_2343] : memref<64x8x64xf32, #tpu.memory_space<vmem>> -> memref<1x1x64xf32, #tpu.memory_space<vmem>>
        %dma_wait3A_2345 = tpu.memref_squeeze %dma_wait3A_2344 : memref<1x1x64xf32, #tpu.memory_space<vmem>> -> memref<64xf32, #tpu.memory_space<vmem>>
        %dma_wait3A_2346 = arith.constant 0 : i32
        %dma_wait3A_2347 = tpu.memref_slice %arg5[%dma_wait3A_2339, %dma_wait3A_2340, %dma_wait3A_2346] : memref<12500x8x64xf32, #tpu.memory_space<hbm>> -> memref<1x1x64xf32, #tpu.memory_space<hbm>>
        %dma_wait3A_2348 = tpu.memref_squeeze %dma_wait3A_2347 : memref<1x1x64xf32, #tpu.memory_space<hbm>> -> memref<64xf32, #tpu.memory_space<hbm>>
        %dma_wait3A_2349 = arith.constant 0 : i32
        %dma_wait3A_2350 = tpu.memref_slice %arg10[%dma_wait3A_2341, %dma_wait3A_2342, %dma_wait3A_2349] : memref<64x8x64xf32, #tpu.memory_space<vmem>> -> memref<1x1x64xf32, #tpu.memory_space<vmem>>
        %dma_wait3A_2351 = tpu.memref_squeeze %dma_wait3A_2350 : memref<1x1x64xf32, #tpu.memory_space<vmem>> -> memref<64xf32, #tpu.memory_space<vmem>>
        %dma_wait3A_2352 = arith.constant 0 : i32
        %dma_wait3A_2353 = tpu.memref_slice %arg5[%dma_wait3A_2339, %dma_wait3A_2340, %dma_wait3A_2352] : memref<12500x8x64xf32, #tpu.memory_space<hbm>> -> memref<1x1x64xf32, #tpu.memory_space<hbm>>
        %dma_wait3A_2354 = tpu.memref_squeeze %dma_wait3A_2353 : memref<1x1x64xf32, #tpu.memory_space<hbm>> -> memref<64xf32, #tpu.memory_space<hbm>>
        tpu.wait_dma2 semaphore(%arg12 : memref<!tpu.dma_semaphore, #tpu.memory_space<semaphore_mem>>) src(%dma_wait3A_2354 : memref<64xf32, #tpu.memory_space<hbm>>) dst(%dma_wait3A_2351 : memref<64xf32, #tpu.memory_space<vmem>>)
        %dma_wait3A_2355 = arith.constant 0 : i32
        %dma_wait3A_2356 = arith.constant 0 : i32
        %dma_wait3A_2357 = arith.constant 0 : i32
        %dma_wait3A_2358 = arith.constant 0 : i32
        %dma_wait3A_2359 = arith.constant 0 : i32
        %dma_wait3A_2360 = tpu.memref_slice %arg10[%dma_wait3A_2357, %dma_wait3A_2358, %dma_wait3A_2359] : memref<64x8x64xf32, #tpu.memory_space<vmem>> -> memref<1x1x64xf32, #tpu.memory_space<vmem>>
        %dma_wait3A_2361 = tpu.memref_squeeze %dma_wait3A_2360 : memref<1x1x64xf32, #tpu.memory_space<vmem>> -> memref<64xf32, #tpu.memory_space<vmem>>
        %dma_wait3A_2362 = arith.constant 0 : i32
        %dma_wait3A_2363 = tpu.memref_slice %arg5[%dma_wait3A_2355, %dma_wait3A_2356, %dma_wait3A_2362] : memref<12500x8x64xf32, #tpu.memory_space<hbm>> -> memref<1x1x64xf32, #tpu.memory_space<hbm>>
        %dma_wait3A_2364 = tpu.memref_squeeze %dma_wait3A_2363 : memref<1x1x64xf32, #tpu.memory_space<hbm>> -> memref<64xf32, #tpu.memory_space<hbm>>
        %dma_wait3A_2365 = arith.constant 0 : i32
        %dma_wait3A_2366 = tpu.memref_slice %arg10[%dma_wait3A_2357, %dma_wait3A_2358, %dma_wait3A_2365] : memref<64x8x64xf32, #tpu.memory_space<vmem>> -> memref<1x1x64xf32, #tpu.memory_space<vmem>>
        %dma_wait3A_2367 = tpu.memref_squeeze %dma_wait3A_2366 : memref<1x1x64xf32, #tpu.memory_space<vmem>> -> memref<64xf32, #tpu.memory_space<vmem>>
        %dma_wait3A_2368 = arith.constant 0 : i32
        %dma_wait3A_2369 = tpu.memref_slice %arg5[%dma_wait3A_2355, %dma_wait3A_2356, %dma_wait3A_2368] : memref<12500x8x64xf32, #tpu.memory_space<hbm>> -> memref<1x1x64xf32, #tpu.memory_space<hbm>>
        %dma_wait3A_2370 = tpu.memref_squeeze %dma_wait3A_2369 : memref<1x1x64xf32, #tpu.memory_space<hbm>> -> memref<64xf32, #tpu.memory_space<hbm>>
        tpu.wait_dma2 semaphore(%arg12 : memref<!tpu.dma_semaphore, #tpu.memory_space<semaphore_mem>>) src(%dma_wait3A_2370 : memref<64xf32, #tpu.memory_space<hbm>>) dst(%dma_wait3A_2367 : memref<64xf32, #tpu.memory_space<vmem>>)
        %dma_wait3A_2371 = arith.constant 0 : i32
        %dma_wait3A_2372 = arith.constant 0 : i32
        %dma_wait3A_2373 = arith.constant 0 : i32
        %dma_wait3A_2374 = arith.constant 0 : i32
        %dma_wait3A_2375 = arith.constant 0 : i32
        %dma_wait3A_2376 = tpu.memref_slice %arg10[%dma_wait3A_2373, %dma_wait3A_2374, %dma_wait3A_2375] : memref<64x8x64xf32, #tpu.memory_space<vmem>> -> memref<1x1x64xf32, #tpu.memory_space<vmem>>
        %dma_wait3A_2377 = tpu.memref_squeeze %dma_wait3A_2376 : memref<1x1x64xf32, #tpu.memory_space<vmem>> -> memref<64xf32, #tpu.memory_space<vmem>>
        %dma_wait3A_2378 = arith.constant 0 : i32
        %dma_wait3A_2379 = tpu.memref_slice %arg5[%dma_wait3A_2371, %dma_wait3A_2372, %dma_wait3A_2378] : memref<12500x8x64xf32, #tpu.memory_space<hbm>> -> memref<1x1x64xf32, #tpu.memory_space<hbm>>
        %dma_wait3A_2380 = tpu.memref_squeeze %dma_wait3A_2379 : memref<1x1x64xf32, #tpu.memory_space<hbm>> -> memref<64xf32, #tpu.memory_space<hbm>>
        %dma_wait3A_2381 = arith.constant 0 : i32
        %dma_wait3A_2382 = tpu.memref_slice %arg10[%dma_wait3A_2373, %dma_wait3A_2374, %dma_wait3A_2381] : memref<64x8x64xf32, #tpu.memory_space<vmem>> -> memref<1x1x64xf32, #tpu.memory_space<vmem>>
        %dma_wait3A_2383 = tpu.memref_squeeze %dma_wait3A_2382 : memref<1x1x64xf32, #tpu.memory_space<vmem>> -> memref<64xf32, #tpu.memory_space<vmem>>
        %dma_wait3A_2384 = arith.constant 0 : i32
        %dma_wait3A_2385 = tpu.memref_slice %arg5[%dma_wait3A_2371, %dma_wait3A_2372, %dma_wait3A_2384] : memref<12500x8x64xf32, #tpu.memory_space<hbm>> -> memref<1x1x64xf32, #tpu.memory_space<hbm>>
        %dma_wait3A_2386 = tpu.memref_squeeze %dma_wait3A_2385 : memref<1x1x64xf32, #tpu.memory_space<hbm>> -> memref<64xf32, #tpu.memory_space<hbm>>
        tpu.wait_dma2 semaphore(%arg12 : memref<!tpu.dma_semaphore, #tpu.memory_space<semaphore_mem>>) src(%dma_wait3A_2386 : memref<64xf32, #tpu.memory_space<hbm>>) dst(%dma_wait3A_2383 : memref<64xf32, #tpu.memory_space<vmem>>)
        %dma_wait3A_2387 = arith.constant 0 : i32
        %dma_wait3A_2388 = arith.constant 0 : i32
        %dma_wait3A_2389 = arith.constant 0 : i32
        %dma_wait3A_2390 = arith.constant 0 : i32
        %dma_wait3A_2391 = arith.constant 0 : i32
        %dma_wait3A_2392 = tpu.memref_slice %arg10[%dma_wait3A_2389, %dma_wait3A_2390, %dma_wait3A_2391] : memref<64x8x64xf32, #tpu.memory_space<vmem>> -> memref<1x1x64xf32, #tpu.memory_space<vmem>>
        %dma_wait3A_2393 = tpu.memref_squeeze %dma_wait3A_2392 : memref<1x1x64xf32, #tpu.memory_space<vmem>> -> memref<64xf32, #tpu.memory_space<vmem>>
        %dma_wait3A_2394 = arith.constant 0 : i32
        %dma_wait3A_2395 = tpu.memref_slice %arg5[%dma_wait3A_2387, %dma_wait3A_2388, %dma_wait3A_2394] : memref<12500x8x64xf32, #tpu.memory_space<hbm>> -> memref<1x1x64xf32, #tpu.memory_space<hbm>>
        %dma_wait3A_2396 = tpu.memref_squeeze %dma_wait3A_2395 : memref<1x1x64xf32, #tpu.memory_space<hbm>> -> memref<64xf32, #tpu.memory_space<hbm>>
        %dma_wait3A_2397 = arith.constant 0 : i32
        %dma_wait3A_2398 = tpu.memref_slice %arg10[%dma_wait3A_2389, %dma_wait3A_2390, %dma_wait3A_2397] : memref<64x8x64xf32, #tpu.memory_space<vmem>> -> memref<1x1x64xf32, #tpu.memory_space<vmem>>
        %dma_wait3A_2399 = tpu.memref_squeeze %dma_wait3A_2398 : memref<1x1x64xf32, #tpu.memory_space<vmem>> -> memref<64xf32, #tpu.memory_space<vmem>>
        %dma_wait3A_2400 = arith.constant 0 : i32
        %dma_wait3A_2401 = tpu.memref_slice %arg5[%dma_wait3A_2387, %dma_wait3A_2388, %dma_wait3A_2400] : memref<12500x8x64xf32, #tpu.memory_space<hbm>> -> memref<1x1x64xf32, #tpu.memory_space<hbm>>
        %dma_wait3A_2402 = tpu.memref_squeeze %dma_wait3A_2401 : memref<1x1x64xf32, #tpu.memory_space<hbm>> -> memref<64xf32, #tpu.memory_space<hbm>>
        tpu.wait_dma2 semaphore(%arg12 : memref<!tpu.dma_semaphore, #tpu.memory_space<semaphore_mem>>) src(%dma_wait3A_2402 : memref<64xf32, #tpu.memory_space<hbm>>) dst(%dma_wait3A_2399 : memref<64xf32, #tpu.memory_space<vmem>>)
      } else {
      }
    }
    %scan3A_6 = arith.constant 16 : i32
    %dma_wait3A = arith.constant 0 : i32
    %dma_wait3A_7 = arith.constant 0 : i32
    %dma_wait3A_8 = arith.constant 0 : i32
    %dma_wait3A_9 = arith.constant 0 : i32
    %dma_wait3A_10 = arith.constant 0 : i32
    %dma_wait3A_11 = tpu.memref_slice %arg10[%dma_wait3A_8, %dma_wait3A_9, %dma_wait3A_10] : memref<64x8x64xf32, #tpu.memory_space<vmem>> -> memref<1x1x64xf32, #tpu.memory_space<vmem>>
    %dma_wait3A_12 = tpu.memref_squeeze %dma_wait3A_11 : memref<1x1x64xf32, #tpu.memory_space<vmem>> -> memref<64xf32, #tpu.memory_space<vmem>>
    %dma_wait3A_13 = arith.constant 0 : i32
    %dma_wait3A_14 = tpu.memref_slice %arg4[%dma_wait3A, %dma_wait3A_7, %dma_wait3A_13] : memref<125000x8x64xf32, #tpu.memory_space<hbm>> -> memref<1x1x64xf32, #tpu.memory_space<hbm>>
    %dma_wait3A_15 = tpu.memref_squeeze %dma_wait3A_14 : memref<1x1x64xf32, #tpu.memory_space<hbm>> -> memref<64xf32, #tpu.memory_space<hbm>>
    %dma_wait3A_16 = arith.constant 0 : i32
    %dma_wait3A_17 = tpu.memref_slice %arg10[%dma_wait3A_8, %dma_wait3A_9, %dma_wait3A_16] : memref<64x8x64xf32, #tpu.memory_space<vmem>> -> memref<1x1x64xf32, #tpu.memory_space<vmem>>
    %dma_wait3A_18 = tpu.memref_squeeze %dma_wait3A_17 : memref<1x1x64xf32, #tpu.memory_space<vmem>> -> memref<64xf32, #tpu.memory_space<vmem>>
    %dma_wait3A_19 = arith.constant 0 : i32
    %dma_wait3A_20 = tpu.memref_slice %arg4[%dma_wait3A, %dma_wait3A_7, %dma_wait3A_19] : memref<125000x8x64xf32, #tpu.memory_space<hbm>> -> memref<1x1x64xf32, #tpu.memory_space<hbm>>
    %dma_wait3A_21 = tpu.memref_squeeze %dma_wait3A_20 : memref<1x1x64xf32, #tpu.memory_space<hbm>> -> memref<64xf32, #tpu.memory_space<hbm>>
    tpu.wait_dma2 semaphore(%arg11 : memref<!tpu.dma_semaphore, #tpu.memory_space<semaphore_mem>>) src(%dma_wait3A_21 : memref<64xf32, #tpu.memory_space<hbm>>) dst(%dma_wait3A_18 : memref<64xf32, #tpu.memory_space<vmem>>)
    %dma_wait3A_22 = arith.constant 0 : i32
    %dma_wait3A_23 = arith.constant 0 : i32
    %dma_wait3A_24 = arith.constant 0 : i32
    %dma_wait3A_25 = arith.constant 0 : i32
    %dma_wait3A_26 = arith.constant 0 : i32
    %dma_wait3A_27 = tpu.memref_slice %arg10[%dma_wait3A_24, %dma_wait3A_25, %dma_wait3A_26] : memref<64x8x64xf32, #tpu.memory_space<vmem>> -> memref<1x1x64xf32, #tpu.memory_space<vmem>>
    %dma_wait3A_28 = tpu.memref_squeeze %dma_wait3A_27 : memref<1x1x64xf32, #tpu.memory_space<vmem>> -> memref<64xf32, #tpu.memory_space<vmem>>
    %dma_wait3A_29 = arith.constant 0 : i32
    %dma_wait3A_30 = tpu.memref_slice %arg4[%dma_wait3A_22, %dma_wait3A_23, %dma_wait3A_29] : memref<125000x8x64xf32, #tpu.memory_space<hbm>> -> memref<1x1x64xf32, #tpu.memory_space<hbm>>
    %dma_wait3A_31 = tpu.memref_squeeze %dma_wait3A_30 : memref<1x1x64xf32, #tpu.memory_space<hbm>> -> memref<64xf32, #tpu.memory_space<hbm>>
    %dma_wait3A_32 = arith.constant 0 : i32
    %dma_wait3A_33 = tpu.memref_slice %arg10[%dma_wait3A_24, %dma_wait3A_25, %dma_wait3A_32] : memref<64x8x64xf32, #tpu.memory_space<vmem>> -> memref<1x1x64xf32, #tpu.memory_space<vmem>>
    %dma_wait3A_34 = tpu.memref_squeeze %dma_wait3A_33 : memref<1x1x64xf32, #tpu.memory_space<vmem>> -> memref<64xf32, #tpu.memory_space<vmem>>
    %dma_wait3A_35 = arith.constant 0 : i32
    %dma_wait3A_36 = tpu.memref_slice %arg4[%dma_wait3A_22, %dma_wait3A_23, %dma_wait3A_35] : memref<125000x8x64xf32, #tpu.memory_space<hbm>> -> memref<1x1x64xf32, #tpu.memory_space<hbm>>
    %dma_wait3A_37 = tpu.memref_squeeze %dma_wait3A_36 : memref<1x1x64xf32, #tpu.memory_space<hbm>> -> memref<64xf32, #tpu.memory_space<hbm>>
    tpu.wait_dma2 semaphore(%arg11 : memref<!tpu.dma_semaphore, #tpu.memory_space<semaphore_mem>>) src(%dma_wait3A_37 : memref<64xf32, #tpu.memory_space<hbm>>) dst(%dma_wait3A_34 : memref<64xf32, #tpu.memory_space<vmem>>)
    %dma_wait3A_38 = arith.constant 0 : i32
    %dma_wait3A_39 = arith.constant 0 : i32
    %dma_wait3A_40 = arith.constant 0 : i32
    %dma_wait3A_41 = arith.constant 0 : i32
    %dma_wait3A_42 = arith.constant 0 : i32
    %dma_wait3A_43 = tpu.memref_slice %arg10[%dma_wait3A_40, %dma_wait3A_41, %dma_wait3A_42] : memref<64x8x64xf32, #tpu.memory_space<vmem>> -> memref<1x1x64xf32, #tpu.memory_space<vmem>>
    %dma_wait3A_44 = tpu.memref_squeeze %dma_wait3A_43 : memref<1x1x64xf32, #tpu.memory_space<vmem>> -> memref<64xf32, #tpu.memory_space<vmem>>
    %dma_wait3A_45 = arith.constant 0 : i32
    %dma_wait3A_46 = tpu.memref_slice %arg4[%dma_wait3A_38, %dma_wait3A_39, %dma_wait3A_45] : memref<125000x8x64xf32, #tpu.memory_space<hbm>> -> memref<1x1x64xf32, #tpu.memory_space<hbm>>
    %dma_wait3A_47 = tpu.memref_squeeze %dma_wait3A_46 : memref<1x1x64xf32, #tpu.memory_space<hbm>> -> memref<64xf32, #tpu.memory_space<hbm>>
    %dma_wait3A_48 = arith.constant 0 : i32
    %dma_wait3A_49 = tpu.memref_slice %arg10[%dma_wait3A_40, %dma_wait3A_41, %dma_wait3A_48] : memref<64x8x64xf32, #tpu.memory_space<vmem>> -> memref<1x1x64xf32, #tpu.memory_space<vmem>>
    %dma_wait3A_50 = tpu.memref_squeeze %dma_wait3A_49 : memref<1x1x64xf32, #tpu.memory_space<vmem>> -> memref<64xf32, #tpu.memory_space<vmem>>
    %dma_wait3A_51 = arith.constant 0 : i32
    %dma_wait3A_52 = tpu.memref_slice %arg4[%dma_wait3A_38, %dma_wait3A_39, %dma_wait3A_51] : memref<125000x8x64xf32, #tpu.memory_space<hbm>> -> memref<1x1x64xf32, #tpu.memory_space<hbm>>
    %dma_wait3A_53 = tpu.memref_squeeze %dma_wait3A_52 : memref<1x1x64xf32, #tpu.memory_space<hbm>> -> memref<64xf32, #tpu.memory_space<hbm>>
    tpu.wait_dma2 semaphore(%arg11 : memref<!tpu.dma_semaphore, #tpu.memory_space<semaphore_mem>>) src(%dma_wait3A_53 : memref<64xf32, #tpu.memory_space<hbm>>) dst(%dma_wait3A_50 : memref<64xf32, #tpu.memory_space<vmem>>)
    %dma_wait3A_54 = arith.constant 0 : i32
    %dma_wait3A_55 = arith.constant 0 : i32
    %dma_wait3A_56 = arith.constant 0 : i32
    %dma_wait3A_57 = arith.constant 0 : i32
    %dma_wait3A_58 = arith.constant 0 : i32
    %dma_wait3A_59 = tpu.memref_slice %arg10[%dma_wait3A_56, %dma_wait3A_57, %dma_wait3A_58] : memref<64x8x64xf32, #tpu.memory_space<vmem>> -> memref<1x1x64xf32, #tpu.memory_space<vmem>>
    %dma_wait3A_60 = tpu.memref_squeeze %dma_wait3A_59 : memref<1x1x64xf32, #tpu.memory_space<vmem>> -> memref<64xf32, #tpu.memory_space<vmem>>
    %dma_wait3A_61 = arith.constant 0 : i32
    %dma_wait3A_62 = tpu.memref_slice %arg4[%dma_wait3A_54, %dma_wait3A_55, %dma_wait3A_61] : memref<125000x8x64xf32, #tpu.memory_space<hbm>> -> memref<1x1x64xf32, #tpu.memory_space<hbm>>
    %dma_wait3A_63 = tpu.memref_squeeze %dma_wait3A_62 : memref<1x1x64xf32, #tpu.memory_space<hbm>> -> memref<64xf32, #tpu.memory_space<hbm>>
    %dma_wait3A_64 = arith.constant 0 : i32
    %dma_wait3A_65 = tpu.memref_slice %arg10[%dma_wait3A_56, %dma_wait3A_57, %dma_wait3A_64] : memref<64x8x64xf32, #tpu.memory_space<vmem>> -> memref<1x1x64xf32, #tpu.memory_space<vmem>>
    %dma_wait3A_66 = tpu.memref_squeeze %dma_wait3A_65 : memref<1x1x64xf32, #tpu.memory_space<vmem>> -> memref<64xf32, #tpu.memory_space<vmem>>
    %dma_wait3A_67 = arith.constant 0 : i32
    %dma_wait3A_68 = tpu.memref_slice %arg4[%dma_wait3A_54, %dma_wait3A_55, %dma_wait3A_67] : memref<125000x8x64xf32, #tpu.memory_space<hbm>> -> memref<1x1x64xf32, #tpu.memory_space<hbm>>
    %dma_wait3A_69 = tpu.memref_squeeze %dma_wait3A_68 : memref<1x1x64xf32, #tpu.memory_space<hbm>> -> memref<64xf32, #tpu.memory_space<hbm>>
    tpu.wait_dma2 semaphore(%arg11 : memref<!tpu.dma_semaphore, #tpu.memory_space<semaphore_mem>>) src(%dma_wait3A_69 : memref<64xf32, #tpu.memory_space<hbm>>) dst(%dma_wait3A_66 : memref<64xf32, #tpu.memory_space<vmem>>)
    %dma_wait3A_70 = arith.constant 0 : i32
    %dma_wait3A_71 = arith.constant 0 : i32
    %dma_wait3A_72 = arith.constant 0 : i32
    %dma_wait3A_73 = arith.constant 0 : i32
    %dma_wait3A_74 = arith.constant 0 : i32
    %dma_wait3A_75 = tpu.memref_slice %arg10[%dma_wait3A_72, %dma_wait3A_73, %dma_wait3A_74] : memref<64x8x64xf32, #tpu.memory_space<vmem>> -> memref<1x1x64xf32, #tpu.memory_space<vmem>>
    %dma_wait3A_76 = tpu.memref_squeeze %dma_wait3A_75 : memref<1x1x64xf32, #tpu.memory_space<vmem>> -> memref<64xf32, #tpu.memory_space<vmem>>
    %dma_wait3A_77 = arith.constant 0 : i32
    %dma_wait3A_78 = tpu.memref_slice %arg4[%dma_wait3A_70, %dma_wait3A_71, %dma_wait3A_77] : memref<125000x8x64xf32, #tpu.memory_space<hbm>> -> memref<1x1x64xf32, #tpu.memory_space<hbm>>
    %dma_wait3A_79 = tpu.memref_squeeze %dma_wait3A_78 : memref<1x1x64xf32, #tpu.memory_space<hbm>> -> memref<64xf32, #tpu.memory_space<hbm>>
    %dma_wait3A_80 = arith.constant 0 : i32
    %dma_wait3A_81 = tpu.memref_slice %arg10[%dma_wait3A_72, %dma_wait3A_73, %dma_wait3A_80] : memref<64x8x64xf32, #tpu.memory_space<vmem>> -> memref<1x1x64xf32, #tpu.memory_space<vmem>>
    %dma_wait3A_82 = tpu.memref_squeeze %dma_wait3A_81 : memref<1x1x64xf32, #tpu.memory_space<vmem>> -> memref<64xf32, #tpu.memory_space<vmem>>
    %dma_wait3A_83 = arith.constant 0 : i32
    %dma_wait3A_84 = tpu.memref_slice %arg4[%dma_wait3A_70, %dma_wait3A_71, %dma_wait3A_83] : memref<125000x8x64xf32, #tpu.memory_space<hbm>> -> memref<1x1x64xf32, #tpu.memory_space<hbm>>
    %dma_wait3A_85 = tpu.memref_squeeze %dma_wait3A_84 : memref<1x1x64xf32, #tpu.memory_space<hbm>> -> memref<64xf32, #tpu.memory_space<hbm>>
    tpu.wait_dma2 semaphore(%arg11 : memref<!tpu.dma_semaphore, #tpu.memory_space<semaphore_mem>>) src(%dma_wait3A_85 : memref<64xf32, #tpu.memory_space<hbm>>) dst(%dma_wait3A_82 : memref<64xf32, #tpu.memory_space<vmem>>)
    %dma_wait3A_86 = arith.constant 0 : i32
    %dma_wait3A_87 = arith.constant 0 : i32
    %dma_wait3A_88 = arith.constant 0 : i32
    %dma_wait3A_89 = arith.constant 0 : i32
    %dma_wait3A_90 = arith.constant 0 : i32
    %dma_wait3A_91 = tpu.memref_slice %arg10[%dma_wait3A_88, %dma_wait3A_89, %dma_wait3A_90] : memref<64x8x64xf32, #tpu.memory_space<vmem>> -> memref<1x1x64xf32, #tpu.memory_space<vmem>>
    %dma_wait3A_92 = tpu.memref_squeeze %dma_wait3A_91 : memref<1x1x64xf32, #tpu.memory_space<vmem>> -> memref<64xf32, #tpu.memory_space<vmem>>
    %dma_wait3A_93 = arith.constant 0 : i32
    %dma_wait3A_94 = tpu.memref_slice %arg4[%dma_wait3A_86, %dma_wait3A_87, %dma_wait3A_93] : memref<125000x8x64xf32, #tpu.memory_space<hbm>> -> memref<1x1x64xf32, #tpu.memory_space<hbm>>
    %dma_wait3A_95 = tpu.memref_squeeze %dma_wait3A_94 : memref<1x1x64xf32, #tpu.memory_space<hbm>> -> memref<64xf32, #tpu.memory_space<hbm>>
    %dma_wait3A_96 = arith.constant 0 : i32
    %dma_wait3A_97 = tpu.memref_slice %arg10[%dma_wait3A_88, %dma_wait3A_89, %dma_wait3A_96] : memref<64x8x64xf32, #tpu.memory_space<vmem>> -> memref<1x1x64xf32, #tpu.memory_space<vmem>>
    %dma_wait3A_98 = tpu.memref_squeeze %dma_wait3A_97 : memref<1x1x64xf32, #tpu.memory_space<vmem>> -> memref<64xf32, #tpu.memory_space<vmem>>
    %dma_wait3A_99 = arith.constant 0 : i32
    %dma_wait3A_100 = tpu.memref_slice %arg4[%dma_wait3A_86, %dma_wait3A_87, %dma_wait3A_99] : memref<125000x8x64xf32, #tpu.memory_space<hbm>> -> memref<1x1x64xf32, #tpu.memory_space<hbm>>
    %dma_wait3A_101 = tpu.memref_squeeze %dma_wait3A_100 : memref<1x1x64xf32, #tpu.memory_space<hbm>> -> memref<64xf32, #tpu.memory_space<hbm>>
    tpu.wait_dma2 semaphore(%arg11 : memref<!tpu.dma_semaphore, #tpu.memory_space<semaphore_mem>>) src(%dma_wait3A_101 : memref<64xf32, #tpu.memory_space<hbm>>) dst(%dma_wait3A_98 : memref<64xf32, #tpu.memory_space<vmem>>)
    %dma_wait3A_102 = arith.constant 0 : i32
    %dma_wait3A_103 = arith.constant 0 : i32
    %dma_wait3A_104 = arith.constant 0 : i32
    %dma_wait3A_105 = arith.constant 0 : i32
    %dma_wait3A_106 = arith.constant 0 : i32
    %dma_wait3A_107 = tpu.memref_slice %arg10[%dma_wait3A_104, %dma_wait3A_105, %dma_wait3A_106] : memref<64x8x64xf32, #tpu.memory_space<vmem>> -> memref<1x1x64xf32, #tpu.memory_space<vmem>>
    %dma_wait3A_108 = tpu.memref_squeeze %dma_wait3A_107 : memref<1x1x64xf32, #tpu.memory_space<vmem>> -> memref<64xf32, #tpu.memory_space<vmem>>
    %dma_wait3A_109 = arith.constant 0 : i32
    %dma_wait3A_110 = tpu.memref_slice %arg4[%dma_wait3A_102, %dma_wait3A_103, %dma_wait3A_109] : memref<125000x8x64xf32, #tpu.memory_space<hbm>> -> memref<1x1x64xf32, #tpu.memory_space<hbm>>
    %dma_wait3A_111 = tpu.memref_squeeze %dma_wait3A_110 : memref<1x1x64xf32, #tpu.memory_space<hbm>> -> memref<64xf32, #tpu.memory_space<hbm>>
    %dma_wait3A_112 = arith.constant 0 : i32
    %dma_wait3A_113 = tpu.memref_slice %arg10[%dma_wait3A_104, %dma_wait3A_105, %dma_wait3A_112] : memref<64x8x64xf32, #tpu.memory_space<vmem>> -> memref<1x1x64xf32, #tpu.memory_space<vmem>>
    %dma_wait3A_114 = tpu.memref_squeeze %dma_wait3A_113 : memref<1x1x64xf32, #tpu.memory_space<vmem>> -> memref<64xf32, #tpu.memory_space<vmem>>
    %dma_wait3A_115 = arith.constant 0 : i32
    %dma_wait3A_116 = tpu.memref_slice %arg4[%dma_wait3A_102, %dma_wait3A_103, %dma_wait3A_115] : memref<125000x8x64xf32, #tpu.memory_space<hbm>> -> memref<1x1x64xf32, #tpu.memory_space<hbm>>
    %dma_wait3A_117 = tpu.memref_squeeze %dma_wait3A_116 : memref<1x1x64xf32, #tpu.memory_space<hbm>> -> memref<64xf32, #tpu.memory_space<hbm>>
    tpu.wait_dma2 semaphore(%arg11 : memref<!tpu.dma_semaphore, #tpu.memory_space<semaphore_mem>>) src(%dma_wait3A_117 : memref<64xf32, #tpu.memory_space<hbm>>) dst(%dma_wait3A_114 : memref<64xf32, #tpu.memory_space<vmem>>)
    %dma_wait3A_118 = arith.constant 0 : i32
    %dma_wait3A_119 = arith.constant 0 : i32
    %dma_wait3A_120 = arith.constant 0 : i32
    %dma_wait3A_121 = arith.constant 0 : i32
    %dma_wait3A_122 = arith.constant 0 : i32
    %dma_wait3A_123 = tpu.memref_slice %arg10[%dma_wait3A_120, %dma_wait3A_121, %dma_wait3A_122] : memref<64x8x64xf32, #tpu.memory_space<vmem>> -> memref<1x1x64xf32, #tpu.memory_space<vmem>>
    %dma_wait3A_124 = tpu.memref_squeeze %dma_wait3A_123 : memref<1x1x64xf32, #tpu.memory_space<vmem>> -> memref<64xf32, #tpu.memory_space<vmem>>
    %dma_wait3A_125 = arith.constant 0 : i32
    %dma_wait3A_126 = tpu.memref_slice %arg4[%dma_wait3A_118, %dma_wait3A_119, %dma_wait3A_125] : memref<125000x8x64xf32, #tpu.memory_space<hbm>> -> memref<1x1x64xf32, #tpu.memory_space<hbm>>
    %dma_wait3A_127 = tpu.memref_squeeze %dma_wait3A_126 : memref<1x1x64xf32, #tpu.memory_space<hbm>> -> memref<64xf32, #tpu.memory_space<hbm>>
    %dma_wait3A_128 = arith.constant 0 : i32
    %dma_wait3A_129 = tpu.memref_slice %arg10[%dma_wait3A_120, %dma_wait3A_121, %dma_wait3A_128] : memref<64x8x64xf32, #tpu.memory_space<vmem>> -> memref<1x1x64xf32, #tpu.memory_space<vmem>>
    %dma_wait3A_130 = tpu.memref_squeeze %dma_wait3A_129 : memref<1x1x64xf32, #tpu.memory_space<vmem>> -> memref<64xf32, #tpu.memory_space<vmem>>
    %dma_wait3A_131 = arith.constant 0 : i32
    %dma_wait3A_132 = tpu.memref_slice %arg4[%dma_wait3A_118, %dma_wait3A_119, %dma_wait3A_131] : memref<125000x8x64xf32, #tpu.memory_space<hbm>> -> memref<1x1x64xf32, #tpu.memory_space<hbm>>
    %dma_wait3A_133 = tpu.memref_squeeze %dma_wait3A_132 : memref<1x1x64xf32, #tpu.memory_space<hbm>> -> memref<64xf32, #tpu.memory_space<hbm>>
    tpu.wait_dma2 semaphore(%arg11 : memref<!tpu.dma_semaphore, #tpu.memory_space<semaphore_mem>>) src(%dma_wait3A_133 : memref<64xf32, #tpu.memory_space<hbm>>) dst(%dma_wait3A_130 : memref<64xf32, #tpu.memory_space<vmem>>)
    %dma_wait3A_134 = arith.constant 0 : i32
    %dma_wait3A_135 = arith.constant 0 : i32
    %dma_wait3A_136 = arith.constant 0 : i32
    %dma_wait3A_137 = arith.constant 0 : i32
    %dma_wait3A_138 = arith.constant 0 : i32
    %dma_wait3A_139 = tpu.memref_slice %arg10[%dma_wait3A_136, %dma_wait3A_137, %dma_wait3A_138] : memref<64x8x64xf32, #tpu.memory_space<vmem>> -> memref<1x1x64xf32, #tpu.memory_space<vmem>>
    %dma_wait3A_140 = tpu.memref_squeeze %dma_wait3A_139 : memref<1x1x64xf32, #tpu.memory_space<vmem>> -> memref<64xf32, #tpu.memory_space<vmem>>
    %dma_wait3A_141 = arith.constant 0 : i32
    %dma_wait3A_142 = tpu.memref_slice %arg4[%dma_wait3A_134, %dma_wait3A_135, %dma_wait3A_141] : memref<125000x8x64xf32, #tpu.memory_space<hbm>> -> memref<1x1x64xf32, #tpu.memory_space<hbm>>
    %dma_wait3A_143 = tpu.memref_squeeze %dma_wait3A_142 : memref<1x1x64xf32, #tpu.memory_space<hbm>> -> memref<64xf32, #tpu.memory_space<hbm>>
    %dma_wait3A_144 = arith.constant 0 : i32
    %dma_wait3A_145 = tpu.memref_slice %arg10[%dma_wait3A_136, %dma_wait3A_137, %dma_wait3A_144] : memref<64x8x64xf32, #tpu.memory_space<vmem>> -> memref<1x1x64xf32, #tpu.memory_space<vmem>>
    %dma_wait3A_146 = tpu.memref_squeeze %dma_wait3A_145 : memref<1x1x64xf32, #tpu.memory_space<vmem>> -> memref<64xf32, #tpu.memory_space<vmem>>
    %dma_wait3A_147 = arith.constant 0 : i32
    %dma_wait3A_148 = tpu.memref_slice %arg4[%dma_wait3A_134, %dma_wait3A_135, %dma_wait3A_147] : memref<125000x8x64xf32, #tpu.memory_space<hbm>> -> memref<1x1x64xf32, #tpu.memory_space<hbm>>
    %dma_wait3A_149 = tpu.memref_squeeze %dma_wait3A_148 : memref<1x1x64xf32, #tpu.memory_space<hbm>> -> memref<64xf32, #tpu.memory_space<hbm>>
    tpu.wait_dma2 semaphore(%arg11 : memref<!tpu.dma_semaphore, #tpu.memory_space<semaphore_mem>>) src(%dma_wait3A_149 : memref<64xf32, #tpu.memory_space<hbm>>) dst(%dma_wait3A_146 : memref<64xf32, #tpu.memory_space<vmem>>)
    %dma_wait3A_150 = arith.constant 0 : i32
    %dma_wait3A_151 = arith.constant 0 : i32
    %dma_wait3A_152 = arith.constant 0 : i32
    %dma_wait3A_153 = arith.constant 0 : i32
    %dma_wait3A_154 = arith.constant 0 : i32
    %dma_wait3A_155 = tpu.memref_slice %arg10[%dma_wait3A_152, %dma_wait3A_153, %dma_wait3A_154] : memref<64x8x64xf32, #tpu.memory_space<vmem>> -> memref<1x1x64xf32, #tpu.memory_space<vmem>>
    %dma_wait3A_156 = tpu.memref_squeeze %dma_wait3A_155 : memref<1x1x64xf32, #tpu.memory_space<vmem>> -> memref<64xf32, #tpu.memory_space<vmem>>
    %dma_wait3A_157 = arith.constant 0 : i32
    %dma_wait3A_158 = tpu.memref_slice %arg4[%dma_wait3A_150, %dma_wait3A_151, %dma_wait3A_157] : memref<125000x8x64xf32, #tpu.memory_space<hbm>> -> memref<1x1x64xf32, #tpu.memory_space<hbm>>
    %dma_wait3A_159 = tpu.memref_squeeze %dma_wait3A_158 : memref<1x1x64xf32, #tpu.memory_space<hbm>> -> memref<64xf32, #tpu.memory_space<hbm>>
    %dma_wait3A_160 = arith.constant 0 : i32
    %dma_wait3A_161 = tpu.memref_slice %arg10[%dma_wait3A_152, %dma_wait3A_153, %dma_wait3A_160] : memref<64x8x64xf32, #tpu.memory_space<vmem>> -> memref<1x1x64xf32, #tpu.memory_space<vmem>>
    %dma_wait3A_162 = tpu.memref_squeeze %dma_wait3A_161 : memref<1x1x64xf32, #tpu.memory_space<vmem>> -> memref<64xf32, #tpu.memory_space<vmem>>
    %dma_wait3A_163 = arith.constant 0 : i32
    %dma_wait3A_164 = tpu.memref_slice %arg4[%dma_wait3A_150, %dma_wait3A_151, %dma_wait3A_163] : memref<125000x8x64xf32, #tpu.memory_space<hbm>> -> memref<1x1x64xf32, #tpu.memory_space<hbm>>
    %dma_wait3A_165 = tpu.memref_squeeze %dma_wait3A_164 : memref<1x1x64xf32, #tpu.memory_space<hbm>> -> memref<64xf32, #tpu.memory_space<hbm>>
    tpu.wait_dma2 semaphore(%arg11 : memref<!tpu.dma_semaphore, #tpu.memory_space<semaphore_mem>>) src(%dma_wait3A_165 : memref<64xf32, #tpu.memory_space<hbm>>) dst(%dma_wait3A_162 : memref<64xf32, #tpu.memory_space<vmem>>)
    %dma_wait3A_166 = arith.constant 0 : i32
    %dma_wait3A_167 = arith.constant 0 : i32
    %dma_wait3A_168 = arith.constant 0 : i32
    %dma_wait3A_169 = arith.constant 0 : i32
    %dma_wait3A_170 = arith.constant 0 : i32
    %dma_wait3A_171 = tpu.memref_slice %arg10[%dma_wait3A_168, %dma_wait3A_169, %dma_wait3A_170] : memref<64x8x64xf32, #tpu.memory_space<vmem>> -> memref<1x1x64xf32, #tpu.memory_space<vmem>>
    %dma_wait3A_172 = tpu.memref_squeeze %dma_wait3A_171 : memref<1x1x64xf32, #tpu.memory_space<vmem>> -> memref<64xf32, #tpu.memory_space<vmem>>
    %dma_wait3A_173 = arith.constant 0 : i32
    %dma_wait3A_174 = tpu.memref_slice %arg4[%dma_wait3A_166, %dma_wait3A_167, %dma_wait3A_173] : memref<125000x8x64xf32, #tpu.memory_space<hbm>> -> memref<1x1x64xf32, #tpu.memory_space<hbm>>
    %dma_wait3A_175 = tpu.memref_squeeze %dma_wait3A_174 : memref<1x1x64xf32, #tpu.memory_space<hbm>> -> memref<64xf32, #tpu.memory_space<hbm>>
    %dma_wait3A_176 = arith.constant 0 : i32
    %dma_wait3A_177 = tpu.memref_slice %arg10[%dma_wait3A_168, %dma_wait3A_169, %dma_wait3A_176] : memref<64x8x64xf32, #tpu.memory_space<vmem>> -> memref<1x1x64xf32, #tpu.memory_space<vmem>>
    %dma_wait3A_178 = tpu.memref_squeeze %dma_wait3A_177 : memref<1x1x64xf32, #tpu.memory_space<vmem>> -> memref<64xf32, #tpu.memory_space<vmem>>
    %dma_wait3A_179 = arith.constant 0 : i32
    %dma_wait3A_180 = tpu.memref_slice %arg4[%dma_wait3A_166, %dma_wait3A_167, %dma_wait3A_179] : memref<125000x8x64xf32, #tpu.memory_space<hbm>> -> memref<1x1x64xf32, #tpu.memory_space<hbm>>
    %dma_wait3A_181 = tpu.memref_squeeze %dma_wait3A_180 : memref<1x1x64xf32, #tpu.memory_space<hbm>> -> memref<64xf32, #tpu.memory_space<hbm>>
    tpu.wait_dma2 semaphore(%arg11 : memref<!tpu.dma_semaphore, #tpu.memory_space<semaphore_mem>>) src(%dma_wait3A_181 : memref<64xf32, #tpu.memory_space<hbm>>) dst(%dma_wait3A_178 : memref<64xf32, #tpu.memory_space<vmem>>)
    %dma_wait3A_182 = arith.constant 0 : i32
    %dma_wait3A_183 = arith.constant 0 : i32
    %dma_wait3A_184 = arith.constant 0 : i32
    %dma_wait3A_185 = arith.constant 0 : i32
    %dma_wait3A_186 = arith.constant 0 : i32
    %dma_wait3A_187 = tpu.memref_slice %arg10[%dma_wait3A_184, %dma_wait3A_185, %dma_wait3A_186] : memref<64x8x64xf32, #tpu.memory_space<vmem>> -> memref<1x1x64xf32, #tpu.memory_space<vmem>>
    %dma_wait3A_188 = tpu.memref_squeeze %dma_wait3A_187 : memref<1x1x64xf32, #tpu.memory_space<vmem>> -> memref<64xf32, #tpu.memory_space<vmem>>
    %dma_wait3A_189 = arith.constant 0 : i32
    %dma_wait3A_190 = tpu.memref_slice %arg4[%dma_wait3A_182, %dma_wait3A_183, %dma_wait3A_189] : memref<125000x8x64xf32, #tpu.memory_space<hbm>> -> memref<1x1x64xf32, #tpu.memory_space<hbm>>
    %dma_wait3A_191 = tpu.memref_squeeze %dma_wait3A_190 : memref<1x1x64xf32, #tpu.memory_space<hbm>> -> memref<64xf32, #tpu.memory_space<hbm>>
    %dma_wait3A_192 = arith.constant 0 : i32
    %dma_wait3A_193 = tpu.memref_slice %arg10[%dma_wait3A_184, %dma_wait3A_185, %dma_wait3A_192] : memref<64x8x64xf32, #tpu.memory_space<vmem>> -> memref<1x1x64xf32, #tpu.memory_space<vmem>>
    %dma_wait3A_194 = tpu.memref_squeeze %dma_wait3A_193 : memref<1x1x64xf32, #tpu.memory_space<vmem>> -> memref<64xf32, #tpu.memory_space<vmem>>
    %dma_wait3A_195 = arith.constant 0 : i32
    %dma_wait3A_196 = tpu.memref_slice %arg4[%dma_wait3A_182, %dma_wait3A_183, %dma_wait3A_195] : memref<125000x8x64xf32, #tpu.memory_space<hbm>> -> memref<1x1x64xf32, #tpu.memory_space<hbm>>
    %dma_wait3A_197 = tpu.memref_squeeze %dma_wait3A_196 : memref<1x1x64xf32, #tpu.memory_space<hbm>> -> memref<64xf32, #tpu.memory_space<hbm>>
    tpu.wait_dma2 semaphore(%arg11 : memref<!tpu.dma_semaphore, #tpu.memory_space<semaphore_mem>>) src(%dma_wait3A_197 : memref<64xf32, #tpu.memory_space<hbm>>) dst(%dma_wait3A_194 : memref<64xf32, #tpu.memory_space<vmem>>)
    %dma_wait3A_198 = arith.constant 0 : i32
    %dma_wait3A_199 = arith.constant 0 : i32
    %dma_wait3A_200 = arith.constant 0 : i32
    %dma_wait3A_201 = arith.constant 0 : i32
    %dma_wait3A_202 = arith.constant 0 : i32
    %dma_wait3A_203 = tpu.memref_slice %arg10[%dma_wait3A_200, %dma_wait3A_201, %dma_wait3A_202] : memref<64x8x64xf32, #tpu.memory_space<vmem>> -> memref<1x1x64xf32, #tpu.memory_space<vmem>>
    %dma_wait3A_204 = tpu.memref_squeeze %dma_wait3A_203 : memref<1x1x64xf32, #tpu.memory_space<vmem>> -> memref<64xf32, #tpu.memory_space<vmem>>
    %dma_wait3A_205 = arith.constant 0 : i32
    %dma_wait3A_206 = tpu.memref_slice %arg4[%dma_wait3A_198, %dma_wait3A_199, %dma_wait3A_205] : memref<125000x8x64xf32, #tpu.memory_space<hbm>> -> memref<1x1x64xf32, #tpu.memory_space<hbm>>
    %dma_wait3A_207 = tpu.memref_squeeze %dma_wait3A_206 : memref<1x1x64xf32, #tpu.memory_space<hbm>> -> memref<64xf32, #tpu.memory_space<hbm>>
    %dma_wait3A_208 = arith.constant 0 : i32
    %dma_wait3A_209 = tpu.memref_slice %arg10[%dma_wait3A_200, %dma_wait3A_201, %dma_wait3A_208] : memref<64x8x64xf32, #tpu.memory_space<vmem>> -> memref<1x1x64xf32, #tpu.memory_space<vmem>>
    %dma_wait3A_210 = tpu.memref_squeeze %dma_wait3A_209 : memref<1x1x64xf32, #tpu.memory_space<vmem>> -> memref<64xf32, #tpu.memory_space<vmem>>
    %dma_wait3A_211 = arith.constant 0 : i32
    %dma_wait3A_212 = tpu.memref_slice %arg4[%dma_wait3A_198, %dma_wait3A_199, %dma_wait3A_211] : memref<125000x8x64xf32, #tpu.memory_space<hbm>> -> memref<1x1x64xf32, #tpu.memory_space<hbm>>
    %dma_wait3A_213 = tpu.memref_squeeze %dma_wait3A_212 : memref<1x1x64xf32, #tpu.memory_space<hbm>> -> memref<64xf32, #tpu.memory_space<hbm>>
    tpu.wait_dma2 semaphore(%arg11 : memref<!tpu.dma_semaphore, #tpu.memory_space<semaphore_mem>>) src(%dma_wait3A_213 : memref<64xf32, #tpu.memory_space<hbm>>) dst(%dma_wait3A_210 : memref<64xf32, #tpu.memory_space<vmem>>)
    %dma_wait3A_214 = arith.constant 0 : i32
    %dma_wait3A_215 = arith.constant 0 : i32
    %dma_wait3A_216 = arith.constant 0 : i32
    %dma_wait3A_217 = arith.constant 0 : i32
    %dma_wait3A_218 = arith.constant 0 : i32
    %dma_wait3A_219 = tpu.memref_slice %arg10[%dma_wait3A_216, %dma_wait3A_217, %dma_wait3A_218] : memref<64x8x64xf32, #tpu.memory_space<vmem>> -> memref<1x1x64xf32, #tpu.memory_space<vmem>>
    %dma_wait3A_220 = tpu.memref_squeeze %dma_wait3A_219 : memref<1x1x64xf32, #tpu.memory_space<vmem>> -> memref<64xf32, #tpu.memory_space<vmem>>
    %dma_wait3A_221 = arith.constant 0 : i32
    %dma_wait3A_222 = tpu.memref_slice %arg4[%dma_wait3A_214, %dma_wait3A_215, %dma_wait3A_221] : memref<125000x8x64xf32, #tpu.memory_space<hbm>> -> memref<1x1x64xf32, #tpu.memory_space<hbm>>
    %dma_wait3A_223 = tpu.memref_squeeze %dma_wait3A_222 : memref<1x1x64xf32, #tpu.memory_space<hbm>> -> memref<64xf32, #tpu.memory_space<hbm>>
    %dma_wait3A_224 = arith.constant 0 : i32
    %dma_wait3A_225 = tpu.memref_slice %arg10[%dma_wait3A_216, %dma_wait3A_217, %dma_wait3A_224] : memref<64x8x64xf32, #tpu.memory_space<vmem>> -> memref<1x1x64xf32, #tpu.memory_space<vmem>>
    %dma_wait3A_226 = tpu.memref_squeeze %dma_wait3A_225 : memref<1x1x64xf32, #tpu.memory_space<vmem>> -> memref<64xf32, #tpu.memory_space<vmem>>
    %dma_wait3A_227 = arith.constant 0 : i32
    %dma_wait3A_228 = tpu.memref_slice %arg4[%dma_wait3A_214, %dma_wait3A_215, %dma_wait3A_227] : memref<125000x8x64xf32, #tpu.memory_space<hbm>> -> memref<1x1x64xf32, #tpu.memory_space<hbm>>
    %dma_wait3A_229 = tpu.memref_squeeze %dma_wait3A_228 : memref<1x1x64xf32, #tpu.memory_space<hbm>> -> memref<64xf32, #tpu.memory_space<hbm>>
    tpu.wait_dma2 semaphore(%arg11 : memref<!tpu.dma_semaphore, #tpu.memory_space<semaphore_mem>>) src(%dma_wait3A_229 : memref<64xf32, #tpu.memory_space<hbm>>) dst(%dma_wait3A_226 : memref<64xf32, #tpu.memory_space<vmem>>)
    %dma_wait3A_230 = arith.constant 0 : i32
    %dma_wait3A_231 = arith.constant 0 : i32
    %dma_wait3A_232 = arith.constant 0 : i32
    %dma_wait3A_233 = arith.constant 0 : i32
    %dma_wait3A_234 = arith.constant 0 : i32
    %dma_wait3A_235 = tpu.memref_slice %arg10[%dma_wait3A_232, %dma_wait3A_233, %dma_wait3A_234] : memref<64x8x64xf32, #tpu.memory_space<vmem>> -> memref<1x1x64xf32, #tpu.memory_space<vmem>>
    %dma_wait3A_236 = tpu.memref_squeeze %dma_wait3A_235 : memref<1x1x64xf32, #tpu.memory_space<vmem>> -> memref<64xf32, #tpu.memory_space<vmem>>
    %dma_wait3A_237 = arith.constant 0 : i32
    %dma_wait3A_238 = tpu.memref_slice %arg4[%dma_wait3A_230, %dma_wait3A_231, %dma_wait3A_237] : memref<125000x8x64xf32, #tpu.memory_space<hbm>> -> memref<1x1x64xf32, #tpu.memory_space<hbm>>
    %dma_wait3A_239 = tpu.memref_squeeze %dma_wait3A_238 : memref<1x1x64xf32, #tpu.memory_space<hbm>> -> memref<64xf32, #tpu.memory_space<hbm>>
    %dma_wait3A_240 = arith.constant 0 : i32
    %dma_wait3A_241 = tpu.memref_slice %arg10[%dma_wait3A_232, %dma_wait3A_233, %dma_wait3A_240] : memref<64x8x64xf32, #tpu.memory_space<vmem>> -> memref<1x1x64xf32, #tpu.memory_space<vmem>>
    %dma_wait3A_242 = tpu.memref_squeeze %dma_wait3A_241 : memref<1x1x64xf32, #tpu.memory_space<vmem>> -> memref<64xf32, #tpu.memory_space<vmem>>
    %dma_wait3A_243 = arith.constant 0 : i32
    %dma_wait3A_244 = tpu.memref_slice %arg4[%dma_wait3A_230, %dma_wait3A_231, %dma_wait3A_243] : memref<125000x8x64xf32, #tpu.memory_space<hbm>> -> memref<1x1x64xf32, #tpu.memory_space<hbm>>
    %dma_wait3A_245 = tpu.memref_squeeze %dma_wait3A_244 : memref<1x1x64xf32, #tpu.memory_space<hbm>> -> memref<64xf32, #tpu.memory_space<hbm>>
    tpu.wait_dma2 semaphore(%arg11 : memref<!tpu.dma_semaphore, #tpu.memory_space<semaphore_mem>>) src(%dma_wait3A_245 : memref<64xf32, #tpu.memory_space<hbm>>) dst(%dma_wait3A_242 : memref<64xf32, #tpu.memory_space<vmem>>)
    %dma_wait3A_246 = arith.constant 0 : i32
    %dma_wait3A_247 = arith.constant 0 : i32
    %dma_wait3A_248 = arith.constant 0 : i32
    %dma_wait3A_249 = arith.constant 0 : i32
    %dma_wait3A_250 = arith.constant 0 : i32
    %dma_wait3A_251 = tpu.memref_slice %arg10[%dma_wait3A_248, %dma_wait3A_249, %dma_wait3A_250] : memref<64x8x64xf32, #tpu.memory_space<vmem>> -> memref<1x1x64xf32, #tpu.memory_space<vmem>>
    %dma_wait3A_252 = tpu.memref_squeeze %dma_wait3A_251 : memref<1x1x64xf32, #tpu.memory_space<vmem>> -> memref<64xf32, #tpu.memory_space<vmem>>
    %dma_wait3A_253 = arith.constant 0 : i32
    %dma_wait3A_254 = tpu.memref_slice %arg4[%dma_wait3A_246, %dma_wait3A_247, %dma_wait3A_253] : memref<125000x8x64xf32, #tpu.memory_space<hbm>> -> memref<1x1x64xf32, #tpu.memory_space<hbm>>
    %dma_wait3A_255 = tpu.memref_squeeze %dma_wait3A_254 : memref<1x1x64xf32, #tpu.memory_space<hbm>> -> memref<64xf32, #tpu.memory_space<hbm>>
    %dma_wait3A_256 = arith.constant 0 : i32
    %dma_wait3A_257 = tpu.memref_slice %arg10[%dma_wait3A_248, %dma_wait3A_249, %dma_wait3A_256] : memref<64x8x64xf32, #tpu.memory_space<vmem>> -> memref<1x1x64xf32, #tpu.memory_space<vmem>>
    %dma_wait3A_258 = tpu.memref_squeeze %dma_wait3A_257 : memref<1x1x64xf32, #tpu.memory_space<vmem>> -> memref<64xf32, #tpu.memory_space<vmem>>
    %dma_wait3A_259 = arith.constant 0 : i32
    %dma_wait3A_260 = tpu.memref_slice %arg4[%dma_wait3A_246, %dma_wait3A_247, %dma_wait3A_259] : memref<125000x8x64xf32, #tpu.memory_space<hbm>> -> memref<1x1x64xf32, #tpu.memory_space<hbm>>
    %dma_wait3A_261 = tpu.memref_squeeze %dma_wait3A_260 : memref<1x1x64xf32, #tpu.memory_space<hbm>> -> memref<64xf32, #tpu.memory_space<hbm>>
    tpu.wait_dma2 semaphore(%arg11 : memref<!tpu.dma_semaphore, #tpu.memory_space<semaphore_mem>>) src(%dma_wait3A_261 : memref<64xf32, #tpu.memory_space<hbm>>) dst(%dma_wait3A_258 : memref<64xf32, #tpu.memory_space<vmem>>)
    %dma_wait3A_262 = arith.constant 0 : i32
    %dma_wait3A_263 = arith.constant 0 : i32
    %dma_wait3A_264 = arith.constant 0 : i32
    %dma_wait3A_265 = arith.constant 0 : i32
    %dma_wait3A_266 = arith.constant 0 : i32
    %dma_wait3A_267 = tpu.memref_slice %arg10[%dma_wait3A_264, %dma_wait3A_265, %dma_wait3A_266] : memref<64x8x64xf32, #tpu.memory_space<vmem>> -> memref<1x1x64xf32, #tpu.memory_space<vmem>>
    %dma_wait3A_268 = tpu.memref_squeeze %dma_wait3A_267 : memref<1x1x64xf32, #tpu.memory_space<vmem>> -> memref<64xf32, #tpu.memory_space<vmem>>
    %dma_wait3A_269 = arith.constant 0 : i32
    %dma_wait3A_270 = tpu.memref_slice %arg5[%dma_wait3A_262, %dma_wait3A_263, %dma_wait3A_269] : memref<12500x8x64xf32, #tpu.memory_space<hbm>> -> memref<1x1x64xf32, #tpu.memory_space<hbm>>
    %dma_wait3A_271 = tpu.memref_squeeze %dma_wait3A_270 : memref<1x1x64xf32, #tpu.memory_space<hbm>> -> memref<64xf32, #tpu.memory_space<hbm>>
    %dma_wait3A_272 = arith.constant 0 : i32
    %dma_wait3A_273 = tpu.memref_slice %arg10[%dma_wait3A_264, %dma_wait3A_265, %dma_wait3A_272] : memref<64x8x64xf32, #tpu.memory_space<vmem>> -> memref<1x1x64xf32, #tpu.memory_space<vmem>>
    %dma_wait3A_274 = tpu.memref_squeeze %dma_wait3A_273 : memref<1x1x64xf32, #tpu.memory_space<vmem>> -> memref<64xf32, #tpu.memory_space<vmem>>
    %dma_wait3A_275 = arith.constant 0 : i32
    %dma_wait3A_276 = tpu.memref_slice %arg5[%dma_wait3A_262, %dma_wait3A_263, %dma_wait3A_275] : memref<12500x8x64xf32, #tpu.memory_space<hbm>> -> memref<1x1x64xf32, #tpu.memory_space<hbm>>
    %dma_wait3A_277 = tpu.memref_squeeze %dma_wait3A_276 : memref<1x1x64xf32, #tpu.memory_space<hbm>> -> memref<64xf32, #tpu.memory_space<hbm>>
    tpu.wait_dma2 semaphore(%arg12 : memref<!tpu.dma_semaphore, #tpu.memory_space<semaphore_mem>>) src(%dma_wait3A_277 : memref<64xf32, #tpu.memory_space<hbm>>) dst(%dma_wait3A_274 : memref<64xf32, #tpu.memory_space<vmem>>)
    %dma_wait3A_278 = arith.constant 0 : i32
    %dma_wait3A_279 = arith.constant 0 : i32
    %dma_wait3A_280 = arith.constant 0 : i32
    %dma_wait3A_281 = arith.constant 0 : i32
    %dma_wait3A_282 = arith.constant 0 : i32
    %dma_wait3A_283 = tpu.memref_slice %arg10[%dma_wait3A_280, %dma_wait3A_281, %dma_wait3A_282] : memref<64x8x64xf32, #tpu.memory_space<vmem>> -> memref<1x1x64xf32, #tpu.memory_space<vmem>>
    %dma_wait3A_284 = tpu.memref_squeeze %dma_wait3A_283 : memref<1x1x64xf32, #tpu.memory_space<vmem>> -> memref<64xf32, #tpu.memory_space<vmem>>
    %dma_wait3A_285 = arith.constant 0 : i32
    %dma_wait3A_286 = tpu.memref_slice %arg5[%dma_wait3A_278, %dma_wait3A_279, %dma_wait3A_285] : memref<12500x8x64xf32, #tpu.memory_space<hbm>> -> memref<1x1x64xf32, #tpu.memory_space<hbm>>
    %dma_wait3A_287 = tpu.memref_squeeze %dma_wait3A_286 : memref<1x1x64xf32, #tpu.memory_space<hbm>> -> memref<64xf32, #tpu.memory_space<hbm>>
    %dma_wait3A_288 = arith.constant 0 : i32
    %dma_wait3A_289 = tpu.memref_slice %arg10[%dma_wait3A_280, %dma_wait3A_281, %dma_wait3A_288] : memref<64x8x64xf32, #tpu.memory_space<vmem>> -> memref<1x1x64xf32, #tpu.memory_space<vmem>>
    %dma_wait3A_290 = tpu.memref_squeeze %dma_wait3A_289 : memref<1x1x64xf32, #tpu.memory_space<vmem>> -> memref<64xf32, #tpu.memory_space<vmem>>
    %dma_wait3A_291 = arith.constant 0 : i32
    %dma_wait3A_292 = tpu.memref_slice %arg5[%dma_wait3A_278, %dma_wait3A_279, %dma_wait3A_291] : memref<12500x8x64xf32, #tpu.memory_space<hbm>> -> memref<1x1x64xf32, #tpu.memory_space<hbm>>
    %dma_wait3A_293 = tpu.memref_squeeze %dma_wait3A_292 : memref<1x1x64xf32, #tpu.memory_space<hbm>> -> memref<64xf32, #tpu.memory_space<hbm>>
    tpu.wait_dma2 semaphore(%arg12 : memref<!tpu.dma_semaphore, #tpu.memory_space<semaphore_mem>>) src(%dma_wait3A_293 : memref<64xf32, #tpu.memory_space<hbm>>) dst(%dma_wait3A_290 : memref<64xf32, #tpu.memory_space<vmem>>)
    %dma_wait3A_294 = arith.constant 0 : i32
    %dma_wait3A_295 = arith.constant 0 : i32
    %dma_wait3A_296 = arith.constant 0 : i32
    %dma_wait3A_297 = arith.constant 0 : i32
    %dma_wait3A_298 = arith.constant 0 : i32
    %dma_wait3A_299 = tpu.memref_slice %arg10[%dma_wait3A_296, %dma_wait3A_297, %dma_wait3A_298] : memref<64x8x64xf32, #tpu.memory_space<vmem>> -> memref<1x1x64xf32, #tpu.memory_space<vmem>>
    %dma_wait3A_300 = tpu.memref_squeeze %dma_wait3A_299 : memref<1x1x64xf32, #tpu.memory_space<vmem>> -> memref<64xf32, #tpu.memory_space<vmem>>
    %dma_wait3A_301 = arith.constant 0 : i32
    %dma_wait3A_302 = tpu.memref_slice %arg5[%dma_wait3A_294, %dma_wait3A_295, %dma_wait3A_301] : memref<12500x8x64xf32, #tpu.memory_space<hbm>> -> memref<1x1x64xf32, #tpu.memory_space<hbm>>
    %dma_wait3A_303 = tpu.memref_squeeze %dma_wait3A_302 : memref<1x1x64xf32, #tpu.memory_space<hbm>> -> memref<64xf32, #tpu.memory_space<hbm>>
    %dma_wait3A_304 = arith.constant 0 : i32
    %dma_wait3A_305 = tpu.memref_slice %arg10[%dma_wait3A_296, %dma_wait3A_297, %dma_wait3A_304] : memref<64x8x64xf32, #tpu.memory_space<vmem>> -> memref<1x1x64xf32, #tpu.memory_space<vmem>>
    %dma_wait3A_306 = tpu.memref_squeeze %dma_wait3A_305 : memref<1x1x64xf32, #tpu.memory_space<vmem>> -> memref<64xf32, #tpu.memory_space<vmem>>
    %dma_wait3A_307 = arith.constant 0 : i32
    %dma_wait3A_308 = tpu.memref_slice %arg5[%dma_wait3A_294, %dma_wait3A_295, %dma_wait3A_307] : memref<12500x8x64xf32, #tpu.memory_space<hbm>> -> memref<1x1x64xf32, #tpu.memory_space<hbm>>
    %dma_wait3A_309 = tpu.memref_squeeze %dma_wait3A_308 : memref<1x1x64xf32, #tpu.memory_space<hbm>> -> memref<64xf32, #tpu.memory_space<hbm>>
    tpu.wait_dma2 semaphore(%arg12 : memref<!tpu.dma_semaphore, #tpu.memory_space<semaphore_mem>>) src(%dma_wait3A_309 : memref<64xf32, #tpu.memory_space<hbm>>) dst(%dma_wait3A_306 : memref<64xf32, #tpu.memory_space<vmem>>)
    %dma_wait3A_310 = arith.constant 0 : i32
    %dma_wait3A_311 = arith.constant 0 : i32
    %dma_wait3A_312 = arith.constant 0 : i32
    %dma_wait3A_313 = arith.constant 0 : i32
    %dma_wait3A_314 = arith.constant 0 : i32
    %dma_wait3A_315 = tpu.memref_slice %arg10[%dma_wait3A_312, %dma_wait3A_313, %dma_wait3A_314] : memref<64x8x64xf32, #tpu.memory_space<vmem>> -> memref<1x1x64xf32, #tpu.memory_space<vmem>>
    %dma_wait3A_316 = tpu.memref_squeeze %dma_wait3A_315 : memref<1x1x64xf32, #tpu.memory_space<vmem>> -> memref<64xf32, #tpu.memory_space<vmem>>
    %dma_wait3A_317 = arith.constant 0 : i32
    %dma_wait3A_318 = tpu.memref_slice %arg5[%dma_wait3A_310, %dma_wait3A_311, %dma_wait3A_317] : memref<12500x8x64xf32, #tpu.memory_space<hbm>> -> memref<1x1x64xf32, #tpu.memory_space<hbm>>
    %dma_wait3A_319 = tpu.memref_squeeze %dma_wait3A_318 : memref<1x1x64xf32, #tpu.memory_space<hbm>> -> memref<64xf32, #tpu.memory_space<hbm>>
    %dma_wait3A_320 = arith.constant 0 : i32
    %dma_wait3A_321 = tpu.memref_slice %arg10[%dma_wait3A_312, %dma_wait3A_313, %dma_wait3A_320] : memref<64x8x64xf32, #tpu.memory_space<vmem>> -> memref<1x1x64xf32, #tpu.memory_space<vmem>>
    %dma_wait3A_322 = tpu.memref_squeeze %dma_wait3A_321 : memref<1x1x64xf32, #tpu.memory_space<vmem>> -> memref<64xf32, #tpu.memory_space<vmem>>
    %dma_wait3A_323 = arith.constant 0 : i32
    %dma_wait3A_324 = tpu.memref_slice %arg5[%dma_wait3A_310, %dma_wait3A_311, %dma_wait3A_323] : memref<12500x8x64xf32, #tpu.memory_space<hbm>> -> memref<1x1x64xf32, #tpu.memory_space<hbm>>
    %dma_wait3A_325 = tpu.memref_squeeze %dma_wait3A_324 : memref<1x1x64xf32, #tpu.memory_space<hbm>> -> memref<64xf32, #tpu.memory_space<hbm>>
    tpu.wait_dma2 semaphore(%arg12 : memref<!tpu.dma_semaphore, #tpu.memory_space<semaphore_mem>>) src(%dma_wait3A_325 : memref<64xf32, #tpu.memory_space<hbm>>) dst(%dma_wait3A_322 : memref<64xf32, #tpu.memory_space<vmem>>)
    %dma_wait3A_326 = arith.constant 0 : i32
    %dma_wait3A_327 = arith.constant 0 : i32
    %dma_wait3A_328 = arith.constant 0 : i32
    %dma_wait3A_329 = arith.constant 0 : i32
    %dma_wait3A_330 = arith.constant 0 : i32
    %dma_wait3A_331 = tpu.memref_slice %arg10[%dma_wait3A_328, %dma_wait3A_329, %dma_wait3A_330] : memref<64x8x64xf32, #tpu.memory_space<vmem>> -> memref<1x1x64xf32, #tpu.memory_space<vmem>>
    %dma_wait3A_332 = tpu.memref_squeeze %dma_wait3A_331 : memref<1x1x64xf32, #tpu.memory_space<vmem>> -> memref<64xf32, #tpu.memory_space<vmem>>
    %dma_wait3A_333 = arith.constant 0 : i32
    %dma_wait3A_334 = tpu.memref_slice %arg5[%dma_wait3A_326, %dma_wait3A_327, %dma_wait3A_333] : memref<12500x8x64xf32, #tpu.memory_space<hbm>> -> memref<1x1x64xf32, #tpu.memory_space<hbm>>
    %dma_wait3A_335 = tpu.memref_squeeze %dma_wait3A_334 : memref<1x1x64xf32, #tpu.memory_space<hbm>> -> memref<64xf32, #tpu.memory_space<hbm>>
    %dma_wait3A_336 = arith.constant 0 : i32
    %dma_wait3A_337 = tpu.memref_slice %arg10[%dma_wait3A_328, %dma_wait3A_329, %dma_wait3A_336] : memref<64x8x64xf32, #tpu.memory_space<vmem>> -> memref<1x1x64xf32, #tpu.memory_space<vmem>>
    %dma_wait3A_338 = tpu.memref_squeeze %dma_wait3A_337 : memref<1x1x64xf32, #tpu.memory_space<vmem>> -> memref<64xf32, #tpu.memory_space<vmem>>
    %dma_wait3A_339 = arith.constant 0 : i32
    %dma_wait3A_340 = tpu.memref_slice %arg5[%dma_wait3A_326, %dma_wait3A_327, %dma_wait3A_339] : memref<12500x8x64xf32, #tpu.memory_space<hbm>> -> memref<1x1x64xf32, #tpu.memory_space<hbm>>
    %dma_wait3A_341 = tpu.memref_squeeze %dma_wait3A_340 : memref<1x1x64xf32, #tpu.memory_space<hbm>> -> memref<64xf32, #tpu.memory_space<hbm>>
    tpu.wait_dma2 semaphore(%arg12 : memref<!tpu.dma_semaphore, #tpu.memory_space<semaphore_mem>>) src(%dma_wait3A_341 : memref<64xf32, #tpu.memory_space<hbm>>) dst(%dma_wait3A_338 : memref<64xf32, #tpu.memory_space<vmem>>)
    %dma_wait3A_342 = arith.constant 0 : i32
    %dma_wait3A_343 = arith.constant 0 : i32
    %dma_wait3A_344 = arith.constant 0 : i32
    %dma_wait3A_345 = arith.constant 0 : i32
    %dma_wait3A_346 = arith.constant 0 : i32
    %dma_wait3A_347 = tpu.memref_slice %arg10[%dma_wait3A_344, %dma_wait3A_345, %dma_wait3A_346] : memref<64x8x64xf32, #tpu.memory_space<vmem>> -> memref<1x1x64xf32, #tpu.memory_space<vmem>>
    %dma_wait3A_348 = tpu.memref_squeeze %dma_wait3A_347 : memref<1x1x64xf32, #tpu.memory_space<vmem>> -> memref<64xf32, #tpu.memory_space<vmem>>
    %dma_wait3A_349 = arith.constant 0 : i32
    %dma_wait3A_350 = tpu.memref_slice %arg5[%dma_wait3A_342, %dma_wait3A_343, %dma_wait3A_349] : memref<12500x8x64xf32, #tpu.memory_space<hbm>> -> memref<1x1x64xf32, #tpu.memory_space<hbm>>
    %dma_wait3A_351 = tpu.memref_squeeze %dma_wait3A_350 : memref<1x1x64xf32, #tpu.memory_space<hbm>> -> memref<64xf32, #tpu.memory_space<hbm>>
    %dma_wait3A_352 = arith.constant 0 : i32
    %dma_wait3A_353 = tpu.memref_slice %arg10[%dma_wait3A_344, %dma_wait3A_345, %dma_wait3A_352] : memref<64x8x64xf32, #tpu.memory_space<vmem>> -> memref<1x1x64xf32, #tpu.memory_space<vmem>>
    %dma_wait3A_354 = tpu.memref_squeeze %dma_wait3A_353 : memref<1x1x64xf32, #tpu.memory_space<vmem>> -> memref<64xf32, #tpu.memory_space<vmem>>
    %dma_wait3A_355 = arith.constant 0 : i32
    %dma_wait3A_356 = tpu.memref_slice %arg5[%dma_wait3A_342, %dma_wait3A_343, %dma_wait3A_355] : memref<12500x8x64xf32, #tpu.memory_space<hbm>> -> memref<1x1x64xf32, #tpu.memory_space<hbm>>
    %dma_wait3A_357 = tpu.memref_squeeze %dma_wait3A_356 : memref<1x1x64xf32, #tpu.memory_space<hbm>> -> memref<64xf32, #tpu.memory_space<hbm>>
    tpu.wait_dma2 semaphore(%arg12 : memref<!tpu.dma_semaphore, #tpu.memory_space<semaphore_mem>>) src(%dma_wait3A_357 : memref<64xf32, #tpu.memory_space<hbm>>) dst(%dma_wait3A_354 : memref<64xf32, #tpu.memory_space<vmem>>)
    %dma_wait3A_358 = arith.constant 0 : i32
    %dma_wait3A_359 = arith.constant 0 : i32
    %dma_wait3A_360 = arith.constant 0 : i32
    %dma_wait3A_361 = arith.constant 0 : i32
    %dma_wait3A_362 = arith.constant 0 : i32
    %dma_wait3A_363 = tpu.memref_slice %arg10[%dma_wait3A_360, %dma_wait3A_361, %dma_wait3A_362] : memref<64x8x64xf32, #tpu.memory_space<vmem>> -> memref<1x1x64xf32, #tpu.memory_space<vmem>>
    %dma_wait3A_364 = tpu.memref_squeeze %dma_wait3A_363 : memref<1x1x64xf32, #tpu.memory_space<vmem>> -> memref<64xf32, #tpu.memory_space<vmem>>
    %dma_wait3A_365 = arith.constant 0 : i32
    %dma_wait3A_366 = tpu.memref_slice %arg5[%dma_wait3A_358, %dma_wait3A_359, %dma_wait3A_365] : memref<12500x8x64xf32, #tpu.memory_space<hbm>> -> memref<1x1x64xf32, #tpu.memory_space<hbm>>
    %dma_wait3A_367 = tpu.memref_squeeze %dma_wait3A_366 : memref<1x1x64xf32, #tpu.memory_space<hbm>> -> memref<64xf32, #tpu.memory_space<hbm>>
    %dma_wait3A_368 = arith.constant 0 : i32
    %dma_wait3A_369 = tpu.memref_slice %arg10[%dma_wait3A_360, %dma_wait3A_361, %dma_wait3A_368] : memref<64x8x64xf32, #tpu.memory_space<vmem>> -> memref<1x1x64xf32, #tpu.memory_space<vmem>>
    %dma_wait3A_370 = tpu.memref_squeeze %dma_wait3A_369 : memref<1x1x64xf32, #tpu.memory_space<vmem>> -> memref<64xf32, #tpu.memory_space<vmem>>
    %dma_wait3A_371 = arith.constant 0 : i32
    %dma_wait3A_372 = tpu.memref_slice %arg5[%dma_wait3A_358, %dma_wait3A_359, %dma_wait3A_371] : memref<12500x8x64xf32, #tpu.memory_space<hbm>> -> memref<1x1x64xf32, #tpu.memory_space<hbm>>
    %dma_wait3A_373 = tpu.memref_squeeze %dma_wait3A_372 : memref<1x1x64xf32, #tpu.memory_space<hbm>> -> memref<64xf32, #tpu.memory_space<hbm>>
    tpu.wait_dma2 semaphore(%arg12 : memref<!tpu.dma_semaphore, #tpu.memory_space<semaphore_mem>>) src(%dma_wait3A_373 : memref<64xf32, #tpu.memory_space<hbm>>) dst(%dma_wait3A_370 : memref<64xf32, #tpu.memory_space<vmem>>)
    %dma_wait3A_374 = arith.constant 0 : i32
    %dma_wait3A_375 = arith.constant 0 : i32
    %dma_wait3A_376 = arith.constant 0 : i32
    %dma_wait3A_377 = arith.constant 0 : i32
    %dma_wait3A_378 = arith.constant 0 : i32
    %dma_wait3A_379 = tpu.memref_slice %arg10[%dma_wait3A_376, %dma_wait3A_377, %dma_wait3A_378] : memref<64x8x64xf32, #tpu.memory_space<vmem>> -> memref<1x1x64xf32, #tpu.memory_space<vmem>>
    %dma_wait3A_380 = tpu.memref_squeeze %dma_wait3A_379 : memref<1x1x64xf32, #tpu.memory_space<vmem>> -> memref<64xf32, #tpu.memory_space<vmem>>
    %dma_wait3A_381 = arith.constant 0 : i32
    %dma_wait3A_382 = tpu.memref_slice %arg5[%dma_wait3A_374, %dma_wait3A_375, %dma_wait3A_381] : memref<12500x8x64xf32, #tpu.memory_space<hbm>> -> memref<1x1x64xf32, #tpu.memory_space<hbm>>
    %dma_wait3A_383 = tpu.memref_squeeze %dma_wait3A_382 : memref<1x1x64xf32, #tpu.memory_space<hbm>> -> memref<64xf32, #tpu.memory_space<hbm>>
    %dma_wait3A_384 = arith.constant 0 : i32
    %dma_wait3A_385 = tpu.memref_slice %arg10[%dma_wait3A_376, %dma_wait3A_377, %dma_wait3A_384] : memref<64x8x64xf32, #tpu.memory_space<vmem>> -> memref<1x1x64xf32, #tpu.memory_space<vmem>>
    %dma_wait3A_386 = tpu.memref_squeeze %dma_wait3A_385 : memref<1x1x64xf32, #tpu.memory_space<vmem>> -> memref<64xf32, #tpu.memory_space<vmem>>
    %dma_wait3A_387 = arith.constant 0 : i32
    %dma_wait3A_388 = tpu.memref_slice %arg5[%dma_wait3A_374, %dma_wait3A_375, %dma_wait3A_387] : memref<12500x8x64xf32, #tpu.memory_space<hbm>> -> memref<1x1x64xf32, #tpu.memory_space<hbm>>
    %dma_wait3A_389 = tpu.memref_squeeze %dma_wait3A_388 : memref<1x1x64xf32, #tpu.memory_space<hbm>> -> memref<64xf32, #tpu.memory_space<hbm>>
    tpu.wait_dma2 semaphore(%arg12 : memref<!tpu.dma_semaphore, #tpu.memory_space<semaphore_mem>>) src(%dma_wait3A_389 : memref<64xf32, #tpu.memory_space<hbm>>) dst(%dma_wait3A_386 : memref<64xf32, #tpu.memory_space<vmem>>)
    %dma_wait3A_390 = arith.constant 0 : i32
    %dma_wait3A_391 = arith.constant 0 : i32
    %dma_wait3A_392 = arith.constant 0 : i32
    %dma_wait3A_393 = arith.constant 0 : i32
    %dma_wait3A_394 = arith.constant 0 : i32
    %dma_wait3A_395 = tpu.memref_slice %arg10[%dma_wait3A_392, %dma_wait3A_393, %dma_wait3A_394] : memref<64x8x64xf32, #tpu.memory_space<vmem>> -> memref<1x1x64xf32, #tpu.memory_space<vmem>>
    %dma_wait3A_396 = tpu.memref_squeeze %dma_wait3A_395 : memref<1x1x64xf32, #tpu.memory_space<vmem>> -> memref<64xf32, #tpu.memory_space<vmem>>
    %dma_wait3A_397 = arith.constant 0 : i32
    %dma_wait3A_398 = tpu.memref_slice %arg5[%dma_wait3A_390, %dma_wait3A_391, %dma_wait3A_397] : memref<12500x8x64xf32, #tpu.memory_space<hbm>> -> memref<1x1x64xf32, #tpu.memory_space<hbm>>
    %dma_wait3A_399 = tpu.memref_squeeze %dma_wait3A_398 : memref<1x1x64xf32, #tpu.memory_space<hbm>> -> memref<64xf32, #tpu.memory_space<hbm>>
    %dma_wait3A_400 = arith.constant 0 : i32
    %dma_wait3A_401 = tpu.memref_slice %arg10[%dma_wait3A_392, %dma_wait3A_393, %dma_wait3A_400] : memref<64x8x64xf32, #tpu.memory_space<vmem>> -> memref<1x1x64xf32, #tpu.memory_space<vmem>>
    %dma_wait3A_402 = tpu.memref_squeeze %dma_wait3A_401 : memref<1x1x64xf32, #tpu.memory_space<vmem>> -> memref<64xf32, #tpu.memory_space<vmem>>
    %dma_wait3A_403 = arith.constant 0 : i32
    %dma_wait3A_404 = tpu.memref_slice %arg5[%dma_wait3A_390, %dma_wait3A_391, %dma_wait3A_403] : memref<12500x8x64xf32, #tpu.memory_space<hbm>> -> memref<1x1x64xf32, #tpu.memory_space<hbm>>
    %dma_wait3A_405 = tpu.memref_squeeze %dma_wait3A_404 : memref<1x1x64xf32, #tpu.memory_space<hbm>> -> memref<64xf32, #tpu.memory_space<hbm>>
    tpu.wait_dma2 semaphore(%arg12 : memref<!tpu.dma_semaphore, #tpu.memory_space<semaphore_mem>>) src(%dma_wait3A_405 : memref<64xf32, #tpu.memory_space<hbm>>) dst(%dma_wait3A_402 : memref<64xf32, #tpu.memory_space<vmem>>)
    %dma_wait3A_406 = arith.constant 0 : i32
    %dma_wait3A_407 = arith.constant 0 : i32
    %dma_wait3A_408 = arith.constant 0 : i32
    %dma_wait3A_409 = arith.constant 0 : i32
    %dma_wait3A_410 = arith.constant 0 : i32
    %dma_wait3A_411 = tpu.memref_slice %arg10[%dma_wait3A_408, %dma_wait3A_409, %dma_wait3A_410] : memref<64x8x64xf32, #tpu.memory_space<vmem>> -> memref<1x1x64xf32, #tpu.memory_space<vmem>>
    %dma_wait3A_412 = tpu.memref_squeeze %dma_wait3A_411 : memref<1x1x64xf32, #tpu.memory_space<vmem>> -> memref<64xf32, #tpu.memory_space<vmem>>
    %dma_wait3A_413 = arith.constant 0 : i32
    %dma_wait3A_414 = tpu.memref_slice %arg5[%dma_wait3A_406, %dma_wait3A_407, %dma_wait3A_413] : memref<12500x8x64xf32, #tpu.memory_space<hbm>> -> memref<1x1x64xf32, #tpu.memory_space<hbm>>
    %dma_wait3A_415 = tpu.memref_squeeze %dma_wait3A_414 : memref<1x1x64xf32, #tpu.memory_space<hbm>> -> memref<64xf32, #tpu.memory_space<hbm>>
    %dma_wait3A_416 = arith.constant 0 : i32
    %dma_wait3A_417 = tpu.memref_slice %arg10[%dma_wait3A_408, %dma_wait3A_409, %dma_wait3A_416] : memref<64x8x64xf32, #tpu.memory_space<vmem>> -> memref<1x1x64xf32, #tpu.memory_space<vmem>>
    %dma_wait3A_418 = tpu.memref_squeeze %dma_wait3A_417 : memref<1x1x64xf32, #tpu.memory_space<vmem>> -> memref<64xf32, #tpu.memory_space<vmem>>
    %dma_wait3A_419 = arith.constant 0 : i32
    %dma_wait3A_420 = tpu.memref_slice %arg5[%dma_wait3A_406, %dma_wait3A_407, %dma_wait3A_419] : memref<12500x8x64xf32, #tpu.memory_space<hbm>> -> memref<1x1x64xf32, #tpu.memory_space<hbm>>
    %dma_wait3A_421 = tpu.memref_squeeze %dma_wait3A_420 : memref<1x1x64xf32, #tpu.memory_space<hbm>> -> memref<64xf32, #tpu.memory_space<hbm>>
    tpu.wait_dma2 semaphore(%arg12 : memref<!tpu.dma_semaphore, #tpu.memory_space<semaphore_mem>>) src(%dma_wait3A_421 : memref<64xf32, #tpu.memory_space<hbm>>) dst(%dma_wait3A_418 : memref<64xf32, #tpu.memory_space<vmem>>)
    %dma_wait3A_422 = arith.constant 0 : i32
    %dma_wait3A_423 = arith.constant 0 : i32
    %dma_wait3A_424 = arith.constant 0 : i32
    %dma_wait3A_425 = arith.constant 0 : i32
    %dma_wait3A_426 = arith.constant 0 : i32
    %dma_wait3A_427 = tpu.memref_slice %arg10[%dma_wait3A_424, %dma_wait3A_425, %dma_wait3A_426] : memref<64x8x64xf32, #tpu.memory_space<vmem>> -> memref<1x1x64xf32, #tpu.memory_space<vmem>>
    %dma_wait3A_428 = tpu.memref_squeeze %dma_wait3A_427 : memref<1x1x64xf32, #tpu.memory_space<vmem>> -> memref<64xf32, #tpu.memory_space<vmem>>
    %dma_wait3A_429 = arith.constant 0 : i32
    %dma_wait3A_430 = tpu.memref_slice %arg5[%dma_wait3A_422, %dma_wait3A_423, %dma_wait3A_429] : memref<12500x8x64xf32, #tpu.memory_space<hbm>> -> memref<1x1x64xf32, #tpu.memory_space<hbm>>
    %dma_wait3A_431 = tpu.memref_squeeze %dma_wait3A_430 : memref<1x1x64xf32, #tpu.memory_space<hbm>> -> memref<64xf32, #tpu.memory_space<hbm>>
    %dma_wait3A_432 = arith.constant 0 : i32
    %dma_wait3A_433 = tpu.memref_slice %arg10[%dma_wait3A_424, %dma_wait3A_425, %dma_wait3A_432] : memref<64x8x64xf32, #tpu.memory_space<vmem>> -> memref<1x1x64xf32, #tpu.memory_space<vmem>>
    %dma_wait3A_434 = tpu.memref_squeeze %dma_wait3A_433 : memref<1x1x64xf32, #tpu.memory_space<vmem>> -> memref<64xf32, #tpu.memory_space<vmem>>
    %dma_wait3A_435 = arith.constant 0 : i32
    %dma_wait3A_436 = tpu.memref_slice %arg5[%dma_wait3A_422, %dma_wait3A_423, %dma_wait3A_435] : memref<12500x8x64xf32, #tpu.memory_space<hbm>> -> memref<1x1x64xf32, #tpu.memory_space<hbm>>
    %dma_wait3A_437 = tpu.memref_squeeze %dma_wait3A_436 : memref<1x1x64xf32, #tpu.memory_space<hbm>> -> memref<64xf32, #tpu.memory_space<hbm>>
    tpu.wait_dma2 semaphore(%arg12 : memref<!tpu.dma_semaphore, #tpu.memory_space<semaphore_mem>>) src(%dma_wait3A_437 : memref<64xf32, #tpu.memory_space<hbm>>) dst(%dma_wait3A_434 : memref<64xf32, #tpu.memory_space<vmem>>)
    %dma_wait3A_438 = arith.constant 0 : i32
    %dma_wait3A_439 = arith.constant 0 : i32
    %dma_wait3A_440 = arith.constant 0 : i32
    %dma_wait3A_441 = arith.constant 0 : i32
    %dma_wait3A_442 = arith.constant 0 : i32
    %dma_wait3A_443 = tpu.memref_slice %arg10[%dma_wait3A_440, %dma_wait3A_441, %dma_wait3A_442] : memref<64x8x64xf32, #tpu.memory_space<vmem>> -> memref<1x1x64xf32, #tpu.memory_space<vmem>>
    %dma_wait3A_444 = tpu.memref_squeeze %dma_wait3A_443 : memref<1x1x64xf32, #tpu.memory_space<vmem>> -> memref<64xf32, #tpu.memory_space<vmem>>
    %dma_wait3A_445 = arith.constant 0 : i32
    %dma_wait3A_446 = tpu.memref_slice %arg5[%dma_wait3A_438, %dma_wait3A_439, %dma_wait3A_445] : memref<12500x8x64xf32, #tpu.memory_space<hbm>> -> memref<1x1x64xf32, #tpu.memory_space<hbm>>
    %dma_wait3A_447 = tpu.memref_squeeze %dma_wait3A_446 : memref<1x1x64xf32, #tpu.memory_space<hbm>> -> memref<64xf32, #tpu.memory_space<hbm>>
    %dma_wait3A_448 = arith.constant 0 : i32
    %dma_wait3A_449 = tpu.memref_slice %arg10[%dma_wait3A_440, %dma_wait3A_441, %dma_wait3A_448] : memref<64x8x64xf32, #tpu.memory_space<vmem>> -> memref<1x1x64xf32, #tpu.memory_space<vmem>>
    %dma_wait3A_450 = tpu.memref_squeeze %dma_wait3A_449 : memref<1x1x64xf32, #tpu.memory_space<vmem>> -> memref<64xf32, #tpu.memory_space<vmem>>
    %dma_wait3A_451 = arith.constant 0 : i32
    %dma_wait3A_452 = tpu.memref_slice %arg5[%dma_wait3A_438, %dma_wait3A_439, %dma_wait3A_451] : memref<12500x8x64xf32, #tpu.memory_space<hbm>> -> memref<1x1x64xf32, #tpu.memory_space<hbm>>
    %dma_wait3A_453 = tpu.memref_squeeze %dma_wait3A_452 : memref<1x1x64xf32, #tpu.memory_space<hbm>> -> memref<64xf32, #tpu.memory_space<hbm>>
    tpu.wait_dma2 semaphore(%arg12 : memref<!tpu.dma_semaphore, #tpu.memory_space<semaphore_mem>>) src(%dma_wait3A_453 : memref<64xf32, #tpu.memory_space<hbm>>) dst(%dma_wait3A_450 : memref<64xf32, #tpu.memory_space<vmem>>)
    %dma_wait3A_454 = arith.constant 0 : i32
    %dma_wait3A_455 = arith.constant 0 : i32
    %dma_wait3A_456 = arith.constant 0 : i32
    %dma_wait3A_457 = arith.constant 0 : i32
    %dma_wait3A_458 = arith.constant 0 : i32
    %dma_wait3A_459 = tpu.memref_slice %arg10[%dma_wait3A_456, %dma_wait3A_457, %dma_wait3A_458] : memref<64x8x64xf32, #tpu.memory_space<vmem>> -> memref<1x1x64xf32, #tpu.memory_space<vmem>>
    %dma_wait3A_460 = tpu.memref_squeeze %dma_wait3A_459 : memref<1x1x64xf32, #tpu.memory_space<vmem>> -> memref<64xf32, #tpu.memory_space<vmem>>
    %dma_wait3A_461 = arith.constant 0 : i32
    %dma_wait3A_462 = tpu.memref_slice %arg5[%dma_wait3A_454, %dma_wait3A_455, %dma_wait3A_461] : memref<12500x8x64xf32, #tpu.memory_space<hbm>> -> memref<1x1x64xf32, #tpu.memory_space<hbm>>
    %dma_wait3A_463 = tpu.memref_squeeze %dma_wait3A_462 : memref<1x1x64xf32, #tpu.memory_space<hbm>> -> memref<64xf32, #tpu.memory_space<hbm>>
    %dma_wait3A_464 = arith.constant 0 : i32
    %dma_wait3A_465 = tpu.memref_slice %arg10[%dma_wait3A_456, %dma_wait3A_457, %dma_wait3A_464] : memref<64x8x64xf32, #tpu.memory_space<vmem>> -> memref<1x1x64xf32, #tpu.memory_space<vmem>>
    %dma_wait3A_466 = tpu.memref_squeeze %dma_wait3A_465 : memref<1x1x64xf32, #tpu.memory_space<vmem>> -> memref<64xf32, #tpu.memory_space<vmem>>
    %dma_wait3A_467 = arith.constant 0 : i32
    %dma_wait3A_468 = tpu.memref_slice %arg5[%dma_wait3A_454, %dma_wait3A_455, %dma_wait3A_467] : memref<12500x8x64xf32, #tpu.memory_space<hbm>> -> memref<1x1x64xf32, #tpu.memory_space<hbm>>
    %dma_wait3A_469 = tpu.memref_squeeze %dma_wait3A_468 : memref<1x1x64xf32, #tpu.memory_space<hbm>> -> memref<64xf32, #tpu.memory_space<hbm>>
    tpu.wait_dma2 semaphore(%arg12 : memref<!tpu.dma_semaphore, #tpu.memory_space<semaphore_mem>>) src(%dma_wait3A_469 : memref<64xf32, #tpu.memory_space<hbm>>) dst(%dma_wait3A_466 : memref<64xf32, #tpu.memory_space<vmem>>)
    %dma_wait3A_470 = arith.constant 0 : i32
    %dma_wait3A_471 = arith.constant 0 : i32
    %dma_wait3A_472 = arith.constant 0 : i32
    %dma_wait3A_473 = arith.constant 0 : i32
    %dma_wait3A_474 = arith.constant 0 : i32
    %dma_wait3A_475 = tpu.memref_slice %arg10[%dma_wait3A_472, %dma_wait3A_473, %dma_wait3A_474] : memref<64x8x64xf32, #tpu.memory_space<vmem>> -> memref<1x1x64xf32, #tpu.memory_space<vmem>>
    %dma_wait3A_476 = tpu.memref_squeeze %dma_wait3A_475 : memref<1x1x64xf32, #tpu.memory_space<vmem>> -> memref<64xf32, #tpu.memory_space<vmem>>
    %dma_wait3A_477 = arith.constant 0 : i32
    %dma_wait3A_478 = tpu.memref_slice %arg5[%dma_wait3A_470, %dma_wait3A_471, %dma_wait3A_477] : memref<12500x8x64xf32, #tpu.memory_space<hbm>> -> memref<1x1x64xf32, #tpu.memory_space<hbm>>
    %dma_wait3A_479 = tpu.memref_squeeze %dma_wait3A_478 : memref<1x1x64xf32, #tpu.memory_space<hbm>> -> memref<64xf32, #tpu.memory_space<hbm>>
    %dma_wait3A_480 = arith.constant 0 : i32
    %dma_wait3A_481 = tpu.memref_slice %arg10[%dma_wait3A_472, %dma_wait3A_473, %dma_wait3A_480] : memref<64x8x64xf32, #tpu.memory_space<vmem>> -> memref<1x1x64xf32, #tpu.memory_space<vmem>>
    %dma_wait3A_482 = tpu.memref_squeeze %dma_wait3A_481 : memref<1x1x64xf32, #tpu.memory_space<vmem>> -> memref<64xf32, #tpu.memory_space<vmem>>
    %dma_wait3A_483 = arith.constant 0 : i32
    %dma_wait3A_484 = tpu.memref_slice %arg5[%dma_wait3A_470, %dma_wait3A_471, %dma_wait3A_483] : memref<12500x8x64xf32, #tpu.memory_space<hbm>> -> memref<1x1x64xf32, #tpu.memory_space<hbm>>
    %dma_wait3A_485 = tpu.memref_squeeze %dma_wait3A_484 : memref<1x1x64xf32, #tpu.memory_space<hbm>> -> memref<64xf32, #tpu.memory_space<hbm>>
    tpu.wait_dma2 semaphore(%arg12 : memref<!tpu.dma_semaphore, #tpu.memory_space<semaphore_mem>>) src(%dma_wait3A_485 : memref<64xf32, #tpu.memory_space<hbm>>) dst(%dma_wait3A_482 : memref<64xf32, #tpu.memory_space<vmem>>)
    %dma_wait3A_486 = arith.constant 0 : i32
    %dma_wait3A_487 = arith.constant 0 : i32
    %dma_wait3A_488 = arith.constant 0 : i32
    %dma_wait3A_489 = arith.constant 0 : i32
    %dma_wait3A_490 = arith.constant 0 : i32
    %dma_wait3A_491 = tpu.memref_slice %arg10[%dma_wait3A_488, %dma_wait3A_489, %dma_wait3A_490] : memref<64x8x64xf32, #tpu.memory_space<vmem>> -> memref<1x1x64xf32, #tpu.memory_space<vmem>>
    %dma_wait3A_492 = tpu.memref_squeeze %dma_wait3A_491 : memref<1x1x64xf32, #tpu.memory_space<vmem>> -> memref<64xf32, #tpu.memory_space<vmem>>
    %dma_wait3A_493 = arith.constant 0 : i32
    %dma_wait3A_494 = tpu.memref_slice %arg5[%dma_wait3A_486, %dma_wait3A_487, %dma_wait3A_493] : memref<12500x8x64xf32, #tpu.memory_space<hbm>> -> memref<1x1x64xf32, #tpu.memory_space<hbm>>
    %dma_wait3A_495 = tpu.memref_squeeze %dma_wait3A_494 : memref<1x1x64xf32, #tpu.memory_space<hbm>> -> memref<64xf32, #tpu.memory_space<hbm>>
    %dma_wait3A_496 = arith.constant 0 : i32
    %dma_wait3A_497 = tpu.memref_slice %arg10[%dma_wait3A_488, %dma_wait3A_489, %dma_wait3A_496] : memref<64x8x64xf32, #tpu.memory_space<vmem>> -> memref<1x1x64xf32, #tpu.memory_space<vmem>>
    %dma_wait3A_498 = tpu.memref_squeeze %dma_wait3A_497 : memref<1x1x64xf32, #tpu.memory_space<vmem>> -> memref<64xf32, #tpu.memory_space<vmem>>
    %dma_wait3A_499 = arith.constant 0 : i32
    %dma_wait3A_500 = tpu.memref_slice %arg5[%dma_wait3A_486, %dma_wait3A_487, %dma_wait3A_499] : memref<12500x8x64xf32, #tpu.memory_space<hbm>> -> memref<1x1x64xf32, #tpu.memory_space<hbm>>
    %dma_wait3A_501 = tpu.memref_squeeze %dma_wait3A_500 : memref<1x1x64xf32, #tpu.memory_space<hbm>> -> memref<64xf32, #tpu.memory_space<hbm>>
    tpu.wait_dma2 semaphore(%arg12 : memref<!tpu.dma_semaphore, #tpu.memory_space<semaphore_mem>>) src(%dma_wait3A_501 : memref<64xf32, #tpu.memory_space<hbm>>) dst(%dma_wait3A_498 : memref<64xf32, #tpu.memory_space<vmem>>)
    %dma_wait3A_502 = arith.constant 0 : i32
    %dma_wait3A_503 = arith.constant 0 : i32
    %dma_wait3A_504 = arith.constant 0 : i32
    %dma_wait3A_505 = arith.constant 0 : i32
    %dma_wait3A_506 = arith.constant 0 : i32
    %dma_wait3A_507 = tpu.memref_slice %arg10[%dma_wait3A_504, %dma_wait3A_505, %dma_wait3A_506] : memref<64x8x64xf32, #tpu.memory_space<vmem>> -> memref<1x1x64xf32, #tpu.memory_space<vmem>>
    %dma_wait3A_508 = tpu.memref_squeeze %dma_wait3A_507 : memref<1x1x64xf32, #tpu.memory_space<vmem>> -> memref<64xf32, #tpu.memory_space<vmem>>
    %dma_wait3A_509 = arith.constant 0 : i32
    %dma_wait3A_510 = tpu.memref_slice %arg5[%dma_wait3A_502, %dma_wait3A_503, %dma_wait3A_509] : memref<12500x8x64xf32, #tpu.memory_space<hbm>> -> memref<1x1x64xf32, #tpu.memory_space<hbm>>
    %dma_wait3A_511 = tpu.memref_squeeze %dma_wait3A_510 : memref<1x1x64xf32, #tpu.memory_space<hbm>> -> memref<64xf32, #tpu.memory_space<hbm>>
    %dma_wait3A_512 = arith.constant 0 : i32
    %dma_wait3A_513 = tpu.memref_slice %arg10[%dma_wait3A_504, %dma_wait3A_505, %dma_wait3A_512] : memref<64x8x64xf32, #tpu.memory_space<vmem>> -> memref<1x1x64xf32, #tpu.memory_space<vmem>>
    %dma_wait3A_514 = tpu.memref_squeeze %dma_wait3A_513 : memref<1x1x64xf32, #tpu.memory_space<vmem>> -> memref<64xf32, #tpu.memory_space<vmem>>
    %dma_wait3A_515 = arith.constant 0 : i32
    %dma_wait3A_516 = tpu.memref_slice %arg5[%dma_wait3A_502, %dma_wait3A_503, %dma_wait3A_515] : memref<12500x8x64xf32, #tpu.memory_space<hbm>> -> memref<1x1x64xf32, #tpu.memory_space<hbm>>
    %dma_wait3A_517 = tpu.memref_squeeze %dma_wait3A_516 : memref<1x1x64xf32, #tpu.memory_space<hbm>> -> memref<64xf32, #tpu.memory_space<hbm>>
    tpu.wait_dma2 semaphore(%arg12 : memref<!tpu.dma_semaphore, #tpu.memory_space<semaphore_mem>>) src(%dma_wait3A_517 : memref<64xf32, #tpu.memory_space<hbm>>) dst(%dma_wait3A_514 : memref<64xf32, #tpu.memory_space<vmem>>)
    %add3A_518 = arith.constant 0 : i32
    %add3A_519 = arith.addi %mul3A_2, %add3A_518 : i32
    %jit3A = arith.constant 8 : i32
    %div3A = arith.divsi %add3A_519, %jit3A : i32
    %sign3A = arith.constant 0 : i32
    %sign3A_520 = arith.cmpi sgt, %add3A_519, %sign3A : i32
    %sign3A_521 = arith.extui %sign3A_520 : i1 to i32
    %sign3A_522 = arith.constant 0 : i32
    %sign3A_523 = arith.cmpi slt, %add3A_519, %sign3A_522 : i32
    %sign3A_524 = arith.extui %sign3A_523 : i1 to i32
    %sign3A_525 = arith.subi %sign3A_521, %sign3A_524 : i32
    %sign3A_526 = arith.constant 0 : i32
    %sign3A_527 = arith.cmpi sgt, %jit3A, %sign3A_526 : i32
    %sign3A_528 = arith.extui %sign3A_527 : i1 to i32
    %sign3A_529 = arith.constant 0 : i32
    %sign3A_530 = arith.cmpi slt, %jit3A, %sign3A_529 : i32
    %sign3A_531 = arith.extui %sign3A_530 : i1 to i32
    %sign3A_532 = arith.subi %sign3A_528, %sign3A_531 : i32
    %ne3A = arith.cmpi ne, %sign3A_525, %sign3A_532 : i32
    %rem3A = arith.remsi %add3A_519, %jit3A : i32
    %ne3A_533 = arith.constant 0 : i32
    %ne3A_534 = arith.cmpi ne, %rem3A, %ne3A_533 : i32
    %and3A = arith.andi %ne3A, %ne3A_534 : i1
    %sub3A = arith.constant 1 : i32
    %sub3A_535 = arith.subi %div3A, %sub3A : i32
    %select_n3A = arith.select %and3A, %sub3A_535, %div3A : i32
    "tpu.region"() ({
      %run_scoped3A = tpu.sem_alloc : memref<!tpu.dma_semaphore, #tpu.memory_space<semaphore_mem>>
      %dma_start3A = arith.constant 0 : i32
      %dma_start3A_1131 = arith.constant 0 : i32
      %dma_start3A_1132 = arith.constant 0 : i32
      %dma_start3A_1133 = tpu.memref_slice %arg10[%dma_start3A, %dma_start3A_1131, %dma_start3A_1132] : memref<64x8x64xf32, #tpu.memory_space<vmem>> -> memref<32x8x64xf32, #tpu.memory_space<vmem>>
      %dma_start3A_1134 = arith.constant 0 : i32
      %dma_start3A_1135 = arith.constant 0 : i32
      %dma_start3A_1136 = tpu.memref_slice %arg6[%select_n3A, %dma_start3A_1134, %dma_start3A_1135] : memref<2048x8x64xf32, #tpu.memory_space<hbm>> -> memref<32x8x64xf32, #tpu.memory_space<hbm>>
      %dma_start3A_1137 = arith.constant 0 : i32
      %dma_start3A_1138 = arith.constant 0 : i32
      %dma_start3A_1139 = tpu.memref_slice %arg6[%select_n3A, %dma_start3A_1137, %dma_start3A_1138] : memref<2048x8x64xf32, #tpu.memory_space<hbm>> -> memref<32x8x64xf32, #tpu.memory_space<hbm>>
      %dma_start3A_1140 = arith.constant 0 : i32
      %dma_start3A_1141 = arith.constant 0 : i32
      %dma_start3A_1142 = arith.constant 0 : i32
      %dma_start3A_1143 = tpu.memref_slice %arg10[%dma_start3A_1140, %dma_start3A_1141, %dma_start3A_1142] : memref<64x8x64xf32, #tpu.memory_space<vmem>> -> memref<32x8x64xf32, #tpu.memory_space<vmem>>
      tpu.enqueue_dma source(%dma_start3A_1143 : memref<32x8x64xf32, #tpu.memory_space<vmem>>) target(%dma_start3A_1139 : memref<32x8x64xf32, #tpu.memory_space<hbm>>) target_semaphore(%run_scoped3A : memref<!tpu.dma_semaphore, #tpu.memory_space<semaphore_mem>>)
      %dma_wait3A_1144 = arith.constant 0 : i32
      %dma_wait3A_1145 = arith.constant 0 : i32
      %dma_wait3A_1146 = arith.constant 0 : i32
      %dma_wait3A_1147 = tpu.memref_slice %arg10[%dma_wait3A_1144, %dma_wait3A_1145, %dma_wait3A_1146] : memref<64x8x64xf32, #tpu.memory_space<vmem>> -> memref<32x8x64xf32, #tpu.memory_space<vmem>>
      %dma_wait3A_1148 = arith.constant 0 : i32
      %dma_wait3A_1149 = arith.constant 0 : i32
      %dma_wait3A_1150 = tpu.memref_slice %arg6[%select_n3A, %dma_wait3A_1148, %dma_wait3A_1149] : memref<2048x8x64xf32, #tpu.memory_space<hbm>> -> memref<32x8x64xf32, #tpu.memory_space<hbm>>
      %dma_wait3A_1151 = arith.constant 0 : i32
      %dma_wait3A_1152 = arith.constant 0 : i32
      %dma_wait3A_1153 = tpu.memref_slice %arg6[%select_n3A, %dma_wait3A_1151, %dma_wait3A_1152] : memref<2048x8x64xf32, #tpu.memory_space<hbm>> -> memref<32x8x64xf32, #tpu.memory_space<hbm>>
      %dma_wait3A_1154 = arith.constant 0 : i32
      %dma_wait3A_1155 = arith.constant 0 : i32
      %dma_wait3A_1156 = arith.constant 0 : i32
      %dma_wait3A_1157 = tpu.memref_slice %arg10[%dma_wait3A_1154, %dma_wait3A_1155, %dma_wait3A_1156] : memref<64x8x64xf32, #tpu.memory_space<vmem>> -> memref<32x8x64xf32, #tpu.memory_space<vmem>>
      tpu.wait_dma2 semaphore(%run_scoped3A : memref<!tpu.dma_semaphore, #tpu.memory_space<semaphore_mem>>) src(%dma_wait3A_1157 : memref<32x8x64xf32, #tpu.memory_space<vmem>>) dst(%dma_wait3A_1153 : memref<32x8x64xf32, #tpu.memory_space<hbm>>)
      tpu.yield
    }) : () -> ()
    %add3A_536 = arith.constant 0 : i32
    %add3A_537 = arith.addi %mul3A_2, %add3A_536 : i32
    %jit3A_538 = arith.constant 8 : i32
    %div3A_539 = arith.divsi %add3A_537, %jit3A_538 : i32
    %sign3A_540 = arith.constant 0 : i32
    %sign3A_541 = arith.cmpi sgt, %add3A_537, %sign3A_540 : i32
    %sign3A_542 = arith.extui %sign3A_541 : i1 to i32
    %sign3A_543 = arith.constant 0 : i32
    %sign3A_544 = arith.cmpi slt, %add3A_537, %sign3A_543 : i32
    %sign3A_545 = arith.extui %sign3A_544 : i1 to i32
    %sign3A_546 = arith.subi %sign3A_542, %sign3A_545 : i32
    %sign3A_547 = arith.constant 0 : i32
    %sign3A_548 = arith.cmpi sgt, %jit3A_538, %sign3A_547 : i32
    %sign3A_549 = arith.extui %sign3A_548 : i1 to i32
    %sign3A_550 = arith.constant 0 : i32
    %sign3A_551 = arith.cmpi slt, %jit3A_538, %sign3A_550 : i32
    %sign3A_552 = arith.extui %sign3A_551 : i1 to i32
    %sign3A_553 = arith.subi %sign3A_549, %sign3A_552 : i32
    %ne3A_554 = arith.cmpi ne, %sign3A_546, %sign3A_553 : i32
    %rem3A_555 = arith.remsi %add3A_537, %jit3A_538 : i32
    %ne3A_556 = arith.constant 0 : i32
    %ne3A_557 = arith.cmpi ne, %rem3A_555, %ne3A_556 : i32
    %and3A_558 = arith.andi %ne3A_554, %ne3A_557 : i1
    %sub3A_559 = arith.constant 1 : i32
    %sub3A_560 = arith.subi %div3A_539, %sub3A_559 : i32
    %select_n3A_561 = arith.select %and3A_558, %sub3A_560, %div3A_539 : i32
    "tpu.region"() ({
      %run_scoped3A = tpu.sem_alloc : memref<!tpu.dma_semaphore, #tpu.memory_space<semaphore_mem>>
      %dma_start3A = arith.constant 32 : i32
      %dma_start3A_1131 = arith.constant 0 : i32
      %dma_start3A_1132 = arith.constant 0 : i32
      %dma_start3A_1133 = tpu.memref_slice %arg10[%dma_start3A, %dma_start3A_1131, %dma_start3A_1132] : memref<64x8x64xf32, #tpu.memory_space<vmem>> -> memref<32x8x64xf32, #tpu.memory_space<vmem>>
      %dma_start3A_1134 = arith.constant 0 : i32
      %dma_start3A_1135 = arith.constant 0 : i32
      %dma_start3A_1136 = tpu.memref_slice %arg7[%select_n3A_561, %dma_start3A_1134, %dma_start3A_1135] : memref<2048x8x64xf32, #tpu.memory_space<hbm>> -> memref<32x8x64xf32, #tpu.memory_space<hbm>>
      %dma_start3A_1137 = arith.constant 0 : i32
      %dma_start3A_1138 = arith.constant 0 : i32
      %dma_start3A_1139 = tpu.memref_slice %arg7[%select_n3A_561, %dma_start3A_1137, %dma_start3A_1138] : memref<2048x8x64xf32, #tpu.memory_space<hbm>> -> memref<32x8x64xf32, #tpu.memory_space<hbm>>
      %dma_start3A_1140 = arith.constant 32 : i32
      %dma_start3A_1141 = arith.constant 0 : i32
      %dma_start3A_1142 = arith.constant 0 : i32
      %dma_start3A_1143 = tpu.memref_slice %arg10[%dma_start3A_1140, %dma_start3A_1141, %dma_start3A_1142] : memref<64x8x64xf32, #tpu.memory_space<vmem>> -> memref<32x8x64xf32, #tpu.memory_space<vmem>>
      tpu.enqueue_dma source(%dma_start3A_1143 : memref<32x8x64xf32, #tpu.memory_space<vmem>>) target(%dma_start3A_1139 : memref<32x8x64xf32, #tpu.memory_space<hbm>>) target_semaphore(%run_scoped3A : memref<!tpu.dma_semaphore, #tpu.memory_space<semaphore_mem>>)
      %dma_wait3A_1144 = arith.constant 32 : i32
      %dma_wait3A_1145 = arith.constant 0 : i32
      %dma_wait3A_1146 = arith.constant 0 : i32
      %dma_wait3A_1147 = tpu.memref_slice %arg10[%dma_wait3A_1144, %dma_wait3A_1145, %dma_wait3A_1146] : memref<64x8x64xf32, #tpu.memory_space<vmem>> -> memref<32x8x64xf32, #tpu.memory_space<vmem>>
      %dma_wait3A_1148 = arith.constant 0 : i32
      %dma_wait3A_1149 = arith.constant 0 : i32
      %dma_wait3A_1150 = tpu.memref_slice %arg7[%select_n3A_561, %dma_wait3A_1148, %dma_wait3A_1149] : memref<2048x8x64xf32, #tpu.memory_space<hbm>> -> memref<32x8x64xf32, #tpu.memory_space<hbm>>
      %dma_wait3A_1151 = arith.constant 0 : i32
      %dma_wait3A_1152 = arith.constant 0 : i32
      %dma_wait3A_1153 = tpu.memref_slice %arg7[%select_n3A_561, %dma_wait3A_1151, %dma_wait3A_1152] : memref<2048x8x64xf32, #tpu.memory_space<hbm>> -> memref<32x8x64xf32, #tpu.memory_space<hbm>>
      %dma_wait3A_1154 = arith.constant 32 : i32
      %dma_wait3A_1155 = arith.constant 0 : i32
      %dma_wait3A_1156 = arith.constant 0 : i32
      %dma_wait3A_1157 = tpu.memref_slice %arg10[%dma_wait3A_1154, %dma_wait3A_1155, %dma_wait3A_1156] : memref<64x8x64xf32, #tpu.memory_space<vmem>> -> memref<32x8x64xf32, #tpu.memory_space<vmem>>
      tpu.wait_dma2 semaphore(%run_scoped3A : memref<!tpu.dma_semaphore, #tpu.memory_space<semaphore_mem>>) src(%dma_wait3A_1157 : memref<32x8x64xf32, #tpu.memory_space<vmem>>) dst(%dma_wait3A_1153 : memref<32x8x64xf32, #tpu.memory_space<hbm>>)
      tpu.yield
    }) : () -> ()
    %scan3A_562 = arith.constant 0 : i32
    %scan3A_563 = arith.constant 16 : i32
    %scan3A_564 = arith.addi %scan3A_562, %scan3A_563 : i32
    %scan3A_565 = arith.constant 1 : i32
    scf.for %scan3A_1131 = %scan3A_562 to %scan3A_564 step %scan3A_565  : i32 {
      %mul3A_1132 = arith.constant 16 : i32
      %mul3A_1133 = arith.muli %scan3A_1131, %mul3A_1132 : i32
      %add3A_1134 = arith.constant 256 : i32
      %add3A_1135 = arith.addi %add3A_1134, %mul3A_1133 : i32
      %get3A = arith.index_cast %add3A_1135 : i32 to index
      %get3A_1136 = tpu.vector_load %arg8[%get3A] {strides = array<i32>} : memref<512xi32, #tpu.memory_space<vmem>>, vector<16xi32>,
      %get3A_1137 = vector.shape_cast %get3A_1136 : vector<16xi32> to vector<16xi32>
      %mul3A_1138 = arith.constant 16 : i32
      %mul3A_1139 = arith.muli %scan3A_1131, %mul3A_1138 : i32
      %add3A_1140 = arith.constant 256 : i32
      %add3A_1141 = arith.addi %add3A_1140, %mul3A_1139 : i32
      %get3A_1142 = arith.index_cast %add3A_1141 : i32 to index
      %get3A_1143 = tpu.vector_load %arg9[%get3A_1142] {strides = array<i32>} : memref<512xi32, #tpu.memory_space<vmem>>, vector<16xi32>,
      %get3A_1144 = vector.shape_cast %get3A_1143 : vector<16xi32> to vector<16xi32>
      %shift_right_logical3A = arith.constant 3 : i32
      %shift_right_logical3A_1145 = vector.broadcast %shift_right_logical3A : i32 to vector<16xi32>
      %shift_right_logical3A_1146 = arith.shrui %get3A_1137, %shift_right_logical3A_1145 : vector<16xi32>
      %and3A_1147 = arith.constant 7 : i32
      %and3A_1148 = vector.broadcast %and3A_1147 : i32 to vector<16xi32>
      %and3A_1149 = arith.andi %get3A_1137, %and3A_1148 : vector<16xi32>
      %mul3A_1150 = arith.constant 2 : i32
      %mul3A_1151 = arith.muli %scan3A_1131, %mul3A_1150 : i32
      %add3A_1152 = arith.constant 0 : i32
      %add3A_1153 = arith.addi %add3A_1152, %mul3A_1151 : i32
      %add3A_1154 = arith.constant 0 : i32
      %add3A_1155 = arith.addi %add3A_1153, %add3A_1154 : i32
      %slice3A = vector.extract_strided_slice %shift_right_logical3A_1146 {offsets = [0], sizes = [1], strides = [1]} : vector<16xi32> to vector<1xi32>
      %squeeze3A = vector.extract %slice3A[0] : i32 from vector<1xi32>
      %slice3A_1156 = vector.extract_strided_slice %and3A_1149 {offsets = [0], sizes = [1], strides = [1]} : vector<16xi32> to vector<1xi32>
      %squeeze3A_1157 = vector.extract %slice3A_1156[0] : i32 from vector<1xi32>
      %dma_start3A = arith.constant 0 : i32
      %dma_start3A_1158 = arith.constant 0 : i32
      %dma_start3A_1159 = tpu.memref_slice %arg10[%add3A_1155, %dma_start3A, %dma_start3A_1158] : memref<64x8x64xf32, #tpu.memory_space<vmem>> -> memref<1x1x64xf32, #tpu.memory_space<vmem>>
      %dma_start3A_1160 = tpu.memref_squeeze %dma_start3A_1159 : memref<1x1x64xf32, #tpu.memory_space<vmem>> -> memref<64xf32, #tpu.memory_space<vmem>>
      %dma_start3A_1161 = arith.constant 0 : i32
      %dma_start3A_1162 = tpu.memref_slice %arg4[%squeeze3A, %squeeze3A_1157, %dma_start3A_1161] : memref<125000x8x64xf32, #tpu.memory_space<hbm>> -> memref<1x1x64xf32, #tpu.memory_space<hbm>>
      %dma_start3A_1163 = tpu.memref_squeeze %dma_start3A_1162 : memref<1x1x64xf32, #tpu.memory_space<hbm>> -> memref<64xf32, #tpu.memory_space<hbm>>
      %dma_start3A_1164 = arith.constant 0 : i32
      %dma_start3A_1165 = tpu.memref_slice %arg10[%add3A_1155, %dma_start3A, %dma_start3A_1164] : memref<64x8x64xf32, #tpu.memory_space<vmem>> -> memref<1x1x64xf32, #tpu.memory_space<vmem>>
      %dma_start3A_1166 = tpu.memref_squeeze %dma_start3A_1165 : memref<1x1x64xf32, #tpu.memory_space<vmem>> -> memref<64xf32, #tpu.memory_space<vmem>>
      %dma_start3A_1167 = arith.constant 0 : i32
      %dma_start3A_1168 = tpu.memref_slice %arg4[%squeeze3A, %squeeze3A_1157, %dma_start3A_1167] : memref<125000x8x64xf32, #tpu.memory_space<hbm>> -> memref<1x1x64xf32, #tpu.memory_space<hbm>>
      %dma_start3A_1169 = tpu.memref_squeeze %dma_start3A_1168 : memref<1x1x64xf32, #tpu.memory_space<hbm>> -> memref<64xf32, #tpu.memory_space<hbm>>
      tpu.enqueue_dma source(%dma_start3A_1169 : memref<64xf32, #tpu.memory_space<hbm>>) target(%dma_start3A_1166 : memref<64xf32, #tpu.memory_space<vmem>>) target_semaphore(%arg11 : memref<!tpu.dma_semaphore, #tpu.memory_space<semaphore_mem>>)
      %mul3A_1170 = arith.constant 2 : i32
      %mul3A_1171 = arith.muli %scan3A_1131, %mul3A_1170 : i32
      %add3A_1172 = arith.constant 0 : i32
      %add3A_1173 = arith.addi %add3A_1172, %mul3A_1171 : i32
      %add3A_1174 = arith.constant 0 : i32
      %add3A_1175 = arith.addi %add3A_1173, %add3A_1174 : i32
      %slice3A_1176 = vector.extract_strided_slice %shift_right_logical3A_1146 {offsets = [1], sizes = [1], strides = [1]} : vector<16xi32> to vector<1xi32>
      %squeeze3A_1177 = vector.extract %slice3A_1176[0] : i32 from vector<1xi32>
      %slice3A_1178 = vector.extract_strided_slice %and3A_1149 {offsets = [1], sizes = [1], strides = [1]} : vector<16xi32> to vector<1xi32>
      %squeeze3A_1179 = vector.extract %slice3A_1178[0] : i32 from vector<1xi32>
      %dma_start3A_1180 = arith.constant 1 : i32
      %dma_start3A_1181 = arith.constant 0 : i32
      %dma_start3A_1182 = tpu.memref_slice %arg10[%add3A_1175, %dma_start3A_1180, %dma_start3A_1181] : memref<64x8x64xf32, #tpu.memory_space<vmem>> -> memref<1x1x64xf32, #tpu.memory_space<vmem>>
      %dma_start3A_1183 = tpu.memref_squeeze %dma_start3A_1182 : memref<1x1x64xf32, #tpu.memory_space<vmem>> -> memref<64xf32, #tpu.memory_space<vmem>>
      %dma_start3A_1184 = arith.constant 0 : i32
      %dma_start3A_1185 = tpu.memref_slice %arg4[%squeeze3A_1177, %squeeze3A_1179, %dma_start3A_1184] : memref<125000x8x64xf32, #tpu.memory_space<hbm>> -> memref<1x1x64xf32, #tpu.memory_space<hbm>>
      %dma_start3A_1186 = tpu.memref_squeeze %dma_start3A_1185 : memref<1x1x64xf32, #tpu.memory_space<hbm>> -> memref<64xf32, #tpu.memory_space<hbm>>
      %dma_start3A_1187 = arith.constant 0 : i32
      %dma_start3A_1188 = tpu.memref_slice %arg10[%add3A_1175, %dma_start3A_1180, %dma_start3A_1187] : memref<64x8x64xf32, #tpu.memory_space<vmem>> -> memref<1x1x64xf32, #tpu.memory_space<vmem>>
      %dma_start3A_1189 = tpu.memref_squeeze %dma_start3A_1188 : memref<1x1x64xf32, #tpu.memory_space<vmem>> -> memref<64xf32, #tpu.memory_space<vmem>>
      %dma_start3A_1190 = arith.constant 0 : i32
      %dma_start3A_1191 = tpu.memref_slice %arg4[%squeeze3A_1177, %squeeze3A_1179, %dma_start3A_1190] : memref<125000x8x64xf32, #tpu.memory_space<hbm>> -> memref<1x1x64xf32, #tpu.memory_space<hbm>>
      %dma_start3A_1192 = tpu.memref_squeeze %dma_start3A_1191 : memref<1x1x64xf32, #tpu.memory_space<hbm>> -> memref<64xf32, #tpu.memory_space<hbm>>
      tpu.enqueue_dma source(%dma_start3A_1192 : memref<64xf32, #tpu.memory_space<hbm>>) target(%dma_start3A_1189 : memref<64xf32, #tpu.memory_space<vmem>>) target_semaphore(%arg11 : memref<!tpu.dma_semaphore, #tpu.memory_space<semaphore_mem>>)
      %mul3A_1193 = arith.constant 2 : i32
      %mul3A_1194 = arith.muli %scan3A_1131, %mul3A_1193 : i32
      %add3A_1195 = arith.constant 0 : i32
      %add3A_1196 = arith.addi %add3A_1195, %mul3A_1194 : i32
      %add3A_1197 = arith.constant 0 : i32
      %add3A_1198 = arith.addi %add3A_1196, %add3A_1197 : i32
      %slice3A_1199 = vector.extract_strided_slice %shift_right_logical3A_1146 {offsets = [2], sizes = [1], strides = [1]} : vector<16xi32> to vector<1xi32>
      %squeeze3A_1200 = vector.extract %slice3A_1199[0] : i32 from vector<1xi32>
      %slice3A_1201 = vector.extract_strided_slice %and3A_1149 {offsets = [2], sizes = [1], strides = [1]} : vector<16xi32> to vector<1xi32>
      %squeeze3A_1202 = vector.extract %slice3A_1201[0] : i32 from vector<1xi32>
      %dma_start3A_1203 = arith.constant 2 : i32
      %dma_start3A_1204 = arith.constant 0 : i32
      %dma_start3A_1205 = tpu.memref_slice %arg10[%add3A_1198, %dma_start3A_1203, %dma_start3A_1204] : memref<64x8x64xf32, #tpu.memory_space<vmem>> -> memref<1x1x64xf32, #tpu.memory_space<vmem>>
      %dma_start3A_1206 = tpu.memref_squeeze %dma_start3A_1205 : memref<1x1x64xf32, #tpu.memory_space<vmem>> -> memref<64xf32, #tpu.memory_space<vmem>>
      %dma_start3A_1207 = arith.constant 0 : i32
      %dma_start3A_1208 = tpu.memref_slice %arg4[%squeeze3A_1200, %squeeze3A_1202, %dma_start3A_1207] : memref<125000x8x64xf32, #tpu.memory_space<hbm>> -> memref<1x1x64xf32, #tpu.memory_space<hbm>>
      %dma_start3A_1209 = tpu.memref_squeeze %dma_start3A_1208 : memref<1x1x64xf32, #tpu.memory_space<hbm>> -> memref<64xf32, #tpu.memory_space<hbm>>
      %dma_start3A_1210 = arith.constant 0 : i32
      %dma_start3A_1211 = tpu.memref_slice %arg10[%add3A_1198, %dma_start3A_1203, %dma_start3A_1210] : memref<64x8x64xf32, #tpu.memory_space<vmem>> -> memref<1x1x64xf32, #tpu.memory_space<vmem>>
      %dma_start3A_1212 = tpu.memref_squeeze %dma_start3A_1211 : memref<1x1x64xf32, #tpu.memory_space<vmem>> -> memref<64xf32, #tpu.memory_space<vmem>>
      %dma_start3A_1213 = arith.constant 0 : i32
      %dma_start3A_1214 = tpu.memref_slice %arg4[%squeeze3A_1200, %squeeze3A_1202, %dma_start3A_1213] : memref<125000x8x64xf32, #tpu.memory_space<hbm>> -> memref<1x1x64xf32, #tpu.memory_space<hbm>>
      %dma_start3A_1215 = tpu.memref_squeeze %dma_start3A_1214 : memref<1x1x64xf32, #tpu.memory_space<hbm>> -> memref<64xf32, #tpu.memory_space<hbm>>
      tpu.enqueue_dma source(%dma_start3A_1215 : memref<64xf32, #tpu.memory_space<hbm>>) target(%dma_start3A_1212 : memref<64xf32, #tpu.memory_space<vmem>>) target_semaphore(%arg11 : memref<!tpu.dma_semaphore, #tpu.memory_space<semaphore_mem>>)
      %mul3A_1216 = arith.constant 2 : i32
      %mul3A_1217 = arith.muli %scan3A_1131, %mul3A_1216 : i32
      %add3A_1218 = arith.constant 0 : i32
      %add3A_1219 = arith.addi %add3A_1218, %mul3A_1217 : i32
      %add3A_1220 = arith.constant 0 : i32
      %add3A_1221 = arith.addi %add3A_1219, %add3A_1220 : i32
      %slice3A_1222 = vector.extract_strided_slice %shift_right_logical3A_1146 {offsets = [3], sizes = [1], strides = [1]} : vector<16xi32> to vector<1xi32>
      %squeeze3A_1223 = vector.extract %slice3A_1222[0] : i32 from vector<1xi32>
      %slice3A_1224 = vector.extract_strided_slice %and3A_1149 {offsets = [3], sizes = [1], strides = [1]} : vector<16xi32> to vector<1xi32>
      %squeeze3A_1225 = vector.extract %slice3A_1224[0] : i32 from vector<1xi32>
      %dma_start3A_1226 = arith.constant 3 : i32
      %dma_start3A_1227 = arith.constant 0 : i32
      %dma_start3A_1228 = tpu.memref_slice %arg10[%add3A_1221, %dma_start3A_1226, %dma_start3A_1227] : memref<64x8x64xf32, #tpu.memory_space<vmem>> -> memref<1x1x64xf32, #tpu.memory_space<vmem>>
      %dma_start3A_1229 = tpu.memref_squeeze %dma_start3A_1228 : memref<1x1x64xf32, #tpu.memory_space<vmem>> -> memref<64xf32, #tpu.memory_space<vmem>>
      %dma_start3A_1230 = arith.constant 0 : i32
      %dma_start3A_1231 = tpu.memref_slice %arg4[%squeeze3A_1223, %squeeze3A_1225, %dma_start3A_1230] : memref<125000x8x64xf32, #tpu.memory_space<hbm>> -> memref<1x1x64xf32, #tpu.memory_space<hbm>>
      %dma_start3A_1232 = tpu.memref_squeeze %dma_start3A_1231 : memref<1x1x64xf32, #tpu.memory_space<hbm>> -> memref<64xf32, #tpu.memory_space<hbm>>
      %dma_start3A_1233 = arith.constant 0 : i32
      %dma_start3A_1234 = tpu.memref_slice %arg10[%add3A_1221, %dma_start3A_1226, %dma_start3A_1233] : memref<64x8x64xf32, #tpu.memory_space<vmem>> -> memref<1x1x64xf32, #tpu.memory_space<vmem>>
      %dma_start3A_1235 = tpu.memref_squeeze %dma_start3A_1234 : memref<1x1x64xf32, #tpu.memory_space<vmem>> -> memref<64xf32, #tpu.memory_space<vmem>>
      %dma_start3A_1236 = arith.constant 0 : i32
      %dma_start3A_1237 = tpu.memref_slice %arg4[%squeeze3A_1223, %squeeze3A_1225, %dma_start3A_1236] : memref<125000x8x64xf32, #tpu.memory_space<hbm>> -> memref<1x1x64xf32, #tpu.memory_space<hbm>>
      %dma_start3A_1238 = tpu.memref_squeeze %dma_start3A_1237 : memref<1x1x64xf32, #tpu.memory_space<hbm>> -> memref<64xf32, #tpu.memory_space<hbm>>
      tpu.enqueue_dma source(%dma_start3A_1238 : memref<64xf32, #tpu.memory_space<hbm>>) target(%dma_start3A_1235 : memref<64xf32, #tpu.memory_space<vmem>>) target_semaphore(%arg11 : memref<!tpu.dma_semaphore, #tpu.memory_space<semaphore_mem>>)
      %mul3A_1239 = arith.constant 2 : i32
      %mul3A_1240 = arith.muli %scan3A_1131, %mul3A_1239 : i32
      %add3A_1241 = arith.constant 0 : i32
      %add3A_1242 = arith.addi %add3A_1241, %mul3A_1240 : i32
      %add3A_1243 = arith.constant 0 : i32
      %add3A_1244 = arith.addi %add3A_1242, %add3A_1243 : i32
      %slice3A_1245 = vector.extract_strided_slice %shift_right_logical3A_1146 {offsets = [4], sizes = [1], strides = [1]} : vector<16xi32> to vector<1xi32>
      %squeeze3A_1246 = vector.extract %slice3A_1245[0] : i32 from vector<1xi32>
      %slice3A_1247 = vector.extract_strided_slice %and3A_1149 {offsets = [4], sizes = [1], strides = [1]} : vector<16xi32> to vector<1xi32>
      %squeeze3A_1248 = vector.extract %slice3A_1247[0] : i32 from vector<1xi32>
      %dma_start3A_1249 = arith.constant 4 : i32
      %dma_start3A_1250 = arith.constant 0 : i32
      %dma_start3A_1251 = tpu.memref_slice %arg10[%add3A_1244, %dma_start3A_1249, %dma_start3A_1250] : memref<64x8x64xf32, #tpu.memory_space<vmem>> -> memref<1x1x64xf32, #tpu.memory_space<vmem>>
      %dma_start3A_1252 = tpu.memref_squeeze %dma_start3A_1251 : memref<1x1x64xf32, #tpu.memory_space<vmem>> -> memref<64xf32, #tpu.memory_space<vmem>>
      %dma_start3A_1253 = arith.constant 0 : i32
      %dma_start3A_1254 = tpu.memref_slice %arg4[%squeeze3A_1246, %squeeze3A_1248, %dma_start3A_1253] : memref<125000x8x64xf32, #tpu.memory_space<hbm>> -> memref<1x1x64xf32, #tpu.memory_space<hbm>>
      %dma_start3A_1255 = tpu.memref_squeeze %dma_start3A_1254 : memref<1x1x64xf32, #tpu.memory_space<hbm>> -> memref<64xf32, #tpu.memory_space<hbm>>
      %dma_start3A_1256 = arith.constant 0 : i32
      %dma_start3A_1257 = tpu.memref_slice %arg10[%add3A_1244, %dma_start3A_1249, %dma_start3A_1256] : memref<64x8x64xf32, #tpu.memory_space<vmem>> -> memref<1x1x64xf32, #tpu.memory_space<vmem>>
      %dma_start3A_1258 = tpu.memref_squeeze %dma_start3A_1257 : memref<1x1x64xf32, #tpu.memory_space<vmem>> -> memref<64xf32, #tpu.memory_space<vmem>>
      %dma_start3A_1259 = arith.constant 0 : i32
      %dma_start3A_1260 = tpu.memref_slice %arg4[%squeeze3A_1246, %squeeze3A_1248, %dma_start3A_1259] : memref<125000x8x64xf32, #tpu.memory_space<hbm>> -> memref<1x1x64xf32, #tpu.memory_space<hbm>>
      %dma_start3A_1261 = tpu.memref_squeeze %dma_start3A_1260 : memref<1x1x64xf32, #tpu.memory_space<hbm>> -> memref<64xf32, #tpu.memory_space<hbm>>
      tpu.enqueue_dma source(%dma_start3A_1261 : memref<64xf32, #tpu.memory_space<hbm>>) target(%dma_start3A_1258 : memref<64xf32, #tpu.memory_space<vmem>>) target_semaphore(%arg11 : memref<!tpu.dma_semaphore, #tpu.memory_space<semaphore_mem>>)
      %mul3A_1262 = arith.constant 2 : i32
      %mul3A_1263 = arith.muli %scan3A_1131, %mul3A_1262 : i32
      %add3A_1264 = arith.constant 0 : i32
      %add3A_1265 = arith.addi %add3A_1264, %mul3A_1263 : i32
      %add3A_1266 = arith.constant 0 : i32
      %add3A_1267 = arith.addi %add3A_1265, %add3A_1266 : i32
      %slice3A_1268 = vector.extract_strided_slice %shift_right_logical3A_1146 {offsets = [5], sizes = [1], strides = [1]} : vector<16xi32> to vector<1xi32>
      %squeeze3A_1269 = vector.extract %slice3A_1268[0] : i32 from vector<1xi32>
      %slice3A_1270 = vector.extract_strided_slice %and3A_1149 {offsets = [5], sizes = [1], strides = [1]} : vector<16xi32> to vector<1xi32>
      %squeeze3A_1271 = vector.extract %slice3A_1270[0] : i32 from vector<1xi32>
      %dma_start3A_1272 = arith.constant 5 : i32
      %dma_start3A_1273 = arith.constant 0 : i32
      %dma_start3A_1274 = tpu.memref_slice %arg10[%add3A_1267, %dma_start3A_1272, %dma_start3A_1273] : memref<64x8x64xf32, #tpu.memory_space<vmem>> -> memref<1x1x64xf32, #tpu.memory_space<vmem>>
      %dma_start3A_1275 = tpu.memref_squeeze %dma_start3A_1274 : memref<1x1x64xf32, #tpu.memory_space<vmem>> -> memref<64xf32, #tpu.memory_space<vmem>>
      %dma_start3A_1276 = arith.constant 0 : i32
      %dma_start3A_1277 = tpu.memref_slice %arg4[%squeeze3A_1269, %squeeze3A_1271, %dma_start3A_1276] : memref<125000x8x64xf32, #tpu.memory_space<hbm>> -> memref<1x1x64xf32, #tpu.memory_space<hbm>>
      %dma_start3A_1278 = tpu.memref_squeeze %dma_start3A_1277 : memref<1x1x64xf32, #tpu.memory_space<hbm>> -> memref<64xf32, #tpu.memory_space<hbm>>
      %dma_start3A_1279 = arith.constant 0 : i32
      %dma_start3A_1280 = tpu.memref_slice %arg10[%add3A_1267, %dma_start3A_1272, %dma_start3A_1279] : memref<64x8x64xf32, #tpu.memory_space<vmem>> -> memref<1x1x64xf32, #tpu.memory_space<vmem>>
      %dma_start3A_1281 = tpu.memref_squeeze %dma_start3A_1280 : memref<1x1x64xf32, #tpu.memory_space<vmem>> -> memref<64xf32, #tpu.memory_space<vmem>>
      %dma_start3A_1282 = arith.constant 0 : i32
      %dma_start3A_1283 = tpu.memref_slice %arg4[%squeeze3A_1269, %squeeze3A_1271, %dma_start3A_1282] : memref<125000x8x64xf32, #tpu.memory_space<hbm>> -> memref<1x1x64xf32, #tpu.memory_space<hbm>>
      %dma_start3A_1284 = tpu.memref_squeeze %dma_start3A_1283 : memref<1x1x64xf32, #tpu.memory_space<hbm>> -> memref<64xf32, #tpu.memory_space<hbm>>
      tpu.enqueue_dma source(%dma_start3A_1284 : memref<64xf32, #tpu.memory_space<hbm>>) target(%dma_start3A_1281 : memref<64xf32, #tpu.memory_space<vmem>>) target_semaphore(%arg11 : memref<!tpu.dma_semaphore, #tpu.memory_space<semaphore_mem>>)
      %mul3A_1285 = arith.constant 2 : i32
      %mul3A_1286 = arith.muli %scan3A_1131, %mul3A_1285 : i32
      %add3A_1287 = arith.constant 0 : i32
      %add3A_1288 = arith.addi %add3A_1287, %mul3A_1286 : i32
      %add3A_1289 = arith.constant 0 : i32
      %add3A_1290 = arith.addi %add3A_1288, %add3A_1289 : i32
      %slice3A_1291 = vector.extract_strided_slice %shift_right_logical3A_1146 {offsets = [6], sizes = [1], strides = [1]} : vector<16xi32> to vector<1xi32>
      %squeeze3A_1292 = vector.extract %slice3A_1291[0] : i32 from vector<1xi32>
      %slice3A_1293 = vector.extract_strided_slice %and3A_1149 {offsets = [6], sizes = [1], strides = [1]} : vector<16xi32> to vector<1xi32>
      %squeeze3A_1294 = vector.extract %slice3A_1293[0] : i32 from vector<1xi32>
      %dma_start3A_1295 = arith.constant 6 : i32
      %dma_start3A_1296 = arith.constant 0 : i32
      %dma_start3A_1297 = tpu.memref_slice %arg10[%add3A_1290, %dma_start3A_1295, %dma_start3A_1296] : memref<64x8x64xf32, #tpu.memory_space<vmem>> -> memref<1x1x64xf32, #tpu.memory_space<vmem>>
      %dma_start3A_1298 = tpu.memref_squeeze %dma_start3A_1297 : memref<1x1x64xf32, #tpu.memory_space<vmem>> -> memref<64xf32, #tpu.memory_space<vmem>>
      %dma_start3A_1299 = arith.constant 0 : i32
      %dma_start3A_1300 = tpu.memref_slice %arg4[%squeeze3A_1292, %squeeze3A_1294, %dma_start3A_1299] : memref<125000x8x64xf32, #tpu.memory_space<hbm>> -> memref<1x1x64xf32, #tpu.memory_space<hbm>>
      %dma_start3A_1301 = tpu.memref_squeeze %dma_start3A_1300 : memref<1x1x64xf32, #tpu.memory_space<hbm>> -> memref<64xf32, #tpu.memory_space<hbm>>
      %dma_start3A_1302 = arith.constant 0 : i32
      %dma_start3A_1303 = tpu.memref_slice %arg10[%add3A_1290, %dma_start3A_1295, %dma_start3A_1302] : memref<64x8x64xf32, #tpu.memory_space<vmem>> -> memref<1x1x64xf32, #tpu.memory_space<vmem>>
      %dma_start3A_1304 = tpu.memref_squeeze %dma_start3A_1303 : memref<1x1x64xf32, #tpu.memory_space<vmem>> -> memref<64xf32, #tpu.memory_space<vmem>>
      %dma_start3A_1305 = arith.constant 0 : i32
      %dma_start3A_1306 = tpu.memref_slice %arg4[%squeeze3A_1292, %squeeze3A_1294, %dma_start3A_1305] : memref<125000x8x64xf32, #tpu.memory_space<hbm>> -> memref<1x1x64xf32, #tpu.memory_space<hbm>>
      %dma_start3A_1307 = tpu.memref_squeeze %dma_start3A_1306 : memref<1x1x64xf32, #tpu.memory_space<hbm>> -> memref<64xf32, #tpu.memory_space<hbm>>
      tpu.enqueue_dma source(%dma_start3A_1307 : memref<64xf32, #tpu.memory_space<hbm>>) target(%dma_start3A_1304 : memref<64xf32, #tpu.memory_space<vmem>>) target_semaphore(%arg11 : memref<!tpu.dma_semaphore, #tpu.memory_space<semaphore_mem>>)
      %mul3A_1308 = arith.constant 2 : i32
      %mul3A_1309 = arith.muli %scan3A_1131, %mul3A_1308 : i32
      %add3A_1310 = arith.constant 0 : i32
      %add3A_1311 = arith.addi %add3A_1310, %mul3A_1309 : i32
      %add3A_1312 = arith.constant 0 : i32
      %add3A_1313 = arith.addi %add3A_1311, %add3A_1312 : i32
      %slice3A_1314 = vector.extract_strided_slice %shift_right_logical3A_1146 {offsets = [7], sizes = [1], strides = [1]} : vector<16xi32> to vector<1xi32>
      %squeeze3A_1315 = vector.extract %slice3A_1314[0] : i32 from vector<1xi32>
      %slice3A_1316 = vector.extract_strided_slice %and3A_1149 {offsets = [7], sizes = [1], strides = [1]} : vector<16xi32> to vector<1xi32>
      %squeeze3A_1317 = vector.extract %slice3A_1316[0] : i32 from vector<1xi32>
      %dma_start3A_1318 = arith.constant 7 : i32
      %dma_start3A_1319 = arith.constant 0 : i32
      %dma_start3A_1320 = tpu.memref_slice %arg10[%add3A_1313, %dma_start3A_1318, %dma_start3A_1319] : memref<64x8x64xf32, #tpu.memory_space<vmem>> -> memref<1x1x64xf32, #tpu.memory_space<vmem>>
      %dma_start3A_1321 = tpu.memref_squeeze %dma_start3A_1320 : memref<1x1x64xf32, #tpu.memory_space<vmem>> -> memref<64xf32, #tpu.memory_space<vmem>>
      %dma_start3A_1322 = arith.constant 0 : i32
      %dma_start3A_1323 = tpu.memref_slice %arg4[%squeeze3A_1315, %squeeze3A_1317, %dma_start3A_1322] : memref<125000x8x64xf32, #tpu.memory_space<hbm>> -> memref<1x1x64xf32, #tpu.memory_space<hbm>>
      %dma_start3A_1324 = tpu.memref_squeeze %dma_start3A_1323 : memref<1x1x64xf32, #tpu.memory_space<hbm>> -> memref<64xf32, #tpu.memory_space<hbm>>
      %dma_start3A_1325 = arith.constant 0 : i32
      %dma_start3A_1326 = tpu.memref_slice %arg10[%add3A_1313, %dma_start3A_1318, %dma_start3A_1325] : memref<64x8x64xf32, #tpu.memory_space<vmem>> -> memref<1x1x64xf32, #tpu.memory_space<vmem>>
      %dma_start3A_1327 = tpu.memref_squeeze %dma_start3A_1326 : memref<1x1x64xf32, #tpu.memory_space<vmem>> -> memref<64xf32, #tpu.memory_space<vmem>>
      %dma_start3A_1328 = arith.constant 0 : i32
      %dma_start3A_1329 = tpu.memref_slice %arg4[%squeeze3A_1315, %squeeze3A_1317, %dma_start3A_1328] : memref<125000x8x64xf32, #tpu.memory_space<hbm>> -> memref<1x1x64xf32, #tpu.memory_space<hbm>>
      %dma_start3A_1330 = tpu.memref_squeeze %dma_start3A_1329 : memref<1x1x64xf32, #tpu.memory_space<hbm>> -> memref<64xf32, #tpu.memory_space<hbm>>
      tpu.enqueue_dma source(%dma_start3A_1330 : memref<64xf32, #tpu.memory_space<hbm>>) target(%dma_start3A_1327 : memref<64xf32, #tpu.memory_space<vmem>>) target_semaphore(%arg11 : memref<!tpu.dma_semaphore, #tpu.memory_space<semaphore_mem>>)
      %mul3A_1331 = arith.constant 2 : i32
      %mul3A_1332 = arith.muli %scan3A_1131, %mul3A_1331 : i32
      %add3A_1333 = arith.constant 0 : i32
      %add3A_1334 = arith.addi %add3A_1333, %mul3A_1332 : i32
      %add3A_1335 = arith.constant 1 : i32
      %add3A_1336 = arith.addi %add3A_1334, %add3A_1335 : i32
      %slice3A_1337 = vector.extract_strided_slice %shift_right_logical3A_1146 {offsets = [8], sizes = [1], strides = [1]} : vector<16xi32> to vector<1xi32>
      %squeeze3A_1338 = vector.extract %slice3A_1337[0] : i32 from vector<1xi32>
      %slice3A_1339 = vector.extract_strided_slice %and3A_1149 {offsets = [8], sizes = [1], strides = [1]} : vector<16xi32> to vector<1xi32>
      %squeeze3A_1340 = vector.extract %slice3A_1339[0] : i32 from vector<1xi32>
      %dma_start3A_1341 = arith.constant 0 : i32
      %dma_start3A_1342 = arith.constant 0 : i32
      %dma_start3A_1343 = tpu.memref_slice %arg10[%add3A_1336, %dma_start3A_1341, %dma_start3A_1342] : memref<64x8x64xf32, #tpu.memory_space<vmem>> -> memref<1x1x64xf32, #tpu.memory_space<vmem>>
      %dma_start3A_1344 = tpu.memref_squeeze %dma_start3A_1343 : memref<1x1x64xf32, #tpu.memory_space<vmem>> -> memref<64xf32, #tpu.memory_space<vmem>>
      %dma_start3A_1345 = arith.constant 0 : i32
      %dma_start3A_1346 = tpu.memref_slice %arg4[%squeeze3A_1338, %squeeze3A_1340, %dma_start3A_1345] : memref<125000x8x64xf32, #tpu.memory_space<hbm>> -> memref<1x1x64xf32, #tpu.memory_space<hbm>>
      %dma_start3A_1347 = tpu.memref_squeeze %dma_start3A_1346 : memref<1x1x64xf32, #tpu.memory_space<hbm>> -> memref<64xf32, #tpu.memory_space<hbm>>
      %dma_start3A_1348 = arith.constant 0 : i32
      %dma_start3A_1349 = tpu.memref_slice %arg10[%add3A_1336, %dma_start3A_1341, %dma_start3A_1348] : memref<64x8x64xf32, #tpu.memory_space<vmem>> -> memref<1x1x64xf32, #tpu.memory_space<vmem>>
      %dma_start3A_1350 = tpu.memref_squeeze %dma_start3A_1349 : memref<1x1x64xf32, #tpu.memory_space<vmem>> -> memref<64xf32, #tpu.memory_space<vmem>>
      %dma_start3A_1351 = arith.constant 0 : i32
      %dma_start3A_1352 = tpu.memref_slice %arg4[%squeeze3A_1338, %squeeze3A_1340, %dma_start3A_1351] : memref<125000x8x64xf32, #tpu.memory_space<hbm>> -> memref<1x1x64xf32, #tpu.memory_space<hbm>>
      %dma_start3A_1353 = tpu.memref_squeeze %dma_start3A_1352 : memref<1x1x64xf32, #tpu.memory_space<hbm>> -> memref<64xf32, #tpu.memory_space<hbm>>
      tpu.enqueue_dma source(%dma_start3A_1353 : memref<64xf32, #tpu.memory_space<hbm>>) target(%dma_start3A_1350 : memref<64xf32, #tpu.memory_space<vmem>>) target_semaphore(%arg11 : memref<!tpu.dma_semaphore, #tpu.memory_space<semaphore_mem>>)
      %mul3A_1354 = arith.constant 2 : i32
      %mul3A_1355 = arith.muli %scan3A_1131, %mul3A_1354 : i32
      %add3A_1356 = arith.constant 0 : i32
      %add3A_1357 = arith.addi %add3A_1356, %mul3A_1355 : i32
      %add3A_1358 = arith.constant 1 : i32
      %add3A_1359 = arith.addi %add3A_1357, %add3A_1358 : i32
      %slice3A_1360 = vector.extract_strided_slice %shift_right_logical3A_1146 {offsets = [9], sizes = [1], strides = [1]} : vector<16xi32> to vector<1xi32>
      %squeeze3A_1361 = vector.extract %slice3A_1360[0] : i32 from vector<1xi32>
      %slice3A_1362 = vector.extract_strided_slice %and3A_1149 {offsets = [9], sizes = [1], strides = [1]} : vector<16xi32> to vector<1xi32>
      %squeeze3A_1363 = vector.extract %slice3A_1362[0] : i32 from vector<1xi32>
      %dma_start3A_1364 = arith.constant 1 : i32
      %dma_start3A_1365 = arith.constant 0 : i32
      %dma_start3A_1366 = tpu.memref_slice %arg10[%add3A_1359, %dma_start3A_1364, %dma_start3A_1365] : memref<64x8x64xf32, #tpu.memory_space<vmem>> -> memref<1x1x64xf32, #tpu.memory_space<vmem>>
      %dma_start3A_1367 = tpu.memref_squeeze %dma_start3A_1366 : memref<1x1x64xf32, #tpu.memory_space<vmem>> -> memref<64xf32, #tpu.memory_space<vmem>>
      %dma_start3A_1368 = arith.constant 0 : i32
      %dma_start3A_1369 = tpu.memref_slice %arg4[%squeeze3A_1361, %squeeze3A_1363, %dma_start3A_1368] : memref<125000x8x64xf32, #tpu.memory_space<hbm>> -> memref<1x1x64xf32, #tpu.memory_space<hbm>>
      %dma_start3A_1370 = tpu.memref_squeeze %dma_start3A_1369 : memref<1x1x64xf32, #tpu.memory_space<hbm>> -> memref<64xf32, #tpu.memory_space<hbm>>
      %dma_start3A_1371 = arith.constant 0 : i32
      %dma_start3A_1372 = tpu.memref_slice %arg10[%add3A_1359, %dma_start3A_1364, %dma_start3A_1371] : memref<64x8x64xf32, #tpu.memory_space<vmem>> -> memref<1x1x64xf32, #tpu.memory_space<vmem>>
      %dma_start3A_1373 = tpu.memref_squeeze %dma_start3A_1372 : memref<1x1x64xf32, #tpu.memory_space<vmem>> -> memref<64xf32, #tpu.memory_space<vmem>>
      %dma_start3A_1374 = arith.constant 0 : i32
      %dma_start3A_1375 = tpu.memref_slice %arg4[%squeeze3A_1361, %squeeze3A_1363, %dma_start3A_1374] : memref<125000x8x64xf32, #tpu.memory_space<hbm>> -> memref<1x1x64xf32, #tpu.memory_space<hbm>>
      %dma_start3A_1376 = tpu.memref_squeeze %dma_start3A_1375 : memref<1x1x64xf32, #tpu.memory_space<hbm>> -> memref<64xf32, #tpu.memory_space<hbm>>
      tpu.enqueue_dma source(%dma_start3A_1376 : memref<64xf32, #tpu.memory_space<hbm>>) target(%dma_start3A_1373 : memref<64xf32, #tpu.memory_space<vmem>>) target_semaphore(%arg11 : memref<!tpu.dma_semaphore, #tpu.memory_space<semaphore_mem>>)
      %mul3A_1377 = arith.constant 2 : i32
      %mul3A_1378 = arith.muli %scan3A_1131, %mul3A_1377 : i32
      %add3A_1379 = arith.constant 0 : i32
      %add3A_1380 = arith.addi %add3A_1379, %mul3A_1378 : i32
      %add3A_1381 = arith.constant 1 : i32
      %add3A_1382 = arith.addi %add3A_1380, %add3A_1381 : i32
      %slice3A_1383 = vector.extract_strided_slice %shift_right_logical3A_1146 {offsets = [10], sizes = [1], strides = [1]} : vector<16xi32> to vector<1xi32>
      %squeeze3A_1384 = vector.extract %slice3A_1383[0] : i32 from vector<1xi32>
      %slice3A_1385 = vector.extract_strided_slice %and3A_1149 {offsets = [10], sizes = [1], strides = [1]} : vector<16xi32> to vector<1xi32>
      %squeeze3A_1386 = vector.extract %slice3A_1385[0] : i32 from vector<1xi32>
      %dma_start3A_1387 = arith.constant 2 : i32
      %dma_start3A_1388 = arith.constant 0 : i32
      %dma_start3A_1389 = tpu.memref_slice %arg10[%add3A_1382, %dma_start3A_1387, %dma_start3A_1388] : memref<64x8x64xf32, #tpu.memory_space<vmem>> -> memref<1x1x64xf32, #tpu.memory_space<vmem>>
      %dma_start3A_1390 = tpu.memref_squeeze %dma_start3A_1389 : memref<1x1x64xf32, #tpu.memory_space<vmem>> -> memref<64xf32, #tpu.memory_space<vmem>>
      %dma_start3A_1391 = arith.constant 0 : i32
      %dma_start3A_1392 = tpu.memref_slice %arg4[%squeeze3A_1384, %squeeze3A_1386, %dma_start3A_1391] : memref<125000x8x64xf32, #tpu.memory_space<hbm>> -> memref<1x1x64xf32, #tpu.memory_space<hbm>>
      %dma_start3A_1393 = tpu.memref_squeeze %dma_start3A_1392 : memref<1x1x64xf32, #tpu.memory_space<hbm>> -> memref<64xf32, #tpu.memory_space<hbm>>
      %dma_start3A_1394 = arith.constant 0 : i32
      %dma_start3A_1395 = tpu.memref_slice %arg10[%add3A_1382, %dma_start3A_1387, %dma_start3A_1394] : memref<64x8x64xf32, #tpu.memory_space<vmem>> -> memref<1x1x64xf32, #tpu.memory_space<vmem>>
      %dma_start3A_1396 = tpu.memref_squeeze %dma_start3A_1395 : memref<1x1x64xf32, #tpu.memory_space<vmem>> -> memref<64xf32, #tpu.memory_space<vmem>>
      %dma_start3A_1397 = arith.constant 0 : i32
      %dma_start3A_1398 = tpu.memref_slice %arg4[%squeeze3A_1384, %squeeze3A_1386, %dma_start3A_1397] : memref<125000x8x64xf32, #tpu.memory_space<hbm>> -> memref<1x1x64xf32, #tpu.memory_space<hbm>>
      %dma_start3A_1399 = tpu.memref_squeeze %dma_start3A_1398 : memref<1x1x64xf32, #tpu.memory_space<hbm>> -> memref<64xf32, #tpu.memory_space<hbm>>
      tpu.enqueue_dma source(%dma_start3A_1399 : memref<64xf32, #tpu.memory_space<hbm>>) target(%dma_start3A_1396 : memref<64xf32, #tpu.memory_space<vmem>>) target_semaphore(%arg11 : memref<!tpu.dma_semaphore, #tpu.memory_space<semaphore_mem>>)
      %mul3A_1400 = arith.constant 2 : i32
      %mul3A_1401 = arith.muli %scan3A_1131, %mul3A_1400 : i32
      %add3A_1402 = arith.constant 0 : i32
      %add3A_1403 = arith.addi %add3A_1402, %mul3A_1401 : i32
      %add3A_1404 = arith.constant 1 : i32
      %add3A_1405 = arith.addi %add3A_1403, %add3A_1404 : i32
      %slice3A_1406 = vector.extract_strided_slice %shift_right_logical3A_1146 {offsets = [11], sizes = [1], strides = [1]} : vector<16xi32> to vector<1xi32>
      %squeeze3A_1407 = vector.extract %slice3A_1406[0] : i32 from vector<1xi32>
      %slice3A_1408 = vector.extract_strided_slice %and3A_1149 {offsets = [11], sizes = [1], strides = [1]} : vector<16xi32> to vector<1xi32>
      %squeeze3A_1409 = vector.extract %slice3A_1408[0] : i32 from vector<1xi32>
      %dma_start3A_1410 = arith.constant 3 : i32
      %dma_start3A_1411 = arith.constant 0 : i32
      %dma_start3A_1412 = tpu.memref_slice %arg10[%add3A_1405, %dma_start3A_1410, %dma_start3A_1411] : memref<64x8x64xf32, #tpu.memory_space<vmem>> -> memref<1x1x64xf32, #tpu.memory_space<vmem>>
      %dma_start3A_1413 = tpu.memref_squeeze %dma_start3A_1412 : memref<1x1x64xf32, #tpu.memory_space<vmem>> -> memref<64xf32, #tpu.memory_space<vmem>>
      %dma_start3A_1414 = arith.constant 0 : i32
      %dma_start3A_1415 = tpu.memref_slice %arg4[%squeeze3A_1407, %squeeze3A_1409, %dma_start3A_1414] : memref<125000x8x64xf32, #tpu.memory_space<hbm>> -> memref<1x1x64xf32, #tpu.memory_space<hbm>>
      %dma_start3A_1416 = tpu.memref_squeeze %dma_start3A_1415 : memref<1x1x64xf32, #tpu.memory_space<hbm>> -> memref<64xf32, #tpu.memory_space<hbm>>
      %dma_start3A_1417 = arith.constant 0 : i32
      %dma_start3A_1418 = tpu.memref_slice %arg10[%add3A_1405, %dma_start3A_1410, %dma_start3A_1417] : memref<64x8x64xf32, #tpu.memory_space<vmem>> -> memref<1x1x64xf32, #tpu.memory_space<vmem>>
      %dma_start3A_1419 = tpu.memref_squeeze %dma_start3A_1418 : memref<1x1x64xf32, #tpu.memory_space<vmem>> -> memref<64xf32, #tpu.memory_space<vmem>>
      %dma_start3A_1420 = arith.constant 0 : i32
      %dma_start3A_1421 = tpu.memref_slice %arg4[%squeeze3A_1407, %squeeze3A_1409, %dma_start3A_1420] : memref<125000x8x64xf32, #tpu.memory_space<hbm>> -> memref<1x1x64xf32, #tpu.memory_space<hbm>>
      %dma_start3A_1422 = tpu.memref_squeeze %dma_start3A_1421 : memref<1x1x64xf32, #tpu.memory_space<hbm>> -> memref<64xf32, #tpu.memory_space<hbm>>
      tpu.enqueue_dma source(%dma_start3A_1422 : memref<64xf32, #tpu.memory_space<hbm>>) target(%dma_start3A_1419 : memref<64xf32, #tpu.memory_space<vmem>>) target_semaphore(%arg11 : memref<!tpu.dma_semaphore, #tpu.memory_space<semaphore_mem>>)
      %mul3A_1423 = arith.constant 2 : i32
      %mul3A_1424 = arith.muli %scan3A_1131, %mul3A_1423 : i32
      %add3A_1425 = arith.constant 0 : i32
      %add3A_1426 = arith.addi %add3A_1425, %mul3A_1424 : i32
      %add3A_1427 = arith.constant 1 : i32
      %add3A_1428 = arith.addi %add3A_1426, %add3A_1427 : i32
      %slice3A_1429 = vector.extract_strided_slice %shift_right_logical3A_1146 {offsets = [12], sizes = [1], strides = [1]} : vector<16xi32> to vector<1xi32>
      %squeeze3A_1430 = vector.extract %slice3A_1429[0] : i32 from vector<1xi32>
      %slice3A_1431 = vector.extract_strided_slice %and3A_1149 {offsets = [12], sizes = [1], strides = [1]} : vector<16xi32> to vector<1xi32>
      %squeeze3A_1432 = vector.extract %slice3A_1431[0] : i32 from vector<1xi32>
      %dma_start3A_1433 = arith.constant 4 : i32
      %dma_start3A_1434 = arith.constant 0 : i32
      %dma_start3A_1435 = tpu.memref_slice %arg10[%add3A_1428, %dma_start3A_1433, %dma_start3A_1434] : memref<64x8x64xf32, #tpu.memory_space<vmem>> -> memref<1x1x64xf32, #tpu.memory_space<vmem>>
      %dma_start3A_1436 = tpu.memref_squeeze %dma_start3A_1435 : memref<1x1x64xf32, #tpu.memory_space<vmem>> -> memref<64xf32, #tpu.memory_space<vmem>>
      %dma_start3A_1437 = arith.constant 0 : i32
      %dma_start3A_1438 = tpu.memref_slice %arg4[%squeeze3A_1430, %squeeze3A_1432, %dma_start3A_1437] : memref<125000x8x64xf32, #tpu.memory_space<hbm>> -> memref<1x1x64xf32, #tpu.memory_space<hbm>>
      %dma_start3A_1439 = tpu.memref_squeeze %dma_start3A_1438 : memref<1x1x64xf32, #tpu.memory_space<hbm>> -> memref<64xf32, #tpu.memory_space<hbm>>
      %dma_start3A_1440 = arith.constant 0 : i32
      %dma_start3A_1441 = tpu.memref_slice %arg10[%add3A_1428, %dma_start3A_1433, %dma_start3A_1440] : memref<64x8x64xf32, #tpu.memory_space<vmem>> -> memref<1x1x64xf32, #tpu.memory_space<vmem>>
      %dma_start3A_1442 = tpu.memref_squeeze %dma_start3A_1441 : memref<1x1x64xf32, #tpu.memory_space<vmem>> -> memref<64xf32, #tpu.memory_space<vmem>>
      %dma_start3A_1443 = arith.constant 0 : i32
      %dma_start3A_1444 = tpu.memref_slice %arg4[%squeeze3A_1430, %squeeze3A_1432, %dma_start3A_1443] : memref<125000x8x64xf32, #tpu.memory_space<hbm>> -> memref<1x1x64xf32, #tpu.memory_space<hbm>>
      %dma_start3A_1445 = tpu.memref_squeeze %dma_start3A_1444 : memref<1x1x64xf32, #tpu.memory_space<hbm>> -> memref<64xf32, #tpu.memory_space<hbm>>
      tpu.enqueue_dma source(%dma_start3A_1445 : memref<64xf32, #tpu.memory_space<hbm>>) target(%dma_start3A_1442 : memref<64xf32, #tpu.memory_space<vmem>>) target_semaphore(%arg11 : memref<!tpu.dma_semaphore, #tpu.memory_space<semaphore_mem>>)
      %mul3A_1446 = arith.constant 2 : i32
      %mul3A_1447 = arith.muli %scan3A_1131, %mul3A_1446 : i32
      %add3A_1448 = arith.constant 0 : i32
      %add3A_1449 = arith.addi %add3A_1448, %mul3A_1447 : i32
      %add3A_1450 = arith.constant 1 : i32
      %add3A_1451 = arith.addi %add3A_1449, %add3A_1450 : i32
      %slice3A_1452 = vector.extract_strided_slice %shift_right_logical3A_1146 {offsets = [13], sizes = [1], strides = [1]} : vector<16xi32> to vector<1xi32>
      %squeeze3A_1453 = vector.extract %slice3A_1452[0] : i32 from vector<1xi32>
      %slice3A_1454 = vector.extract_strided_slice %and3A_1149 {offsets = [13], sizes = [1], strides = [1]} : vector<16xi32> to vector<1xi32>
      %squeeze3A_1455 = vector.extract %slice3A_1454[0] : i32 from vector<1xi32>
      %dma_start3A_1456 = arith.constant 5 : i32
      %dma_start3A_1457 = arith.constant 0 : i32
      %dma_start3A_1458 = tpu.memref_slice %arg10[%add3A_1451, %dma_start3A_1456, %dma_start3A_1457] : memref<64x8x64xf32, #tpu.memory_space<vmem>> -> memref<1x1x64xf32, #tpu.memory_space<vmem>>
      %dma_start3A_1459 = tpu.memref_squeeze %dma_start3A_1458 : memref<1x1x64xf32, #tpu.memory_space<vmem>> -> memref<64xf32, #tpu.memory_space<vmem>>
      %dma_start3A_1460 = arith.constant 0 : i32
      %dma_start3A_1461 = tpu.memref_slice %arg4[%squeeze3A_1453, %squeeze3A_1455, %dma_start3A_1460] : memref<125000x8x64xf32, #tpu.memory_space<hbm>> -> memref<1x1x64xf32, #tpu.memory_space<hbm>>
      %dma_start3A_1462 = tpu.memref_squeeze %dma_start3A_1461 : memref<1x1x64xf32, #tpu.memory_space<hbm>> -> memref<64xf32, #tpu.memory_space<hbm>>
      %dma_start3A_1463 = arith.constant 0 : i32
      %dma_start3A_1464 = tpu.memref_slice %arg10[%add3A_1451, %dma_start3A_1456, %dma_start3A_1463] : memref<64x8x64xf32, #tpu.memory_space<vmem>> -> memref<1x1x64xf32, #tpu.memory_space<vmem>>
      %dma_start3A_1465 = tpu.memref_squeeze %dma_start3A_1464 : memref<1x1x64xf32, #tpu.memory_space<vmem>> -> memref<64xf32, #tpu.memory_space<vmem>>
      %dma_start3A_1466 = arith.constant 0 : i32
      %dma_start3A_1467 = tpu.memref_slice %arg4[%squeeze3A_1453, %squeeze3A_1455, %dma_start3A_1466] : memref<125000x8x64xf32, #tpu.memory_space<hbm>> -> memref<1x1x64xf32, #tpu.memory_space<hbm>>
      %dma_start3A_1468 = tpu.memref_squeeze %dma_start3A_1467 : memref<1x1x64xf32, #tpu.memory_space<hbm>> -> memref<64xf32, #tpu.memory_space<hbm>>
      tpu.enqueue_dma source(%dma_start3A_1468 : memref<64xf32, #tpu.memory_space<hbm>>) target(%dma_start3A_1465 : memref<64xf32, #tpu.memory_space<vmem>>) target_semaphore(%arg11 : memref<!tpu.dma_semaphore, #tpu.memory_space<semaphore_mem>>)
      %mul3A_1469 = arith.constant 2 : i32
      %mul3A_1470 = arith.muli %scan3A_1131, %mul3A_1469 : i32
      %add3A_1471 = arith.constant 0 : i32
      %add3A_1472 = arith.addi %add3A_1471, %mul3A_1470 : i32
      %add3A_1473 = arith.constant 1 : i32
      %add3A_1474 = arith.addi %add3A_1472, %add3A_1473 : i32
      %slice3A_1475 = vector.extract_strided_slice %shift_right_logical3A_1146 {offsets = [14], sizes = [1], strides = [1]} : vector<16xi32> to vector<1xi32>
      %squeeze3A_1476 = vector.extract %slice3A_1475[0] : i32 from vector<1xi32>
      %slice3A_1477 = vector.extract_strided_slice %and3A_1149 {offsets = [14], sizes = [1], strides = [1]} : vector<16xi32> to vector<1xi32>
      %squeeze3A_1478 = vector.extract %slice3A_1477[0] : i32 from vector<1xi32>
      %dma_start3A_1479 = arith.constant 6 : i32
      %dma_start3A_1480 = arith.constant 0 : i32
      %dma_start3A_1481 = tpu.memref_slice %arg10[%add3A_1474, %dma_start3A_1479, %dma_start3A_1480] : memref<64x8x64xf32, #tpu.memory_space<vmem>> -> memref<1x1x64xf32, #tpu.memory_space<vmem>>
      %dma_start3A_1482 = tpu.memref_squeeze %dma_start3A_1481 : memref<1x1x64xf32, #tpu.memory_space<vmem>> -> memref<64xf32, #tpu.memory_space<vmem>>
      %dma_start3A_1483 = arith.constant 0 : i32
      %dma_start3A_1484 = tpu.memref_slice %arg4[%squeeze3A_1476, %squeeze3A_1478, %dma_start3A_1483] : memref<125000x8x64xf32, #tpu.memory_space<hbm>> -> memref<1x1x64xf32, #tpu.memory_space<hbm>>
      %dma_start3A_1485 = tpu.memref_squeeze %dma_start3A_1484 : memref<1x1x64xf32, #tpu.memory_space<hbm>> -> memref<64xf32, #tpu.memory_space<hbm>>
      %dma_start3A_1486 = arith.constant 0 : i32
      %dma_start3A_1487 = tpu.memref_slice %arg10[%add3A_1474, %dma_start3A_1479, %dma_start3A_1486] : memref<64x8x64xf32, #tpu.memory_space<vmem>> -> memref<1x1x64xf32, #tpu.memory_space<vmem>>
      %dma_start3A_1488 = tpu.memref_squeeze %dma_start3A_1487 : memref<1x1x64xf32, #tpu.memory_space<vmem>> -> memref<64xf32, #tpu.memory_space<vmem>>
      %dma_start3A_1489 = arith.constant 0 : i32
      %dma_start3A_1490 = tpu.memref_slice %arg4[%squeeze3A_1476, %squeeze3A_1478, %dma_start3A_1489] : memref<125000x8x64xf32, #tpu.memory_space<hbm>> -> memref<1x1x64xf32, #tpu.memory_space<hbm>>
      %dma_start3A_1491 = tpu.memref_squeeze %dma_start3A_1490 : memref<1x1x64xf32, #tpu.memory_space<hbm>> -> memref<64xf32, #tpu.memory_space<hbm>>
      tpu.enqueue_dma source(%dma_start3A_1491 : memref<64xf32, #tpu.memory_space<hbm>>) target(%dma_start3A_1488 : memref<64xf32, #tpu.memory_space<vmem>>) target_semaphore(%arg11 : memref<!tpu.dma_semaphore, #tpu.memory_space<semaphore_mem>>)
      %mul3A_1492 = arith.constant 2 : i32
      %mul3A_1493 = arith.muli %scan3A_1131, %mul3A_1492 : i32
      %add3A_1494 = arith.constant 0 : i32
      %add3A_1495 = arith.addi %add3A_1494, %mul3A_1493 : i32
      %add3A_1496 = arith.constant 1 : i32
      %add3A_1497 = arith.addi %add3A_1495, %add3A_1496 : i32
      %slice3A_1498 = vector.extract_strided_slice %shift_right_logical3A_1146 {offsets = [15], sizes = [1], strides = [1]} : vector<16xi32> to vector<1xi32>
      %squeeze3A_1499 = vector.extract %slice3A_1498[0] : i32 from vector<1xi32>
      %slice3A_1500 = vector.extract_strided_slice %and3A_1149 {offsets = [15], sizes = [1], strides = [1]} : vector<16xi32> to vector<1xi32>
      %squeeze3A_1501 = vector.extract %slice3A_1500[0] : i32 from vector<1xi32>
      %dma_start3A_1502 = arith.constant 7 : i32
      %dma_start3A_1503 = arith.constant 0 : i32
      %dma_start3A_1504 = tpu.memref_slice %arg10[%add3A_1497, %dma_start3A_1502, %dma_start3A_1503] : memref<64x8x64xf32, #tpu.memory_space<vmem>> -> memref<1x1x64xf32, #tpu.memory_space<vmem>>
      %dma_start3A_1505 = tpu.memref_squeeze %dma_start3A_1504 : memref<1x1x64xf32, #tpu.memory_space<vmem>> -> memref<64xf32, #tpu.memory_space<vmem>>
      %dma_start3A_1506 = arith.constant 0 : i32
      %dma_start3A_1507 = tpu.memref_slice %arg4[%squeeze3A_1499, %squeeze3A_1501, %dma_start3A_1506] : memref<125000x8x64xf32, #tpu.memory_space<hbm>> -> memref<1x1x64xf32, #tpu.memory_space<hbm>>
      %dma_start3A_1508 = tpu.memref_squeeze %dma_start3A_1507 : memref<1x1x64xf32, #tpu.memory_space<hbm>> -> memref<64xf32, #tpu.memory_space<hbm>>
      %dma_start3A_1509 = arith.constant 0 : i32
      %dma_start3A_1510 = tpu.memref_slice %arg10[%add3A_1497, %dma_start3A_1502, %dma_start3A_1509] : memref<64x8x64xf32, #tpu.memory_space<vmem>> -> memref<1x1x64xf32, #tpu.memory_space<vmem>>
      %dma_start3A_1511 = tpu.memref_squeeze %dma_start3A_1510 : memref<1x1x64xf32, #tpu.memory_space<vmem>> -> memref<64xf32, #tpu.memory_space<vmem>>
      %dma_start3A_1512 = arith.constant 0 : i32
      %dma_start3A_1513 = tpu.memref_slice %arg4[%squeeze3A_1499, %squeeze3A_1501, %dma_start3A_1512] : memref<125000x8x64xf32, #tpu.memory_space<hbm>> -> memref<1x1x64xf32, #tpu.memory_space<hbm>>
      %dma_start3A_1514 = tpu.memref_squeeze %dma_start3A_1513 : memref<1x1x64xf32, #tpu.memory_space<hbm>> -> memref<64xf32, #tpu.memory_space<hbm>>
      tpu.enqueue_dma source(%dma_start3A_1514 : memref<64xf32, #tpu.memory_space<hbm>>) target(%dma_start3A_1511 : memref<64xf32, #tpu.memory_space<vmem>>) target_semaphore(%arg11 : memref<!tpu.dma_semaphore, #tpu.memory_space<semaphore_mem>>)
      %shift_right_logical3A_1515 = arith.constant 3 : i32
      %shift_right_logical3A_1516 = vector.broadcast %shift_right_logical3A_1515 : i32 to vector<16xi32>
      %shift_right_logical3A_1517 = arith.shrui %get3A_1144, %shift_right_logical3A_1516 : vector<16xi32>
      %and3A_1518 = arith.constant 7 : i32
      %and3A_1519 = vector.broadcast %and3A_1518 : i32 to vector<16xi32>
      %and3A_1520 = arith.andi %get3A_1144, %and3A_1519 : vector<16xi32>
      %mul3A_1521 = arith.constant 2 : i32
      %mul3A_1522 = arith.muli %scan3A_1131, %mul3A_1521 : i32
      %add3A_1523 = arith.constant 32 : i32
      %add3A_1524 = arith.addi %add3A_1523, %mul3A_1522 : i32
      %add3A_1525 = arith.constant 0 : i32
      %add3A_1526 = arith.addi %add3A_1524, %add3A_1525 : i32
      %slice3A_1527 = vector.extract_strided_slice %shift_right_logical3A_1517 {offsets = [0], sizes = [1], strides = [1]} : vector<16xi32> to vector<1xi32>
      %squeeze3A_1528 = vector.extract %slice3A_1527[0] : i32 from vector<1xi32>
      %slice3A_1529 = vector.extract_strided_slice %and3A_1520 {offsets = [0], sizes = [1], strides = [1]} : vector<16xi32> to vector<1xi32>
      %squeeze3A_1530 = vector.extract %slice3A_1529[0] : i32 from vector<1xi32>
      %dma_start3A_1531 = arith.constant 0 : i32
      %dma_start3A_1532 = arith.constant 0 : i32
      %dma_start3A_1533 = tpu.memref_slice %arg10[%add3A_1526, %dma_start3A_1531, %dma_start3A_1532] : memref<64x8x64xf32, #tpu.memory_space<vmem>> -> memref<1x1x64xf32, #tpu.memory_space<vmem>>
      %dma_start3A_1534 = tpu.memref_squeeze %dma_start3A_1533 : memref<1x1x64xf32, #tpu.memory_space<vmem>> -> memref<64xf32, #tpu.memory_space<vmem>>
      %dma_start3A_1535 = arith.constant 0 : i32
      %dma_start3A_1536 = tpu.memref_slice %arg5[%squeeze3A_1528, %squeeze3A_1530, %dma_start3A_1535] : memref<12500x8x64xf32, #tpu.memory_space<hbm>> -> memref<1x1x64xf32, #tpu.memory_space<hbm>>
      %dma_start3A_1537 = tpu.memref_squeeze %dma_start3A_1536 : memref<1x1x64xf32, #tpu.memory_space<hbm>> -> memref<64xf32, #tpu.memory_space<hbm>>
      %dma_start3A_1538 = arith.constant 0 : i32
      %dma_start3A_1539 = tpu.memref_slice %arg10[%add3A_1526, %dma_start3A_1531, %dma_start3A_1538] : memref<64x8x64xf32, #tpu.memory_space<vmem>> -> memref<1x1x64xf32, #tpu.memory_space<vmem>>
      %dma_start3A_1540 = tpu.memref_squeeze %dma_start3A_1539 : memref<1x1x64xf32, #tpu.memory_space<vmem>> -> memref<64xf32, #tpu.memory_space<vmem>>
      %dma_start3A_1541 = arith.constant 0 : i32
      %dma_start3A_1542 = tpu.memref_slice %arg5[%squeeze3A_1528, %squeeze3A_1530, %dma_start3A_1541] : memref<12500x8x64xf32, #tpu.memory_space<hbm>> -> memref<1x1x64xf32, #tpu.memory_space<hbm>>
      %dma_start3A_1543 = tpu.memref_squeeze %dma_start3A_1542 : memref<1x1x64xf32, #tpu.memory_space<hbm>> -> memref<64xf32, #tpu.memory_space<hbm>>
      tpu.enqueue_dma source(%dma_start3A_1543 : memref<64xf32, #tpu.memory_space<hbm>>) target(%dma_start3A_1540 : memref<64xf32, #tpu.memory_space<vmem>>) target_semaphore(%arg12 : memref<!tpu.dma_semaphore, #tpu.memory_space<semaphore_mem>>)
      %mul3A_1544 = arith.constant 2 : i32
      %mul3A_1545 = arith.muli %scan3A_1131, %mul3A_1544 : i32
      %add3A_1546 = arith.constant 32 : i32
      %add3A_1547 = arith.addi %add3A_1546, %mul3A_1545 : i32
      %add3A_1548 = arith.constant 0 : i32
      %add3A_1549 = arith.addi %add3A_1547, %add3A_1548 : i32
      %slice3A_1550 = vector.extract_strided_slice %shift_right_logical3A_1517 {offsets = [1], sizes = [1], strides = [1]} : vector<16xi32> to vector<1xi32>
      %squeeze3A_1551 = vector.extract %slice3A_1550[0] : i32 from vector<1xi32>
      %slice3A_1552 = vector.extract_strided_slice %and3A_1520 {offsets = [1], sizes = [1], strides = [1]} : vector<16xi32> to vector<1xi32>
      %squeeze3A_1553 = vector.extract %slice3A_1552[0] : i32 from vector<1xi32>
      %dma_start3A_1554 = arith.constant 1 : i32
      %dma_start3A_1555 = arith.constant 0 : i32
      %dma_start3A_1556 = tpu.memref_slice %arg10[%add3A_1549, %dma_start3A_1554, %dma_start3A_1555] : memref<64x8x64xf32, #tpu.memory_space<vmem>> -> memref<1x1x64xf32, #tpu.memory_space<vmem>>
      %dma_start3A_1557 = tpu.memref_squeeze %dma_start3A_1556 : memref<1x1x64xf32, #tpu.memory_space<vmem>> -> memref<64xf32, #tpu.memory_space<vmem>>
      %dma_start3A_1558 = arith.constant 0 : i32
      %dma_start3A_1559 = tpu.memref_slice %arg5[%squeeze3A_1551, %squeeze3A_1553, %dma_start3A_1558] : memref<12500x8x64xf32, #tpu.memory_space<hbm>> -> memref<1x1x64xf32, #tpu.memory_space<hbm>>
      %dma_start3A_1560 = tpu.memref_squeeze %dma_start3A_1559 : memref<1x1x64xf32, #tpu.memory_space<hbm>> -> memref<64xf32, #tpu.memory_space<hbm>>
      %dma_start3A_1561 = arith.constant 0 : i32
      %dma_start3A_1562 = tpu.memref_slice %arg10[%add3A_1549, %dma_start3A_1554, %dma_start3A_1561] : memref<64x8x64xf32, #tpu.memory_space<vmem>> -> memref<1x1x64xf32, #tpu.memory_space<vmem>>
      %dma_start3A_1563 = tpu.memref_squeeze %dma_start3A_1562 : memref<1x1x64xf32, #tpu.memory_space<vmem>> -> memref<64xf32, #tpu.memory_space<vmem>>
      %dma_start3A_1564 = arith.constant 0 : i32
      %dma_start3A_1565 = tpu.memref_slice %arg5[%squeeze3A_1551, %squeeze3A_1553, %dma_start3A_1564] : memref<12500x8x64xf32, #tpu.memory_space<hbm>> -> memref<1x1x64xf32, #tpu.memory_space<hbm>>
      %dma_start3A_1566 = tpu.memref_squeeze %dma_start3A_1565 : memref<1x1x64xf32, #tpu.memory_space<hbm>> -> memref<64xf32, #tpu.memory_space<hbm>>
      tpu.enqueue_dma source(%dma_start3A_1566 : memref<64xf32, #tpu.memory_space<hbm>>) target(%dma_start3A_1563 : memref<64xf32, #tpu.memory_space<vmem>>) target_semaphore(%arg12 : memref<!tpu.dma_semaphore, #tpu.memory_space<semaphore_mem>>)
      %mul3A_1567 = arith.constant 2 : i32
      %mul3A_1568 = arith.muli %scan3A_1131, %mul3A_1567 : i32
      %add3A_1569 = arith.constant 32 : i32
      %add3A_1570 = arith.addi %add3A_1569, %mul3A_1568 : i32
      %add3A_1571 = arith.constant 0 : i32
      %add3A_1572 = arith.addi %add3A_1570, %add3A_1571 : i32
      %slice3A_1573 = vector.extract_strided_slice %shift_right_logical3A_1517 {offsets = [2], sizes = [1], strides = [1]} : vector<16xi32> to vector<1xi32>
      %squeeze3A_1574 = vector.extract %slice3A_1573[0] : i32 from vector<1xi32>
      %slice3A_1575 = vector.extract_strided_slice %and3A_1520 {offsets = [2], sizes = [1], strides = [1]} : vector<16xi32> to vector<1xi32>
      %squeeze3A_1576 = vector.extract %slice3A_1575[0] : i32 from vector<1xi32>
      %dma_start3A_1577 = arith.constant 2 : i32
      %dma_start3A_1578 = arith.constant 0 : i32
      %dma_start3A_1579 = tpu.memref_slice %arg10[%add3A_1572, %dma_start3A_1577, %dma_start3A_1578] : memref<64x8x64xf32, #tpu.memory_space<vmem>> -> memref<1x1x64xf32, #tpu.memory_space<vmem>>
      %dma_start3A_1580 = tpu.memref_squeeze %dma_start3A_1579 : memref<1x1x64xf32, #tpu.memory_space<vmem>> -> memref<64xf32, #tpu.memory_space<vmem>>
      %dma_start3A_1581 = arith.constant 0 : i32
      %dma_start3A_1582 = tpu.memref_slice %arg5[%squeeze3A_1574, %squeeze3A_1576, %dma_start3A_1581] : memref<12500x8x64xf32, #tpu.memory_space<hbm>> -> memref<1x1x64xf32, #tpu.memory_space<hbm>>
      %dma_start3A_1583 = tpu.memref_squeeze %dma_start3A_1582 : memref<1x1x64xf32, #tpu.memory_space<hbm>> -> memref<64xf32, #tpu.memory_space<hbm>>
      %dma_start3A_1584 = arith.constant 0 : i32
      %dma_start3A_1585 = tpu.memref_slice %arg10[%add3A_1572, %dma_start3A_1577, %dma_start3A_1584] : memref<64x8x64xf32, #tpu.memory_space<vmem>> -> memref<1x1x64xf32, #tpu.memory_space<vmem>>
      %dma_start3A_1586 = tpu.memref_squeeze %dma_start3A_1585 : memref<1x1x64xf32, #tpu.memory_space<vmem>> -> memref<64xf32, #tpu.memory_space<vmem>>
      %dma_start3A_1587 = arith.constant 0 : i32
      %dma_start3A_1588 = tpu.memref_slice %arg5[%squeeze3A_1574, %squeeze3A_1576, %dma_start3A_1587] : memref<12500x8x64xf32, #tpu.memory_space<hbm>> -> memref<1x1x64xf32, #tpu.memory_space<hbm>>
      %dma_start3A_1589 = tpu.memref_squeeze %dma_start3A_1588 : memref<1x1x64xf32, #tpu.memory_space<hbm>> -> memref<64xf32, #tpu.memory_space<hbm>>
      tpu.enqueue_dma source(%dma_start3A_1589 : memref<64xf32, #tpu.memory_space<hbm>>) target(%dma_start3A_1586 : memref<64xf32, #tpu.memory_space<vmem>>) target_semaphore(%arg12 : memref<!tpu.dma_semaphore, #tpu.memory_space<semaphore_mem>>)
      %mul3A_1590 = arith.constant 2 : i32
      %mul3A_1591 = arith.muli %scan3A_1131, %mul3A_1590 : i32
      %add3A_1592 = arith.constant 32 : i32
      %add3A_1593 = arith.addi %add3A_1592, %mul3A_1591 : i32
      %add3A_1594 = arith.constant 0 : i32
      %add3A_1595 = arith.addi %add3A_1593, %add3A_1594 : i32
      %slice3A_1596 = vector.extract_strided_slice %shift_right_logical3A_1517 {offsets = [3], sizes = [1], strides = [1]} : vector<16xi32> to vector<1xi32>
      %squeeze3A_1597 = vector.extract %slice3A_1596[0] : i32 from vector<1xi32>
      %slice3A_1598 = vector.extract_strided_slice %and3A_1520 {offsets = [3], sizes = [1], strides = [1]} : vector<16xi32> to vector<1xi32>
      %squeeze3A_1599 = vector.extract %slice3A_1598[0] : i32 from vector<1xi32>
      %dma_start3A_1600 = arith.constant 3 : i32
      %dma_start3A_1601 = arith.constant 0 : i32
      %dma_start3A_1602 = tpu.memref_slice %arg10[%add3A_1595, %dma_start3A_1600, %dma_start3A_1601] : memref<64x8x64xf32, #tpu.memory_space<vmem>> -> memref<1x1x64xf32, #tpu.memory_space<vmem>>
      %dma_start3A_1603 = tpu.memref_squeeze %dma_start3A_1602 : memref<1x1x64xf32, #tpu.memory_space<vmem>> -> memref<64xf32, #tpu.memory_space<vmem>>
      %dma_start3A_1604 = arith.constant 0 : i32
      %dma_start3A_1605 = tpu.memref_slice %arg5[%squeeze3A_1597, %squeeze3A_1599, %dma_start3A_1604] : memref<12500x8x64xf32, #tpu.memory_space<hbm>> -> memref<1x1x64xf32, #tpu.memory_space<hbm>>
      %dma_start3A_1606 = tpu.memref_squeeze %dma_start3A_1605 : memref<1x1x64xf32, #tpu.memory_space<hbm>> -> memref<64xf32, #tpu.memory_space<hbm>>
      %dma_start3A_1607 = arith.constant 0 : i32
      %dma_start3A_1608 = tpu.memref_slice %arg10[%add3A_1595, %dma_start3A_1600, %dma_start3A_1607] : memref<64x8x64xf32, #tpu.memory_space<vmem>> -> memref<1x1x64xf32, #tpu.memory_space<vmem>>
      %dma_start3A_1609 = tpu.memref_squeeze %dma_start3A_1608 : memref<1x1x64xf32, #tpu.memory_space<vmem>> -> memref<64xf32, #tpu.memory_space<vmem>>
      %dma_start3A_1610 = arith.constant 0 : i32
      %dma_start3A_1611 = tpu.memref_slice %arg5[%squeeze3A_1597, %squeeze3A_1599, %dma_start3A_1610] : memref<12500x8x64xf32, #tpu.memory_space<hbm>> -> memref<1x1x64xf32, #tpu.memory_space<hbm>>
      %dma_start3A_1612 = tpu.memref_squeeze %dma_start3A_1611 : memref<1x1x64xf32, #tpu.memory_space<hbm>> -> memref<64xf32, #tpu.memory_space<hbm>>
      tpu.enqueue_dma source(%dma_start3A_1612 : memref<64xf32, #tpu.memory_space<hbm>>) target(%dma_start3A_1609 : memref<64xf32, #tpu.memory_space<vmem>>) target_semaphore(%arg12 : memref<!tpu.dma_semaphore, #tpu.memory_space<semaphore_mem>>)
      %mul3A_1613 = arith.constant 2 : i32
      %mul3A_1614 = arith.muli %scan3A_1131, %mul3A_1613 : i32
      %add3A_1615 = arith.constant 32 : i32
      %add3A_1616 = arith.addi %add3A_1615, %mul3A_1614 : i32
      %add3A_1617 = arith.constant 0 : i32
      %add3A_1618 = arith.addi %add3A_1616, %add3A_1617 : i32
      %slice3A_1619 = vector.extract_strided_slice %shift_right_logical3A_1517 {offsets = [4], sizes = [1], strides = [1]} : vector<16xi32> to vector<1xi32>
      %squeeze3A_1620 = vector.extract %slice3A_1619[0] : i32 from vector<1xi32>
      %slice3A_1621 = vector.extract_strided_slice %and3A_1520 {offsets = [4], sizes = [1], strides = [1]} : vector<16xi32> to vector<1xi32>
      %squeeze3A_1622 = vector.extract %slice3A_1621[0] : i32 from vector<1xi32>
      %dma_start3A_1623 = arith.constant 4 : i32
      %dma_start3A_1624 = arith.constant 0 : i32
      %dma_start3A_1625 = tpu.memref_slice %arg10[%add3A_1618, %dma_start3A_1623, %dma_start3A_1624] : memref<64x8x64xf32, #tpu.memory_space<vmem>> -> memref<1x1x64xf32, #tpu.memory_space<vmem>>
      %dma_start3A_1626 = tpu.memref_squeeze %dma_start3A_1625 : memref<1x1x64xf32, #tpu.memory_space<vmem>> -> memref<64xf32, #tpu.memory_space<vmem>>
      %dma_start3A_1627 = arith.constant 0 : i32
      %dma_start3A_1628 = tpu.memref_slice %arg5[%squeeze3A_1620, %squeeze3A_1622, %dma_start3A_1627] : memref<12500x8x64xf32, #tpu.memory_space<hbm>> -> memref<1x1x64xf32, #tpu.memory_space<hbm>>
      %dma_start3A_1629 = tpu.memref_squeeze %dma_start3A_1628 : memref<1x1x64xf32, #tpu.memory_space<hbm>> -> memref<64xf32, #tpu.memory_space<hbm>>
      %dma_start3A_1630 = arith.constant 0 : i32
      %dma_start3A_1631 = tpu.memref_slice %arg10[%add3A_1618, %dma_start3A_1623, %dma_start3A_1630] : memref<64x8x64xf32, #tpu.memory_space<vmem>> -> memref<1x1x64xf32, #tpu.memory_space<vmem>>
      %dma_start3A_1632 = tpu.memref_squeeze %dma_start3A_1631 : memref<1x1x64xf32, #tpu.memory_space<vmem>> -> memref<64xf32, #tpu.memory_space<vmem>>
      %dma_start3A_1633 = arith.constant 0 : i32
      %dma_start3A_1634 = tpu.memref_slice %arg5[%squeeze3A_1620, %squeeze3A_1622, %dma_start3A_1633] : memref<12500x8x64xf32, #tpu.memory_space<hbm>> -> memref<1x1x64xf32, #tpu.memory_space<hbm>>
      %dma_start3A_1635 = tpu.memref_squeeze %dma_start3A_1634 : memref<1x1x64xf32, #tpu.memory_space<hbm>> -> memref<64xf32, #tpu.memory_space<hbm>>
      tpu.enqueue_dma source(%dma_start3A_1635 : memref<64xf32, #tpu.memory_space<hbm>>) target(%dma_start3A_1632 : memref<64xf32, #tpu.memory_space<vmem>>) target_semaphore(%arg12 : memref<!tpu.dma_semaphore, #tpu.memory_space<semaphore_mem>>)
      %mul3A_1636 = arith.constant 2 : i32
      %mul3A_1637 = arith.muli %scan3A_1131, %mul3A_1636 : i32
      %add3A_1638 = arith.constant 32 : i32
      %add3A_1639 = arith.addi %add3A_1638, %mul3A_1637 : i32
      %add3A_1640 = arith.constant 0 : i32
      %add3A_1641 = arith.addi %add3A_1639, %add3A_1640 : i32
      %slice3A_1642 = vector.extract_strided_slice %shift_right_logical3A_1517 {offsets = [5], sizes = [1], strides = [1]} : vector<16xi32> to vector<1xi32>
      %squeeze3A_1643 = vector.extract %slice3A_1642[0] : i32 from vector<1xi32>
      %slice3A_1644 = vector.extract_strided_slice %and3A_1520 {offsets = [5], sizes = [1], strides = [1]} : vector<16xi32> to vector<1xi32>
      %squeeze3A_1645 = vector.extract %slice3A_1644[0] : i32 from vector<1xi32>
      %dma_start3A_1646 = arith.constant 5 : i32
      %dma_start3A_1647 = arith.constant 0 : i32
      %dma_start3A_1648 = tpu.memref_slice %arg10[%add3A_1641, %dma_start3A_1646, %dma_start3A_1647] : memref<64x8x64xf32, #tpu.memory_space<vmem>> -> memref<1x1x64xf32, #tpu.memory_space<vmem>>
      %dma_start3A_1649 = tpu.memref_squeeze %dma_start3A_1648 : memref<1x1x64xf32, #tpu.memory_space<vmem>> -> memref<64xf32, #tpu.memory_space<vmem>>
      %dma_start3A_1650 = arith.constant 0 : i32
      %dma_start3A_1651 = tpu.memref_slice %arg5[%squeeze3A_1643, %squeeze3A_1645, %dma_start3A_1650] : memref<12500x8x64xf32, #tpu.memory_space<hbm>> -> memref<1x1x64xf32, #tpu.memory_space<hbm>>
      %dma_start3A_1652 = tpu.memref_squeeze %dma_start3A_1651 : memref<1x1x64xf32, #tpu.memory_space<hbm>> -> memref<64xf32, #tpu.memory_space<hbm>>
      %dma_start3A_1653 = arith.constant 0 : i32
      %dma_start3A_1654 = tpu.memref_slice %arg10[%add3A_1641, %dma_start3A_1646, %dma_start3A_1653] : memref<64x8x64xf32, #tpu.memory_space<vmem>> -> memref<1x1x64xf32, #tpu.memory_space<vmem>>
      %dma_start3A_1655 = tpu.memref_squeeze %dma_start3A_1654 : memref<1x1x64xf32, #tpu.memory_space<vmem>> -> memref<64xf32, #tpu.memory_space<vmem>>
      %dma_start3A_1656 = arith.constant 0 : i32
      %dma_start3A_1657 = tpu.memref_slice %arg5[%squeeze3A_1643, %squeeze3A_1645, %dma_start3A_1656] : memref<12500x8x64xf32, #tpu.memory_space<hbm>> -> memref<1x1x64xf32, #tpu.memory_space<hbm>>
      %dma_start3A_1658 = tpu.memref_squeeze %dma_start3A_1657 : memref<1x1x64xf32, #tpu.memory_space<hbm>> -> memref<64xf32, #tpu.memory_space<hbm>>
      tpu.enqueue_dma source(%dma_start3A_1658 : memref<64xf32, #tpu.memory_space<hbm>>) target(%dma_start3A_1655 : memref<64xf32, #tpu.memory_space<vmem>>) target_semaphore(%arg12 : memref<!tpu.dma_semaphore, #tpu.memory_space<semaphore_mem>>)
      %mul3A_1659 = arith.constant 2 : i32
      %mul3A_1660 = arith.muli %scan3A_1131, %mul3A_1659 : i32
      %add3A_1661 = arith.constant 32 : i32
      %add3A_1662 = arith.addi %add3A_1661, %mul3A_1660 : i32
      %add3A_1663 = arith.constant 0 : i32
      %add3A_1664 = arith.addi %add3A_1662, %add3A_1663 : i32
      %slice3A_1665 = vector.extract_strided_slice %shift_right_logical3A_1517 {offsets = [6], sizes = [1], strides = [1]} : vector<16xi32> to vector<1xi32>
      %squeeze3A_1666 = vector.extract %slice3A_1665[0] : i32 from vector<1xi32>
      %slice3A_1667 = vector.extract_strided_slice %and3A_1520 {offsets = [6], sizes = [1], strides = [1]} : vector<16xi32> to vector<1xi32>
      %squeeze3A_1668 = vector.extract %slice3A_1667[0] : i32 from vector<1xi32>
      %dma_start3A_1669 = arith.constant 6 : i32
      %dma_start3A_1670 = arith.constant 0 : i32
      %dma_start3A_1671 = tpu.memref_slice %arg10[%add3A_1664, %dma_start3A_1669, %dma_start3A_1670] : memref<64x8x64xf32, #tpu.memory_space<vmem>> -> memref<1x1x64xf32, #tpu.memory_space<vmem>>
      %dma_start3A_1672 = tpu.memref_squeeze %dma_start3A_1671 : memref<1x1x64xf32, #tpu.memory_space<vmem>> -> memref<64xf32, #tpu.memory_space<vmem>>
      %dma_start3A_1673 = arith.constant 0 : i32
      %dma_start3A_1674 = tpu.memref_slice %arg5[%squeeze3A_1666, %squeeze3A_1668, %dma_start3A_1673] : memref<12500x8x64xf32, #tpu.memory_space<hbm>> -> memref<1x1x64xf32, #tpu.memory_space<hbm>>
      %dma_start3A_1675 = tpu.memref_squeeze %dma_start3A_1674 : memref<1x1x64xf32, #tpu.memory_space<hbm>> -> memref<64xf32, #tpu.memory_space<hbm>>
      %dma_start3A_1676 = arith.constant 0 : i32
      %dma_start3A_1677 = tpu.memref_slice %arg10[%add3A_1664, %dma_start3A_1669, %dma_start3A_1676] : memref<64x8x64xf32, #tpu.memory_space<vmem>> -> memref<1x1x64xf32, #tpu.memory_space<vmem>>
      %dma_start3A_1678 = tpu.memref_squeeze %dma_start3A_1677 : memref<1x1x64xf32, #tpu.memory_space<vmem>> -> memref<64xf32, #tpu.memory_space<vmem>>
      %dma_start3A_1679 = arith.constant 0 : i32
      %dma_start3A_1680 = tpu.memref_slice %arg5[%squeeze3A_1666, %squeeze3A_1668, %dma_start3A_1679] : memref<12500x8x64xf32, #tpu.memory_space<hbm>> -> memref<1x1x64xf32, #tpu.memory_space<hbm>>
      %dma_start3A_1681 = tpu.memref_squeeze %dma_start3A_1680 : memref<1x1x64xf32, #tpu.memory_space<hbm>> -> memref<64xf32, #tpu.memory_space<hbm>>
      tpu.enqueue_dma source(%dma_start3A_1681 : memref<64xf32, #tpu.memory_space<hbm>>) target(%dma_start3A_1678 : memref<64xf32, #tpu.memory_space<vmem>>) target_semaphore(%arg12 : memref<!tpu.dma_semaphore, #tpu.memory_space<semaphore_mem>>)
      %mul3A_1682 = arith.constant 2 : i32
      %mul3A_1683 = arith.muli %scan3A_1131, %mul3A_1682 : i32
      %add3A_1684 = arith.constant 32 : i32
      %add3A_1685 = arith.addi %add3A_1684, %mul3A_1683 : i32
      %add3A_1686 = arith.constant 0 : i32
      %add3A_1687 = arith.addi %add3A_1685, %add3A_1686 : i32
      %slice3A_1688 = vector.extract_strided_slice %shift_right_logical3A_1517 {offsets = [7], sizes = [1], strides = [1]} : vector<16xi32> to vector<1xi32>
      %squeeze3A_1689 = vector.extract %slice3A_1688[0] : i32 from vector<1xi32>
      %slice3A_1690 = vector.extract_strided_slice %and3A_1520 {offsets = [7], sizes = [1], strides = [1]} : vector<16xi32> to vector<1xi32>
      %squeeze3A_1691 = vector.extract %slice3A_1690[0] : i32 from vector<1xi32>
      %dma_start3A_1692 = arith.constant 7 : i32
      %dma_start3A_1693 = arith.constant 0 : i32
      %dma_start3A_1694 = tpu.memref_slice %arg10[%add3A_1687, %dma_start3A_1692, %dma_start3A_1693] : memref<64x8x64xf32, #tpu.memory_space<vmem>> -> memref<1x1x64xf32, #tpu.memory_space<vmem>>
      %dma_start3A_1695 = tpu.memref_squeeze %dma_start3A_1694 : memref<1x1x64xf32, #tpu.memory_space<vmem>> -> memref<64xf32, #tpu.memory_space<vmem>>
      %dma_start3A_1696 = arith.constant 0 : i32
      %dma_start3A_1697 = tpu.memref_slice %arg5[%squeeze3A_1689, %squeeze3A_1691, %dma_start3A_1696] : memref<12500x8x64xf32, #tpu.memory_space<hbm>> -> memref<1x1x64xf32, #tpu.memory_space<hbm>>
      %dma_start3A_1698 = tpu.memref_squeeze %dma_start3A_1697 : memref<1x1x64xf32, #tpu.memory_space<hbm>> -> memref<64xf32, #tpu.memory_space<hbm>>
      %dma_start3A_1699 = arith.constant 0 : i32
      %dma_start3A_1700 = tpu.memref_slice %arg10[%add3A_1687, %dma_start3A_1692, %dma_start3A_1699] : memref<64x8x64xf32, #tpu.memory_space<vmem>> -> memref<1x1x64xf32, #tpu.memory_space<vmem>>
      %dma_start3A_1701 = tpu.memref_squeeze %dma_start3A_1700 : memref<1x1x64xf32, #tpu.memory_space<vmem>> -> memref<64xf32, #tpu.memory_space<vmem>>
      %dma_start3A_1702 = arith.constant 0 : i32
      %dma_start3A_1703 = tpu.memref_slice %arg5[%squeeze3A_1689, %squeeze3A_1691, %dma_start3A_1702] : memref<12500x8x64xf32, #tpu.memory_space<hbm>> -> memref<1x1x64xf32, #tpu.memory_space<hbm>>
      %dma_start3A_1704 = tpu.memref_squeeze %dma_start3A_1703 : memref<1x1x64xf32, #tpu.memory_space<hbm>> -> memref<64xf32, #tpu.memory_space<hbm>>
      tpu.enqueue_dma source(%dma_start3A_1704 : memref<64xf32, #tpu.memory_space<hbm>>) target(%dma_start3A_1701 : memref<64xf32, #tpu.memory_space<vmem>>) target_semaphore(%arg12 : memref<!tpu.dma_semaphore, #tpu.memory_space<semaphore_mem>>)
      %mul3A_1705 = arith.constant 2 : i32
      %mul3A_1706 = arith.muli %scan3A_1131, %mul3A_1705 : i32
      %add3A_1707 = arith.constant 32 : i32
      %add3A_1708 = arith.addi %add3A_1707, %mul3A_1706 : i32
      %add3A_1709 = arith.constant 1 : i32
      %add3A_1710 = arith.addi %add3A_1708, %add3A_1709 : i32
      %slice3A_1711 = vector.extract_strided_slice %shift_right_logical3A_1517 {offsets = [8], sizes = [1], strides = [1]} : vector<16xi32> to vector<1xi32>
      %squeeze3A_1712 = vector.extract %slice3A_1711[0] : i32 from vector<1xi32>
      %slice3A_1713 = vector.extract_strided_slice %and3A_1520 {offsets = [8], sizes = [1], strides = [1]} : vector<16xi32> to vector<1xi32>
      %squeeze3A_1714 = vector.extract %slice3A_1713[0] : i32 from vector<1xi32>
      %dma_start3A_1715 = arith.constant 0 : i32
      %dma_start3A_1716 = arith.constant 0 : i32
      %dma_start3A_1717 = tpu.memref_slice %arg10[%add3A_1710, %dma_start3A_1715, %dma_start3A_1716] : memref<64x8x64xf32, #tpu.memory_space<vmem>> -> memref<1x1x64xf32, #tpu.memory_space<vmem>>
      %dma_start3A_1718 = tpu.memref_squeeze %dma_start3A_1717 : memref<1x1x64xf32, #tpu.memory_space<vmem>> -> memref<64xf32, #tpu.memory_space<vmem>>
      %dma_start3A_1719 = arith.constant 0 : i32
      %dma_start3A_1720 = tpu.memref_slice %arg5[%squeeze3A_1712, %squeeze3A_1714, %dma_start3A_1719] : memref<12500x8x64xf32, #tpu.memory_space<hbm>> -> memref<1x1x64xf32, #tpu.memory_space<hbm>>
      %dma_start3A_1721 = tpu.memref_squeeze %dma_start3A_1720 : memref<1x1x64xf32, #tpu.memory_space<hbm>> -> memref<64xf32, #tpu.memory_space<hbm>>
      %dma_start3A_1722 = arith.constant 0 : i32
      %dma_start3A_1723 = tpu.memref_slice %arg10[%add3A_1710, %dma_start3A_1715, %dma_start3A_1722] : memref<64x8x64xf32, #tpu.memory_space<vmem>> -> memref<1x1x64xf32, #tpu.memory_space<vmem>>
      %dma_start3A_1724 = tpu.memref_squeeze %dma_start3A_1723 : memref<1x1x64xf32, #tpu.memory_space<vmem>> -> memref<64xf32, #tpu.memory_space<vmem>>
      %dma_start3A_1725 = arith.constant 0 : i32
      %dma_start3A_1726 = tpu.memref_slice %arg5[%squeeze3A_1712, %squeeze3A_1714, %dma_start3A_1725] : memref<12500x8x64xf32, #tpu.memory_space<hbm>> -> memref<1x1x64xf32, #tpu.memory_space<hbm>>
      %dma_start3A_1727 = tpu.memref_squeeze %dma_start3A_1726 : memref<1x1x64xf32, #tpu.memory_space<hbm>> -> memref<64xf32, #tpu.memory_space<hbm>>
      tpu.enqueue_dma source(%dma_start3A_1727 : memref<64xf32, #tpu.memory_space<hbm>>) target(%dma_start3A_1724 : memref<64xf32, #tpu.memory_space<vmem>>) target_semaphore(%arg12 : memref<!tpu.dma_semaphore, #tpu.memory_space<semaphore_mem>>)
      %mul3A_1728 = arith.constant 2 : i32
      %mul3A_1729 = arith.muli %scan3A_1131, %mul3A_1728 : i32
      %add3A_1730 = arith.constant 32 : i32
      %add3A_1731 = arith.addi %add3A_1730, %mul3A_1729 : i32
      %add3A_1732 = arith.constant 1 : i32
      %add3A_1733 = arith.addi %add3A_1731, %add3A_1732 : i32
      %slice3A_1734 = vector.extract_strided_slice %shift_right_logical3A_1517 {offsets = [9], sizes = [1], strides = [1]} : vector<16xi32> to vector<1xi32>
      %squeeze3A_1735 = vector.extract %slice3A_1734[0] : i32 from vector<1xi32>
      %slice3A_1736 = vector.extract_strided_slice %and3A_1520 {offsets = [9], sizes = [1], strides = [1]} : vector<16xi32> to vector<1xi32>
      %squeeze3A_1737 = vector.extract %slice3A_1736[0] : i32 from vector<1xi32>
      %dma_start3A_1738 = arith.constant 1 : i32
      %dma_start3A_1739 = arith.constant 0 : i32
      %dma_start3A_1740 = tpu.memref_slice %arg10[%add3A_1733, %dma_start3A_1738, %dma_start3A_1739] : memref<64x8x64xf32, #tpu.memory_space<vmem>> -> memref<1x1x64xf32, #tpu.memory_space<vmem>>
      %dma_start3A_1741 = tpu.memref_squeeze %dma_start3A_1740 : memref<1x1x64xf32, #tpu.memory_space<vmem>> -> memref<64xf32, #tpu.memory_space<vmem>>
      %dma_start3A_1742 = arith.constant 0 : i32
      %dma_start3A_1743 = tpu.memref_slice %arg5[%squeeze3A_1735, %squeeze3A_1737, %dma_start3A_1742] : memref<12500x8x64xf32, #tpu.memory_space<hbm>> -> memref<1x1x64xf32, #tpu.memory_space<hbm>>
      %dma_start3A_1744 = tpu.memref_squeeze %dma_start3A_1743 : memref<1x1x64xf32, #tpu.memory_space<hbm>> -> memref<64xf32, #tpu.memory_space<hbm>>
      %dma_start3A_1745 = arith.constant 0 : i32
      %dma_start3A_1746 = tpu.memref_slice %arg10[%add3A_1733, %dma_start3A_1738, %dma_start3A_1745] : memref<64x8x64xf32, #tpu.memory_space<vmem>> -> memref<1x1x64xf32, #tpu.memory_space<vmem>>
      %dma_start3A_1747 = tpu.memref_squeeze %dma_start3A_1746 : memref<1x1x64xf32, #tpu.memory_space<vmem>> -> memref<64xf32, #tpu.memory_space<vmem>>
      %dma_start3A_1748 = arith.constant 0 : i32
      %dma_start3A_1749 = tpu.memref_slice %arg5[%squeeze3A_1735, %squeeze3A_1737, %dma_start3A_1748] : memref<12500x8x64xf32, #tpu.memory_space<hbm>> -> memref<1x1x64xf32, #tpu.memory_space<hbm>>
      %dma_start3A_1750 = tpu.memref_squeeze %dma_start3A_1749 : memref<1x1x64xf32, #tpu.memory_space<hbm>> -> memref<64xf32, #tpu.memory_space<hbm>>
      tpu.enqueue_dma source(%dma_start3A_1750 : memref<64xf32, #tpu.memory_space<hbm>>) target(%dma_start3A_1747 : memref<64xf32, #tpu.memory_space<vmem>>) target_semaphore(%arg12 : memref<!tpu.dma_semaphore, #tpu.memory_space<semaphore_mem>>)
      %mul3A_1751 = arith.constant 2 : i32
      %mul3A_1752 = arith.muli %scan3A_1131, %mul3A_1751 : i32
      %add3A_1753 = arith.constant 32 : i32
      %add3A_1754 = arith.addi %add3A_1753, %mul3A_1752 : i32
      %add3A_1755 = arith.constant 1 : i32
      %add3A_1756 = arith.addi %add3A_1754, %add3A_1755 : i32
      %slice3A_1757 = vector.extract_strided_slice %shift_right_logical3A_1517 {offsets = [10], sizes = [1], strides = [1]} : vector<16xi32> to vector<1xi32>
      %squeeze3A_1758 = vector.extract %slice3A_1757[0] : i32 from vector<1xi32>
      %slice3A_1759 = vector.extract_strided_slice %and3A_1520 {offsets = [10], sizes = [1], strides = [1]} : vector<16xi32> to vector<1xi32>
      %squeeze3A_1760 = vector.extract %slice3A_1759[0] : i32 from vector<1xi32>
      %dma_start3A_1761 = arith.constant 2 : i32
      %dma_start3A_1762 = arith.constant 0 : i32
      %dma_start3A_1763 = tpu.memref_slice %arg10[%add3A_1756, %dma_start3A_1761, %dma_start3A_1762] : memref<64x8x64xf32, #tpu.memory_space<vmem>> -> memref<1x1x64xf32, #tpu.memory_space<vmem>>
      %dma_start3A_1764 = tpu.memref_squeeze %dma_start3A_1763 : memref<1x1x64xf32, #tpu.memory_space<vmem>> -> memref<64xf32, #tpu.memory_space<vmem>>
      %dma_start3A_1765 = arith.constant 0 : i32
      %dma_start3A_1766 = tpu.memref_slice %arg5[%squeeze3A_1758, %squeeze3A_1760, %dma_start3A_1765] : memref<12500x8x64xf32, #tpu.memory_space<hbm>> -> memref<1x1x64xf32, #tpu.memory_space<hbm>>
      %dma_start3A_1767 = tpu.memref_squeeze %dma_start3A_1766 : memref<1x1x64xf32, #tpu.memory_space<hbm>> -> memref<64xf32, #tpu.memory_space<hbm>>
      %dma_start3A_1768 = arith.constant 0 : i32
      %dma_start3A_1769 = tpu.memref_slice %arg10[%add3A_1756, %dma_start3A_1761, %dma_start3A_1768] : memref<64x8x64xf32, #tpu.memory_space<vmem>> -> memref<1x1x64xf32, #tpu.memory_space<vmem>>
      %dma_start3A_1770 = tpu.memref_squeeze %dma_start3A_1769 : memref<1x1x64xf32, #tpu.memory_space<vmem>> -> memref<64xf32, #tpu.memory_space<vmem>>
      %dma_start3A_1771 = arith.constant 0 : i32
      %dma_start3A_1772 = tpu.memref_slice %arg5[%squeeze3A_1758, %squeeze3A_1760, %dma_start3A_1771] : memref<12500x8x64xf32, #tpu.memory_space<hbm>> -> memref<1x1x64xf32, #tpu.memory_space<hbm>>
      %dma_start3A_1773 = tpu.memref_squeeze %dma_start3A_1772 : memref<1x1x64xf32, #tpu.memory_space<hbm>> -> memref<64xf32, #tpu.memory_space<hbm>>
      tpu.enqueue_dma source(%dma_start3A_1773 : memref<64xf32, #tpu.memory_space<hbm>>) target(%dma_start3A_1770 : memref<64xf32, #tpu.memory_space<vmem>>) target_semaphore(%arg12 : memref<!tpu.dma_semaphore, #tpu.memory_space<semaphore_mem>>)
      %mul3A_1774 = arith.constant 2 : i32
      %mul3A_1775 = arith.muli %scan3A_1131, %mul3A_1774 : i32
      %add3A_1776 = arith.constant 32 : i32
      %add3A_1777 = arith.addi %add3A_1776, %mul3A_1775 : i32
      %add3A_1778 = arith.constant 1 : i32
      %add3A_1779 = arith.addi %add3A_1777, %add3A_1778 : i32
      %slice3A_1780 = vector.extract_strided_slice %shift_right_logical3A_1517 {offsets = [11], sizes = [1], strides = [1]} : vector<16xi32> to vector<1xi32>
      %squeeze3A_1781 = vector.extract %slice3A_1780[0] : i32 from vector<1xi32>
      %slice3A_1782 = vector.extract_strided_slice %and3A_1520 {offsets = [11], sizes = [1], strides = [1]} : vector<16xi32> to vector<1xi32>
      %squeeze3A_1783 = vector.extract %slice3A_1782[0] : i32 from vector<1xi32>
      %dma_start3A_1784 = arith.constant 3 : i32
      %dma_start3A_1785 = arith.constant 0 : i32
      %dma_start3A_1786 = tpu.memref_slice %arg10[%add3A_1779, %dma_start3A_1784, %dma_start3A_1785] : memref<64x8x64xf32, #tpu.memory_space<vmem>> -> memref<1x1x64xf32, #tpu.memory_space<vmem>>
      %dma_start3A_1787 = tpu.memref_squeeze %dma_start3A_1786 : memref<1x1x64xf32, #tpu.memory_space<vmem>> -> memref<64xf32, #tpu.memory_space<vmem>>
      %dma_start3A_1788 = arith.constant 0 : i32
      %dma_start3A_1789 = tpu.memref_slice %arg5[%squeeze3A_1781, %squeeze3A_1783, %dma_start3A_1788] : memref<12500x8x64xf32, #tpu.memory_space<hbm>> -> memref<1x1x64xf32, #tpu.memory_space<hbm>>
      %dma_start3A_1790 = tpu.memref_squeeze %dma_start3A_1789 : memref<1x1x64xf32, #tpu.memory_space<hbm>> -> memref<64xf32, #tpu.memory_space<hbm>>
      %dma_start3A_1791 = arith.constant 0 : i32
      %dma_start3A_1792 = tpu.memref_slice %arg10[%add3A_1779, %dma_start3A_1784, %dma_start3A_1791] : memref<64x8x64xf32, #tpu.memory_space<vmem>> -> memref<1x1x64xf32, #tpu.memory_space<vmem>>
      %dma_start3A_1793 = tpu.memref_squeeze %dma_start3A_1792 : memref<1x1x64xf32, #tpu.memory_space<vmem>> -> memref<64xf32, #tpu.memory_space<vmem>>
      %dma_start3A_1794 = arith.constant 0 : i32
      %dma_start3A_1795 = tpu.memref_slice %arg5[%squeeze3A_1781, %squeeze3A_1783, %dma_start3A_1794] : memref<12500x8x64xf32, #tpu.memory_space<hbm>> -> memref<1x1x64xf32, #tpu.memory_space<hbm>>
      %dma_start3A_1796 = tpu.memref_squeeze %dma_start3A_1795 : memref<1x1x64xf32, #tpu.memory_space<hbm>> -> memref<64xf32, #tpu.memory_space<hbm>>
      tpu.enqueue_dma source(%dma_start3A_1796 : memref<64xf32, #tpu.memory_space<hbm>>) target(%dma_start3A_1793 : memref<64xf32, #tpu.memory_space<vmem>>) target_semaphore(%arg12 : memref<!tpu.dma_semaphore, #tpu.memory_space<semaphore_mem>>)
      %mul3A_1797 = arith.constant 2 : i32
      %mul3A_1798 = arith.muli %scan3A_1131, %mul3A_1797 : i32
      %add3A_1799 = arith.constant 32 : i32
      %add3A_1800 = arith.addi %add3A_1799, %mul3A_1798 : i32
      %add3A_1801 = arith.constant 1 : i32
      %add3A_1802 = arith.addi %add3A_1800, %add3A_1801 : i32
      %slice3A_1803 = vector.extract_strided_slice %shift_right_logical3A_1517 {offsets = [12], sizes = [1], strides = [1]} : vector<16xi32> to vector<1xi32>
      %squeeze3A_1804 = vector.extract %slice3A_1803[0] : i32 from vector<1xi32>
      %slice3A_1805 = vector.extract_strided_slice %and3A_1520 {offsets = [12], sizes = [1], strides = [1]} : vector<16xi32> to vector<1xi32>
      %squeeze3A_1806 = vector.extract %slice3A_1805[0] : i32 from vector<1xi32>
      %dma_start3A_1807 = arith.constant 4 : i32
      %dma_start3A_1808 = arith.constant 0 : i32
      %dma_start3A_1809 = tpu.memref_slice %arg10[%add3A_1802, %dma_start3A_1807, %dma_start3A_1808] : memref<64x8x64xf32, #tpu.memory_space<vmem>> -> memref<1x1x64xf32, #tpu.memory_space<vmem>>
      %dma_start3A_1810 = tpu.memref_squeeze %dma_start3A_1809 : memref<1x1x64xf32, #tpu.memory_space<vmem>> -> memref<64xf32, #tpu.memory_space<vmem>>
      %dma_start3A_1811 = arith.constant 0 : i32
      %dma_start3A_1812 = tpu.memref_slice %arg5[%squeeze3A_1804, %squeeze3A_1806, %dma_start3A_1811] : memref<12500x8x64xf32, #tpu.memory_space<hbm>> -> memref<1x1x64xf32, #tpu.memory_space<hbm>>
      %dma_start3A_1813 = tpu.memref_squeeze %dma_start3A_1812 : memref<1x1x64xf32, #tpu.memory_space<hbm>> -> memref<64xf32, #tpu.memory_space<hbm>>
      %dma_start3A_1814 = arith.constant 0 : i32
      %dma_start3A_1815 = tpu.memref_slice %arg10[%add3A_1802, %dma_start3A_1807, %dma_start3A_1814] : memref<64x8x64xf32, #tpu.memory_space<vmem>> -> memref<1x1x64xf32, #tpu.memory_space<vmem>>
      %dma_start3A_1816 = tpu.memref_squeeze %dma_start3A_1815 : memref<1x1x64xf32, #tpu.memory_space<vmem>> -> memref<64xf32, #tpu.memory_space<vmem>>
      %dma_start3A_1817 = arith.constant 0 : i32
      %dma_start3A_1818 = tpu.memref_slice %arg5[%squeeze3A_1804, %squeeze3A_1806, %dma_start3A_1817] : memref<12500x8x64xf32, #tpu.memory_space<hbm>> -> memref<1x1x64xf32, #tpu.memory_space<hbm>>
      %dma_start3A_1819 = tpu.memref_squeeze %dma_start3A_1818 : memref<1x1x64xf32, #tpu.memory_space<hbm>> -> memref<64xf32, #tpu.memory_space<hbm>>
      tpu.enqueue_dma source(%dma_start3A_1819 : memref<64xf32, #tpu.memory_space<hbm>>) target(%dma_start3A_1816 : memref<64xf32, #tpu.memory_space<vmem>>) target_semaphore(%arg12 : memref<!tpu.dma_semaphore, #tpu.memory_space<semaphore_mem>>)
      %mul3A_1820 = arith.constant 2 : i32
      %mul3A_1821 = arith.muli %scan3A_1131, %mul3A_1820 : i32
      %add3A_1822 = arith.constant 32 : i32
      %add3A_1823 = arith.addi %add3A_1822, %mul3A_1821 : i32
      %add3A_1824 = arith.constant 1 : i32
      %add3A_1825 = arith.addi %add3A_1823, %add3A_1824 : i32
      %slice3A_1826 = vector.extract_strided_slice %shift_right_logical3A_1517 {offsets = [13], sizes = [1], strides = [1]} : vector<16xi32> to vector<1xi32>
      %squeeze3A_1827 = vector.extract %slice3A_1826[0] : i32 from vector<1xi32>
      %slice3A_1828 = vector.extract_strided_slice %and3A_1520 {offsets = [13], sizes = [1], strides = [1]} : vector<16xi32> to vector<1xi32>
      %squeeze3A_1829 = vector.extract %slice3A_1828[0] : i32 from vector<1xi32>
      %dma_start3A_1830 = arith.constant 5 : i32
      %dma_start3A_1831 = arith.constant 0 : i32
      %dma_start3A_1832 = tpu.memref_slice %arg10[%add3A_1825, %dma_start3A_1830, %dma_start3A_1831] : memref<64x8x64xf32, #tpu.memory_space<vmem>> -> memref<1x1x64xf32, #tpu.memory_space<vmem>>
      %dma_start3A_1833 = tpu.memref_squeeze %dma_start3A_1832 : memref<1x1x64xf32, #tpu.memory_space<vmem>> -> memref<64xf32, #tpu.memory_space<vmem>>
      %dma_start3A_1834 = arith.constant 0 : i32
      %dma_start3A_1835 = tpu.memref_slice %arg5[%squeeze3A_1827, %squeeze3A_1829, %dma_start3A_1834] : memref<12500x8x64xf32, #tpu.memory_space<hbm>> -> memref<1x1x64xf32, #tpu.memory_space<hbm>>
      %dma_start3A_1836 = tpu.memref_squeeze %dma_start3A_1835 : memref<1x1x64xf32, #tpu.memory_space<hbm>> -> memref<64xf32, #tpu.memory_space<hbm>>
      %dma_start3A_1837 = arith.constant 0 : i32
      %dma_start3A_1838 = tpu.memref_slice %arg10[%add3A_1825, %dma_start3A_1830, %dma_start3A_1837] : memref<64x8x64xf32, #tpu.memory_space<vmem>> -> memref<1x1x64xf32, #tpu.memory_space<vmem>>
      %dma_start3A_1839 = tpu.memref_squeeze %dma_start3A_1838 : memref<1x1x64xf32, #tpu.memory_space<vmem>> -> memref<64xf32, #tpu.memory_space<vmem>>
      %dma_start3A_1840 = arith.constant 0 : i32
      %dma_start3A_1841 = tpu.memref_slice %arg5[%squeeze3A_1827, %squeeze3A_1829, %dma_start3A_1840] : memref<12500x8x64xf32, #tpu.memory_space<hbm>> -> memref<1x1x64xf32, #tpu.memory_space<hbm>>
      %dma_start3A_1842 = tpu.memref_squeeze %dma_start3A_1841 : memref<1x1x64xf32, #tpu.memory_space<hbm>> -> memref<64xf32, #tpu.memory_space<hbm>>
      tpu.enqueue_dma source(%dma_start3A_1842 : memref<64xf32, #tpu.memory_space<hbm>>) target(%dma_start3A_1839 : memref<64xf32, #tpu.memory_space<vmem>>) target_semaphore(%arg12 : memref<!tpu.dma_semaphore, #tpu.memory_space<semaphore_mem>>)
      %mul3A_1843 = arith.constant 2 : i32
      %mul3A_1844 = arith.muli %scan3A_1131, %mul3A_1843 : i32
      %add3A_1845 = arith.constant 32 : i32
      %add3A_1846 = arith.addi %add3A_1845, %mul3A_1844 : i32
      %add3A_1847 = arith.constant 1 : i32
      %add3A_1848 = arith.addi %add3A_1846, %add3A_1847 : i32
      %slice3A_1849 = vector.extract_strided_slice %shift_right_logical3A_1517 {offsets = [14], sizes = [1], strides = [1]} : vector<16xi32> to vector<1xi32>
      %squeeze3A_1850 = vector.extract %slice3A_1849[0] : i32 from vector<1xi32>
      %slice3A_1851 = vector.extract_strided_slice %and3A_1520 {offsets = [14], sizes = [1], strides = [1]} : vector<16xi32> to vector<1xi32>
      %squeeze3A_1852 = vector.extract %slice3A_1851[0] : i32 from vector<1xi32>
      %dma_start3A_1853 = arith.constant 6 : i32
      %dma_start3A_1854 = arith.constant 0 : i32
      %dma_start3A_1855 = tpu.memref_slice %arg10[%add3A_1848, %dma_start3A_1853, %dma_start3A_1854] : memref<64x8x64xf32, #tpu.memory_space<vmem>> -> memref<1x1x64xf32, #tpu.memory_space<vmem>>
      %dma_start3A_1856 = tpu.memref_squeeze %dma_start3A_1855 : memref<1x1x64xf32, #tpu.memory_space<vmem>> -> memref<64xf32, #tpu.memory_space<vmem>>
      %dma_start3A_1857 = arith.constant 0 : i32
      %dma_start3A_1858 = tpu.memref_slice %arg5[%squeeze3A_1850, %squeeze3A_1852, %dma_start3A_1857] : memref<12500x8x64xf32, #tpu.memory_space<hbm>> -> memref<1x1x64xf32, #tpu.memory_space<hbm>>
      %dma_start3A_1859 = tpu.memref_squeeze %dma_start3A_1858 : memref<1x1x64xf32, #tpu.memory_space<hbm>> -> memref<64xf32, #tpu.memory_space<hbm>>
      %dma_start3A_1860 = arith.constant 0 : i32
      %dma_start3A_1861 = tpu.memref_slice %arg10[%add3A_1848, %dma_start3A_1853, %dma_start3A_1860] : memref<64x8x64xf32, #tpu.memory_space<vmem>> -> memref<1x1x64xf32, #tpu.memory_space<vmem>>
      %dma_start3A_1862 = tpu.memref_squeeze %dma_start3A_1861 : memref<1x1x64xf32, #tpu.memory_space<vmem>> -> memref<64xf32, #tpu.memory_space<vmem>>
      %dma_start3A_1863 = arith.constant 0 : i32
      %dma_start3A_1864 = tpu.memref_slice %arg5[%squeeze3A_1850, %squeeze3A_1852, %dma_start3A_1863] : memref<12500x8x64xf32, #tpu.memory_space<hbm>> -> memref<1x1x64xf32, #tpu.memory_space<hbm>>
      %dma_start3A_1865 = tpu.memref_squeeze %dma_start3A_1864 : memref<1x1x64xf32, #tpu.memory_space<hbm>> -> memref<64xf32, #tpu.memory_space<hbm>>
      tpu.enqueue_dma source(%dma_start3A_1865 : memref<64xf32, #tpu.memory_space<hbm>>) target(%dma_start3A_1862 : memref<64xf32, #tpu.memory_space<vmem>>) target_semaphore(%arg12 : memref<!tpu.dma_semaphore, #tpu.memory_space<semaphore_mem>>)
      %mul3A_1866 = arith.constant 2 : i32
      %mul3A_1867 = arith.muli %scan3A_1131, %mul3A_1866 : i32
      %add3A_1868 = arith.constant 32 : i32
      %add3A_1869 = arith.addi %add3A_1868, %mul3A_1867 : i32
      %add3A_1870 = arith.constant 1 : i32
      %add3A_1871 = arith.addi %add3A_1869, %add3A_1870 : i32
      %slice3A_1872 = vector.extract_strided_slice %shift_right_logical3A_1517 {offsets = [15], sizes = [1], strides = [1]} : vector<16xi32> to vector<1xi32>
      %squeeze3A_1873 = vector.extract %slice3A_1872[0] : i32 from vector<1xi32>
      %slice3A_1874 = vector.extract_strided_slice %and3A_1520 {offsets = [15], sizes = [1], strides = [1]} : vector<16xi32> to vector<1xi32>
      %squeeze3A_1875 = vector.extract %slice3A_1874[0] : i32 from vector<1xi32>
      %dma_start3A_1876 = arith.constant 7 : i32
      %dma_start3A_1877 = arith.constant 0 : i32
      %dma_start3A_1878 = tpu.memref_slice %arg10[%add3A_1871, %dma_start3A_1876, %dma_start3A_1877] : memref<64x8x64xf32, #tpu.memory_space<vmem>> -> memref<1x1x64xf32, #tpu.memory_space<vmem>>
      %dma_start3A_1879 = tpu.memref_squeeze %dma_start3A_1878 : memref<1x1x64xf32, #tpu.memory_space<vmem>> -> memref<64xf32, #tpu.memory_space<vmem>>
      %dma_start3A_1880 = arith.constant 0 : i32
      %dma_start3A_1881 = tpu.memref_slice %arg5[%squeeze3A_1873, %squeeze3A_1875, %dma_start3A_1880] : memref<12500x8x64xf32, #tpu.memory_space<hbm>> -> memref<1x1x64xf32, #tpu.memory_space<hbm>>
      %dma_start3A_1882 = tpu.memref_squeeze %dma_start3A_1881 : memref<1x1x64xf32, #tpu.memory_space<hbm>> -> memref<64xf32, #tpu.memory_space<hbm>>
      %dma_start3A_1883 = arith.constant 0 : i32
      %dma_start3A_1884 = tpu.memref_slice %arg10[%add3A_1871, %dma_start3A_1876, %dma_start3A_1883] : memref<64x8x64xf32, #tpu.memory_space<vmem>> -> memref<1x1x64xf32, #tpu.memory_space<vmem>>
      %dma_start3A_1885 = tpu.memref_squeeze %dma_start3A_1884 : memref<1x1x64xf32, #tpu.memory_space<vmem>> -> memref<64xf32, #tpu.memory_space<vmem>>
      %dma_start3A_1886 = arith.constant 0 : i32
      %dma_start3A_1887 = tpu.memref_slice %arg5[%squeeze3A_1873, %squeeze3A_1875, %dma_start3A_1886] : memref<12500x8x64xf32, #tpu.memory_space<hbm>> -> memref<1x1x64xf32, #tpu.memory_space<hbm>>
      %dma_start3A_1888 = tpu.memref_squeeze %dma_start3A_1887 : memref<1x1x64xf32, #tpu.memory_space<hbm>> -> memref<64xf32, #tpu.memory_space<hbm>>
      tpu.enqueue_dma source(%dma_start3A_1888 : memref<64xf32, #tpu.memory_space<hbm>>) target(%dma_start3A_1885 : memref<64xf32, #tpu.memory_space<vmem>>) target_semaphore(%arg12 : memref<!tpu.dma_semaphore, #tpu.memory_space<semaphore_mem>>)
      %gt3A = arith.constant 0 : i32
      %gt3A_1889 = arith.cmpi sgt, %scan3A_1131, %gt3A : i32
      %convert_element_type3A = arith.extui %gt3A_1889 : i1 to i32
      %cond3A = arith.constant 0 : i32
      %cond3A_1890 = arith.cmpi ne, %convert_element_type3A, %cond3A : i32
      scf.if %cond3A_1890 {
        %dma_wait3A_1891 = arith.constant 0 : i32
        %dma_wait3A_1892 = arith.constant 0 : i32
        %dma_wait3A_1893 = arith.constant 0 : i32
        %dma_wait3A_1894 = arith.constant 0 : i32
        %dma_wait3A_1895 = arith.constant 0 : i32
        %dma_wait3A_1896 = tpu.memref_slice %arg10[%dma_wait3A_1893, %dma_wait3A_1894, %dma_wait3A_1895] : memref<64x8x64xf32, #tpu.memory_space<vmem>> -> memref<1x1x64xf32, #tpu.memory_space<vmem>>
        %dma_wait3A_1897 = tpu.memref_squeeze %dma_wait3A_1896 : memref<1x1x64xf32, #tpu.memory_space<vmem>> -> memref<64xf32, #tpu.memory_space<vmem>>
        %dma_wait3A_1898 = arith.constant 0 : i32
        %dma_wait3A_1899 = tpu.memref_slice %arg4[%dma_wait3A_1891, %dma_wait3A_1892, %dma_wait3A_1898] : memref<125000x8x64xf32, #tpu.memory_space<hbm>> -> memref<1x1x64xf32, #tpu.memory_space<hbm>>
        %dma_wait3A_1900 = tpu.memref_squeeze %dma_wait3A_1899 : memref<1x1x64xf32, #tpu.memory_space<hbm>> -> memref<64xf32, #tpu.memory_space<hbm>>
        %dma_wait3A_1901 = arith.constant 0 : i32
        %dma_wait3A_1902 = tpu.memref_slice %arg10[%dma_wait3A_1893, %dma_wait3A_1894, %dma_wait3A_1901] : memref<64x8x64xf32, #tpu.memory_space<vmem>> -> memref<1x1x64xf32, #tpu.memory_space<vmem>>
        %dma_wait3A_1903 = tpu.memref_squeeze %dma_wait3A_1902 : memref<1x1x64xf32, #tpu.memory_space<vmem>> -> memref<64xf32, #tpu.memory_space<vmem>>
        %dma_wait3A_1904 = arith.constant 0 : i32
        %dma_wait3A_1905 = tpu.memref_slice %arg4[%dma_wait3A_1891, %dma_wait3A_1892, %dma_wait3A_1904] : memref<125000x8x64xf32, #tpu.memory_space<hbm>> -> memref<1x1x64xf32, #tpu.memory_space<hbm>>
        %dma_wait3A_1906 = tpu.memref_squeeze %dma_wait3A_1905 : memref<1x1x64xf32, #tpu.memory_space<hbm>> -> memref<64xf32, #tpu.memory_space<hbm>>
        tpu.wait_dma2 semaphore(%arg11 : memref<!tpu.dma_semaphore, #tpu.memory_space<semaphore_mem>>) src(%dma_wait3A_1906 : memref<64xf32, #tpu.memory_space<hbm>>) dst(%dma_wait3A_1903 : memref<64xf32, #tpu.memory_space<vmem>>)
        %dma_wait3A_1907 = arith.constant 0 : i32
        %dma_wait3A_1908 = arith.constant 0 : i32
        %dma_wait3A_1909 = arith.constant 0 : i32
        %dma_wait3A_1910 = arith.constant 0 : i32
        %dma_wait3A_1911 = arith.constant 0 : i32
        %dma_wait3A_1912 = tpu.memref_slice %arg10[%dma_wait3A_1909, %dma_wait3A_1910, %dma_wait3A_1911] : memref<64x8x64xf32, #tpu.memory_space<vmem>> -> memref<1x1x64xf32, #tpu.memory_space<vmem>>
        %dma_wait3A_1913 = tpu.memref_squeeze %dma_wait3A_1912 : memref<1x1x64xf32, #tpu.memory_space<vmem>> -> memref<64xf32, #tpu.memory_space<vmem>>
        %dma_wait3A_1914 = arith.constant 0 : i32
        %dma_wait3A_1915 = tpu.memref_slice %arg4[%dma_wait3A_1907, %dma_wait3A_1908, %dma_wait3A_1914] : memref<125000x8x64xf32, #tpu.memory_space<hbm>> -> memref<1x1x64xf32, #tpu.memory_space<hbm>>
        %dma_wait3A_1916 = tpu.memref_squeeze %dma_wait3A_1915 : memref<1x1x64xf32, #tpu.memory_space<hbm>> -> memref<64xf32, #tpu.memory_space<hbm>>
        %dma_wait3A_1917 = arith.constant 0 : i32
        %dma_wait3A_1918 = tpu.memref_slice %arg10[%dma_wait3A_1909, %dma_wait3A_1910, %dma_wait3A_1917] : memref<64x8x64xf32, #tpu.memory_space<vmem>> -> memref<1x1x64xf32, #tpu.memory_space<vmem>>
        %dma_wait3A_1919 = tpu.memref_squeeze %dma_wait3A_1918 : memref<1x1x64xf32, #tpu.memory_space<vmem>> -> memref<64xf32, #tpu.memory_space<vmem>>
        %dma_wait3A_1920 = arith.constant 0 : i32
        %dma_wait3A_1921 = tpu.memref_slice %arg4[%dma_wait3A_1907, %dma_wait3A_1908, %dma_wait3A_1920] : memref<125000x8x64xf32, #tpu.memory_space<hbm>> -> memref<1x1x64xf32, #tpu.memory_space<hbm>>
        %dma_wait3A_1922 = tpu.memref_squeeze %dma_wait3A_1921 : memref<1x1x64xf32, #tpu.memory_space<hbm>> -> memref<64xf32, #tpu.memory_space<hbm>>
        tpu.wait_dma2 semaphore(%arg11 : memref<!tpu.dma_semaphore, #tpu.memory_space<semaphore_mem>>) src(%dma_wait3A_1922 : memref<64xf32, #tpu.memory_space<hbm>>) dst(%dma_wait3A_1919 : memref<64xf32, #tpu.memory_space<vmem>>)
        %dma_wait3A_1923 = arith.constant 0 : i32
        %dma_wait3A_1924 = arith.constant 0 : i32
        %dma_wait3A_1925 = arith.constant 0 : i32
        %dma_wait3A_1926 = arith.constant 0 : i32
        %dma_wait3A_1927 = arith.constant 0 : i32
        %dma_wait3A_1928 = tpu.memref_slice %arg10[%dma_wait3A_1925, %dma_wait3A_1926, %dma_wait3A_1927] : memref<64x8x64xf32, #tpu.memory_space<vmem>> -> memref<1x1x64xf32, #tpu.memory_space<vmem>>
        %dma_wait3A_1929 = tpu.memref_squeeze %dma_wait3A_1928 : memref<1x1x64xf32, #tpu.memory_space<vmem>> -> memref<64xf32, #tpu.memory_space<vmem>>
        %dma_wait3A_1930 = arith.constant 0 : i32
        %dma_wait3A_1931 = tpu.memref_slice %arg4[%dma_wait3A_1923, %dma_wait3A_1924, %dma_wait3A_1930] : memref<125000x8x64xf32, #tpu.memory_space<hbm>> -> memref<1x1x64xf32, #tpu.memory_space<hbm>>
        %dma_wait3A_1932 = tpu.memref_squeeze %dma_wait3A_1931 : memref<1x1x64xf32, #tpu.memory_space<hbm>> -> memref<64xf32, #tpu.memory_space<hbm>>
        %dma_wait3A_1933 = arith.constant 0 : i32
        %dma_wait3A_1934 = tpu.memref_slice %arg10[%dma_wait3A_1925, %dma_wait3A_1926, %dma_wait3A_1933] : memref<64x8x64xf32, #tpu.memory_space<vmem>> -> memref<1x1x64xf32, #tpu.memory_space<vmem>>
        %dma_wait3A_1935 = tpu.memref_squeeze %dma_wait3A_1934 : memref<1x1x64xf32, #tpu.memory_space<vmem>> -> memref<64xf32, #tpu.memory_space<vmem>>
        %dma_wait3A_1936 = arith.constant 0 : i32
        %dma_wait3A_1937 = tpu.memref_slice %arg4[%dma_wait3A_1923, %dma_wait3A_1924, %dma_wait3A_1936] : memref<125000x8x64xf32, #tpu.memory_space<hbm>> -> memref<1x1x64xf32, #tpu.memory_space<hbm>>
        %dma_wait3A_1938 = tpu.memref_squeeze %dma_wait3A_1937 : memref<1x1x64xf32, #tpu.memory_space<hbm>> -> memref<64xf32, #tpu.memory_space<hbm>>
        tpu.wait_dma2 semaphore(%arg11 : memref<!tpu.dma_semaphore, #tpu.memory_space<semaphore_mem>>) src(%dma_wait3A_1938 : memref<64xf32, #tpu.memory_space<hbm>>) dst(%dma_wait3A_1935 : memref<64xf32, #tpu.memory_space<vmem>>)
        %dma_wait3A_1939 = arith.constant 0 : i32
        %dma_wait3A_1940 = arith.constant 0 : i32
        %dma_wait3A_1941 = arith.constant 0 : i32
        %dma_wait3A_1942 = arith.constant 0 : i32
        %dma_wait3A_1943 = arith.constant 0 : i32
        %dma_wait3A_1944 = tpu.memref_slice %arg10[%dma_wait3A_1941, %dma_wait3A_1942, %dma_wait3A_1943] : memref<64x8x64xf32, #tpu.memory_space<vmem>> -> memref<1x1x64xf32, #tpu.memory_space<vmem>>
        %dma_wait3A_1945 = tpu.memref_squeeze %dma_wait3A_1944 : memref<1x1x64xf32, #tpu.memory_space<vmem>> -> memref<64xf32, #tpu.memory_space<vmem>>
        %dma_wait3A_1946 = arith.constant 0 : i32
        %dma_wait3A_1947 = tpu.memref_slice %arg4[%dma_wait3A_1939, %dma_wait3A_1940, %dma_wait3A_1946] : memref<125000x8x64xf32, #tpu.memory_space<hbm>> -> memref<1x1x64xf32, #tpu.memory_space<hbm>>
        %dma_wait3A_1948 = tpu.memref_squeeze %dma_wait3A_1947 : memref<1x1x64xf32, #tpu.memory_space<hbm>> -> memref<64xf32, #tpu.memory_space<hbm>>
        %dma_wait3A_1949 = arith.constant 0 : i32
        %dma_wait3A_1950 = tpu.memref_slice %arg10[%dma_wait3A_1941, %dma_wait3A_1942, %dma_wait3A_1949] : memref<64x8x64xf32, #tpu.memory_space<vmem>> -> memref<1x1x64xf32, #tpu.memory_space<vmem>>
        %dma_wait3A_1951 = tpu.memref_squeeze %dma_wait3A_1950 : memref<1x1x64xf32, #tpu.memory_space<vmem>> -> memref<64xf32, #tpu.memory_space<vmem>>
        %dma_wait3A_1952 = arith.constant 0 : i32
        %dma_wait3A_1953 = tpu.memref_slice %arg4[%dma_wait3A_1939, %dma_wait3A_1940, %dma_wait3A_1952] : memref<125000x8x64xf32, #tpu.memory_space<hbm>> -> memref<1x1x64xf32, #tpu.memory_space<hbm>>
        %dma_wait3A_1954 = tpu.memref_squeeze %dma_wait3A_1953 : memref<1x1x64xf32, #tpu.memory_space<hbm>> -> memref<64xf32, #tpu.memory_space<hbm>>
        tpu.wait_dma2 semaphore(%arg11 : memref<!tpu.dma_semaphore, #tpu.memory_space<semaphore_mem>>) src(%dma_wait3A_1954 : memref<64xf32, #tpu.memory_space<hbm>>) dst(%dma_wait3A_1951 : memref<64xf32, #tpu.memory_space<vmem>>)
        %dma_wait3A_1955 = arith.constant 0 : i32
        %dma_wait3A_1956 = arith.constant 0 : i32
        %dma_wait3A_1957 = arith.constant 0 : i32
        %dma_wait3A_1958 = arith.constant 0 : i32
        %dma_wait3A_1959 = arith.constant 0 : i32
        %dma_wait3A_1960 = tpu.memref_slice %arg10[%dma_wait3A_1957, %dma_wait3A_1958, %dma_wait3A_1959] : memref<64x8x64xf32, #tpu.memory_space<vmem>> -> memref<1x1x64xf32, #tpu.memory_space<vmem>>
        %dma_wait3A_1961 = tpu.memref_squeeze %dma_wait3A_1960 : memref<1x1x64xf32, #tpu.memory_space<vmem>> -> memref<64xf32, #tpu.memory_space<vmem>>
        %dma_wait3A_1962 = arith.constant 0 : i32
        %dma_wait3A_1963 = tpu.memref_slice %arg4[%dma_wait3A_1955, %dma_wait3A_1956, %dma_wait3A_1962] : memref<125000x8x64xf32, #tpu.memory_space<hbm>> -> memref<1x1x64xf32, #tpu.memory_space<hbm>>
        %dma_wait3A_1964 = tpu.memref_squeeze %dma_wait3A_1963 : memref<1x1x64xf32, #tpu.memory_space<hbm>> -> memref<64xf32, #tpu.memory_space<hbm>>
        %dma_wait3A_1965 = arith.constant 0 : i32
        %dma_wait3A_1966 = tpu.memref_slice %arg10[%dma_wait3A_1957, %dma_wait3A_1958, %dma_wait3A_1965] : memref<64x8x64xf32, #tpu.memory_space<vmem>> -> memref<1x1x64xf32, #tpu.memory_space<vmem>>
        %dma_wait3A_1967 = tpu.memref_squeeze %dma_wait3A_1966 : memref<1x1x64xf32, #tpu.memory_space<vmem>> -> memref<64xf32, #tpu.memory_space<vmem>>
        %dma_wait3A_1968 = arith.constant 0 : i32
        %dma_wait3A_1969 = tpu.memref_slice %arg4[%dma_wait3A_1955, %dma_wait3A_1956, %dma_wait3A_1968] : memref<125000x8x64xf32, #tpu.memory_space<hbm>> -> memref<1x1x64xf32, #tpu.memory_space<hbm>>
        %dma_wait3A_1970 = tpu.memref_squeeze %dma_wait3A_1969 : memref<1x1x64xf32, #tpu.memory_space<hbm>> -> memref<64xf32, #tpu.memory_space<hbm>>
        tpu.wait_dma2 semaphore(%arg11 : memref<!tpu.dma_semaphore, #tpu.memory_space<semaphore_mem>>) src(%dma_wait3A_1970 : memref<64xf32, #tpu.memory_space<hbm>>) dst(%dma_wait3A_1967 : memref<64xf32, #tpu.memory_space<vmem>>)
        %dma_wait3A_1971 = arith.constant 0 : i32
        %dma_wait3A_1972 = arith.constant 0 : i32
        %dma_wait3A_1973 = arith.constant 0 : i32
        %dma_wait3A_1974 = arith.constant 0 : i32
        %dma_wait3A_1975 = arith.constant 0 : i32
        %dma_wait3A_1976 = tpu.memref_slice %arg10[%dma_wait3A_1973, %dma_wait3A_1974, %dma_wait3A_1975] : memref<64x8x64xf32, #tpu.memory_space<vmem>> -> memref<1x1x64xf32, #tpu.memory_space<vmem>>
        %dma_wait3A_1977 = tpu.memref_squeeze %dma_wait3A_1976 : memref<1x1x64xf32, #tpu.memory_space<vmem>> -> memref<64xf32, #tpu.memory_space<vmem>>
        %dma_wait3A_1978 = arith.constant 0 : i32
        %dma_wait3A_1979 = tpu.memref_slice %arg4[%dma_wait3A_1971, %dma_wait3A_1972, %dma_wait3A_1978] : memref<125000x8x64xf32, #tpu.memory_space<hbm>> -> memref<1x1x64xf32, #tpu.memory_space<hbm>>
        %dma_wait3A_1980 = tpu.memref_squeeze %dma_wait3A_1979 : memref<1x1x64xf32, #tpu.memory_space<hbm>> -> memref<64xf32, #tpu.memory_space<hbm>>
        %dma_wait3A_1981 = arith.constant 0 : i32
        %dma_wait3A_1982 = tpu.memref_slice %arg10[%dma_wait3A_1973, %dma_wait3A_1974, %dma_wait3A_1981] : memref<64x8x64xf32, #tpu.memory_space<vmem>> -> memref<1x1x64xf32, #tpu.memory_space<vmem>>
        %dma_wait3A_1983 = tpu.memref_squeeze %dma_wait3A_1982 : memref<1x1x64xf32, #tpu.memory_space<vmem>> -> memref<64xf32, #tpu.memory_space<vmem>>
        %dma_wait3A_1984 = arith.constant 0 : i32
        %dma_wait3A_1985 = tpu.memref_slice %arg4[%dma_wait3A_1971, %dma_wait3A_1972, %dma_wait3A_1984] : memref<125000x8x64xf32, #tpu.memory_space<hbm>> -> memref<1x1x64xf32, #tpu.memory_space<hbm>>
        %dma_wait3A_1986 = tpu.memref_squeeze %dma_wait3A_1985 : memref<1x1x64xf32, #tpu.memory_space<hbm>> -> memref<64xf32, #tpu.memory_space<hbm>>
        tpu.wait_dma2 semaphore(%arg11 : memref<!tpu.dma_semaphore, #tpu.memory_space<semaphore_mem>>) src(%dma_wait3A_1986 : memref<64xf32, #tpu.memory_space<hbm>>) dst(%dma_wait3A_1983 : memref<64xf32, #tpu.memory_space<vmem>>)
        %dma_wait3A_1987 = arith.constant 0 : i32
        %dma_wait3A_1988 = arith.constant 0 : i32
        %dma_wait3A_1989 = arith.constant 0 : i32
        %dma_wait3A_1990 = arith.constant 0 : i32
        %dma_wait3A_1991 = arith.constant 0 : i32
        %dma_wait3A_1992 = tpu.memref_slice %arg10[%dma_wait3A_1989, %dma_wait3A_1990, %dma_wait3A_1991] : memref<64x8x64xf32, #tpu.memory_space<vmem>> -> memref<1x1x64xf32, #tpu.memory_space<vmem>>
        %dma_wait3A_1993 = tpu.memref_squeeze %dma_wait3A_1992 : memref<1x1x64xf32, #tpu.memory_space<vmem>> -> memref<64xf32, #tpu.memory_space<vmem>>
        %dma_wait3A_1994 = arith.constant 0 : i32
        %dma_wait3A_1995 = tpu.memref_slice %arg4[%dma_wait3A_1987, %dma_wait3A_1988, %dma_wait3A_1994] : memref<125000x8x64xf32, #tpu.memory_space<hbm>> -> memref<1x1x64xf32, #tpu.memory_space<hbm>>
        %dma_wait3A_1996 = tpu.memref_squeeze %dma_wait3A_1995 : memref<1x1x64xf32, #tpu.memory_space<hbm>> -> memref<64xf32, #tpu.memory_space<hbm>>
        %dma_wait3A_1997 = arith.constant 0 : i32
        %dma_wait3A_1998 = tpu.memref_slice %arg10[%dma_wait3A_1989, %dma_wait3A_1990, %dma_wait3A_1997] : memref<64x8x64xf32, #tpu.memory_space<vmem>> -> memref<1x1x64xf32, #tpu.memory_space<vmem>>
        %dma_wait3A_1999 = tpu.memref_squeeze %dma_wait3A_1998 : memref<1x1x64xf32, #tpu.memory_space<vmem>> -> memref<64xf32, #tpu.memory_space<vmem>>
        %dma_wait3A_2000 = arith.constant 0 : i32
        %dma_wait3A_2001 = tpu.memref_slice %arg4[%dma_wait3A_1987, %dma_wait3A_1988, %dma_wait3A_2000] : memref<125000x8x64xf32, #tpu.memory_space<hbm>> -> memref<1x1x64xf32, #tpu.memory_space<hbm>>
        %dma_wait3A_2002 = tpu.memref_squeeze %dma_wait3A_2001 : memref<1x1x64xf32, #tpu.memory_space<hbm>> -> memref<64xf32, #tpu.memory_space<hbm>>
        tpu.wait_dma2 semaphore(%arg11 : memref<!tpu.dma_semaphore, #tpu.memory_space<semaphore_mem>>) src(%dma_wait3A_2002 : memref<64xf32, #tpu.memory_space<hbm>>) dst(%dma_wait3A_1999 : memref<64xf32, #tpu.memory_space<vmem>>)
        %dma_wait3A_2003 = arith.constant 0 : i32
        %dma_wait3A_2004 = arith.constant 0 : i32
        %dma_wait3A_2005 = arith.constant 0 : i32
        %dma_wait3A_2006 = arith.constant 0 : i32
        %dma_wait3A_2007 = arith.constant 0 : i32
        %dma_wait3A_2008 = tpu.memref_slice %arg10[%dma_wait3A_2005, %dma_wait3A_2006, %dma_wait3A_2007] : memref<64x8x64xf32, #tpu.memory_space<vmem>> -> memref<1x1x64xf32, #tpu.memory_space<vmem>>
        %dma_wait3A_2009 = tpu.memref_squeeze %dma_wait3A_2008 : memref<1x1x64xf32, #tpu.memory_space<vmem>> -> memref<64xf32, #tpu.memory_space<vmem>>
        %dma_wait3A_2010 = arith.constant 0 : i32
        %dma_wait3A_2011 = tpu.memref_slice %arg4[%dma_wait3A_2003, %dma_wait3A_2004, %dma_wait3A_2010] : memref<125000x8x64xf32, #tpu.memory_space<hbm>> -> memref<1x1x64xf32, #tpu.memory_space<hbm>>
        %dma_wait3A_2012 = tpu.memref_squeeze %dma_wait3A_2011 : memref<1x1x64xf32, #tpu.memory_space<hbm>> -> memref<64xf32, #tpu.memory_space<hbm>>
        %dma_wait3A_2013 = arith.constant 0 : i32
        %dma_wait3A_2014 = tpu.memref_slice %arg10[%dma_wait3A_2005, %dma_wait3A_2006, %dma_wait3A_2013] : memref<64x8x64xf32, #tpu.memory_space<vmem>> -> memref<1x1x64xf32, #tpu.memory_space<vmem>>
        %dma_wait3A_2015 = tpu.memref_squeeze %dma_wait3A_2014 : memref<1x1x64xf32, #tpu.memory_space<vmem>> -> memref<64xf32, #tpu.memory_space<vmem>>
        %dma_wait3A_2016 = arith.constant 0 : i32
        %dma_wait3A_2017 = tpu.memref_slice %arg4[%dma_wait3A_2003, %dma_wait3A_2004, %dma_wait3A_2016] : memref<125000x8x64xf32, #tpu.memory_space<hbm>> -> memref<1x1x64xf32, #tpu.memory_space<hbm>>
        %dma_wait3A_2018 = tpu.memref_squeeze %dma_wait3A_2017 : memref<1x1x64xf32, #tpu.memory_space<hbm>> -> memref<64xf32, #tpu.memory_space<hbm>>
        tpu.wait_dma2 semaphore(%arg11 : memref<!tpu.dma_semaphore, #tpu.memory_space<semaphore_mem>>) src(%dma_wait3A_2018 : memref<64xf32, #tpu.memory_space<hbm>>) dst(%dma_wait3A_2015 : memref<64xf32, #tpu.memory_space<vmem>>)
        %dma_wait3A_2019 = arith.constant 0 : i32
        %dma_wait3A_2020 = arith.constant 0 : i32
        %dma_wait3A_2021 = arith.constant 0 : i32
        %dma_wait3A_2022 = arith.constant 0 : i32
        %dma_wait3A_2023 = arith.constant 0 : i32
        %dma_wait3A_2024 = tpu.memref_slice %arg10[%dma_wait3A_2021, %dma_wait3A_2022, %dma_wait3A_2023] : memref<64x8x64xf32, #tpu.memory_space<vmem>> -> memref<1x1x64xf32, #tpu.memory_space<vmem>>
        %dma_wait3A_2025 = tpu.memref_squeeze %dma_wait3A_2024 : memref<1x1x64xf32, #tpu.memory_space<vmem>> -> memref<64xf32, #tpu.memory_space<vmem>>
        %dma_wait3A_2026 = arith.constant 0 : i32
        %dma_wait3A_2027 = tpu.memref_slice %arg4[%dma_wait3A_2019, %dma_wait3A_2020, %dma_wait3A_2026] : memref<125000x8x64xf32, #tpu.memory_space<hbm>> -> memref<1x1x64xf32, #tpu.memory_space<hbm>>
        %dma_wait3A_2028 = tpu.memref_squeeze %dma_wait3A_2027 : memref<1x1x64xf32, #tpu.memory_space<hbm>> -> memref<64xf32, #tpu.memory_space<hbm>>
        %dma_wait3A_2029 = arith.constant 0 : i32
        %dma_wait3A_2030 = tpu.memref_slice %arg10[%dma_wait3A_2021, %dma_wait3A_2022, %dma_wait3A_2029] : memref<64x8x64xf32, #tpu.memory_space<vmem>> -> memref<1x1x64xf32, #tpu.memory_space<vmem>>
        %dma_wait3A_2031 = tpu.memref_squeeze %dma_wait3A_2030 : memref<1x1x64xf32, #tpu.memory_space<vmem>> -> memref<64xf32, #tpu.memory_space<vmem>>
        %dma_wait3A_2032 = arith.constant 0 : i32
        %dma_wait3A_2033 = tpu.memref_slice %arg4[%dma_wait3A_2019, %dma_wait3A_2020, %dma_wait3A_2032] : memref<125000x8x64xf32, #tpu.memory_space<hbm>> -> memref<1x1x64xf32, #tpu.memory_space<hbm>>
        %dma_wait3A_2034 = tpu.memref_squeeze %dma_wait3A_2033 : memref<1x1x64xf32, #tpu.memory_space<hbm>> -> memref<64xf32, #tpu.memory_space<hbm>>
        tpu.wait_dma2 semaphore(%arg11 : memref<!tpu.dma_semaphore, #tpu.memory_space<semaphore_mem>>) src(%dma_wait3A_2034 : memref<64xf32, #tpu.memory_space<hbm>>) dst(%dma_wait3A_2031 : memref<64xf32, #tpu.memory_space<vmem>>)
        %dma_wait3A_2035 = arith.constant 0 : i32
        %dma_wait3A_2036 = arith.constant 0 : i32
        %dma_wait3A_2037 = arith.constant 0 : i32
        %dma_wait3A_2038 = arith.constant 0 : i32
        %dma_wait3A_2039 = arith.constant 0 : i32
        %dma_wait3A_2040 = tpu.memref_slice %arg10[%dma_wait3A_2037, %dma_wait3A_2038, %dma_wait3A_2039] : memref<64x8x64xf32, #tpu.memory_space<vmem>> -> memref<1x1x64xf32, #tpu.memory_space<vmem>>
        %dma_wait3A_2041 = tpu.memref_squeeze %dma_wait3A_2040 : memref<1x1x64xf32, #tpu.memory_space<vmem>> -> memref<64xf32, #tpu.memory_space<vmem>>
        %dma_wait3A_2042 = arith.constant 0 : i32
        %dma_wait3A_2043 = tpu.memref_slice %arg4[%dma_wait3A_2035, %dma_wait3A_2036, %dma_wait3A_2042] : memref<125000x8x64xf32, #tpu.memory_space<hbm>> -> memref<1x1x64xf32, #tpu.memory_space<hbm>>
        %dma_wait3A_2044 = tpu.memref_squeeze %dma_wait3A_2043 : memref<1x1x64xf32, #tpu.memory_space<hbm>> -> memref<64xf32, #tpu.memory_space<hbm>>
        %dma_wait3A_2045 = arith.constant 0 : i32
        %dma_wait3A_2046 = tpu.memref_slice %arg10[%dma_wait3A_2037, %dma_wait3A_2038, %dma_wait3A_2045] : memref<64x8x64xf32, #tpu.memory_space<vmem>> -> memref<1x1x64xf32, #tpu.memory_space<vmem>>
        %dma_wait3A_2047 = tpu.memref_squeeze %dma_wait3A_2046 : memref<1x1x64xf32, #tpu.memory_space<vmem>> -> memref<64xf32, #tpu.memory_space<vmem>>
        %dma_wait3A_2048 = arith.constant 0 : i32
        %dma_wait3A_2049 = tpu.memref_slice %arg4[%dma_wait3A_2035, %dma_wait3A_2036, %dma_wait3A_2048] : memref<125000x8x64xf32, #tpu.memory_space<hbm>> -> memref<1x1x64xf32, #tpu.memory_space<hbm>>
        %dma_wait3A_2050 = tpu.memref_squeeze %dma_wait3A_2049 : memref<1x1x64xf32, #tpu.memory_space<hbm>> -> memref<64xf32, #tpu.memory_space<hbm>>
        tpu.wait_dma2 semaphore(%arg11 : memref<!tpu.dma_semaphore, #tpu.memory_space<semaphore_mem>>) src(%dma_wait3A_2050 : memref<64xf32, #tpu.memory_space<hbm>>) dst(%dma_wait3A_2047 : memref<64xf32, #tpu.memory_space<vmem>>)
        %dma_wait3A_2051 = arith.constant 0 : i32
        %dma_wait3A_2052 = arith.constant 0 : i32
        %dma_wait3A_2053 = arith.constant 0 : i32
        %dma_wait3A_2054 = arith.constant 0 : i32
        %dma_wait3A_2055 = arith.constant 0 : i32
        %dma_wait3A_2056 = tpu.memref_slice %arg10[%dma_wait3A_2053, %dma_wait3A_2054, %dma_wait3A_2055] : memref<64x8x64xf32, #tpu.memory_space<vmem>> -> memref<1x1x64xf32, #tpu.memory_space<vmem>>
        %dma_wait3A_2057 = tpu.memref_squeeze %dma_wait3A_2056 : memref<1x1x64xf32, #tpu.memory_space<vmem>> -> memref<64xf32, #tpu.memory_space<vmem>>
        %dma_wait3A_2058 = arith.constant 0 : i32
        %dma_wait3A_2059 = tpu.memref_slice %arg4[%dma_wait3A_2051, %dma_wait3A_2052, %dma_wait3A_2058] : memref<125000x8x64xf32, #tpu.memory_space<hbm>> -> memref<1x1x64xf32, #tpu.memory_space<hbm>>
        %dma_wait3A_2060 = tpu.memref_squeeze %dma_wait3A_2059 : memref<1x1x64xf32, #tpu.memory_space<hbm>> -> memref<64xf32, #tpu.memory_space<hbm>>
        %dma_wait3A_2061 = arith.constant 0 : i32
        %dma_wait3A_2062 = tpu.memref_slice %arg10[%dma_wait3A_2053, %dma_wait3A_2054, %dma_wait3A_2061] : memref<64x8x64xf32, #tpu.memory_space<vmem>> -> memref<1x1x64xf32, #tpu.memory_space<vmem>>
        %dma_wait3A_2063 = tpu.memref_squeeze %dma_wait3A_2062 : memref<1x1x64xf32, #tpu.memory_space<vmem>> -> memref<64xf32, #tpu.memory_space<vmem>>
        %dma_wait3A_2064 = arith.constant 0 : i32
        %dma_wait3A_2065 = tpu.memref_slice %arg4[%dma_wait3A_2051, %dma_wait3A_2052, %dma_wait3A_2064] : memref<125000x8x64xf32, #tpu.memory_space<hbm>> -> memref<1x1x64xf32, #tpu.memory_space<hbm>>
        %dma_wait3A_2066 = tpu.memref_squeeze %dma_wait3A_2065 : memref<1x1x64xf32, #tpu.memory_space<hbm>> -> memref<64xf32, #tpu.memory_space<hbm>>
        tpu.wait_dma2 semaphore(%arg11 : memref<!tpu.dma_semaphore, #tpu.memory_space<semaphore_mem>>) src(%dma_wait3A_2066 : memref<64xf32, #tpu.memory_space<hbm>>) dst(%dma_wait3A_2063 : memref<64xf32, #tpu.memory_space<vmem>>)
        %dma_wait3A_2067 = arith.constant 0 : i32
        %dma_wait3A_2068 = arith.constant 0 : i32
        %dma_wait3A_2069 = arith.constant 0 : i32
        %dma_wait3A_2070 = arith.constant 0 : i32
        %dma_wait3A_2071 = arith.constant 0 : i32
        %dma_wait3A_2072 = tpu.memref_slice %arg10[%dma_wait3A_2069, %dma_wait3A_2070, %dma_wait3A_2071] : memref<64x8x64xf32, #tpu.memory_space<vmem>> -> memref<1x1x64xf32, #tpu.memory_space<vmem>>
        %dma_wait3A_2073 = tpu.memref_squeeze %dma_wait3A_2072 : memref<1x1x64xf32, #tpu.memory_space<vmem>> -> memref<64xf32, #tpu.memory_space<vmem>>
        %dma_wait3A_2074 = arith.constant 0 : i32
        %dma_wait3A_2075 = tpu.memref_slice %arg4[%dma_wait3A_2067, %dma_wait3A_2068, %dma_wait3A_2074] : memref<125000x8x64xf32, #tpu.memory_space<hbm>> -> memref<1x1x64xf32, #tpu.memory_space<hbm>>
        %dma_wait3A_2076 = tpu.memref_squeeze %dma_wait3A_2075 : memref<1x1x64xf32, #tpu.memory_space<hbm>> -> memref<64xf32, #tpu.memory_space<hbm>>
        %dma_wait3A_2077 = arith.constant 0 : i32
        %dma_wait3A_2078 = tpu.memref_slice %arg10[%dma_wait3A_2069, %dma_wait3A_2070, %dma_wait3A_2077] : memref<64x8x64xf32, #tpu.memory_space<vmem>> -> memref<1x1x64xf32, #tpu.memory_space<vmem>>
        %dma_wait3A_2079 = tpu.memref_squeeze %dma_wait3A_2078 : memref<1x1x64xf32, #tpu.memory_space<vmem>> -> memref<64xf32, #tpu.memory_space<vmem>>
        %dma_wait3A_2080 = arith.constant 0 : i32
        %dma_wait3A_2081 = tpu.memref_slice %arg4[%dma_wait3A_2067, %dma_wait3A_2068, %dma_wait3A_2080] : memref<125000x8x64xf32, #tpu.memory_space<hbm>> -> memref<1x1x64xf32, #tpu.memory_space<hbm>>
        %dma_wait3A_2082 = tpu.memref_squeeze %dma_wait3A_2081 : memref<1x1x64xf32, #tpu.memory_space<hbm>> -> memref<64xf32, #tpu.memory_space<hbm>>
        tpu.wait_dma2 semaphore(%arg11 : memref<!tpu.dma_semaphore, #tpu.memory_space<semaphore_mem>>) src(%dma_wait3A_2082 : memref<64xf32, #tpu.memory_space<hbm>>) dst(%dma_wait3A_2079 : memref<64xf32, #tpu.memory_space<vmem>>)
        %dma_wait3A_2083 = arith.constant 0 : i32
        %dma_wait3A_2084 = arith.constant 0 : i32
        %dma_wait3A_2085 = arith.constant 0 : i32
        %dma_wait3A_2086 = arith.constant 0 : i32
        %dma_wait3A_2087 = arith.constant 0 : i32
        %dma_wait3A_2088 = tpu.memref_slice %arg10[%dma_wait3A_2085, %dma_wait3A_2086, %dma_wait3A_2087] : memref<64x8x64xf32, #tpu.memory_space<vmem>> -> memref<1x1x64xf32, #tpu.memory_space<vmem>>
        %dma_wait3A_2089 = tpu.memref_squeeze %dma_wait3A_2088 : memref<1x1x64xf32, #tpu.memory_space<vmem>> -> memref<64xf32, #tpu.memory_space<vmem>>
        %dma_wait3A_2090 = arith.constant 0 : i32
        %dma_wait3A_2091 = tpu.memref_slice %arg4[%dma_wait3A_2083, %dma_wait3A_2084, %dma_wait3A_2090] : memref<125000x8x64xf32, #tpu.memory_space<hbm>> -> memref<1x1x64xf32, #tpu.memory_space<hbm>>
        %dma_wait3A_2092 = tpu.memref_squeeze %dma_wait3A_2091 : memref<1x1x64xf32, #tpu.memory_space<hbm>> -> memref<64xf32, #tpu.memory_space<hbm>>
        %dma_wait3A_2093 = arith.constant 0 : i32
        %dma_wait3A_2094 = tpu.memref_slice %arg10[%dma_wait3A_2085, %dma_wait3A_2086, %dma_wait3A_2093] : memref<64x8x64xf32, #tpu.memory_space<vmem>> -> memref<1x1x64xf32, #tpu.memory_space<vmem>>
        %dma_wait3A_2095 = tpu.memref_squeeze %dma_wait3A_2094 : memref<1x1x64xf32, #tpu.memory_space<vmem>> -> memref<64xf32, #tpu.memory_space<vmem>>
        %dma_wait3A_2096 = arith.constant 0 : i32
        %dma_wait3A_2097 = tpu.memref_slice %arg4[%dma_wait3A_2083, %dma_wait3A_2084, %dma_wait3A_2096] : memref<125000x8x64xf32, #tpu.memory_space<hbm>> -> memref<1x1x64xf32, #tpu.memory_space<hbm>>
        %dma_wait3A_2098 = tpu.memref_squeeze %dma_wait3A_2097 : memref<1x1x64xf32, #tpu.memory_space<hbm>> -> memref<64xf32, #tpu.memory_space<hbm>>
        tpu.wait_dma2 semaphore(%arg11 : memref<!tpu.dma_semaphore, #tpu.memory_space<semaphore_mem>>) src(%dma_wait3A_2098 : memref<64xf32, #tpu.memory_space<hbm>>) dst(%dma_wait3A_2095 : memref<64xf32, #tpu.memory_space<vmem>>)
        %dma_wait3A_2099 = arith.constant 0 : i32
        %dma_wait3A_2100 = arith.constant 0 : i32
        %dma_wait3A_2101 = arith.constant 0 : i32
        %dma_wait3A_2102 = arith.constant 0 : i32
        %dma_wait3A_2103 = arith.constant 0 : i32
        %dma_wait3A_2104 = tpu.memref_slice %arg10[%dma_wait3A_2101, %dma_wait3A_2102, %dma_wait3A_2103] : memref<64x8x64xf32, #tpu.memory_space<vmem>> -> memref<1x1x64xf32, #tpu.memory_space<vmem>>
        %dma_wait3A_2105 = tpu.memref_squeeze %dma_wait3A_2104 : memref<1x1x64xf32, #tpu.memory_space<vmem>> -> memref<64xf32, #tpu.memory_space<vmem>>
        %dma_wait3A_2106 = arith.constant 0 : i32
        %dma_wait3A_2107 = tpu.memref_slice %arg4[%dma_wait3A_2099, %dma_wait3A_2100, %dma_wait3A_2106] : memref<125000x8x64xf32, #tpu.memory_space<hbm>> -> memref<1x1x64xf32, #tpu.memory_space<hbm>>
        %dma_wait3A_2108 = tpu.memref_squeeze %dma_wait3A_2107 : memref<1x1x64xf32, #tpu.memory_space<hbm>> -> memref<64xf32, #tpu.memory_space<hbm>>
        %dma_wait3A_2109 = arith.constant 0 : i32
        %dma_wait3A_2110 = tpu.memref_slice %arg10[%dma_wait3A_2101, %dma_wait3A_2102, %dma_wait3A_2109] : memref<64x8x64xf32, #tpu.memory_space<vmem>> -> memref<1x1x64xf32, #tpu.memory_space<vmem>>
        %dma_wait3A_2111 = tpu.memref_squeeze %dma_wait3A_2110 : memref<1x1x64xf32, #tpu.memory_space<vmem>> -> memref<64xf32, #tpu.memory_space<vmem>>
        %dma_wait3A_2112 = arith.constant 0 : i32
        %dma_wait3A_2113 = tpu.memref_slice %arg4[%dma_wait3A_2099, %dma_wait3A_2100, %dma_wait3A_2112] : memref<125000x8x64xf32, #tpu.memory_space<hbm>> -> memref<1x1x64xf32, #tpu.memory_space<hbm>>
        %dma_wait3A_2114 = tpu.memref_squeeze %dma_wait3A_2113 : memref<1x1x64xf32, #tpu.memory_space<hbm>> -> memref<64xf32, #tpu.memory_space<hbm>>
        tpu.wait_dma2 semaphore(%arg11 : memref<!tpu.dma_semaphore, #tpu.memory_space<semaphore_mem>>) src(%dma_wait3A_2114 : memref<64xf32, #tpu.memory_space<hbm>>) dst(%dma_wait3A_2111 : memref<64xf32, #tpu.memory_space<vmem>>)
        %dma_wait3A_2115 = arith.constant 0 : i32
        %dma_wait3A_2116 = arith.constant 0 : i32
        %dma_wait3A_2117 = arith.constant 0 : i32
        %dma_wait3A_2118 = arith.constant 0 : i32
        %dma_wait3A_2119 = arith.constant 0 : i32
        %dma_wait3A_2120 = tpu.memref_slice %arg10[%dma_wait3A_2117, %dma_wait3A_2118, %dma_wait3A_2119] : memref<64x8x64xf32, #tpu.memory_space<vmem>> -> memref<1x1x64xf32, #tpu.memory_space<vmem>>
        %dma_wait3A_2121 = tpu.memref_squeeze %dma_wait3A_2120 : memref<1x1x64xf32, #tpu.memory_space<vmem>> -> memref<64xf32, #tpu.memory_space<vmem>>
        %dma_wait3A_2122 = arith.constant 0 : i32
        %dma_wait3A_2123 = tpu.memref_slice %arg4[%dma_wait3A_2115, %dma_wait3A_2116, %dma_wait3A_2122] : memref<125000x8x64xf32, #tpu.memory_space<hbm>> -> memref<1x1x64xf32, #tpu.memory_space<hbm>>
        %dma_wait3A_2124 = tpu.memref_squeeze %dma_wait3A_2123 : memref<1x1x64xf32, #tpu.memory_space<hbm>> -> memref<64xf32, #tpu.memory_space<hbm>>
        %dma_wait3A_2125 = arith.constant 0 : i32
        %dma_wait3A_2126 = tpu.memref_slice %arg10[%dma_wait3A_2117, %dma_wait3A_2118, %dma_wait3A_2125] : memref<64x8x64xf32, #tpu.memory_space<vmem>> -> memref<1x1x64xf32, #tpu.memory_space<vmem>>
        %dma_wait3A_2127 = tpu.memref_squeeze %dma_wait3A_2126 : memref<1x1x64xf32, #tpu.memory_space<vmem>> -> memref<64xf32, #tpu.memory_space<vmem>>
        %dma_wait3A_2128 = arith.constant 0 : i32
        %dma_wait3A_2129 = tpu.memref_slice %arg4[%dma_wait3A_2115, %dma_wait3A_2116, %dma_wait3A_2128] : memref<125000x8x64xf32, #tpu.memory_space<hbm>> -> memref<1x1x64xf32, #tpu.memory_space<hbm>>
        %dma_wait3A_2130 = tpu.memref_squeeze %dma_wait3A_2129 : memref<1x1x64xf32, #tpu.memory_space<hbm>> -> memref<64xf32, #tpu.memory_space<hbm>>
        tpu.wait_dma2 semaphore(%arg11 : memref<!tpu.dma_semaphore, #tpu.memory_space<semaphore_mem>>) src(%dma_wait3A_2130 : memref<64xf32, #tpu.memory_space<hbm>>) dst(%dma_wait3A_2127 : memref<64xf32, #tpu.memory_space<vmem>>)
        %dma_wait3A_2131 = arith.constant 0 : i32
        %dma_wait3A_2132 = arith.constant 0 : i32
        %dma_wait3A_2133 = arith.constant 0 : i32
        %dma_wait3A_2134 = arith.constant 0 : i32
        %dma_wait3A_2135 = arith.constant 0 : i32
        %dma_wait3A_2136 = tpu.memref_slice %arg10[%dma_wait3A_2133, %dma_wait3A_2134, %dma_wait3A_2135] : memref<64x8x64xf32, #tpu.memory_space<vmem>> -> memref<1x1x64xf32, #tpu.memory_space<vmem>>
        %dma_wait3A_2137 = tpu.memref_squeeze %dma_wait3A_2136 : memref<1x1x64xf32, #tpu.memory_space<vmem>> -> memref<64xf32, #tpu.memory_space<vmem>>
        %dma_wait3A_2138 = arith.constant 0 : i32
        %dma_wait3A_2139 = tpu.memref_slice %arg4[%dma_wait3A_2131, %dma_wait3A_2132, %dma_wait3A_2138] : memref<125000x8x64xf32, #tpu.memory_space<hbm>> -> memref<1x1x64xf32, #tpu.memory_space<hbm>>
        %dma_wait3A_2140 = tpu.memref_squeeze %dma_wait3A_2139 : memref<1x1x64xf32, #tpu.memory_space<hbm>> -> memref<64xf32, #tpu.memory_space<hbm>>
        %dma_wait3A_2141 = arith.constant 0 : i32
        %dma_wait3A_2142 = tpu.memref_slice %arg10[%dma_wait3A_2133, %dma_wait3A_2134, %dma_wait3A_2141] : memref<64x8x64xf32, #tpu.memory_space<vmem>> -> memref<1x1x64xf32, #tpu.memory_space<vmem>>
        %dma_wait3A_2143 = tpu.memref_squeeze %dma_wait3A_2142 : memref<1x1x64xf32, #tpu.memory_space<vmem>> -> memref<64xf32, #tpu.memory_space<vmem>>
        %dma_wait3A_2144 = arith.constant 0 : i32
        %dma_wait3A_2145 = tpu.memref_slice %arg4[%dma_wait3A_2131, %dma_wait3A_2132, %dma_wait3A_2144] : memref<125000x8x64xf32, #tpu.memory_space<hbm>> -> memref<1x1x64xf32, #tpu.memory_space<hbm>>
        %dma_wait3A_2146 = tpu.memref_squeeze %dma_wait3A_2145 : memref<1x1x64xf32, #tpu.memory_space<hbm>> -> memref<64xf32, #tpu.memory_space<hbm>>
        tpu.wait_dma2 semaphore(%arg11 : memref<!tpu.dma_semaphore, #tpu.memory_space<semaphore_mem>>) src(%dma_wait3A_2146 : memref<64xf32, #tpu.memory_space<hbm>>) dst(%dma_wait3A_2143 : memref<64xf32, #tpu.memory_space<vmem>>)
        %dma_wait3A_2147 = arith.constant 0 : i32
        %dma_wait3A_2148 = arith.constant 0 : i32
        %dma_wait3A_2149 = arith.constant 0 : i32
        %dma_wait3A_2150 = arith.constant 0 : i32
        %dma_wait3A_2151 = arith.constant 0 : i32
        %dma_wait3A_2152 = tpu.memref_slice %arg10[%dma_wait3A_2149, %dma_wait3A_2150, %dma_wait3A_2151] : memref<64x8x64xf32, #tpu.memory_space<vmem>> -> memref<1x1x64xf32, #tpu.memory_space<vmem>>
        %dma_wait3A_2153 = tpu.memref_squeeze %dma_wait3A_2152 : memref<1x1x64xf32, #tpu.memory_space<vmem>> -> memref<64xf32, #tpu.memory_space<vmem>>
        %dma_wait3A_2154 = arith.constant 0 : i32
        %dma_wait3A_2155 = tpu.memref_slice %arg5[%dma_wait3A_2147, %dma_wait3A_2148, %dma_wait3A_2154] : memref<12500x8x64xf32, #tpu.memory_space<hbm>> -> memref<1x1x64xf32, #tpu.memory_space<hbm>>
        %dma_wait3A_2156 = tpu.memref_squeeze %dma_wait3A_2155 : memref<1x1x64xf32, #tpu.memory_space<hbm>> -> memref<64xf32, #tpu.memory_space<hbm>>
        %dma_wait3A_2157 = arith.constant 0 : i32
        %dma_wait3A_2158 = tpu.memref_slice %arg10[%dma_wait3A_2149, %dma_wait3A_2150, %dma_wait3A_2157] : memref<64x8x64xf32, #tpu.memory_space<vmem>> -> memref<1x1x64xf32, #tpu.memory_space<vmem>>
        %dma_wait3A_2159 = tpu.memref_squeeze %dma_wait3A_2158 : memref<1x1x64xf32, #tpu.memory_space<vmem>> -> memref<64xf32, #tpu.memory_space<vmem>>
        %dma_wait3A_2160 = arith.constant 0 : i32
        %dma_wait3A_2161 = tpu.memref_slice %arg5[%dma_wait3A_2147, %dma_wait3A_2148, %dma_wait3A_2160] : memref<12500x8x64xf32, #tpu.memory_space<hbm>> -> memref<1x1x64xf32, #tpu.memory_space<hbm>>
        %dma_wait3A_2162 = tpu.memref_squeeze %dma_wait3A_2161 : memref<1x1x64xf32, #tpu.memory_space<hbm>> -> memref<64xf32, #tpu.memory_space<hbm>>
        tpu.wait_dma2 semaphore(%arg12 : memref<!tpu.dma_semaphore, #tpu.memory_space<semaphore_mem>>) src(%dma_wait3A_2162 : memref<64xf32, #tpu.memory_space<hbm>>) dst(%dma_wait3A_2159 : memref<64xf32, #tpu.memory_space<vmem>>)
        %dma_wait3A_2163 = arith.constant 0 : i32
        %dma_wait3A_2164 = arith.constant 0 : i32
        %dma_wait3A_2165 = arith.constant 0 : i32
        %dma_wait3A_2166 = arith.constant 0 : i32
        %dma_wait3A_2167 = arith.constant 0 : i32
        %dma_wait3A_2168 = tpu.memref_slice %arg10[%dma_wait3A_2165, %dma_wait3A_2166, %dma_wait3A_2167] : memref<64x8x64xf32, #tpu.memory_space<vmem>> -> memref<1x1x64xf32, #tpu.memory_space<vmem>>
        %dma_wait3A_2169 = tpu.memref_squeeze %dma_wait3A_2168 : memref<1x1x64xf32, #tpu.memory_space<vmem>> -> memref<64xf32, #tpu.memory_space<vmem>>
        %dma_wait3A_2170 = arith.constant 0 : i32
        %dma_wait3A_2171 = tpu.memref_slice %arg5[%dma_wait3A_2163, %dma_wait3A_2164, %dma_wait3A_2170] : memref<12500x8x64xf32, #tpu.memory_space<hbm>> -> memref<1x1x64xf32, #tpu.memory_space<hbm>>
        %dma_wait3A_2172 = tpu.memref_squeeze %dma_wait3A_2171 : memref<1x1x64xf32, #tpu.memory_space<hbm>> -> memref<64xf32, #tpu.memory_space<hbm>>
        %dma_wait3A_2173 = arith.constant 0 : i32
        %dma_wait3A_2174 = tpu.memref_slice %arg10[%dma_wait3A_2165, %dma_wait3A_2166, %dma_wait3A_2173] : memref<64x8x64xf32, #tpu.memory_space<vmem>> -> memref<1x1x64xf32, #tpu.memory_space<vmem>>
        %dma_wait3A_2175 = tpu.memref_squeeze %dma_wait3A_2174 : memref<1x1x64xf32, #tpu.memory_space<vmem>> -> memref<64xf32, #tpu.memory_space<vmem>>
        %dma_wait3A_2176 = arith.constant 0 : i32
        %dma_wait3A_2177 = tpu.memref_slice %arg5[%dma_wait3A_2163, %dma_wait3A_2164, %dma_wait3A_2176] : memref<12500x8x64xf32, #tpu.memory_space<hbm>> -> memref<1x1x64xf32, #tpu.memory_space<hbm>>
        %dma_wait3A_2178 = tpu.memref_squeeze %dma_wait3A_2177 : memref<1x1x64xf32, #tpu.memory_space<hbm>> -> memref<64xf32, #tpu.memory_space<hbm>>
        tpu.wait_dma2 semaphore(%arg12 : memref<!tpu.dma_semaphore, #tpu.memory_space<semaphore_mem>>) src(%dma_wait3A_2178 : memref<64xf32, #tpu.memory_space<hbm>>) dst(%dma_wait3A_2175 : memref<64xf32, #tpu.memory_space<vmem>>)
        %dma_wait3A_2179 = arith.constant 0 : i32
        %dma_wait3A_2180 = arith.constant 0 : i32
        %dma_wait3A_2181 = arith.constant 0 : i32
        %dma_wait3A_2182 = arith.constant 0 : i32
        %dma_wait3A_2183 = arith.constant 0 : i32
        %dma_wait3A_2184 = tpu.memref_slice %arg10[%dma_wait3A_2181, %dma_wait3A_2182, %dma_wait3A_2183] : memref<64x8x64xf32, #tpu.memory_space<vmem>> -> memref<1x1x64xf32, #tpu.memory_space<vmem>>
        %dma_wait3A_2185 = tpu.memref_squeeze %dma_wait3A_2184 : memref<1x1x64xf32, #tpu.memory_space<vmem>> -> memref<64xf32, #tpu.memory_space<vmem>>
        %dma_wait3A_2186 = arith.constant 0 : i32
        %dma_wait3A_2187 = tpu.memref_slice %arg5[%dma_wait3A_2179, %dma_wait3A_2180, %dma_wait3A_2186] : memref<12500x8x64xf32, #tpu.memory_space<hbm>> -> memref<1x1x64xf32, #tpu.memory_space<hbm>>
        %dma_wait3A_2188 = tpu.memref_squeeze %dma_wait3A_2187 : memref<1x1x64xf32, #tpu.memory_space<hbm>> -> memref<64xf32, #tpu.memory_space<hbm>>
        %dma_wait3A_2189 = arith.constant 0 : i32
        %dma_wait3A_2190 = tpu.memref_slice %arg10[%dma_wait3A_2181, %dma_wait3A_2182, %dma_wait3A_2189] : memref<64x8x64xf32, #tpu.memory_space<vmem>> -> memref<1x1x64xf32, #tpu.memory_space<vmem>>
        %dma_wait3A_2191 = tpu.memref_squeeze %dma_wait3A_2190 : memref<1x1x64xf32, #tpu.memory_space<vmem>> -> memref<64xf32, #tpu.memory_space<vmem>>
        %dma_wait3A_2192 = arith.constant 0 : i32
        %dma_wait3A_2193 = tpu.memref_slice %arg5[%dma_wait3A_2179, %dma_wait3A_2180, %dma_wait3A_2192] : memref<12500x8x64xf32, #tpu.memory_space<hbm>> -> memref<1x1x64xf32, #tpu.memory_space<hbm>>
        %dma_wait3A_2194 = tpu.memref_squeeze %dma_wait3A_2193 : memref<1x1x64xf32, #tpu.memory_space<hbm>> -> memref<64xf32, #tpu.memory_space<hbm>>
        tpu.wait_dma2 semaphore(%arg12 : memref<!tpu.dma_semaphore, #tpu.memory_space<semaphore_mem>>) src(%dma_wait3A_2194 : memref<64xf32, #tpu.memory_space<hbm>>) dst(%dma_wait3A_2191 : memref<64xf32, #tpu.memory_space<vmem>>)
        %dma_wait3A_2195 = arith.constant 0 : i32
        %dma_wait3A_2196 = arith.constant 0 : i32
        %dma_wait3A_2197 = arith.constant 0 : i32
        %dma_wait3A_2198 = arith.constant 0 : i32
        %dma_wait3A_2199 = arith.constant 0 : i32
        %dma_wait3A_2200 = tpu.memref_slice %arg10[%dma_wait3A_2197, %dma_wait3A_2198, %dma_wait3A_2199] : memref<64x8x64xf32, #tpu.memory_space<vmem>> -> memref<1x1x64xf32, #tpu.memory_space<vmem>>
        %dma_wait3A_2201 = tpu.memref_squeeze %dma_wait3A_2200 : memref<1x1x64xf32, #tpu.memory_space<vmem>> -> memref<64xf32, #tpu.memory_space<vmem>>
        %dma_wait3A_2202 = arith.constant 0 : i32
        %dma_wait3A_2203 = tpu.memref_slice %arg5[%dma_wait3A_2195, %dma_wait3A_2196, %dma_wait3A_2202] : memref<12500x8x64xf32, #tpu.memory_space<hbm>> -> memref<1x1x64xf32, #tpu.memory_space<hbm>>
        %dma_wait3A_2204 = tpu.memref_squeeze %dma_wait3A_2203 : memref<1x1x64xf32, #tpu.memory_space<hbm>> -> memref<64xf32, #tpu.memory_space<hbm>>
        %dma_wait3A_2205 = arith.constant 0 : i32
        %dma_wait3A_2206 = tpu.memref_slice %arg10[%dma_wait3A_2197, %dma_wait3A_2198, %dma_wait3A_2205] : memref<64x8x64xf32, #tpu.memory_space<vmem>> -> memref<1x1x64xf32, #tpu.memory_space<vmem>>
        %dma_wait3A_2207 = tpu.memref_squeeze %dma_wait3A_2206 : memref<1x1x64xf32, #tpu.memory_space<vmem>> -> memref<64xf32, #tpu.memory_space<vmem>>
        %dma_wait3A_2208 = arith.constant 0 : i32
        %dma_wait3A_2209 = tpu.memref_slice %arg5[%dma_wait3A_2195, %dma_wait3A_2196, %dma_wait3A_2208] : memref<12500x8x64xf32, #tpu.memory_space<hbm>> -> memref<1x1x64xf32, #tpu.memory_space<hbm>>
        %dma_wait3A_2210 = tpu.memref_squeeze %dma_wait3A_2209 : memref<1x1x64xf32, #tpu.memory_space<hbm>> -> memref<64xf32, #tpu.memory_space<hbm>>
        tpu.wait_dma2 semaphore(%arg12 : memref<!tpu.dma_semaphore, #tpu.memory_space<semaphore_mem>>) src(%dma_wait3A_2210 : memref<64xf32, #tpu.memory_space<hbm>>) dst(%dma_wait3A_2207 : memref<64xf32, #tpu.memory_space<vmem>>)
        %dma_wait3A_2211 = arith.constant 0 : i32
        %dma_wait3A_2212 = arith.constant 0 : i32
        %dma_wait3A_2213 = arith.constant 0 : i32
        %dma_wait3A_2214 = arith.constant 0 : i32
        %dma_wait3A_2215 = arith.constant 0 : i32
        %dma_wait3A_2216 = tpu.memref_slice %arg10[%dma_wait3A_2213, %dma_wait3A_2214, %dma_wait3A_2215] : memref<64x8x64xf32, #tpu.memory_space<vmem>> -> memref<1x1x64xf32, #tpu.memory_space<vmem>>
        %dma_wait3A_2217 = tpu.memref_squeeze %dma_wait3A_2216 : memref<1x1x64xf32, #tpu.memory_space<vmem>> -> memref<64xf32, #tpu.memory_space<vmem>>
        %dma_wait3A_2218 = arith.constant 0 : i32
        %dma_wait3A_2219 = tpu.memref_slice %arg5[%dma_wait3A_2211, %dma_wait3A_2212, %dma_wait3A_2218] : memref<12500x8x64xf32, #tpu.memory_space<hbm>> -> memref<1x1x64xf32, #tpu.memory_space<hbm>>
        %dma_wait3A_2220 = tpu.memref_squeeze %dma_wait3A_2219 : memref<1x1x64xf32, #tpu.memory_space<hbm>> -> memref<64xf32, #tpu.memory_space<hbm>>
        %dma_wait3A_2221 = arith.constant 0 : i32
        %dma_wait3A_2222 = tpu.memref_slice %arg10[%dma_wait3A_2213, %dma_wait3A_2214, %dma_wait3A_2221] : memref<64x8x64xf32, #tpu.memory_space<vmem>> -> memref<1x1x64xf32, #tpu.memory_space<vmem>>
        %dma_wait3A_2223 = tpu.memref_squeeze %dma_wait3A_2222 : memref<1x1x64xf32, #tpu.memory_space<vmem>> -> memref<64xf32, #tpu.memory_space<vmem>>
        %dma_wait3A_2224 = arith.constant 0 : i32
        %dma_wait3A_2225 = tpu.memref_slice %arg5[%dma_wait3A_2211, %dma_wait3A_2212, %dma_wait3A_2224] : memref<12500x8x64xf32, #tpu.memory_space<hbm>> -> memref<1x1x64xf32, #tpu.memory_space<hbm>>
        %dma_wait3A_2226 = tpu.memref_squeeze %dma_wait3A_2225 : memref<1x1x64xf32, #tpu.memory_space<hbm>> -> memref<64xf32, #tpu.memory_space<hbm>>
        tpu.wait_dma2 semaphore(%arg12 : memref<!tpu.dma_semaphore, #tpu.memory_space<semaphore_mem>>) src(%dma_wait3A_2226 : memref<64xf32, #tpu.memory_space<hbm>>) dst(%dma_wait3A_2223 : memref<64xf32, #tpu.memory_space<vmem>>)
        %dma_wait3A_2227 = arith.constant 0 : i32
        %dma_wait3A_2228 = arith.constant 0 : i32
        %dma_wait3A_2229 = arith.constant 0 : i32
        %dma_wait3A_2230 = arith.constant 0 : i32
        %dma_wait3A_2231 = arith.constant 0 : i32
        %dma_wait3A_2232 = tpu.memref_slice %arg10[%dma_wait3A_2229, %dma_wait3A_2230, %dma_wait3A_2231] : memref<64x8x64xf32, #tpu.memory_space<vmem>> -> memref<1x1x64xf32, #tpu.memory_space<vmem>>
        %dma_wait3A_2233 = tpu.memref_squeeze %dma_wait3A_2232 : memref<1x1x64xf32, #tpu.memory_space<vmem>> -> memref<64xf32, #tpu.memory_space<vmem>>
        %dma_wait3A_2234 = arith.constant 0 : i32
        %dma_wait3A_2235 = tpu.memref_slice %arg5[%dma_wait3A_2227, %dma_wait3A_2228, %dma_wait3A_2234] : memref<12500x8x64xf32, #tpu.memory_space<hbm>> -> memref<1x1x64xf32, #tpu.memory_space<hbm>>
        %dma_wait3A_2236 = tpu.memref_squeeze %dma_wait3A_2235 : memref<1x1x64xf32, #tpu.memory_space<hbm>> -> memref<64xf32, #tpu.memory_space<hbm>>
        %dma_wait3A_2237 = arith.constant 0 : i32
        %dma_wait3A_2238 = tpu.memref_slice %arg10[%dma_wait3A_2229, %dma_wait3A_2230, %dma_wait3A_2237] : memref<64x8x64xf32, #tpu.memory_space<vmem>> -> memref<1x1x64xf32, #tpu.memory_space<vmem>>
        %dma_wait3A_2239 = tpu.memref_squeeze %dma_wait3A_2238 : memref<1x1x64xf32, #tpu.memory_space<vmem>> -> memref<64xf32, #tpu.memory_space<vmem>>
        %dma_wait3A_2240 = arith.constant 0 : i32
        %dma_wait3A_2241 = tpu.memref_slice %arg5[%dma_wait3A_2227, %dma_wait3A_2228, %dma_wait3A_2240] : memref<12500x8x64xf32, #tpu.memory_space<hbm>> -> memref<1x1x64xf32, #tpu.memory_space<hbm>>
        %dma_wait3A_2242 = tpu.memref_squeeze %dma_wait3A_2241 : memref<1x1x64xf32, #tpu.memory_space<hbm>> -> memref<64xf32, #tpu.memory_space<hbm>>
        tpu.wait_dma2 semaphore(%arg12 : memref<!tpu.dma_semaphore, #tpu.memory_space<semaphore_mem>>) src(%dma_wait3A_2242 : memref<64xf32, #tpu.memory_space<hbm>>) dst(%dma_wait3A_2239 : memref<64xf32, #tpu.memory_space<vmem>>)
        %dma_wait3A_2243 = arith.constant 0 : i32
        %dma_wait3A_2244 = arith.constant 0 : i32
        %dma_wait3A_2245 = arith.constant 0 : i32
        %dma_wait3A_2246 = arith.constant 0 : i32
        %dma_wait3A_2247 = arith.constant 0 : i32
        %dma_wait3A_2248 = tpu.memref_slice %arg10[%dma_wait3A_2245, %dma_wait3A_2246, %dma_wait3A_2247] : memref<64x8x64xf32, #tpu.memory_space<vmem>> -> memref<1x1x64xf32, #tpu.memory_space<vmem>>
        %dma_wait3A_2249 = tpu.memref_squeeze %dma_wait3A_2248 : memref<1x1x64xf32, #tpu.memory_space<vmem>> -> memref<64xf32, #tpu.memory_space<vmem>>
        %dma_wait3A_2250 = arith.constant 0 : i32
        %dma_wait3A_2251 = tpu.memref_slice %arg5[%dma_wait3A_2243, %dma_wait3A_2244, %dma_wait3A_2250] : memref<12500x8x64xf32, #tpu.memory_space<hbm>> -> memref<1x1x64xf32, #tpu.memory_space<hbm>>
        %dma_wait3A_2252 = tpu.memref_squeeze %dma_wait3A_2251 : memref<1x1x64xf32, #tpu.memory_space<hbm>> -> memref<64xf32, #tpu.memory_space<hbm>>
        %dma_wait3A_2253 = arith.constant 0 : i32
        %dma_wait3A_2254 = tpu.memref_slice %arg10[%dma_wait3A_2245, %dma_wait3A_2246, %dma_wait3A_2253] : memref<64x8x64xf32, #tpu.memory_space<vmem>> -> memref<1x1x64xf32, #tpu.memory_space<vmem>>
        %dma_wait3A_2255 = tpu.memref_squeeze %dma_wait3A_2254 : memref<1x1x64xf32, #tpu.memory_space<vmem>> -> memref<64xf32, #tpu.memory_space<vmem>>
        %dma_wait3A_2256 = arith.constant 0 : i32
        %dma_wait3A_2257 = tpu.memref_slice %arg5[%dma_wait3A_2243, %dma_wait3A_2244, %dma_wait3A_2256] : memref<12500x8x64xf32, #tpu.memory_space<hbm>> -> memref<1x1x64xf32, #tpu.memory_space<hbm>>
        %dma_wait3A_2258 = tpu.memref_squeeze %dma_wait3A_2257 : memref<1x1x64xf32, #tpu.memory_space<hbm>> -> memref<64xf32, #tpu.memory_space<hbm>>
        tpu.wait_dma2 semaphore(%arg12 : memref<!tpu.dma_semaphore, #tpu.memory_space<semaphore_mem>>) src(%dma_wait3A_2258 : memref<64xf32, #tpu.memory_space<hbm>>) dst(%dma_wait3A_2255 : memref<64xf32, #tpu.memory_space<vmem>>)
        %dma_wait3A_2259 = arith.constant 0 : i32
        %dma_wait3A_2260 = arith.constant 0 : i32
        %dma_wait3A_2261 = arith.constant 0 : i32
        %dma_wait3A_2262 = arith.constant 0 : i32
        %dma_wait3A_2263 = arith.constant 0 : i32
        %dma_wait3A_2264 = tpu.memref_slice %arg10[%dma_wait3A_2261, %dma_wait3A_2262, %dma_wait3A_2263] : memref<64x8x64xf32, #tpu.memory_space<vmem>> -> memref<1x1x64xf32, #tpu.memory_space<vmem>>
        %dma_wait3A_2265 = tpu.memref_squeeze %dma_wait3A_2264 : memref<1x1x64xf32, #tpu.memory_space<vmem>> -> memref<64xf32, #tpu.memory_space<vmem>>
        %dma_wait3A_2266 = arith.constant 0 : i32
        %dma_wait3A_2267 = tpu.memref_slice %arg5[%dma_wait3A_2259, %dma_wait3A_2260, %dma_wait3A_2266] : memref<12500x8x64xf32, #tpu.memory_space<hbm>> -> memref<1x1x64xf32, #tpu.memory_space<hbm>>
        %dma_wait3A_2268 = tpu.memref_squeeze %dma_wait3A_2267 : memref<1x1x64xf32, #tpu.memory_space<hbm>> -> memref<64xf32, #tpu.memory_space<hbm>>
        %dma_wait3A_2269 = arith.constant 0 : i32
        %dma_wait3A_2270 = tpu.memref_slice %arg10[%dma_wait3A_2261, %dma_wait3A_2262, %dma_wait3A_2269] : memref<64x8x64xf32, #tpu.memory_space<vmem>> -> memref<1x1x64xf32, #tpu.memory_space<vmem>>
        %dma_wait3A_2271 = tpu.memref_squeeze %dma_wait3A_2270 : memref<1x1x64xf32, #tpu.memory_space<vmem>> -> memref<64xf32, #tpu.memory_space<vmem>>
        %dma_wait3A_2272 = arith.constant 0 : i32
        %dma_wait3A_2273 = tpu.memref_slice %arg5[%dma_wait3A_2259, %dma_wait3A_2260, %dma_wait3A_2272] : memref<12500x8x64xf32, #tpu.memory_space<hbm>> -> memref<1x1x64xf32, #tpu.memory_space<hbm>>
        %dma_wait3A_2274 = tpu.memref_squeeze %dma_wait3A_2273 : memref<1x1x64xf32, #tpu.memory_space<hbm>> -> memref<64xf32, #tpu.memory_space<hbm>>
        tpu.wait_dma2 semaphore(%arg12 : memref<!tpu.dma_semaphore, #tpu.memory_space<semaphore_mem>>) src(%dma_wait3A_2274 : memref<64xf32, #tpu.memory_space<hbm>>) dst(%dma_wait3A_2271 : memref<64xf32, #tpu.memory_space<vmem>>)
        %dma_wait3A_2275 = arith.constant 0 : i32
        %dma_wait3A_2276 = arith.constant 0 : i32
        %dma_wait3A_2277 = arith.constant 0 : i32
        %dma_wait3A_2278 = arith.constant 0 : i32
        %dma_wait3A_2279 = arith.constant 0 : i32
        %dma_wait3A_2280 = tpu.memref_slice %arg10[%dma_wait3A_2277, %dma_wait3A_2278, %dma_wait3A_2279] : memref<64x8x64xf32, #tpu.memory_space<vmem>> -> memref<1x1x64xf32, #tpu.memory_space<vmem>>
        %dma_wait3A_2281 = tpu.memref_squeeze %dma_wait3A_2280 : memref<1x1x64xf32, #tpu.memory_space<vmem>> -> memref<64xf32, #tpu.memory_space<vmem>>
        %dma_wait3A_2282 = arith.constant 0 : i32
        %dma_wait3A_2283 = tpu.memref_slice %arg5[%dma_wait3A_2275, %dma_wait3A_2276, %dma_wait3A_2282] : memref<12500x8x64xf32, #tpu.memory_space<hbm>> -> memref<1x1x64xf32, #tpu.memory_space<hbm>>
        %dma_wait3A_2284 = tpu.memref_squeeze %dma_wait3A_2283 : memref<1x1x64xf32, #tpu.memory_space<hbm>> -> memref<64xf32, #tpu.memory_space<hbm>>
        %dma_wait3A_2285 = arith.constant 0 : i32
        %dma_wait3A_2286 = tpu.memref_slice %arg10[%dma_wait3A_2277, %dma_wait3A_2278, %dma_wait3A_2285] : memref<64x8x64xf32, #tpu.memory_space<vmem>> -> memref<1x1x64xf32, #tpu.memory_space<vmem>>
        %dma_wait3A_2287 = tpu.memref_squeeze %dma_wait3A_2286 : memref<1x1x64xf32, #tpu.memory_space<vmem>> -> memref<64xf32, #tpu.memory_space<vmem>>
        %dma_wait3A_2288 = arith.constant 0 : i32
        %dma_wait3A_2289 = tpu.memref_slice %arg5[%dma_wait3A_2275, %dma_wait3A_2276, %dma_wait3A_2288] : memref<12500x8x64xf32, #tpu.memory_space<hbm>> -> memref<1x1x64xf32, #tpu.memory_space<hbm>>
        %dma_wait3A_2290 = tpu.memref_squeeze %dma_wait3A_2289 : memref<1x1x64xf32, #tpu.memory_space<hbm>> -> memref<64xf32, #tpu.memory_space<hbm>>
        tpu.wait_dma2 semaphore(%arg12 : memref<!tpu.dma_semaphore, #tpu.memory_space<semaphore_mem>>) src(%dma_wait3A_2290 : memref<64xf32, #tpu.memory_space<hbm>>) dst(%dma_wait3A_2287 : memref<64xf32, #tpu.memory_space<vmem>>)
        %dma_wait3A_2291 = arith.constant 0 : i32
        %dma_wait3A_2292 = arith.constant 0 : i32
        %dma_wait3A_2293 = arith.constant 0 : i32
        %dma_wait3A_2294 = arith.constant 0 : i32
        %dma_wait3A_2295 = arith.constant 0 : i32
        %dma_wait3A_2296 = tpu.memref_slice %arg10[%dma_wait3A_2293, %dma_wait3A_2294, %dma_wait3A_2295] : memref<64x8x64xf32, #tpu.memory_space<vmem>> -> memref<1x1x64xf32, #tpu.memory_space<vmem>>
        %dma_wait3A_2297 = tpu.memref_squeeze %dma_wait3A_2296 : memref<1x1x64xf32, #tpu.memory_space<vmem>> -> memref<64xf32, #tpu.memory_space<vmem>>
        %dma_wait3A_2298 = arith.constant 0 : i32
        %dma_wait3A_2299 = tpu.memref_slice %arg5[%dma_wait3A_2291, %dma_wait3A_2292, %dma_wait3A_2298] : memref<12500x8x64xf32, #tpu.memory_space<hbm>> -> memref<1x1x64xf32, #tpu.memory_space<hbm>>
        %dma_wait3A_2300 = tpu.memref_squeeze %dma_wait3A_2299 : memref<1x1x64xf32, #tpu.memory_space<hbm>> -> memref<64xf32, #tpu.memory_space<hbm>>
        %dma_wait3A_2301 = arith.constant 0 : i32
        %dma_wait3A_2302 = tpu.memref_slice %arg10[%dma_wait3A_2293, %dma_wait3A_2294, %dma_wait3A_2301] : memref<64x8x64xf32, #tpu.memory_space<vmem>> -> memref<1x1x64xf32, #tpu.memory_space<vmem>>
        %dma_wait3A_2303 = tpu.memref_squeeze %dma_wait3A_2302 : memref<1x1x64xf32, #tpu.memory_space<vmem>> -> memref<64xf32, #tpu.memory_space<vmem>>
        %dma_wait3A_2304 = arith.constant 0 : i32
        %dma_wait3A_2305 = tpu.memref_slice %arg5[%dma_wait3A_2291, %dma_wait3A_2292, %dma_wait3A_2304] : memref<12500x8x64xf32, #tpu.memory_space<hbm>> -> memref<1x1x64xf32, #tpu.memory_space<hbm>>
        %dma_wait3A_2306 = tpu.memref_squeeze %dma_wait3A_2305 : memref<1x1x64xf32, #tpu.memory_space<hbm>> -> memref<64xf32, #tpu.memory_space<hbm>>
        tpu.wait_dma2 semaphore(%arg12 : memref<!tpu.dma_semaphore, #tpu.memory_space<semaphore_mem>>) src(%dma_wait3A_2306 : memref<64xf32, #tpu.memory_space<hbm>>) dst(%dma_wait3A_2303 : memref<64xf32, #tpu.memory_space<vmem>>)
        %dma_wait3A_2307 = arith.constant 0 : i32
        %dma_wait3A_2308 = arith.constant 0 : i32
        %dma_wait3A_2309 = arith.constant 0 : i32
        %dma_wait3A_2310 = arith.constant 0 : i32
        %dma_wait3A_2311 = arith.constant 0 : i32
        %dma_wait3A_2312 = tpu.memref_slice %arg10[%dma_wait3A_2309, %dma_wait3A_2310, %dma_wait3A_2311] : memref<64x8x64xf32, #tpu.memory_space<vmem>> -> memref<1x1x64xf32, #tpu.memory_space<vmem>>
        %dma_wait3A_2313 = tpu.memref_squeeze %dma_wait3A_2312 : memref<1x1x64xf32, #tpu.memory_space<vmem>> -> memref<64xf32, #tpu.memory_space<vmem>>
        %dma_wait3A_2314 = arith.constant 0 : i32
        %dma_wait3A_2315 = tpu.memref_slice %arg5[%dma_wait3A_2307, %dma_wait3A_2308, %dma_wait3A_2314] : memref<12500x8x64xf32, #tpu.memory_space<hbm>> -> memref<1x1x64xf32, #tpu.memory_space<hbm>>
        %dma_wait3A_2316 = tpu.memref_squeeze %dma_wait3A_2315 : memref<1x1x64xf32, #tpu.memory_space<hbm>> -> memref<64xf32, #tpu.memory_space<hbm>>
        %dma_wait3A_2317 = arith.constant 0 : i32
        %dma_wait3A_2318 = tpu.memref_slice %arg10[%dma_wait3A_2309, %dma_wait3A_2310, %dma_wait3A_2317] : memref<64x8x64xf32, #tpu.memory_space<vmem>> -> memref<1x1x64xf32, #tpu.memory_space<vmem>>
        %dma_wait3A_2319 = tpu.memref_squeeze %dma_wait3A_2318 : memref<1x1x64xf32, #tpu.memory_space<vmem>> -> memref<64xf32, #tpu.memory_space<vmem>>
        %dma_wait3A_2320 = arith.constant 0 : i32
        %dma_wait3A_2321 = tpu.memref_slice %arg5[%dma_wait3A_2307, %dma_wait3A_2308, %dma_wait3A_2320] : memref<12500x8x64xf32, #tpu.memory_space<hbm>> -> memref<1x1x64xf32, #tpu.memory_space<hbm>>
        %dma_wait3A_2322 = tpu.memref_squeeze %dma_wait3A_2321 : memref<1x1x64xf32, #tpu.memory_space<hbm>> -> memref<64xf32, #tpu.memory_space<hbm>>
        tpu.wait_dma2 semaphore(%arg12 : memref<!tpu.dma_semaphore, #tpu.memory_space<semaphore_mem>>) src(%dma_wait3A_2322 : memref<64xf32, #tpu.memory_space<hbm>>) dst(%dma_wait3A_2319 : memref<64xf32, #tpu.memory_space<vmem>>)
        %dma_wait3A_2323 = arith.constant 0 : i32
        %dma_wait3A_2324 = arith.constant 0 : i32
        %dma_wait3A_2325 = arith.constant 0 : i32
        %dma_wait3A_2326 = arith.constant 0 : i32
        %dma_wait3A_2327 = arith.constant 0 : i32
        %dma_wait3A_2328 = tpu.memref_slice %arg10[%dma_wait3A_2325, %dma_wait3A_2326, %dma_wait3A_2327] : memref<64x8x64xf32, #tpu.memory_space<vmem>> -> memref<1x1x64xf32, #tpu.memory_space<vmem>>
        %dma_wait3A_2329 = tpu.memref_squeeze %dma_wait3A_2328 : memref<1x1x64xf32, #tpu.memory_space<vmem>> -> memref<64xf32, #tpu.memory_space<vmem>>
        %dma_wait3A_2330 = arith.constant 0 : i32
        %dma_wait3A_2331 = tpu.memref_slice %arg5[%dma_wait3A_2323, %dma_wait3A_2324, %dma_wait3A_2330] : memref<12500x8x64xf32, #tpu.memory_space<hbm>> -> memref<1x1x64xf32, #tpu.memory_space<hbm>>
        %dma_wait3A_2332 = tpu.memref_squeeze %dma_wait3A_2331 : memref<1x1x64xf32, #tpu.memory_space<hbm>> -> memref<64xf32, #tpu.memory_space<hbm>>
        %dma_wait3A_2333 = arith.constant 0 : i32
        %dma_wait3A_2334 = tpu.memref_slice %arg10[%dma_wait3A_2325, %dma_wait3A_2326, %dma_wait3A_2333] : memref<64x8x64xf32, #tpu.memory_space<vmem>> -> memref<1x1x64xf32, #tpu.memory_space<vmem>>
        %dma_wait3A_2335 = tpu.memref_squeeze %dma_wait3A_2334 : memref<1x1x64xf32, #tpu.memory_space<vmem>> -> memref<64xf32, #tpu.memory_space<vmem>>
        %dma_wait3A_2336 = arith.constant 0 : i32
        %dma_wait3A_2337 = tpu.memref_slice %arg5[%dma_wait3A_2323, %dma_wait3A_2324, %dma_wait3A_2336] : memref<12500x8x64xf32, #tpu.memory_space<hbm>> -> memref<1x1x64xf32, #tpu.memory_space<hbm>>
        %dma_wait3A_2338 = tpu.memref_squeeze %dma_wait3A_2337 : memref<1x1x64xf32, #tpu.memory_space<hbm>> -> memref<64xf32, #tpu.memory_space<hbm>>
        tpu.wait_dma2 semaphore(%arg12 : memref<!tpu.dma_semaphore, #tpu.memory_space<semaphore_mem>>) src(%dma_wait3A_2338 : memref<64xf32, #tpu.memory_space<hbm>>) dst(%dma_wait3A_2335 : memref<64xf32, #tpu.memory_space<vmem>>)
        %dma_wait3A_2339 = arith.constant 0 : i32
        %dma_wait3A_2340 = arith.constant 0 : i32
        %dma_wait3A_2341 = arith.constant 0 : i32
        %dma_wait3A_2342 = arith.constant 0 : i32
        %dma_wait3A_2343 = arith.constant 0 : i32
        %dma_wait3A_2344 = tpu.memref_slice %arg10[%dma_wait3A_2341, %dma_wait3A_2342, %dma_wait3A_2343] : memref<64x8x64xf32, #tpu.memory_space<vmem>> -> memref<1x1x64xf32, #tpu.memory_space<vmem>>
        %dma_wait3A_2345 = tpu.memref_squeeze %dma_wait3A_2344 : memref<1x1x64xf32, #tpu.memory_space<vmem>> -> memref<64xf32, #tpu.memory_space<vmem>>
        %dma_wait3A_2346 = arith.constant 0 : i32
        %dma_wait3A_2347 = tpu.memref_slice %arg5[%dma_wait3A_2339, %dma_wait3A_2340, %dma_wait3A_2346] : memref<12500x8x64xf32, #tpu.memory_space<hbm>> -> memref<1x1x64xf32, #tpu.memory_space<hbm>>
        %dma_wait3A_2348 = tpu.memref_squeeze %dma_wait3A_2347 : memref<1x1x64xf32, #tpu.memory_space<hbm>> -> memref<64xf32, #tpu.memory_space<hbm>>
        %dma_wait3A_2349 = arith.constant 0 : i32
        %dma_wait3A_2350 = tpu.memref_slice %arg10[%dma_wait3A_2341, %dma_wait3A_2342, %dma_wait3A_2349] : memref<64x8x64xf32, #tpu.memory_space<vmem>> -> memref<1x1x64xf32, #tpu.memory_space<vmem>>
        %dma_wait3A_2351 = tpu.memref_squeeze %dma_wait3A_2350 : memref<1x1x64xf32, #tpu.memory_space<vmem>> -> memref<64xf32, #tpu.memory_space<vmem>>
        %dma_wait3A_2352 = arith.constant 0 : i32
        %dma_wait3A_2353 = tpu.memref_slice %arg5[%dma_wait3A_2339, %dma_wait3A_2340, %dma_wait3A_2352] : memref<12500x8x64xf32, #tpu.memory_space<hbm>> -> memref<1x1x64xf32, #tpu.memory_space<hbm>>
        %dma_wait3A_2354 = tpu.memref_squeeze %dma_wait3A_2353 : memref<1x1x64xf32, #tpu.memory_space<hbm>> -> memref<64xf32, #tpu.memory_space<hbm>>
        tpu.wait_dma2 semaphore(%arg12 : memref<!tpu.dma_semaphore, #tpu.memory_space<semaphore_mem>>) src(%dma_wait3A_2354 : memref<64xf32, #tpu.memory_space<hbm>>) dst(%dma_wait3A_2351 : memref<64xf32, #tpu.memory_space<vmem>>)
        %dma_wait3A_2355 = arith.constant 0 : i32
        %dma_wait3A_2356 = arith.constant 0 : i32
        %dma_wait3A_2357 = arith.constant 0 : i32
        %dma_wait3A_2358 = arith.constant 0 : i32
        %dma_wait3A_2359 = arith.constant 0 : i32
        %dma_wait3A_2360 = tpu.memref_slice %arg10[%dma_wait3A_2357, %dma_wait3A_2358, %dma_wait3A_2359] : memref<64x8x64xf32, #tpu.memory_space<vmem>> -> memref<1x1x64xf32, #tpu.memory_space<vmem>>
        %dma_wait3A_2361 = tpu.memref_squeeze %dma_wait3A_2360 : memref<1x1x64xf32, #tpu.memory_space<vmem>> -> memref<64xf32, #tpu.memory_space<vmem>>
        %dma_wait3A_2362 = arith.constant 0 : i32
        %dma_wait3A_2363 = tpu.memref_slice %arg5[%dma_wait3A_2355, %dma_wait3A_2356, %dma_wait3A_2362] : memref<12500x8x64xf32, #tpu.memory_space<hbm>> -> memref<1x1x64xf32, #tpu.memory_space<hbm>>
        %dma_wait3A_2364 = tpu.memref_squeeze %dma_wait3A_2363 : memref<1x1x64xf32, #tpu.memory_space<hbm>> -> memref<64xf32, #tpu.memory_space<hbm>>
        %dma_wait3A_2365 = arith.constant 0 : i32
        %dma_wait3A_2366 = tpu.memref_slice %arg10[%dma_wait3A_2357, %dma_wait3A_2358, %dma_wait3A_2365] : memref<64x8x64xf32, #tpu.memory_space<vmem>> -> memref<1x1x64xf32, #tpu.memory_space<vmem>>
        %dma_wait3A_2367 = tpu.memref_squeeze %dma_wait3A_2366 : memref<1x1x64xf32, #tpu.memory_space<vmem>> -> memref<64xf32, #tpu.memory_space<vmem>>
        %dma_wait3A_2368 = arith.constant 0 : i32
        %dma_wait3A_2369 = tpu.memref_slice %arg5[%dma_wait3A_2355, %dma_wait3A_2356, %dma_wait3A_2368] : memref<12500x8x64xf32, #tpu.memory_space<hbm>> -> memref<1x1x64xf32, #tpu.memory_space<hbm>>
        %dma_wait3A_2370 = tpu.memref_squeeze %dma_wait3A_2369 : memref<1x1x64xf32, #tpu.memory_space<hbm>> -> memref<64xf32, #tpu.memory_space<hbm>>
        tpu.wait_dma2 semaphore(%arg12 : memref<!tpu.dma_semaphore, #tpu.memory_space<semaphore_mem>>) src(%dma_wait3A_2370 : memref<64xf32, #tpu.memory_space<hbm>>) dst(%dma_wait3A_2367 : memref<64xf32, #tpu.memory_space<vmem>>)
        %dma_wait3A_2371 = arith.constant 0 : i32
        %dma_wait3A_2372 = arith.constant 0 : i32
        %dma_wait3A_2373 = arith.constant 0 : i32
        %dma_wait3A_2374 = arith.constant 0 : i32
        %dma_wait3A_2375 = arith.constant 0 : i32
        %dma_wait3A_2376 = tpu.memref_slice %arg10[%dma_wait3A_2373, %dma_wait3A_2374, %dma_wait3A_2375] : memref<64x8x64xf32, #tpu.memory_space<vmem>> -> memref<1x1x64xf32, #tpu.memory_space<vmem>>
        %dma_wait3A_2377 = tpu.memref_squeeze %dma_wait3A_2376 : memref<1x1x64xf32, #tpu.memory_space<vmem>> -> memref<64xf32, #tpu.memory_space<vmem>>
        %dma_wait3A_2378 = arith.constant 0 : i32
        %dma_wait3A_2379 = tpu.memref_slice %arg5[%dma_wait3A_2371, %dma_wait3A_2372, %dma_wait3A_2378] : memref<12500x8x64xf32, #tpu.memory_space<hbm>> -> memref<1x1x64xf32, #tpu.memory_space<hbm>>
        %dma_wait3A_2380 = tpu.memref_squeeze %dma_wait3A_2379 : memref<1x1x64xf32, #tpu.memory_space<hbm>> -> memref<64xf32, #tpu.memory_space<hbm>>
        %dma_wait3A_2381 = arith.constant 0 : i32
        %dma_wait3A_2382 = tpu.memref_slice %arg10[%dma_wait3A_2373, %dma_wait3A_2374, %dma_wait3A_2381] : memref<64x8x64xf32, #tpu.memory_space<vmem>> -> memref<1x1x64xf32, #tpu.memory_space<vmem>>
        %dma_wait3A_2383 = tpu.memref_squeeze %dma_wait3A_2382 : memref<1x1x64xf32, #tpu.memory_space<vmem>> -> memref<64xf32, #tpu.memory_space<vmem>>
        %dma_wait3A_2384 = arith.constant 0 : i32
        %dma_wait3A_2385 = tpu.memref_slice %arg5[%dma_wait3A_2371, %dma_wait3A_2372, %dma_wait3A_2384] : memref<12500x8x64xf32, #tpu.memory_space<hbm>> -> memref<1x1x64xf32, #tpu.memory_space<hbm>>
        %dma_wait3A_2386 = tpu.memref_squeeze %dma_wait3A_2385 : memref<1x1x64xf32, #tpu.memory_space<hbm>> -> memref<64xf32, #tpu.memory_space<hbm>>
        tpu.wait_dma2 semaphore(%arg12 : memref<!tpu.dma_semaphore, #tpu.memory_space<semaphore_mem>>) src(%dma_wait3A_2386 : memref<64xf32, #tpu.memory_space<hbm>>) dst(%dma_wait3A_2383 : memref<64xf32, #tpu.memory_space<vmem>>)
        %dma_wait3A_2387 = arith.constant 0 : i32
        %dma_wait3A_2388 = arith.constant 0 : i32
        %dma_wait3A_2389 = arith.constant 0 : i32
        %dma_wait3A_2390 = arith.constant 0 : i32
        %dma_wait3A_2391 = arith.constant 0 : i32
        %dma_wait3A_2392 = tpu.memref_slice %arg10[%dma_wait3A_2389, %dma_wait3A_2390, %dma_wait3A_2391] : memref<64x8x64xf32, #tpu.memory_space<vmem>> -> memref<1x1x64xf32, #tpu.memory_space<vmem>>
        %dma_wait3A_2393 = tpu.memref_squeeze %dma_wait3A_2392 : memref<1x1x64xf32, #tpu.memory_space<vmem>> -> memref<64xf32, #tpu.memory_space<vmem>>
        %dma_wait3A_2394 = arith.constant 0 : i32
        %dma_wait3A_2395 = tpu.memref_slice %arg5[%dma_wait3A_2387, %dma_wait3A_2388, %dma_wait3A_2394] : memref<12500x8x64xf32, #tpu.memory_space<hbm>> -> memref<1x1x64xf32, #tpu.memory_space<hbm>>
        %dma_wait3A_2396 = tpu.memref_squeeze %dma_wait3A_2395 : memref<1x1x64xf32, #tpu.memory_space<hbm>> -> memref<64xf32, #tpu.memory_space<hbm>>
        %dma_wait3A_2397 = arith.constant 0 : i32
        %dma_wait3A_2398 = tpu.memref_slice %arg10[%dma_wait3A_2389, %dma_wait3A_2390, %dma_wait3A_2397] : memref<64x8x64xf32, #tpu.memory_space<vmem>> -> memref<1x1x64xf32, #tpu.memory_space<vmem>>
        %dma_wait3A_2399 = tpu.memref_squeeze %dma_wait3A_2398 : memref<1x1x64xf32, #tpu.memory_space<vmem>> -> memref<64xf32, #tpu.memory_space<vmem>>
        %dma_wait3A_2400 = arith.constant 0 : i32
        %dma_wait3A_2401 = tpu.memref_slice %arg5[%dma_wait3A_2387, %dma_wait3A_2388, %dma_wait3A_2400] : memref<12500x8x64xf32, #tpu.memory_space<hbm>> -> memref<1x1x64xf32, #tpu.memory_space<hbm>>
        %dma_wait3A_2402 = tpu.memref_squeeze %dma_wait3A_2401 : memref<1x1x64xf32, #tpu.memory_space<hbm>> -> memref<64xf32, #tpu.memory_space<hbm>>
        tpu.wait_dma2 semaphore(%arg12 : memref<!tpu.dma_semaphore, #tpu.memory_space<semaphore_mem>>) src(%dma_wait3A_2402 : memref<64xf32, #tpu.memory_space<hbm>>) dst(%dma_wait3A_2399 : memref<64xf32, #tpu.memory_space<vmem>>)
      } else {
      }
    }
    %scan3A_566 = arith.constant 16 : i32
    %dma_wait3A_567 = arith.constant 0 : i32
    %dma_wait3A_568 = arith.constant 0 : i32
    %dma_wait3A_569 = arith.constant 0 : i32
    %dma_wait3A_570 = arith.constant 0 : i32
    %dma_wait3A_571 = arith.constant 0 : i32
    %dma_wait3A_572 = tpu.memref_slice %arg10[%dma_wait3A_569, %dma_wait3A_570, %dma_wait3A_571] : memref<64x8x64xf32, #tpu.memory_space<vmem>> -> memref<1x1x64xf32, #tpu.memory_space<vmem>>
    %dma_wait3A_573 = tpu.memref_squeeze %dma_wait3A_572 : memref<1x1x64xf32, #tpu.memory_space<vmem>> -> memref<64xf32, #tpu.memory_space<vmem>>
    %dma_wait3A_574 = arith.constant 0 : i32
    %dma_wait3A_575 = tpu.memref_slice %arg4[%dma_wait3A_567, %dma_wait3A_568, %dma_wait3A_574] : memref<125000x8x64xf32, #tpu.memory_space<hbm>> -> memref<1x1x64xf32, #tpu.memory_space<hbm>>
    %dma_wait3A_576 = tpu.memref_squeeze %dma_wait3A_575 : memref<1x1x64xf32, #tpu.memory_space<hbm>> -> memref<64xf32, #tpu.memory_space<hbm>>
    %dma_wait3A_577 = arith.constant 0 : i32
    %dma_wait3A_578 = tpu.memref_slice %arg10[%dma_wait3A_569, %dma_wait3A_570, %dma_wait3A_577] : memref<64x8x64xf32, #tpu.memory_space<vmem>> -> memref<1x1x64xf32, #tpu.memory_space<vmem>>
    %dma_wait3A_579 = tpu.memref_squeeze %dma_wait3A_578 : memref<1x1x64xf32, #tpu.memory_space<vmem>> -> memref<64xf32, #tpu.memory_space<vmem>>
    %dma_wait3A_580 = arith.constant 0 : i32
    %dma_wait3A_581 = tpu.memref_slice %arg4[%dma_wait3A_567, %dma_wait3A_568, %dma_wait3A_580] : memref<125000x8x64xf32, #tpu.memory_space<hbm>> -> memref<1x1x64xf32, #tpu.memory_space<hbm>>
    %dma_wait3A_582 = tpu.memref_squeeze %dma_wait3A_581 : memref<1x1x64xf32, #tpu.memory_space<hbm>> -> memref<64xf32, #tpu.memory_space<hbm>>
    tpu.wait_dma2 semaphore(%arg11 : memref<!tpu.dma_semaphore, #tpu.memory_space<semaphore_mem>>) src(%dma_wait3A_582 : memref<64xf32, #tpu.memory_space<hbm>>) dst(%dma_wait3A_579 : memref<64xf32, #tpu.memory_space<vmem>>)
    %dma_wait3A_583 = arith.constant 0 : i32
    %dma_wait3A_584 = arith.constant 0 : i32
    %dma_wait3A_585 = arith.constant 0 : i32
    %dma_wait3A_586 = arith.constant 0 : i32
    %dma_wait3A_587 = arith.constant 0 : i32
    %dma_wait3A_588 = tpu.memref_slice %arg10[%dma_wait3A_585, %dma_wait3A_586, %dma_wait3A_587] : memref<64x8x64xf32, #tpu.memory_space<vmem>> -> memref<1x1x64xf32, #tpu.memory_space<vmem>>
    %dma_wait3A_589 = tpu.memref_squeeze %dma_wait3A_588 : memref<1x1x64xf32, #tpu.memory_space<vmem>> -> memref<64xf32, #tpu.memory_space<vmem>>
    %dma_wait3A_590 = arith.constant 0 : i32
    %dma_wait3A_591 = tpu.memref_slice %arg4[%dma_wait3A_583, %dma_wait3A_584, %dma_wait3A_590] : memref<125000x8x64xf32, #tpu.memory_space<hbm>> -> memref<1x1x64xf32, #tpu.memory_space<hbm>>
    %dma_wait3A_592 = tpu.memref_squeeze %dma_wait3A_591 : memref<1x1x64xf32, #tpu.memory_space<hbm>> -> memref<64xf32, #tpu.memory_space<hbm>>
    %dma_wait3A_593 = arith.constant 0 : i32
    %dma_wait3A_594 = tpu.memref_slice %arg10[%dma_wait3A_585, %dma_wait3A_586, %dma_wait3A_593] : memref<64x8x64xf32, #tpu.memory_space<vmem>> -> memref<1x1x64xf32, #tpu.memory_space<vmem>>
    %dma_wait3A_595 = tpu.memref_squeeze %dma_wait3A_594 : memref<1x1x64xf32, #tpu.memory_space<vmem>> -> memref<64xf32, #tpu.memory_space<vmem>>
    %dma_wait3A_596 = arith.constant 0 : i32
    %dma_wait3A_597 = tpu.memref_slice %arg4[%dma_wait3A_583, %dma_wait3A_584, %dma_wait3A_596] : memref<125000x8x64xf32, #tpu.memory_space<hbm>> -> memref<1x1x64xf32, #tpu.memory_space<hbm>>
    %dma_wait3A_598 = tpu.memref_squeeze %dma_wait3A_597 : memref<1x1x64xf32, #tpu.memory_space<hbm>> -> memref<64xf32, #tpu.memory_space<hbm>>
    tpu.wait_dma2 semaphore(%arg11 : memref<!tpu.dma_semaphore, #tpu.memory_space<semaphore_mem>>) src(%dma_wait3A_598 : memref<64xf32, #tpu.memory_space<hbm>>) dst(%dma_wait3A_595 : memref<64xf32, #tpu.memory_space<vmem>>)
    %dma_wait3A_599 = arith.constant 0 : i32
    %dma_wait3A_600 = arith.constant 0 : i32
    %dma_wait3A_601 = arith.constant 0 : i32
    %dma_wait3A_602 = arith.constant 0 : i32
    %dma_wait3A_603 = arith.constant 0 : i32
    %dma_wait3A_604 = tpu.memref_slice %arg10[%dma_wait3A_601, %dma_wait3A_602, %dma_wait3A_603] : memref<64x8x64xf32, #tpu.memory_space<vmem>> -> memref<1x1x64xf32, #tpu.memory_space<vmem>>
    %dma_wait3A_605 = tpu.memref_squeeze %dma_wait3A_604 : memref<1x1x64xf32, #tpu.memory_space<vmem>> -> memref<64xf32, #tpu.memory_space<vmem>>
    %dma_wait3A_606 = arith.constant 0 : i32
    %dma_wait3A_607 = tpu.memref_slice %arg4[%dma_wait3A_599, %dma_wait3A_600, %dma_wait3A_606] : memref<125000x8x64xf32, #tpu.memory_space<hbm>> -> memref<1x1x64xf32, #tpu.memory_space<hbm>>
    %dma_wait3A_608 = tpu.memref_squeeze %dma_wait3A_607 : memref<1x1x64xf32, #tpu.memory_space<hbm>> -> memref<64xf32, #tpu.memory_space<hbm>>
    %dma_wait3A_609 = arith.constant 0 : i32
    %dma_wait3A_610 = tpu.memref_slice %arg10[%dma_wait3A_601, %dma_wait3A_602, %dma_wait3A_609] : memref<64x8x64xf32, #tpu.memory_space<vmem>> -> memref<1x1x64xf32, #tpu.memory_space<vmem>>
    %dma_wait3A_611 = tpu.memref_squeeze %dma_wait3A_610 : memref<1x1x64xf32, #tpu.memory_space<vmem>> -> memref<64xf32, #tpu.memory_space<vmem>>
    %dma_wait3A_612 = arith.constant 0 : i32
    %dma_wait3A_613 = tpu.memref_slice %arg4[%dma_wait3A_599, %dma_wait3A_600, %dma_wait3A_612] : memref<125000x8x64xf32, #tpu.memory_space<hbm>> -> memref<1x1x64xf32, #tpu.memory_space<hbm>>
    %dma_wait3A_614 = tpu.memref_squeeze %dma_wait3A_613 : memref<1x1x64xf32, #tpu.memory_space<hbm>> -> memref<64xf32, #tpu.memory_space<hbm>>
    tpu.wait_dma2 semaphore(%arg11 : memref<!tpu.dma_semaphore, #tpu.memory_space<semaphore_mem>>) src(%dma_wait3A_614 : memref<64xf32, #tpu.memory_space<hbm>>) dst(%dma_wait3A_611 : memref<64xf32, #tpu.memory_space<vmem>>)
    %dma_wait3A_615 = arith.constant 0 : i32
    %dma_wait3A_616 = arith.constant 0 : i32
    %dma_wait3A_617 = arith.constant 0 : i32
    %dma_wait3A_618 = arith.constant 0 : i32
    %dma_wait3A_619 = arith.constant 0 : i32
    %dma_wait3A_620 = tpu.memref_slice %arg10[%dma_wait3A_617, %dma_wait3A_618, %dma_wait3A_619] : memref<64x8x64xf32, #tpu.memory_space<vmem>> -> memref<1x1x64xf32, #tpu.memory_space<vmem>>
    %dma_wait3A_621 = tpu.memref_squeeze %dma_wait3A_620 : memref<1x1x64xf32, #tpu.memory_space<vmem>> -> memref<64xf32, #tpu.memory_space<vmem>>
    %dma_wait3A_622 = arith.constant 0 : i32
    %dma_wait3A_623 = tpu.memref_slice %arg4[%dma_wait3A_615, %dma_wait3A_616, %dma_wait3A_622] : memref<125000x8x64xf32, #tpu.memory_space<hbm>> -> memref<1x1x64xf32, #tpu.memory_space<hbm>>
    %dma_wait3A_624 = tpu.memref_squeeze %dma_wait3A_623 : memref<1x1x64xf32, #tpu.memory_space<hbm>> -> memref<64xf32, #tpu.memory_space<hbm>>
    %dma_wait3A_625 = arith.constant 0 : i32
    %dma_wait3A_626 = tpu.memref_slice %arg10[%dma_wait3A_617, %dma_wait3A_618, %dma_wait3A_625] : memref<64x8x64xf32, #tpu.memory_space<vmem>> -> memref<1x1x64xf32, #tpu.memory_space<vmem>>
    %dma_wait3A_627 = tpu.memref_squeeze %dma_wait3A_626 : memref<1x1x64xf32, #tpu.memory_space<vmem>> -> memref<64xf32, #tpu.memory_space<vmem>>
    %dma_wait3A_628 = arith.constant 0 : i32
    %dma_wait3A_629 = tpu.memref_slice %arg4[%dma_wait3A_615, %dma_wait3A_616, %dma_wait3A_628] : memref<125000x8x64xf32, #tpu.memory_space<hbm>> -> memref<1x1x64xf32, #tpu.memory_space<hbm>>
    %dma_wait3A_630 = tpu.memref_squeeze %dma_wait3A_629 : memref<1x1x64xf32, #tpu.memory_space<hbm>> -> memref<64xf32, #tpu.memory_space<hbm>>
    tpu.wait_dma2 semaphore(%arg11 : memref<!tpu.dma_semaphore, #tpu.memory_space<semaphore_mem>>) src(%dma_wait3A_630 : memref<64xf32, #tpu.memory_space<hbm>>) dst(%dma_wait3A_627 : memref<64xf32, #tpu.memory_space<vmem>>)
    %dma_wait3A_631 = arith.constant 0 : i32
    %dma_wait3A_632 = arith.constant 0 : i32
    %dma_wait3A_633 = arith.constant 0 : i32
    %dma_wait3A_634 = arith.constant 0 : i32
    %dma_wait3A_635 = arith.constant 0 : i32
    %dma_wait3A_636 = tpu.memref_slice %arg10[%dma_wait3A_633, %dma_wait3A_634, %dma_wait3A_635] : memref<64x8x64xf32, #tpu.memory_space<vmem>> -> memref<1x1x64xf32, #tpu.memory_space<vmem>>
    %dma_wait3A_637 = tpu.memref_squeeze %dma_wait3A_636 : memref<1x1x64xf32, #tpu.memory_space<vmem>> -> memref<64xf32, #tpu.memory_space<vmem>>
    %dma_wait3A_638 = arith.constant 0 : i32
    %dma_wait3A_639 = tpu.memref_slice %arg4[%dma_wait3A_631, %dma_wait3A_632, %dma_wait3A_638] : memref<125000x8x64xf32, #tpu.memory_space<hbm>> -> memref<1x1x64xf32, #tpu.memory_space<hbm>>
    %dma_wait3A_640 = tpu.memref_squeeze %dma_wait3A_639 : memref<1x1x64xf32, #tpu.memory_space<hbm>> -> memref<64xf32, #tpu.memory_space<hbm>>
    %dma_wait3A_641 = arith.constant 0 : i32
    %dma_wait3A_642 = tpu.memref_slice %arg10[%dma_wait3A_633, %dma_wait3A_634, %dma_wait3A_641] : memref<64x8x64xf32, #tpu.memory_space<vmem>> -> memref<1x1x64xf32, #tpu.memory_space<vmem>>
    %dma_wait3A_643 = tpu.memref_squeeze %dma_wait3A_642 : memref<1x1x64xf32, #tpu.memory_space<vmem>> -> memref<64xf32, #tpu.memory_space<vmem>>
    %dma_wait3A_644 = arith.constant 0 : i32
    %dma_wait3A_645 = tpu.memref_slice %arg4[%dma_wait3A_631, %dma_wait3A_632, %dma_wait3A_644] : memref<125000x8x64xf32, #tpu.memory_space<hbm>> -> memref<1x1x64xf32, #tpu.memory_space<hbm>>
    %dma_wait3A_646 = tpu.memref_squeeze %dma_wait3A_645 : memref<1x1x64xf32, #tpu.memory_space<hbm>> -> memref<64xf32, #tpu.memory_space<hbm>>
    tpu.wait_dma2 semaphore(%arg11 : memref<!tpu.dma_semaphore, #tpu.memory_space<semaphore_mem>>) src(%dma_wait3A_646 : memref<64xf32, #tpu.memory_space<hbm>>) dst(%dma_wait3A_643 : memref<64xf32, #tpu.memory_space<vmem>>)
    %dma_wait3A_647 = arith.constant 0 : i32
    %dma_wait3A_648 = arith.constant 0 : i32
    %dma_wait3A_649 = arith.constant 0 : i32
    %dma_wait3A_650 = arith.constant 0 : i32
    %dma_wait3A_651 = arith.constant 0 : i32
    %dma_wait3A_652 = tpu.memref_slice %arg10[%dma_wait3A_649, %dma_wait3A_650, %dma_wait3A_651] : memref<64x8x64xf32, #tpu.memory_space<vmem>> -> memref<1x1x64xf32, #tpu.memory_space<vmem>>
    %dma_wait3A_653 = tpu.memref_squeeze %dma_wait3A_652 : memref<1x1x64xf32, #tpu.memory_space<vmem>> -> memref<64xf32, #tpu.memory_space<vmem>>
    %dma_wait3A_654 = arith.constant 0 : i32
    %dma_wait3A_655 = tpu.memref_slice %arg4[%dma_wait3A_647, %dma_wait3A_648, %dma_wait3A_654] : memref<125000x8x64xf32, #tpu.memory_space<hbm>> -> memref<1x1x64xf32, #tpu.memory_space<hbm>>
    %dma_wait3A_656 = tpu.memref_squeeze %dma_wait3A_655 : memref<1x1x64xf32, #tpu.memory_space<hbm>> -> memref<64xf32, #tpu.memory_space<hbm>>
    %dma_wait3A_657 = arith.constant 0 : i32
    %dma_wait3A_658 = tpu.memref_slice %arg10[%dma_wait3A_649, %dma_wait3A_650, %dma_wait3A_657] : memref<64x8x64xf32, #tpu.memory_space<vmem>> -> memref<1x1x64xf32, #tpu.memory_space<vmem>>
    %dma_wait3A_659 = tpu.memref_squeeze %dma_wait3A_658 : memref<1x1x64xf32, #tpu.memory_space<vmem>> -> memref<64xf32, #tpu.memory_space<vmem>>
    %dma_wait3A_660 = arith.constant 0 : i32
    %dma_wait3A_661 = tpu.memref_slice %arg4[%dma_wait3A_647, %dma_wait3A_648, %dma_wait3A_660] : memref<125000x8x64xf32, #tpu.memory_space<hbm>> -> memref<1x1x64xf32, #tpu.memory_space<hbm>>
    %dma_wait3A_662 = tpu.memref_squeeze %dma_wait3A_661 : memref<1x1x64xf32, #tpu.memory_space<hbm>> -> memref<64xf32, #tpu.memory_space<hbm>>
    tpu.wait_dma2 semaphore(%arg11 : memref<!tpu.dma_semaphore, #tpu.memory_space<semaphore_mem>>) src(%dma_wait3A_662 : memref<64xf32, #tpu.memory_space<hbm>>) dst(%dma_wait3A_659 : memref<64xf32, #tpu.memory_space<vmem>>)
    %dma_wait3A_663 = arith.constant 0 : i32
    %dma_wait3A_664 = arith.constant 0 : i32
    %dma_wait3A_665 = arith.constant 0 : i32
    %dma_wait3A_666 = arith.constant 0 : i32
    %dma_wait3A_667 = arith.constant 0 : i32
    %dma_wait3A_668 = tpu.memref_slice %arg10[%dma_wait3A_665, %dma_wait3A_666, %dma_wait3A_667] : memref<64x8x64xf32, #tpu.memory_space<vmem>> -> memref<1x1x64xf32, #tpu.memory_space<vmem>>
    %dma_wait3A_669 = tpu.memref_squeeze %dma_wait3A_668 : memref<1x1x64xf32, #tpu.memory_space<vmem>> -> memref<64xf32, #tpu.memory_space<vmem>>
    %dma_wait3A_670 = arith.constant 0 : i32
    %dma_wait3A_671 = tpu.memref_slice %arg4[%dma_wait3A_663, %dma_wait3A_664, %dma_wait3A_670] : memref<125000x8x64xf32, #tpu.memory_space<hbm>> -> memref<1x1x64xf32, #tpu.memory_space<hbm>>
    %dma_wait3A_672 = tpu.memref_squeeze %dma_wait3A_671 : memref<1x1x64xf32, #tpu.memory_space<hbm>> -> memref<64xf32, #tpu.memory_space<hbm>>
    %dma_wait3A_673 = arith.constant 0 : i32
    %dma_wait3A_674 = tpu.memref_slice %arg10[%dma_wait3A_665, %dma_wait3A_666, %dma_wait3A_673] : memref<64x8x64xf32, #tpu.memory_space<vmem>> -> memref<1x1x64xf32, #tpu.memory_space<vmem>>
    %dma_wait3A_675 = tpu.memref_squeeze %dma_wait3A_674 : memref<1x1x64xf32, #tpu.memory_space<vmem>> -> memref<64xf32, #tpu.memory_space<vmem>>
    %dma_wait3A_676 = arith.constant 0 : i32
    %dma_wait3A_677 = tpu.memref_slice %arg4[%dma_wait3A_663, %dma_wait3A_664, %dma_wait3A_676] : memref<125000x8x64xf32, #tpu.memory_space<hbm>> -> memref<1x1x64xf32, #tpu.memory_space<hbm>>
    %dma_wait3A_678 = tpu.memref_squeeze %dma_wait3A_677 : memref<1x1x64xf32, #tpu.memory_space<hbm>> -> memref<64xf32, #tpu.memory_space<hbm>>
    tpu.wait_dma2 semaphore(%arg11 : memref<!tpu.dma_semaphore, #tpu.memory_space<semaphore_mem>>) src(%dma_wait3A_678 : memref<64xf32, #tpu.memory_space<hbm>>) dst(%dma_wait3A_675 : memref<64xf32, #tpu.memory_space<vmem>>)
    %dma_wait3A_679 = arith.constant 0 : i32
    %dma_wait3A_680 = arith.constant 0 : i32
    %dma_wait3A_681 = arith.constant 0 : i32
    %dma_wait3A_682 = arith.constant 0 : i32
    %dma_wait3A_683 = arith.constant 0 : i32
    %dma_wait3A_684 = tpu.memref_slice %arg10[%dma_wait3A_681, %dma_wait3A_682, %dma_wait3A_683] : memref<64x8x64xf32, #tpu.memory_space<vmem>> -> memref<1x1x64xf32, #tpu.memory_space<vmem>>
    %dma_wait3A_685 = tpu.memref_squeeze %dma_wait3A_684 : memref<1x1x64xf32, #tpu.memory_space<vmem>> -> memref<64xf32, #tpu.memory_space<vmem>>
    %dma_wait3A_686 = arith.constant 0 : i32
    %dma_wait3A_687 = tpu.memref_slice %arg4[%dma_wait3A_679, %dma_wait3A_680, %dma_wait3A_686] : memref<125000x8x64xf32, #tpu.memory_space<hbm>> -> memref<1x1x64xf32, #tpu.memory_space<hbm>>
    %dma_wait3A_688 = tpu.memref_squeeze %dma_wait3A_687 : memref<1x1x64xf32, #tpu.memory_space<hbm>> -> memref<64xf32, #tpu.memory_space<hbm>>
    %dma_wait3A_689 = arith.constant 0 : i32
    %dma_wait3A_690 = tpu.memref_slice %arg10[%dma_wait3A_681, %dma_wait3A_682, %dma_wait3A_689] : memref<64x8x64xf32, #tpu.memory_space<vmem>> -> memref<1x1x64xf32, #tpu.memory_space<vmem>>
    %dma_wait3A_691 = tpu.memref_squeeze %dma_wait3A_690 : memref<1x1x64xf32, #tpu.memory_space<vmem>> -> memref<64xf32, #tpu.memory_space<vmem>>
    %dma_wait3A_692 = arith.constant 0 : i32
    %dma_wait3A_693 = tpu.memref_slice %arg4[%dma_wait3A_679, %dma_wait3A_680, %dma_wait3A_692] : memref<125000x8x64xf32, #tpu.memory_space<hbm>> -> memref<1x1x64xf32, #tpu.memory_space<hbm>>
    %dma_wait3A_694 = tpu.memref_squeeze %dma_wait3A_693 : memref<1x1x64xf32, #tpu.memory_space<hbm>> -> memref<64xf32, #tpu.memory_space<hbm>>
    tpu.wait_dma2 semaphore(%arg11 : memref<!tpu.dma_semaphore, #tpu.memory_space<semaphore_mem>>) src(%dma_wait3A_694 : memref<64xf32, #tpu.memory_space<hbm>>) dst(%dma_wait3A_691 : memref<64xf32, #tpu.memory_space<vmem>>)
    %dma_wait3A_695 = arith.constant 0 : i32
    %dma_wait3A_696 = arith.constant 0 : i32
    %dma_wait3A_697 = arith.constant 0 : i32
    %dma_wait3A_698 = arith.constant 0 : i32
    %dma_wait3A_699 = arith.constant 0 : i32
    %dma_wait3A_700 = tpu.memref_slice %arg10[%dma_wait3A_697, %dma_wait3A_698, %dma_wait3A_699] : memref<64x8x64xf32, #tpu.memory_space<vmem>> -> memref<1x1x64xf32, #tpu.memory_space<vmem>>
    %dma_wait3A_701 = tpu.memref_squeeze %dma_wait3A_700 : memref<1x1x64xf32, #tpu.memory_space<vmem>> -> memref<64xf32, #tpu.memory_space<vmem>>
    %dma_wait3A_702 = arith.constant 0 : i32
    %dma_wait3A_703 = tpu.memref_slice %arg4[%dma_wait3A_695, %dma_wait3A_696, %dma_wait3A_702] : memref<125000x8x64xf32, #tpu.memory_space<hbm>> -> memref<1x1x64xf32, #tpu.memory_space<hbm>>
    %dma_wait3A_704 = tpu.memref_squeeze %dma_wait3A_703 : memref<1x1x64xf32, #tpu.memory_space<hbm>> -> memref<64xf32, #tpu.memory_space<hbm>>
    %dma_wait3A_705 = arith.constant 0 : i32
    %dma_wait3A_706 = tpu.memref_slice %arg10[%dma_wait3A_697, %dma_wait3A_698, %dma_wait3A_705] : memref<64x8x64xf32, #tpu.memory_space<vmem>> -> memref<1x1x64xf32, #tpu.memory_space<vmem>>
    %dma_wait3A_707 = tpu.memref_squeeze %dma_wait3A_706 : memref<1x1x64xf32, #tpu.memory_space<vmem>> -> memref<64xf32, #tpu.memory_space<vmem>>
    %dma_wait3A_708 = arith.constant 0 : i32
    %dma_wait3A_709 = tpu.memref_slice %arg4[%dma_wait3A_695, %dma_wait3A_696, %dma_wait3A_708] : memref<125000x8x64xf32, #tpu.memory_space<hbm>> -> memref<1x1x64xf32, #tpu.memory_space<hbm>>
    %dma_wait3A_710 = tpu.memref_squeeze %dma_wait3A_709 : memref<1x1x64xf32, #tpu.memory_space<hbm>> -> memref<64xf32, #tpu.memory_space<hbm>>
    tpu.wait_dma2 semaphore(%arg11 : memref<!tpu.dma_semaphore, #tpu.memory_space<semaphore_mem>>) src(%dma_wait3A_710 : memref<64xf32, #tpu.memory_space<hbm>>) dst(%dma_wait3A_707 : memref<64xf32, #tpu.memory_space<vmem>>)
    %dma_wait3A_711 = arith.constant 0 : i32
    %dma_wait3A_712 = arith.constant 0 : i32
    %dma_wait3A_713 = arith.constant 0 : i32
    %dma_wait3A_714 = arith.constant 0 : i32
    %dma_wait3A_715 = arith.constant 0 : i32
    %dma_wait3A_716 = tpu.memref_slice %arg10[%dma_wait3A_713, %dma_wait3A_714, %dma_wait3A_715] : memref<64x8x64xf32, #tpu.memory_space<vmem>> -> memref<1x1x64xf32, #tpu.memory_space<vmem>>
    %dma_wait3A_717 = tpu.memref_squeeze %dma_wait3A_716 : memref<1x1x64xf32, #tpu.memory_space<vmem>> -> memref<64xf32, #tpu.memory_space<vmem>>
    %dma_wait3A_718 = arith.constant 0 : i32
    %dma_wait3A_719 = tpu.memref_slice %arg4[%dma_wait3A_711, %dma_wait3A_712, %dma_wait3A_718] : memref<125000x8x64xf32, #tpu.memory_space<hbm>> -> memref<1x1x64xf32, #tpu.memory_space<hbm>>
    %dma_wait3A_720 = tpu.memref_squeeze %dma_wait3A_719 : memref<1x1x64xf32, #tpu.memory_space<hbm>> -> memref<64xf32, #tpu.memory_space<hbm>>
    %dma_wait3A_721 = arith.constant 0 : i32
    %dma_wait3A_722 = tpu.memref_slice %arg10[%dma_wait3A_713, %dma_wait3A_714, %dma_wait3A_721] : memref<64x8x64xf32, #tpu.memory_space<vmem>> -> memref<1x1x64xf32, #tpu.memory_space<vmem>>
    %dma_wait3A_723 = tpu.memref_squeeze %dma_wait3A_722 : memref<1x1x64xf32, #tpu.memory_space<vmem>> -> memref<64xf32, #tpu.memory_space<vmem>>
    %dma_wait3A_724 = arith.constant 0 : i32
    %dma_wait3A_725 = tpu.memref_slice %arg4[%dma_wait3A_711, %dma_wait3A_712, %dma_wait3A_724] : memref<125000x8x64xf32, #tpu.memory_space<hbm>> -> memref<1x1x64xf32, #tpu.memory_space<hbm>>
    %dma_wait3A_726 = tpu.memref_squeeze %dma_wait3A_725 : memref<1x1x64xf32, #tpu.memory_space<hbm>> -> memref<64xf32, #tpu.memory_space<hbm>>
    tpu.wait_dma2 semaphore(%arg11 : memref<!tpu.dma_semaphore, #tpu.memory_space<semaphore_mem>>) src(%dma_wait3A_726 : memref<64xf32, #tpu.memory_space<hbm>>) dst(%dma_wait3A_723 : memref<64xf32, #tpu.memory_space<vmem>>)
    %dma_wait3A_727 = arith.constant 0 : i32
    %dma_wait3A_728 = arith.constant 0 : i32
    %dma_wait3A_729 = arith.constant 0 : i32
    %dma_wait3A_730 = arith.constant 0 : i32
    %dma_wait3A_731 = arith.constant 0 : i32
    %dma_wait3A_732 = tpu.memref_slice %arg10[%dma_wait3A_729, %dma_wait3A_730, %dma_wait3A_731] : memref<64x8x64xf32, #tpu.memory_space<vmem>> -> memref<1x1x64xf32, #tpu.memory_space<vmem>>
    %dma_wait3A_733 = tpu.memref_squeeze %dma_wait3A_732 : memref<1x1x64xf32, #tpu.memory_space<vmem>> -> memref<64xf32, #tpu.memory_space<vmem>>
    %dma_wait3A_734 = arith.constant 0 : i32
    %dma_wait3A_735 = tpu.memref_slice %arg4[%dma_wait3A_727, %dma_wait3A_728, %dma_wait3A_734] : memref<125000x8x64xf32, #tpu.memory_space<hbm>> -> memref<1x1x64xf32, #tpu.memory_space<hbm>>
    %dma_wait3A_736 = tpu.memref_squeeze %dma_wait3A_735 : memref<1x1x64xf32, #tpu.memory_space<hbm>> -> memref<64xf32, #tpu.memory_space<hbm>>
    %dma_wait3A_737 = arith.constant 0 : i32
    %dma_wait3A_738 = tpu.memref_slice %arg10[%dma_wait3A_729, %dma_wait3A_730, %dma_wait3A_737] : memref<64x8x64xf32, #tpu.memory_space<vmem>> -> memref<1x1x64xf32, #tpu.memory_space<vmem>>
    %dma_wait3A_739 = tpu.memref_squeeze %dma_wait3A_738 : memref<1x1x64xf32, #tpu.memory_space<vmem>> -> memref<64xf32, #tpu.memory_space<vmem>>
    %dma_wait3A_740 = arith.constant 0 : i32
    %dma_wait3A_741 = tpu.memref_slice %arg4[%dma_wait3A_727, %dma_wait3A_728, %dma_wait3A_740] : memref<125000x8x64xf32, #tpu.memory_space<hbm>> -> memref<1x1x64xf32, #tpu.memory_space<hbm>>
    %dma_wait3A_742 = tpu.memref_squeeze %dma_wait3A_741 : memref<1x1x64xf32, #tpu.memory_space<hbm>> -> memref<64xf32, #tpu.memory_space<hbm>>
    tpu.wait_dma2 semaphore(%arg11 : memref<!tpu.dma_semaphore, #tpu.memory_space<semaphore_mem>>) src(%dma_wait3A_742 : memref<64xf32, #tpu.memory_space<hbm>>) dst(%dma_wait3A_739 : memref<64xf32, #tpu.memory_space<vmem>>)
    %dma_wait3A_743 = arith.constant 0 : i32
    %dma_wait3A_744 = arith.constant 0 : i32
    %dma_wait3A_745 = arith.constant 0 : i32
    %dma_wait3A_746 = arith.constant 0 : i32
    %dma_wait3A_747 = arith.constant 0 : i32
    %dma_wait3A_748 = tpu.memref_slice %arg10[%dma_wait3A_745, %dma_wait3A_746, %dma_wait3A_747] : memref<64x8x64xf32, #tpu.memory_space<vmem>> -> memref<1x1x64xf32, #tpu.memory_space<vmem>>
    %dma_wait3A_749 = tpu.memref_squeeze %dma_wait3A_748 : memref<1x1x64xf32, #tpu.memory_space<vmem>> -> memref<64xf32, #tpu.memory_space<vmem>>
    %dma_wait3A_750 = arith.constant 0 : i32
    %dma_wait3A_751 = tpu.memref_slice %arg4[%dma_wait3A_743, %dma_wait3A_744, %dma_wait3A_750] : memref<125000x8x64xf32, #tpu.memory_space<hbm>> -> memref<1x1x64xf32, #tpu.memory_space<hbm>>
    %dma_wait3A_752 = tpu.memref_squeeze %dma_wait3A_751 : memref<1x1x64xf32, #tpu.memory_space<hbm>> -> memref<64xf32, #tpu.memory_space<hbm>>
    %dma_wait3A_753 = arith.constant 0 : i32
    %dma_wait3A_754 = tpu.memref_slice %arg10[%dma_wait3A_745, %dma_wait3A_746, %dma_wait3A_753] : memref<64x8x64xf32, #tpu.memory_space<vmem>> -> memref<1x1x64xf32, #tpu.memory_space<vmem>>
    %dma_wait3A_755 = tpu.memref_squeeze %dma_wait3A_754 : memref<1x1x64xf32, #tpu.memory_space<vmem>> -> memref<64xf32, #tpu.memory_space<vmem>>
    %dma_wait3A_756 = arith.constant 0 : i32
    %dma_wait3A_757 = tpu.memref_slice %arg4[%dma_wait3A_743, %dma_wait3A_744, %dma_wait3A_756] : memref<125000x8x64xf32, #tpu.memory_space<hbm>> -> memref<1x1x64xf32, #tpu.memory_space<hbm>>
    %dma_wait3A_758 = tpu.memref_squeeze %dma_wait3A_757 : memref<1x1x64xf32, #tpu.memory_space<hbm>> -> memref<64xf32, #tpu.memory_space<hbm>>
    tpu.wait_dma2 semaphore(%arg11 : memref<!tpu.dma_semaphore, #tpu.memory_space<semaphore_mem>>) src(%dma_wait3A_758 : memref<64xf32, #tpu.memory_space<hbm>>) dst(%dma_wait3A_755 : memref<64xf32, #tpu.memory_space<vmem>>)
    %dma_wait3A_759 = arith.constant 0 : i32
    %dma_wait3A_760 = arith.constant 0 : i32
    %dma_wait3A_761 = arith.constant 0 : i32
    %dma_wait3A_762 = arith.constant 0 : i32
    %dma_wait3A_763 = arith.constant 0 : i32
    %dma_wait3A_764 = tpu.memref_slice %arg10[%dma_wait3A_761, %dma_wait3A_762, %dma_wait3A_763] : memref<64x8x64xf32, #tpu.memory_space<vmem>> -> memref<1x1x64xf32, #tpu.memory_space<vmem>>
    %dma_wait3A_765 = tpu.memref_squeeze %dma_wait3A_764 : memref<1x1x64xf32, #tpu.memory_space<vmem>> -> memref<64xf32, #tpu.memory_space<vmem>>
    %dma_wait3A_766 = arith.constant 0 : i32
    %dma_wait3A_767 = tpu.memref_slice %arg4[%dma_wait3A_759, %dma_wait3A_760, %dma_wait3A_766] : memref<125000x8x64xf32, #tpu.memory_space<hbm>> -> memref<1x1x64xf32, #tpu.memory_space<hbm>>
    %dma_wait3A_768 = tpu.memref_squeeze %dma_wait3A_767 : memref<1x1x64xf32, #tpu.memory_space<hbm>> -> memref<64xf32, #tpu.memory_space<hbm>>
    %dma_wait3A_769 = arith.constant 0 : i32
    %dma_wait3A_770 = tpu.memref_slice %arg10[%dma_wait3A_761, %dma_wait3A_762, %dma_wait3A_769] : memref<64x8x64xf32, #tpu.memory_space<vmem>> -> memref<1x1x64xf32, #tpu.memory_space<vmem>>
    %dma_wait3A_771 = tpu.memref_squeeze %dma_wait3A_770 : memref<1x1x64xf32, #tpu.memory_space<vmem>> -> memref<64xf32, #tpu.memory_space<vmem>>
    %dma_wait3A_772 = arith.constant 0 : i32
    %dma_wait3A_773 = tpu.memref_slice %arg4[%dma_wait3A_759, %dma_wait3A_760, %dma_wait3A_772] : memref<125000x8x64xf32, #tpu.memory_space<hbm>> -> memref<1x1x64xf32, #tpu.memory_space<hbm>>
    %dma_wait3A_774 = tpu.memref_squeeze %dma_wait3A_773 : memref<1x1x64xf32, #tpu.memory_space<hbm>> -> memref<64xf32, #tpu.memory_space<hbm>>
    tpu.wait_dma2 semaphore(%arg11 : memref<!tpu.dma_semaphore, #tpu.memory_space<semaphore_mem>>) src(%dma_wait3A_774 : memref<64xf32, #tpu.memory_space<hbm>>) dst(%dma_wait3A_771 : memref<64xf32, #tpu.memory_space<vmem>>)
    %dma_wait3A_775 = arith.constant 0 : i32
    %dma_wait3A_776 = arith.constant 0 : i32
    %dma_wait3A_777 = arith.constant 0 : i32
    %dma_wait3A_778 = arith.constant 0 : i32
    %dma_wait3A_779 = arith.constant 0 : i32
    %dma_wait3A_780 = tpu.memref_slice %arg10[%dma_wait3A_777, %dma_wait3A_778, %dma_wait3A_779] : memref<64x8x64xf32, #tpu.memory_space<vmem>> -> memref<1x1x64xf32, #tpu.memory_space<vmem>>
    %dma_wait3A_781 = tpu.memref_squeeze %dma_wait3A_780 : memref<1x1x64xf32, #tpu.memory_space<vmem>> -> memref<64xf32, #tpu.memory_space<vmem>>
    %dma_wait3A_782 = arith.constant 0 : i32
    %dma_wait3A_783 = tpu.memref_slice %arg4[%dma_wait3A_775, %dma_wait3A_776, %dma_wait3A_782] : memref<125000x8x64xf32, #tpu.memory_space<hbm>> -> memref<1x1x64xf32, #tpu.memory_space<hbm>>
    %dma_wait3A_784 = tpu.memref_squeeze %dma_wait3A_783 : memref<1x1x64xf32, #tpu.memory_space<hbm>> -> memref<64xf32, #tpu.memory_space<hbm>>
    %dma_wait3A_785 = arith.constant 0 : i32
    %dma_wait3A_786 = tpu.memref_slice %arg10[%dma_wait3A_777, %dma_wait3A_778, %dma_wait3A_785] : memref<64x8x64xf32, #tpu.memory_space<vmem>> -> memref<1x1x64xf32, #tpu.memory_space<vmem>>
    %dma_wait3A_787 = tpu.memref_squeeze %dma_wait3A_786 : memref<1x1x64xf32, #tpu.memory_space<vmem>> -> memref<64xf32, #tpu.memory_space<vmem>>
    %dma_wait3A_788 = arith.constant 0 : i32
    %dma_wait3A_789 = tpu.memref_slice %arg4[%dma_wait3A_775, %dma_wait3A_776, %dma_wait3A_788] : memref<125000x8x64xf32, #tpu.memory_space<hbm>> -> memref<1x1x64xf32, #tpu.memory_space<hbm>>
    %dma_wait3A_790 = tpu.memref_squeeze %dma_wait3A_789 : memref<1x1x64xf32, #tpu.memory_space<hbm>> -> memref<64xf32, #tpu.memory_space<hbm>>
    tpu.wait_dma2 semaphore(%arg11 : memref<!tpu.dma_semaphore, #tpu.memory_space<semaphore_mem>>) src(%dma_wait3A_790 : memref<64xf32, #tpu.memory_space<hbm>>) dst(%dma_wait3A_787 : memref<64xf32, #tpu.memory_space<vmem>>)
    %dma_wait3A_791 = arith.constant 0 : i32
    %dma_wait3A_792 = arith.constant 0 : i32
    %dma_wait3A_793 = arith.constant 0 : i32
    %dma_wait3A_794 = arith.constant 0 : i32
    %dma_wait3A_795 = arith.constant 0 : i32
    %dma_wait3A_796 = tpu.memref_slice %arg10[%dma_wait3A_793, %dma_wait3A_794, %dma_wait3A_795] : memref<64x8x64xf32, #tpu.memory_space<vmem>> -> memref<1x1x64xf32, #tpu.memory_space<vmem>>
    %dma_wait3A_797 = tpu.memref_squeeze %dma_wait3A_796 : memref<1x1x64xf32, #tpu.memory_space<vmem>> -> memref<64xf32, #tpu.memory_space<vmem>>
    %dma_wait3A_798 = arith.constant 0 : i32
    %dma_wait3A_799 = tpu.memref_slice %arg4[%dma_wait3A_791, %dma_wait3A_792, %dma_wait3A_798] : memref<125000x8x64xf32, #tpu.memory_space<hbm>> -> memref<1x1x64xf32, #tpu.memory_space<hbm>>
    %dma_wait3A_800 = tpu.memref_squeeze %dma_wait3A_799 : memref<1x1x64xf32, #tpu.memory_space<hbm>> -> memref<64xf32, #tpu.memory_space<hbm>>
    %dma_wait3A_801 = arith.constant 0 : i32
    %dma_wait3A_802 = tpu.memref_slice %arg10[%dma_wait3A_793, %dma_wait3A_794, %dma_wait3A_801] : memref<64x8x64xf32, #tpu.memory_space<vmem>> -> memref<1x1x64xf32, #tpu.memory_space<vmem>>
    %dma_wait3A_803 = tpu.memref_squeeze %dma_wait3A_802 : memref<1x1x64xf32, #tpu.memory_space<vmem>> -> memref<64xf32, #tpu.memory_space<vmem>>
    %dma_wait3A_804 = arith.constant 0 : i32
    %dma_wait3A_805 = tpu.memref_slice %arg4[%dma_wait3A_791, %dma_wait3A_792, %dma_wait3A_804] : memref<125000x8x64xf32, #tpu.memory_space<hbm>> -> memref<1x1x64xf32, #tpu.memory_space<hbm>>
    %dma_wait3A_806 = tpu.memref_squeeze %dma_wait3A_805 : memref<1x1x64xf32, #tpu.memory_space<hbm>> -> memref<64xf32, #tpu.memory_space<hbm>>
    tpu.wait_dma2 semaphore(%arg11 : memref<!tpu.dma_semaphore, #tpu.memory_space<semaphore_mem>>) src(%dma_wait3A_806 : memref<64xf32, #tpu.memory_space<hbm>>) dst(%dma_wait3A_803 : memref<64xf32, #tpu.memory_space<vmem>>)
    %dma_wait3A_807 = arith.constant 0 : i32
    %dma_wait3A_808 = arith.constant 0 : i32
    %dma_wait3A_809 = arith.constant 0 : i32
    %dma_wait3A_810 = arith.constant 0 : i32
    %dma_wait3A_811 = arith.constant 0 : i32
    %dma_wait3A_812 = tpu.memref_slice %arg10[%dma_wait3A_809, %dma_wait3A_810, %dma_wait3A_811] : memref<64x8x64xf32, #tpu.memory_space<vmem>> -> memref<1x1x64xf32, #tpu.memory_space<vmem>>
    %dma_wait3A_813 = tpu.memref_squeeze %dma_wait3A_812 : memref<1x1x64xf32, #tpu.memory_space<vmem>> -> memref<64xf32, #tpu.memory_space<vmem>>
    %dma_wait3A_814 = arith.constant 0 : i32
    %dma_wait3A_815 = tpu.memref_slice %arg4[%dma_wait3A_807, %dma_wait3A_808, %dma_wait3A_814] : memref<125000x8x64xf32, #tpu.memory_space<hbm>> -> memref<1x1x64xf32, #tpu.memory_space<hbm>>
    %dma_wait3A_816 = tpu.memref_squeeze %dma_wait3A_815 : memref<1x1x64xf32, #tpu.memory_space<hbm>> -> memref<64xf32, #tpu.memory_space<hbm>>
    %dma_wait3A_817 = arith.constant 0 : i32
    %dma_wait3A_818 = tpu.memref_slice %arg10[%dma_wait3A_809, %dma_wait3A_810, %dma_wait3A_817] : memref<64x8x64xf32, #tpu.memory_space<vmem>> -> memref<1x1x64xf32, #tpu.memory_space<vmem>>
    %dma_wait3A_819 = tpu.memref_squeeze %dma_wait3A_818 : memref<1x1x64xf32, #tpu.memory_space<vmem>> -> memref<64xf32, #tpu.memory_space<vmem>>
    %dma_wait3A_820 = arith.constant 0 : i32
    %dma_wait3A_821 = tpu.memref_slice %arg4[%dma_wait3A_807, %dma_wait3A_808, %dma_wait3A_820] : memref<125000x8x64xf32, #tpu.memory_space<hbm>> -> memref<1x1x64xf32, #tpu.memory_space<hbm>>
    %dma_wait3A_822 = tpu.memref_squeeze %dma_wait3A_821 : memref<1x1x64xf32, #tpu.memory_space<hbm>> -> memref<64xf32, #tpu.memory_space<hbm>>
    tpu.wait_dma2 semaphore(%arg11 : memref<!tpu.dma_semaphore, #tpu.memory_space<semaphore_mem>>) src(%dma_wait3A_822 : memref<64xf32, #tpu.memory_space<hbm>>) dst(%dma_wait3A_819 : memref<64xf32, #tpu.memory_space<vmem>>)
    %dma_wait3A_823 = arith.constant 0 : i32
    %dma_wait3A_824 = arith.constant 0 : i32
    %dma_wait3A_825 = arith.constant 0 : i32
    %dma_wait3A_826 = arith.constant 0 : i32
    %dma_wait3A_827 = arith.constant 0 : i32
    %dma_wait3A_828 = tpu.memref_slice %arg10[%dma_wait3A_825, %dma_wait3A_826, %dma_wait3A_827] : memref<64x8x64xf32, #tpu.memory_space<vmem>> -> memref<1x1x64xf32, #tpu.memory_space<vmem>>
    %dma_wait3A_829 = tpu.memref_squeeze %dma_wait3A_828 : memref<1x1x64xf32, #tpu.memory_space<vmem>> -> memref<64xf32, #tpu.memory_space<vmem>>
    %dma_wait3A_830 = arith.constant 0 : i32
    %dma_wait3A_831 = tpu.memref_slice %arg5[%dma_wait3A_823, %dma_wait3A_824, %dma_wait3A_830] : memref<12500x8x64xf32, #tpu.memory_space<hbm>> -> memref<1x1x64xf32, #tpu.memory_space<hbm>>
    %dma_wait3A_832 = tpu.memref_squeeze %dma_wait3A_831 : memref<1x1x64xf32, #tpu.memory_space<hbm>> -> memref<64xf32, #tpu.memory_space<hbm>>
    %dma_wait3A_833 = arith.constant 0 : i32
    %dma_wait3A_834 = tpu.memref_slice %arg10[%dma_wait3A_825, %dma_wait3A_826, %dma_wait3A_833] : memref<64x8x64xf32, #tpu.memory_space<vmem>> -> memref<1x1x64xf32, #tpu.memory_space<vmem>>
    %dma_wait3A_835 = tpu.memref_squeeze %dma_wait3A_834 : memref<1x1x64xf32, #tpu.memory_space<vmem>> -> memref<64xf32, #tpu.memory_space<vmem>>
    %dma_wait3A_836 = arith.constant 0 : i32
    %dma_wait3A_837 = tpu.memref_slice %arg5[%dma_wait3A_823, %dma_wait3A_824, %dma_wait3A_836] : memref<12500x8x64xf32, #tpu.memory_space<hbm>> -> memref<1x1x64xf32, #tpu.memory_space<hbm>>
    %dma_wait3A_838 = tpu.memref_squeeze %dma_wait3A_837 : memref<1x1x64xf32, #tpu.memory_space<hbm>> -> memref<64xf32, #tpu.memory_space<hbm>>
    tpu.wait_dma2 semaphore(%arg12 : memref<!tpu.dma_semaphore, #tpu.memory_space<semaphore_mem>>) src(%dma_wait3A_838 : memref<64xf32, #tpu.memory_space<hbm>>) dst(%dma_wait3A_835 : memref<64xf32, #tpu.memory_space<vmem>>)
    %dma_wait3A_839 = arith.constant 0 : i32
    %dma_wait3A_840 = arith.constant 0 : i32
    %dma_wait3A_841 = arith.constant 0 : i32
    %dma_wait3A_842 = arith.constant 0 : i32
    %dma_wait3A_843 = arith.constant 0 : i32
    %dma_wait3A_844 = tpu.memref_slice %arg10[%dma_wait3A_841, %dma_wait3A_842, %dma_wait3A_843] : memref<64x8x64xf32, #tpu.memory_space<vmem>> -> memref<1x1x64xf32, #tpu.memory_space<vmem>>
    %dma_wait3A_845 = tpu.memref_squeeze %dma_wait3A_844 : memref<1x1x64xf32, #tpu.memory_space<vmem>> -> memref<64xf32, #tpu.memory_space<vmem>>
    %dma_wait3A_846 = arith.constant 0 : i32
    %dma_wait3A_847 = tpu.memref_slice %arg5[%dma_wait3A_839, %dma_wait3A_840, %dma_wait3A_846] : memref<12500x8x64xf32, #tpu.memory_space<hbm>> -> memref<1x1x64xf32, #tpu.memory_space<hbm>>
    %dma_wait3A_848 = tpu.memref_squeeze %dma_wait3A_847 : memref<1x1x64xf32, #tpu.memory_space<hbm>> -> memref<64xf32, #tpu.memory_space<hbm>>
    %dma_wait3A_849 = arith.constant 0 : i32
    %dma_wait3A_850 = tpu.memref_slice %arg10[%dma_wait3A_841, %dma_wait3A_842, %dma_wait3A_849] : memref<64x8x64xf32, #tpu.memory_space<vmem>> -> memref<1x1x64xf32, #tpu.memory_space<vmem>>
    %dma_wait3A_851 = tpu.memref_squeeze %dma_wait3A_850 : memref<1x1x64xf32, #tpu.memory_space<vmem>> -> memref<64xf32, #tpu.memory_space<vmem>>
    %dma_wait3A_852 = arith.constant 0 : i32
    %dma_wait3A_853 = tpu.memref_slice %arg5[%dma_wait3A_839, %dma_wait3A_840, %dma_wait3A_852] : memref<12500x8x64xf32, #tpu.memory_space<hbm>> -> memref<1x1x64xf32, #tpu.memory_space<hbm>>
    %dma_wait3A_854 = tpu.memref_squeeze %dma_wait3A_853 : memref<1x1x64xf32, #tpu.memory_space<hbm>> -> memref<64xf32, #tpu.memory_space<hbm>>
    tpu.wait_dma2 semaphore(%arg12 : memref<!tpu.dma_semaphore, #tpu.memory_space<semaphore_mem>>) src(%dma_wait3A_854 : memref<64xf32, #tpu.memory_space<hbm>>) dst(%dma_wait3A_851 : memref<64xf32, #tpu.memory_space<vmem>>)
    %dma_wait3A_855 = arith.constant 0 : i32
    %dma_wait3A_856 = arith.constant 0 : i32
    %dma_wait3A_857 = arith.constant 0 : i32
    %dma_wait3A_858 = arith.constant 0 : i32
    %dma_wait3A_859 = arith.constant 0 : i32
    %dma_wait3A_860 = tpu.memref_slice %arg10[%dma_wait3A_857, %dma_wait3A_858, %dma_wait3A_859] : memref<64x8x64xf32, #tpu.memory_space<vmem>> -> memref<1x1x64xf32, #tpu.memory_space<vmem>>
    %dma_wait3A_861 = tpu.memref_squeeze %dma_wait3A_860 : memref<1x1x64xf32, #tpu.memory_space<vmem>> -> memref<64xf32, #tpu.memory_space<vmem>>
    %dma_wait3A_862 = arith.constant 0 : i32
    %dma_wait3A_863 = tpu.memref_slice %arg5[%dma_wait3A_855, %dma_wait3A_856, %dma_wait3A_862] : memref<12500x8x64xf32, #tpu.memory_space<hbm>> -> memref<1x1x64xf32, #tpu.memory_space<hbm>>
    %dma_wait3A_864 = tpu.memref_squeeze %dma_wait3A_863 : memref<1x1x64xf32, #tpu.memory_space<hbm>> -> memref<64xf32, #tpu.memory_space<hbm>>
    %dma_wait3A_865 = arith.constant 0 : i32
    %dma_wait3A_866 = tpu.memref_slice %arg10[%dma_wait3A_857, %dma_wait3A_858, %dma_wait3A_865] : memref<64x8x64xf32, #tpu.memory_space<vmem>> -> memref<1x1x64xf32, #tpu.memory_space<vmem>>
    %dma_wait3A_867 = tpu.memref_squeeze %dma_wait3A_866 : memref<1x1x64xf32, #tpu.memory_space<vmem>> -> memref<64xf32, #tpu.memory_space<vmem>>
    %dma_wait3A_868 = arith.constant 0 : i32
    %dma_wait3A_869 = tpu.memref_slice %arg5[%dma_wait3A_855, %dma_wait3A_856, %dma_wait3A_868] : memref<12500x8x64xf32, #tpu.memory_space<hbm>> -> memref<1x1x64xf32, #tpu.memory_space<hbm>>
    %dma_wait3A_870 = tpu.memref_squeeze %dma_wait3A_869 : memref<1x1x64xf32, #tpu.memory_space<hbm>> -> memref<64xf32, #tpu.memory_space<hbm>>
    tpu.wait_dma2 semaphore(%arg12 : memref<!tpu.dma_semaphore, #tpu.memory_space<semaphore_mem>>) src(%dma_wait3A_870 : memref<64xf32, #tpu.memory_space<hbm>>) dst(%dma_wait3A_867 : memref<64xf32, #tpu.memory_space<vmem>>)
    %dma_wait3A_871 = arith.constant 0 : i32
    %dma_wait3A_872 = arith.constant 0 : i32
    %dma_wait3A_873 = arith.constant 0 : i32
    %dma_wait3A_874 = arith.constant 0 : i32
    %dma_wait3A_875 = arith.constant 0 : i32
    %dma_wait3A_876 = tpu.memref_slice %arg10[%dma_wait3A_873, %dma_wait3A_874, %dma_wait3A_875] : memref<64x8x64xf32, #tpu.memory_space<vmem>> -> memref<1x1x64xf32, #tpu.memory_space<vmem>>
    %dma_wait3A_877 = tpu.memref_squeeze %dma_wait3A_876 : memref<1x1x64xf32, #tpu.memory_space<vmem>> -> memref<64xf32, #tpu.memory_space<vmem>>
    %dma_wait3A_878 = arith.constant 0 : i32
    %dma_wait3A_879 = tpu.memref_slice %arg5[%dma_wait3A_871, %dma_wait3A_872, %dma_wait3A_878] : memref<12500x8x64xf32, #tpu.memory_space<hbm>> -> memref<1x1x64xf32, #tpu.memory_space<hbm>>
    %dma_wait3A_880 = tpu.memref_squeeze %dma_wait3A_879 : memref<1x1x64xf32, #tpu.memory_space<hbm>> -> memref<64xf32, #tpu.memory_space<hbm>>
    %dma_wait3A_881 = arith.constant 0 : i32
    %dma_wait3A_882 = tpu.memref_slice %arg10[%dma_wait3A_873, %dma_wait3A_874, %dma_wait3A_881] : memref<64x8x64xf32, #tpu.memory_space<vmem>> -> memref<1x1x64xf32, #tpu.memory_space<vmem>>
    %dma_wait3A_883 = tpu.memref_squeeze %dma_wait3A_882 : memref<1x1x64xf32, #tpu.memory_space<vmem>> -> memref<64xf32, #tpu.memory_space<vmem>>
    %dma_wait3A_884 = arith.constant 0 : i32
    %dma_wait3A_885 = tpu.memref_slice %arg5[%dma_wait3A_871, %dma_wait3A_872, %dma_wait3A_884] : memref<12500x8x64xf32, #tpu.memory_space<hbm>> -> memref<1x1x64xf32, #tpu.memory_space<hbm>>
    %dma_wait3A_886 = tpu.memref_squeeze %dma_wait3A_885 : memref<1x1x64xf32, #tpu.memory_space<hbm>> -> memref<64xf32, #tpu.memory_space<hbm>>
    tpu.wait_dma2 semaphore(%arg12 : memref<!tpu.dma_semaphore, #tpu.memory_space<semaphore_mem>>) src(%dma_wait3A_886 : memref<64xf32, #tpu.memory_space<hbm>>) dst(%dma_wait3A_883 : memref<64xf32, #tpu.memory_space<vmem>>)
    %dma_wait3A_887 = arith.constant 0 : i32
    %dma_wait3A_888 = arith.constant 0 : i32
    %dma_wait3A_889 = arith.constant 0 : i32
    %dma_wait3A_890 = arith.constant 0 : i32
    %dma_wait3A_891 = arith.constant 0 : i32
    %dma_wait3A_892 = tpu.memref_slice %arg10[%dma_wait3A_889, %dma_wait3A_890, %dma_wait3A_891] : memref<64x8x64xf32, #tpu.memory_space<vmem>> -> memref<1x1x64xf32, #tpu.memory_space<vmem>>
    %dma_wait3A_893 = tpu.memref_squeeze %dma_wait3A_892 : memref<1x1x64xf32, #tpu.memory_space<vmem>> -> memref<64xf32, #tpu.memory_space<vmem>>
    %dma_wait3A_894 = arith.constant 0 : i32
    %dma_wait3A_895 = tpu.memref_slice %arg5[%dma_wait3A_887, %dma_wait3A_888, %dma_wait3A_894] : memref<12500x8x64xf32, #tpu.memory_space<hbm>> -> memref<1x1x64xf32, #tpu.memory_space<hbm>>
    %dma_wait3A_896 = tpu.memref_squeeze %dma_wait3A_895 : memref<1x1x64xf32, #tpu.memory_space<hbm>> -> memref<64xf32, #tpu.memory_space<hbm>>
    %dma_wait3A_897 = arith.constant 0 : i32
    %dma_wait3A_898 = tpu.memref_slice %arg10[%dma_wait3A_889, %dma_wait3A_890, %dma_wait3A_897] : memref<64x8x64xf32, #tpu.memory_space<vmem>> -> memref<1x1x64xf32, #tpu.memory_space<vmem>>
    %dma_wait3A_899 = tpu.memref_squeeze %dma_wait3A_898 : memref<1x1x64xf32, #tpu.memory_space<vmem>> -> memref<64xf32, #tpu.memory_space<vmem>>
    %dma_wait3A_900 = arith.constant 0 : i32
    %dma_wait3A_901 = tpu.memref_slice %arg5[%dma_wait3A_887, %dma_wait3A_888, %dma_wait3A_900] : memref<12500x8x64xf32, #tpu.memory_space<hbm>> -> memref<1x1x64xf32, #tpu.memory_space<hbm>>
    %dma_wait3A_902 = tpu.memref_squeeze %dma_wait3A_901 : memref<1x1x64xf32, #tpu.memory_space<hbm>> -> memref<64xf32, #tpu.memory_space<hbm>>
    tpu.wait_dma2 semaphore(%arg12 : memref<!tpu.dma_semaphore, #tpu.memory_space<semaphore_mem>>) src(%dma_wait3A_902 : memref<64xf32, #tpu.memory_space<hbm>>) dst(%dma_wait3A_899 : memref<64xf32, #tpu.memory_space<vmem>>)
    %dma_wait3A_903 = arith.constant 0 : i32
    %dma_wait3A_904 = arith.constant 0 : i32
    %dma_wait3A_905 = arith.constant 0 : i32
    %dma_wait3A_906 = arith.constant 0 : i32
    %dma_wait3A_907 = arith.constant 0 : i32
    %dma_wait3A_908 = tpu.memref_slice %arg10[%dma_wait3A_905, %dma_wait3A_906, %dma_wait3A_907] : memref<64x8x64xf32, #tpu.memory_space<vmem>> -> memref<1x1x64xf32, #tpu.memory_space<vmem>>
    %dma_wait3A_909 = tpu.memref_squeeze %dma_wait3A_908 : memref<1x1x64xf32, #tpu.memory_space<vmem>> -> memref<64xf32, #tpu.memory_space<vmem>>
    %dma_wait3A_910 = arith.constant 0 : i32
    %dma_wait3A_911 = tpu.memref_slice %arg5[%dma_wait3A_903, %dma_wait3A_904, %dma_wait3A_910] : memref<12500x8x64xf32, #tpu.memory_space<hbm>> -> memref<1x1x64xf32, #tpu.memory_space<hbm>>
    %dma_wait3A_912 = tpu.memref_squeeze %dma_wait3A_911 : memref<1x1x64xf32, #tpu.memory_space<hbm>> -> memref<64xf32, #tpu.memory_space<hbm>>
    %dma_wait3A_913 = arith.constant 0 : i32
    %dma_wait3A_914 = tpu.memref_slice %arg10[%dma_wait3A_905, %dma_wait3A_906, %dma_wait3A_913] : memref<64x8x64xf32, #tpu.memory_space<vmem>> -> memref<1x1x64xf32, #tpu.memory_space<vmem>>
    %dma_wait3A_915 = tpu.memref_squeeze %dma_wait3A_914 : memref<1x1x64xf32, #tpu.memory_space<vmem>> -> memref<64xf32, #tpu.memory_space<vmem>>
    %dma_wait3A_916 = arith.constant 0 : i32
    %dma_wait3A_917 = tpu.memref_slice %arg5[%dma_wait3A_903, %dma_wait3A_904, %dma_wait3A_916] : memref<12500x8x64xf32, #tpu.memory_space<hbm>> -> memref<1x1x64xf32, #tpu.memory_space<hbm>>
    %dma_wait3A_918 = tpu.memref_squeeze %dma_wait3A_917 : memref<1x1x64xf32, #tpu.memory_space<hbm>> -> memref<64xf32, #tpu.memory_space<hbm>>
    tpu.wait_dma2 semaphore(%arg12 : memref<!tpu.dma_semaphore, #tpu.memory_space<semaphore_mem>>) src(%dma_wait3A_918 : memref<64xf32, #tpu.memory_space<hbm>>) dst(%dma_wait3A_915 : memref<64xf32, #tpu.memory_space<vmem>>)
    %dma_wait3A_919 = arith.constant 0 : i32
    %dma_wait3A_920 = arith.constant 0 : i32
    %dma_wait3A_921 = arith.constant 0 : i32
    %dma_wait3A_922 = arith.constant 0 : i32
    %dma_wait3A_923 = arith.constant 0 : i32
    %dma_wait3A_924 = tpu.memref_slice %arg10[%dma_wait3A_921, %dma_wait3A_922, %dma_wait3A_923] : memref<64x8x64xf32, #tpu.memory_space<vmem>> -> memref<1x1x64xf32, #tpu.memory_space<vmem>>
    %dma_wait3A_925 = tpu.memref_squeeze %dma_wait3A_924 : memref<1x1x64xf32, #tpu.memory_space<vmem>> -> memref<64xf32, #tpu.memory_space<vmem>>
    %dma_wait3A_926 = arith.constant 0 : i32
    %dma_wait3A_927 = tpu.memref_slice %arg5[%dma_wait3A_919, %dma_wait3A_920, %dma_wait3A_926] : memref<12500x8x64xf32, #tpu.memory_space<hbm>> -> memref<1x1x64xf32, #tpu.memory_space<hbm>>
    %dma_wait3A_928 = tpu.memref_squeeze %dma_wait3A_927 : memref<1x1x64xf32, #tpu.memory_space<hbm>> -> memref<64xf32, #tpu.memory_space<hbm>>
    %dma_wait3A_929 = arith.constant 0 : i32
    %dma_wait3A_930 = tpu.memref_slice %arg10[%dma_wait3A_921, %dma_wait3A_922, %dma_wait3A_929] : memref<64x8x64xf32, #tpu.memory_space<vmem>> -> memref<1x1x64xf32, #tpu.memory_space<vmem>>
    %dma_wait3A_931 = tpu.memref_squeeze %dma_wait3A_930 : memref<1x1x64xf32, #tpu.memory_space<vmem>> -> memref<64xf32, #tpu.memory_space<vmem>>
    %dma_wait3A_932 = arith.constant 0 : i32
    %dma_wait3A_933 = tpu.memref_slice %arg5[%dma_wait3A_919, %dma_wait3A_920, %dma_wait3A_932] : memref<12500x8x64xf32, #tpu.memory_space<hbm>> -> memref<1x1x64xf32, #tpu.memory_space<hbm>>
    %dma_wait3A_934 = tpu.memref_squeeze %dma_wait3A_933 : memref<1x1x64xf32, #tpu.memory_space<hbm>> -> memref<64xf32, #tpu.memory_space<hbm>>
    tpu.wait_dma2 semaphore(%arg12 : memref<!tpu.dma_semaphore, #tpu.memory_space<semaphore_mem>>) src(%dma_wait3A_934 : memref<64xf32, #tpu.memory_space<hbm>>) dst(%dma_wait3A_931 : memref<64xf32, #tpu.memory_space<vmem>>)
    %dma_wait3A_935 = arith.constant 0 : i32
    %dma_wait3A_936 = arith.constant 0 : i32
    %dma_wait3A_937 = arith.constant 0 : i32
    %dma_wait3A_938 = arith.constant 0 : i32
    %dma_wait3A_939 = arith.constant 0 : i32
    %dma_wait3A_940 = tpu.memref_slice %arg10[%dma_wait3A_937, %dma_wait3A_938, %dma_wait3A_939] : memref<64x8x64xf32, #tpu.memory_space<vmem>> -> memref<1x1x64xf32, #tpu.memory_space<vmem>>
    %dma_wait3A_941 = tpu.memref_squeeze %dma_wait3A_940 : memref<1x1x64xf32, #tpu.memory_space<vmem>> -> memref<64xf32, #tpu.memory_space<vmem>>
    %dma_wait3A_942 = arith.constant 0 : i32
    %dma_wait3A_943 = tpu.memref_slice %arg5[%dma_wait3A_935, %dma_wait3A_936, %dma_wait3A_942] : memref<12500x8x64xf32, #tpu.memory_space<hbm>> -> memref<1x1x64xf32, #tpu.memory_space<hbm>>
    %dma_wait3A_944 = tpu.memref_squeeze %dma_wait3A_943 : memref<1x1x64xf32, #tpu.memory_space<hbm>> -> memref<64xf32, #tpu.memory_space<hbm>>
    %dma_wait3A_945 = arith.constant 0 : i32
    %dma_wait3A_946 = tpu.memref_slice %arg10[%dma_wait3A_937, %dma_wait3A_938, %dma_wait3A_945] : memref<64x8x64xf32, #tpu.memory_space<vmem>> -> memref<1x1x64xf32, #tpu.memory_space<vmem>>
    %dma_wait3A_947 = tpu.memref_squeeze %dma_wait3A_946 : memref<1x1x64xf32, #tpu.memory_space<vmem>> -> memref<64xf32, #tpu.memory_space<vmem>>
    %dma_wait3A_948 = arith.constant 0 : i32
    %dma_wait3A_949 = tpu.memref_slice %arg5[%dma_wait3A_935, %dma_wait3A_936, %dma_wait3A_948] : memref<12500x8x64xf32, #tpu.memory_space<hbm>> -> memref<1x1x64xf32, #tpu.memory_space<hbm>>
    %dma_wait3A_950 = tpu.memref_squeeze %dma_wait3A_949 : memref<1x1x64xf32, #tpu.memory_space<hbm>> -> memref<64xf32, #tpu.memory_space<hbm>>
    tpu.wait_dma2 semaphore(%arg12 : memref<!tpu.dma_semaphore, #tpu.memory_space<semaphore_mem>>) src(%dma_wait3A_950 : memref<64xf32, #tpu.memory_space<hbm>>) dst(%dma_wait3A_947 : memref<64xf32, #tpu.memory_space<vmem>>)
    %dma_wait3A_951 = arith.constant 0 : i32
    %dma_wait3A_952 = arith.constant 0 : i32
    %dma_wait3A_953 = arith.constant 0 : i32
    %dma_wait3A_954 = arith.constant 0 : i32
    %dma_wait3A_955 = arith.constant 0 : i32
    %dma_wait3A_956 = tpu.memref_slice %arg10[%dma_wait3A_953, %dma_wait3A_954, %dma_wait3A_955] : memref<64x8x64xf32, #tpu.memory_space<vmem>> -> memref<1x1x64xf32, #tpu.memory_space<vmem>>
    %dma_wait3A_957 = tpu.memref_squeeze %dma_wait3A_956 : memref<1x1x64xf32, #tpu.memory_space<vmem>> -> memref<64xf32, #tpu.memory_space<vmem>>
    %dma_wait3A_958 = arith.constant 0 : i32
    %dma_wait3A_959 = tpu.memref_slice %arg5[%dma_wait3A_951, %dma_wait3A_952, %dma_wait3A_958] : memref<12500x8x64xf32, #tpu.memory_space<hbm>> -> memref<1x1x64xf32, #tpu.memory_space<hbm>>
    %dma_wait3A_960 = tpu.memref_squeeze %dma_wait3A_959 : memref<1x1x64xf32, #tpu.memory_space<hbm>> -> memref<64xf32, #tpu.memory_space<hbm>>
    %dma_wait3A_961 = arith.constant 0 : i32
    %dma_wait3A_962 = tpu.memref_slice %arg10[%dma_wait3A_953, %dma_wait3A_954, %dma_wait3A_961] : memref<64x8x64xf32, #tpu.memory_space<vmem>> -> memref<1x1x64xf32, #tpu.memory_space<vmem>>
    %dma_wait3A_963 = tpu.memref_squeeze %dma_wait3A_962 : memref<1x1x64xf32, #tpu.memory_space<vmem>> -> memref<64xf32, #tpu.memory_space<vmem>>
    %dma_wait3A_964 = arith.constant 0 : i32
    %dma_wait3A_965 = tpu.memref_slice %arg5[%dma_wait3A_951, %dma_wait3A_952, %dma_wait3A_964] : memref<12500x8x64xf32, #tpu.memory_space<hbm>> -> memref<1x1x64xf32, #tpu.memory_space<hbm>>
    %dma_wait3A_966 = tpu.memref_squeeze %dma_wait3A_965 : memref<1x1x64xf32, #tpu.memory_space<hbm>> -> memref<64xf32, #tpu.memory_space<hbm>>
    tpu.wait_dma2 semaphore(%arg12 : memref<!tpu.dma_semaphore, #tpu.memory_space<semaphore_mem>>) src(%dma_wait3A_966 : memref<64xf32, #tpu.memory_space<hbm>>) dst(%dma_wait3A_963 : memref<64xf32, #tpu.memory_space<vmem>>)
    %dma_wait3A_967 = arith.constant 0 : i32
    %dma_wait3A_968 = arith.constant 0 : i32
    %dma_wait3A_969 = arith.constant 0 : i32
    %dma_wait3A_970 = arith.constant 0 : i32
    %dma_wait3A_971 = arith.constant 0 : i32
    %dma_wait3A_972 = tpu.memref_slice %arg10[%dma_wait3A_969, %dma_wait3A_970, %dma_wait3A_971] : memref<64x8x64xf32, #tpu.memory_space<vmem>> -> memref<1x1x64xf32, #tpu.memory_space<vmem>>
    %dma_wait3A_973 = tpu.memref_squeeze %dma_wait3A_972 : memref<1x1x64xf32, #tpu.memory_space<vmem>> -> memref<64xf32, #tpu.memory_space<vmem>>
    %dma_wait3A_974 = arith.constant 0 : i32
    %dma_wait3A_975 = tpu.memref_slice %arg5[%dma_wait3A_967, %dma_wait3A_968, %dma_wait3A_974] : memref<12500x8x64xf32, #tpu.memory_space<hbm>> -> memref<1x1x64xf32, #tpu.memory_space<hbm>>
    %dma_wait3A_976 = tpu.memref_squeeze %dma_wait3A_975 : memref<1x1x64xf32, #tpu.memory_space<hbm>> -> memref<64xf32, #tpu.memory_space<hbm>>
    %dma_wait3A_977 = arith.constant 0 : i32
    %dma_wait3A_978 = tpu.memref_slice %arg10[%dma_wait3A_969, %dma_wait3A_970, %dma_wait3A_977] : memref<64x8x64xf32, #tpu.memory_space<vmem>> -> memref<1x1x64xf32, #tpu.memory_space<vmem>>
    %dma_wait3A_979 = tpu.memref_squeeze %dma_wait3A_978 : memref<1x1x64xf32, #tpu.memory_space<vmem>> -> memref<64xf32, #tpu.memory_space<vmem>>
    %dma_wait3A_980 = arith.constant 0 : i32
    %dma_wait3A_981 = tpu.memref_slice %arg5[%dma_wait3A_967, %dma_wait3A_968, %dma_wait3A_980] : memref<12500x8x64xf32, #tpu.memory_space<hbm>> -> memref<1x1x64xf32, #tpu.memory_space<hbm>>
    %dma_wait3A_982 = tpu.memref_squeeze %dma_wait3A_981 : memref<1x1x64xf32, #tpu.memory_space<hbm>> -> memref<64xf32, #tpu.memory_space<hbm>>
    tpu.wait_dma2 semaphore(%arg12 : memref<!tpu.dma_semaphore, #tpu.memory_space<semaphore_mem>>) src(%dma_wait3A_982 : memref<64xf32, #tpu.memory_space<hbm>>) dst(%dma_wait3A_979 : memref<64xf32, #tpu.memory_space<vmem>>)
    %dma_wait3A_983 = arith.constant 0 : i32
    %dma_wait3A_984 = arith.constant 0 : i32
    %dma_wait3A_985 = arith.constant 0 : i32
    %dma_wait3A_986 = arith.constant 0 : i32
    %dma_wait3A_987 = arith.constant 0 : i32
    %dma_wait3A_988 = tpu.memref_slice %arg10[%dma_wait3A_985, %dma_wait3A_986, %dma_wait3A_987] : memref<64x8x64xf32, #tpu.memory_space<vmem>> -> memref<1x1x64xf32, #tpu.memory_space<vmem>>
    %dma_wait3A_989 = tpu.memref_squeeze %dma_wait3A_988 : memref<1x1x64xf32, #tpu.memory_space<vmem>> -> memref<64xf32, #tpu.memory_space<vmem>>
    %dma_wait3A_990 = arith.constant 0 : i32
    %dma_wait3A_991 = tpu.memref_slice %arg5[%dma_wait3A_983, %dma_wait3A_984, %dma_wait3A_990] : memref<12500x8x64xf32, #tpu.memory_space<hbm>> -> memref<1x1x64xf32, #tpu.memory_space<hbm>>
    %dma_wait3A_992 = tpu.memref_squeeze %dma_wait3A_991 : memref<1x1x64xf32, #tpu.memory_space<hbm>> -> memref<64xf32, #tpu.memory_space<hbm>>
    %dma_wait3A_993 = arith.constant 0 : i32
    %dma_wait3A_994 = tpu.memref_slice %arg10[%dma_wait3A_985, %dma_wait3A_986, %dma_wait3A_993] : memref<64x8x64xf32, #tpu.memory_space<vmem>> -> memref<1x1x64xf32, #tpu.memory_space<vmem>>
    %dma_wait3A_995 = tpu.memref_squeeze %dma_wait3A_994 : memref<1x1x64xf32, #tpu.memory_space<vmem>> -> memref<64xf32, #tpu.memory_space<vmem>>
    %dma_wait3A_996 = arith.constant 0 : i32
    %dma_wait3A_997 = tpu.memref_slice %arg5[%dma_wait3A_983, %dma_wait3A_984, %dma_wait3A_996] : memref<12500x8x64xf32, #tpu.memory_space<hbm>> -> memref<1x1x64xf32, #tpu.memory_space<hbm>>
    %dma_wait3A_998 = tpu.memref_squeeze %dma_wait3A_997 : memref<1x1x64xf32, #tpu.memory_space<hbm>> -> memref<64xf32, #tpu.memory_space<hbm>>
    tpu.wait_dma2 semaphore(%arg12 : memref<!tpu.dma_semaphore, #tpu.memory_space<semaphore_mem>>) src(%dma_wait3A_998 : memref<64xf32, #tpu.memory_space<hbm>>) dst(%dma_wait3A_995 : memref<64xf32, #tpu.memory_space<vmem>>)
    %dma_wait3A_999 = arith.constant 0 : i32
    %dma_wait3A_1000 = arith.constant 0 : i32
    %dma_wait3A_1001 = arith.constant 0 : i32
    %dma_wait3A_1002 = arith.constant 0 : i32
    %dma_wait3A_1003 = arith.constant 0 : i32
    %dma_wait3A_1004 = tpu.memref_slice %arg10[%dma_wait3A_1001, %dma_wait3A_1002, %dma_wait3A_1003] : memref<64x8x64xf32, #tpu.memory_space<vmem>> -> memref<1x1x64xf32, #tpu.memory_space<vmem>>
    %dma_wait3A_1005 = tpu.memref_squeeze %dma_wait3A_1004 : memref<1x1x64xf32, #tpu.memory_space<vmem>> -> memref<64xf32, #tpu.memory_space<vmem>>
    %dma_wait3A_1006 = arith.constant 0 : i32
    %dma_wait3A_1007 = tpu.memref_slice %arg5[%dma_wait3A_999, %dma_wait3A_1000, %dma_wait3A_1006] : memref<12500x8x64xf32, #tpu.memory_space<hbm>> -> memref<1x1x64xf32, #tpu.memory_space<hbm>>
    %dma_wait3A_1008 = tpu.memref_squeeze %dma_wait3A_1007 : memref<1x1x64xf32, #tpu.memory_space<hbm>> -> memref<64xf32, #tpu.memory_space<hbm>>
    %dma_wait3A_1009 = arith.constant 0 : i32
    %dma_wait3A_1010 = tpu.memref_slice %arg10[%dma_wait3A_1001, %dma_wait3A_1002, %dma_wait3A_1009] : memref<64x8x64xf32, #tpu.memory_space<vmem>> -> memref<1x1x64xf32, #tpu.memory_space<vmem>>
    %dma_wait3A_1011 = tpu.memref_squeeze %dma_wait3A_1010 : memref<1x1x64xf32, #tpu.memory_space<vmem>> -> memref<64xf32, #tpu.memory_space<vmem>>
    %dma_wait3A_1012 = arith.constant 0 : i32
    %dma_wait3A_1013 = tpu.memref_slice %arg5[%dma_wait3A_999, %dma_wait3A_1000, %dma_wait3A_1012] : memref<12500x8x64xf32, #tpu.memory_space<hbm>> -> memref<1x1x64xf32, #tpu.memory_space<hbm>>
    %dma_wait3A_1014 = tpu.memref_squeeze %dma_wait3A_1013 : memref<1x1x64xf32, #tpu.memory_space<hbm>> -> memref<64xf32, #tpu.memory_space<hbm>>
    tpu.wait_dma2 semaphore(%arg12 : memref<!tpu.dma_semaphore, #tpu.memory_space<semaphore_mem>>) src(%dma_wait3A_1014 : memref<64xf32, #tpu.memory_space<hbm>>) dst(%dma_wait3A_1011 : memref<64xf32, #tpu.memory_space<vmem>>)
    %dma_wait3A_1015 = arith.constant 0 : i32
    %dma_wait3A_1016 = arith.constant 0 : i32
    %dma_wait3A_1017 = arith.constant 0 : i32
    %dma_wait3A_1018 = arith.constant 0 : i32
    %dma_wait3A_1019 = arith.constant 0 : i32
    %dma_wait3A_1020 = tpu.memref_slice %arg10[%dma_wait3A_1017, %dma_wait3A_1018, %dma_wait3A_1019] : memref<64x8x64xf32, #tpu.memory_space<vmem>> -> memref<1x1x64xf32, #tpu.memory_space<vmem>>
    %dma_wait3A_1021 = tpu.memref_squeeze %dma_wait3A_1020 : memref<1x1x64xf32, #tpu.memory_space<vmem>> -> memref<64xf32, #tpu.memory_space<vmem>>
    %dma_wait3A_1022 = arith.constant 0 : i32
    %dma_wait3A_1023 = tpu.memref_slice %arg5[%dma_wait3A_1015, %dma_wait3A_1016, %dma_wait3A_1022] : memref<12500x8x64xf32, #tpu.memory_space<hbm>> -> memref<1x1x64xf32, #tpu.memory_space<hbm>>
    %dma_wait3A_1024 = tpu.memref_squeeze %dma_wait3A_1023 : memref<1x1x64xf32, #tpu.memory_space<hbm>> -> memref<64xf32, #tpu.memory_space<hbm>>
    %dma_wait3A_1025 = arith.constant 0 : i32
    %dma_wait3A_1026 = tpu.memref_slice %arg10[%dma_wait3A_1017, %dma_wait3A_1018, %dma_wait3A_1025] : memref<64x8x64xf32, #tpu.memory_space<vmem>> -> memref<1x1x64xf32, #tpu.memory_space<vmem>>
    %dma_wait3A_1027 = tpu.memref_squeeze %dma_wait3A_1026 : memref<1x1x64xf32, #tpu.memory_space<vmem>> -> memref<64xf32, #tpu.memory_space<vmem>>
    %dma_wait3A_1028 = arith.constant 0 : i32
    %dma_wait3A_1029 = tpu.memref_slice %arg5[%dma_wait3A_1015, %dma_wait3A_1016, %dma_wait3A_1028] : memref<12500x8x64xf32, #tpu.memory_space<hbm>> -> memref<1x1x64xf32, #tpu.memory_space<hbm>>
    %dma_wait3A_1030 = tpu.memref_squeeze %dma_wait3A_1029 : memref<1x1x64xf32, #tpu.memory_space<hbm>> -> memref<64xf32, #tpu.memory_space<hbm>>
    tpu.wait_dma2 semaphore(%arg12 : memref<!tpu.dma_semaphore, #tpu.memory_space<semaphore_mem>>) src(%dma_wait3A_1030 : memref<64xf32, #tpu.memory_space<hbm>>) dst(%dma_wait3A_1027 : memref<64xf32, #tpu.memory_space<vmem>>)
    %dma_wait3A_1031 = arith.constant 0 : i32
    %dma_wait3A_1032 = arith.constant 0 : i32
    %dma_wait3A_1033 = arith.constant 0 : i32
    %dma_wait3A_1034 = arith.constant 0 : i32
    %dma_wait3A_1035 = arith.constant 0 : i32
    %dma_wait3A_1036 = tpu.memref_slice %arg10[%dma_wait3A_1033, %dma_wait3A_1034, %dma_wait3A_1035] : memref<64x8x64xf32, #tpu.memory_space<vmem>> -> memref<1x1x64xf32, #tpu.memory_space<vmem>>
    %dma_wait3A_1037 = tpu.memref_squeeze %dma_wait3A_1036 : memref<1x1x64xf32, #tpu.memory_space<vmem>> -> memref<64xf32, #tpu.memory_space<vmem>>
    %dma_wait3A_1038 = arith.constant 0 : i32
    %dma_wait3A_1039 = tpu.memref_slice %arg5[%dma_wait3A_1031, %dma_wait3A_1032, %dma_wait3A_1038] : memref<12500x8x64xf32, #tpu.memory_space<hbm>> -> memref<1x1x64xf32, #tpu.memory_space<hbm>>
    %dma_wait3A_1040 = tpu.memref_squeeze %dma_wait3A_1039 : memref<1x1x64xf32, #tpu.memory_space<hbm>> -> memref<64xf32, #tpu.memory_space<hbm>>
    %dma_wait3A_1041 = arith.constant 0 : i32
    %dma_wait3A_1042 = tpu.memref_slice %arg10[%dma_wait3A_1033, %dma_wait3A_1034, %dma_wait3A_1041] : memref<64x8x64xf32, #tpu.memory_space<vmem>> -> memref<1x1x64xf32, #tpu.memory_space<vmem>>
    %dma_wait3A_1043 = tpu.memref_squeeze %dma_wait3A_1042 : memref<1x1x64xf32, #tpu.memory_space<vmem>> -> memref<64xf32, #tpu.memory_space<vmem>>
    %dma_wait3A_1044 = arith.constant 0 : i32
    %dma_wait3A_1045 = tpu.memref_slice %arg5[%dma_wait3A_1031, %dma_wait3A_1032, %dma_wait3A_1044] : memref<12500x8x64xf32, #tpu.memory_space<hbm>> -> memref<1x1x64xf32, #tpu.memory_space<hbm>>
    %dma_wait3A_1046 = tpu.memref_squeeze %dma_wait3A_1045 : memref<1x1x64xf32, #tpu.memory_space<hbm>> -> memref<64xf32, #tpu.memory_space<hbm>>
    tpu.wait_dma2 semaphore(%arg12 : memref<!tpu.dma_semaphore, #tpu.memory_space<semaphore_mem>>) src(%dma_wait3A_1046 : memref<64xf32, #tpu.memory_space<hbm>>) dst(%dma_wait3A_1043 : memref<64xf32, #tpu.memory_space<vmem>>)
    %dma_wait3A_1047 = arith.constant 0 : i32
    %dma_wait3A_1048 = arith.constant 0 : i32
    %dma_wait3A_1049 = arith.constant 0 : i32
    %dma_wait3A_1050 = arith.constant 0 : i32
    %dma_wait3A_1051 = arith.constant 0 : i32
    %dma_wait3A_1052 = tpu.memref_slice %arg10[%dma_wait3A_1049, %dma_wait3A_1050, %dma_wait3A_1051] : memref<64x8x64xf32, #tpu.memory_space<vmem>> -> memref<1x1x64xf32, #tpu.memory_space<vmem>>
    %dma_wait3A_1053 = tpu.memref_squeeze %dma_wait3A_1052 : memref<1x1x64xf32, #tpu.memory_space<vmem>> -> memref<64xf32, #tpu.memory_space<vmem>>
    %dma_wait3A_1054 = arith.constant 0 : i32
    %dma_wait3A_1055 = tpu.memref_slice %arg5[%dma_wait3A_1047, %dma_wait3A_1048, %dma_wait3A_1054] : memref<12500x8x64xf32, #tpu.memory_space<hbm>> -> memref<1x1x64xf32, #tpu.memory_space<hbm>>
    %dma_wait3A_1056 = tpu.memref_squeeze %dma_wait3A_1055 : memref<1x1x64xf32, #tpu.memory_space<hbm>> -> memref<64xf32, #tpu.memory_space<hbm>>
    %dma_wait3A_1057 = arith.constant 0 : i32
    %dma_wait3A_1058 = tpu.memref_slice %arg10[%dma_wait3A_1049, %dma_wait3A_1050, %dma_wait3A_1057] : memref<64x8x64xf32, #tpu.memory_space<vmem>> -> memref<1x1x64xf32, #tpu.memory_space<vmem>>
    %dma_wait3A_1059 = tpu.memref_squeeze %dma_wait3A_1058 : memref<1x1x64xf32, #tpu.memory_space<vmem>> -> memref<64xf32, #tpu.memory_space<vmem>>
    %dma_wait3A_1060 = arith.constant 0 : i32
    %dma_wait3A_1061 = tpu.memref_slice %arg5[%dma_wait3A_1047, %dma_wait3A_1048, %dma_wait3A_1060] : memref<12500x8x64xf32, #tpu.memory_space<hbm>> -> memref<1x1x64xf32, #tpu.memory_space<hbm>>
    %dma_wait3A_1062 = tpu.memref_squeeze %dma_wait3A_1061 : memref<1x1x64xf32, #tpu.memory_space<hbm>> -> memref<64xf32, #tpu.memory_space<hbm>>
    tpu.wait_dma2 semaphore(%arg12 : memref<!tpu.dma_semaphore, #tpu.memory_space<semaphore_mem>>) src(%dma_wait3A_1062 : memref<64xf32, #tpu.memory_space<hbm>>) dst(%dma_wait3A_1059 : memref<64xf32, #tpu.memory_space<vmem>>)
    %dma_wait3A_1063 = arith.constant 0 : i32
    %dma_wait3A_1064 = arith.constant 0 : i32
    %dma_wait3A_1065 = arith.constant 0 : i32
    %dma_wait3A_1066 = arith.constant 0 : i32
    %dma_wait3A_1067 = arith.constant 0 : i32
    %dma_wait3A_1068 = tpu.memref_slice %arg10[%dma_wait3A_1065, %dma_wait3A_1066, %dma_wait3A_1067] : memref<64x8x64xf32, #tpu.memory_space<vmem>> -> memref<1x1x64xf32, #tpu.memory_space<vmem>>
    %dma_wait3A_1069 = tpu.memref_squeeze %dma_wait3A_1068 : memref<1x1x64xf32, #tpu.memory_space<vmem>> -> memref<64xf32, #tpu.memory_space<vmem>>
    %dma_wait3A_1070 = arith.constant 0 : i32
    %dma_wait3A_1071 = tpu.memref_slice %arg5[%dma_wait3A_1063, %dma_wait3A_1064, %dma_wait3A_1070] : memref<12500x8x64xf32, #tpu.memory_space<hbm>> -> memref<1x1x64xf32, #tpu.memory_space<hbm>>
    %dma_wait3A_1072 = tpu.memref_squeeze %dma_wait3A_1071 : memref<1x1x64xf32, #tpu.memory_space<hbm>> -> memref<64xf32, #tpu.memory_space<hbm>>
    %dma_wait3A_1073 = arith.constant 0 : i32
    %dma_wait3A_1074 = tpu.memref_slice %arg10[%dma_wait3A_1065, %dma_wait3A_1066, %dma_wait3A_1073] : memref<64x8x64xf32, #tpu.memory_space<vmem>> -> memref<1x1x64xf32, #tpu.memory_space<vmem>>
    %dma_wait3A_1075 = tpu.memref_squeeze %dma_wait3A_1074 : memref<1x1x64xf32, #tpu.memory_space<vmem>> -> memref<64xf32, #tpu.memory_space<vmem>>
    %dma_wait3A_1076 = arith.constant 0 : i32
    %dma_wait3A_1077 = tpu.memref_slice %arg5[%dma_wait3A_1063, %dma_wait3A_1064, %dma_wait3A_1076] : memref<12500x8x64xf32, #tpu.memory_space<hbm>> -> memref<1x1x64xf32, #tpu.memory_space<hbm>>
    %dma_wait3A_1078 = tpu.memref_squeeze %dma_wait3A_1077 : memref<1x1x64xf32, #tpu.memory_space<hbm>> -> memref<64xf32, #tpu.memory_space<hbm>>
    tpu.wait_dma2 semaphore(%arg12 : memref<!tpu.dma_semaphore, #tpu.memory_space<semaphore_mem>>) src(%dma_wait3A_1078 : memref<64xf32, #tpu.memory_space<hbm>>) dst(%dma_wait3A_1075 : memref<64xf32, #tpu.memory_space<vmem>>)
    %add3A_1079 = arith.constant 256 : i32
    %add3A_1080 = arith.addi %mul3A_2, %add3A_1079 : i32
    %jit3A_1081 = arith.constant 8 : i32
    %div3A_1082 = arith.divsi %add3A_1080, %jit3A_1081 : i32
    %sign3A_1083 = arith.constant 0 : i32
    %sign3A_1084 = arith.cmpi sgt, %add3A_1080, %sign3A_1083 : i32
    %sign3A_1085 = arith.extui %sign3A_1084 : i1 to i32
    %sign3A_1086 = arith.constant 0 : i32
    %sign3A_1087 = arith.cmpi slt, %add3A_1080, %sign3A_1086 : i32
    %sign3A_1088 = arith.extui %sign3A_1087 : i1 to i32
    %sign3A_1089 = arith.subi %sign3A_1085, %sign3A_1088 : i32
    %sign3A_1090 = arith.constant 0 : i32
    %sign3A_1091 = arith.cmpi sgt, %jit3A_1081, %sign3A_1090 : i32
    %sign3A_1092 = arith.extui %sign3A_1091 : i1 to i32
    %sign3A_1093 = arith.constant 0 : i32
    %sign3A_1094 = arith.cmpi slt, %jit3A_1081, %sign3A_1093 : i32
    %sign3A_1095 = arith.extui %sign3A_1094 : i1 to i32
    %sign3A_1096 = arith.subi %sign3A_1092, %sign3A_1095 : i32
    %ne3A_1097 = arith.cmpi ne, %sign3A_1089, %sign3A_1096 : i32
    %rem3A_1098 = arith.remsi %add3A_1080, %jit3A_1081 : i32
    %ne3A_1099 = arith.constant 0 : i32
    %ne3A_1100 = arith.cmpi ne, %rem3A_1098, %ne3A_1099 : i32
    %and3A_1101 = arith.andi %ne3A_1097, %ne3A_1100 : i1
    %sub3A_1102 = arith.constant 1 : i32
    %sub3A_1103 = arith.subi %div3A_1082, %sub3A_1102 : i32
    %select_n3A_1104 = arith.select %and3A_1101, %sub3A_1103, %div3A_1082 : i32
    "tpu.region"() ({
      %run_scoped3A = tpu.sem_alloc : memref<!tpu.dma_semaphore, #tpu.memory_space<semaphore_mem>>
      %dma_start3A = arith.constant 0 : i32
      %dma_start3A_1131 = arith.constant 0 : i32
      %dma_start3A_1132 = arith.constant 0 : i32
      %dma_start3A_1133 = tpu.memref_slice %arg10[%dma_start3A, %dma_start3A_1131, %dma_start3A_1132] : memref<64x8x64xf32, #tpu.memory_space<vmem>> -> memref<32x8x64xf32, #tpu.memory_space<vmem>>
      %dma_start3A_1134 = arith.constant 0 : i32
      %dma_start3A_1135 = arith.constant 0 : i32
      %dma_start3A_1136 = tpu.memref_slice %arg6[%select_n3A_1104, %dma_start3A_1134, %dma_start3A_1135] : memref<2048x8x64xf32, #tpu.memory_space<hbm>> -> memref<32x8x64xf32, #tpu.memory_space<hbm>>
      %dma_start3A_1137 = arith.constant 0 : i32
      %dma_start3A_1138 = arith.constant 0 : i32
      %dma_start3A_1139 = tpu.memref_slice %arg6[%select_n3A_1104, %dma_start3A_1137, %dma_start3A_1138] : memref<2048x8x64xf32, #tpu.memory_space<hbm>> -> memref<32x8x64xf32, #tpu.memory_space<hbm>>
      %dma_start3A_1140 = arith.constant 0 : i32
      %dma_start3A_1141 = arith.constant 0 : i32
      %dma_start3A_1142 = arith.constant 0 : i32
      %dma_start3A_1143 = tpu.memref_slice %arg10[%dma_start3A_1140, %dma_start3A_1141, %dma_start3A_1142] : memref<64x8x64xf32, #tpu.memory_space<vmem>> -> memref<32x8x64xf32, #tpu.memory_space<vmem>>
      tpu.enqueue_dma source(%dma_start3A_1143 : memref<32x8x64xf32, #tpu.memory_space<vmem>>) target(%dma_start3A_1139 : memref<32x8x64xf32, #tpu.memory_space<hbm>>) target_semaphore(%run_scoped3A : memref<!tpu.dma_semaphore, #tpu.memory_space<semaphore_mem>>)
      %dma_wait3A_1144 = arith.constant 0 : i32
      %dma_wait3A_1145 = arith.constant 0 : i32
      %dma_wait3A_1146 = arith.constant 0 : i32
      %dma_wait3A_1147 = tpu.memref_slice %arg10[%dma_wait3A_1144, %dma_wait3A_1145, %dma_wait3A_1146] : memref<64x8x64xf32, #tpu.memory_space<vmem>> -> memref<32x8x64xf32, #tpu.memory_space<vmem>>
      %dma_wait3A_1148 = arith.constant 0 : i32
      %dma_wait3A_1149 = arith.constant 0 : i32
      %dma_wait3A_1150 = tpu.memref_slice %arg6[%select_n3A_1104, %dma_wait3A_1148, %dma_wait3A_1149] : memref<2048x8x64xf32, #tpu.memory_space<hbm>> -> memref<32x8x64xf32, #tpu.memory_space<hbm>>
      %dma_wait3A_1151 = arith.constant 0 : i32
      %dma_wait3A_1152 = arith.constant 0 : i32
      %dma_wait3A_1153 = tpu.memref_slice %arg6[%select_n3A_1104, %dma_wait3A_1151, %dma_wait3A_1152] : memref<2048x8x64xf32, #tpu.memory_space<hbm>> -> memref<32x8x64xf32, #tpu.memory_space<hbm>>
      %dma_wait3A_1154 = arith.constant 0 : i32
      %dma_wait3A_1155 = arith.constant 0 : i32
      %dma_wait3A_1156 = arith.constant 0 : i32
      %dma_wait3A_1157 = tpu.memref_slice %arg10[%dma_wait3A_1154, %dma_wait3A_1155, %dma_wait3A_1156] : memref<64x8x64xf32, #tpu.memory_space<vmem>> -> memref<32x8x64xf32, #tpu.memory_space<vmem>>
      tpu.wait_dma2 semaphore(%run_scoped3A : memref<!tpu.dma_semaphore, #tpu.memory_space<semaphore_mem>>) src(%dma_wait3A_1157 : memref<32x8x64xf32, #tpu.memory_space<vmem>>) dst(%dma_wait3A_1153 : memref<32x8x64xf32, #tpu.memory_space<hbm>>)
      tpu.yield
    }) : () -> ()
    %add3A_1105 = arith.constant 256 : i32
    %add3A_1106 = arith.addi %mul3A_2, %add3A_1105 : i32
    %jit3A_1107 = arith.constant 8 : i32
    %div3A_1108 = arith.divsi %add3A_1106, %jit3A_1107 : i32
    %sign3A_1109 = arith.constant 0 : i32
    %sign3A_1110 = arith.cmpi sgt, %add3A_1106, %sign3A_1109 : i32
    %sign3A_1111 = arith.extui %sign3A_1110 : i1 to i32
    %sign3A_1112 = arith.constant 0 : i32
    %sign3A_1113 = arith.cmpi slt, %add3A_1106, %sign3A_1112 : i32
    %sign3A_1114 = arith.extui %sign3A_1113 : i1 to i32
    %sign3A_1115 = arith.subi %sign3A_1111, %sign3A_1114 : i32
    %sign3A_1116 = arith.constant 0 : i32
    %sign3A_1117 = arith.cmpi sgt, %jit3A_1107, %sign3A_1116 : i32
    %sign3A_1118 = arith.extui %sign3A_1117 : i1 to i32
    %sign3A_1119 = arith.constant 0 : i32
    %sign3A_1120 = arith.cmpi slt, %jit3A_1107, %sign3A_1119 : i32
    %sign3A_1121 = arith.extui %sign3A_1120 : i1 to i32
    %sign3A_1122 = arith.subi %sign3A_1118, %sign3A_1121 : i32
    %ne3A_1123 = arith.cmpi ne, %sign3A_1115, %sign3A_1122 : i32
    %rem3A_1124 = arith.remsi %add3A_1106, %jit3A_1107 : i32
    %ne3A_1125 = arith.constant 0 : i32
    %ne3A_1126 = arith.cmpi ne, %rem3A_1124, %ne3A_1125 : i32
    %and3A_1127 = arith.andi %ne3A_1123, %ne3A_1126 : i1
    %sub3A_1128 = arith.constant 1 : i32
    %sub3A_1129 = arith.subi %div3A_1108, %sub3A_1128 : i32
    %select_n3A_1130 = arith.select %and3A_1127, %sub3A_1129, %div3A_1108 : i32
    "tpu.region"() ({
      %run_scoped3A = tpu.sem_alloc : memref<!tpu.dma_semaphore, #tpu.memory_space<semaphore_mem>>
      %dma_start3A = arith.constant 32 : i32
      %dma_start3A_1131 = arith.constant 0 : i32
      %dma_start3A_1132 = arith.constant 0 : i32
      %dma_start3A_1133 = tpu.memref_slice %arg10[%dma_start3A, %dma_start3A_1131, %dma_start3A_1132] : memref<64x8x64xf32, #tpu.memory_space<vmem>> -> memref<32x8x64xf32, #tpu.memory_space<vmem>>
      %dma_start3A_1134 = arith.constant 0 : i32
      %dma_start3A_1135 = arith.constant 0 : i32
      %dma_start3A_1136 = tpu.memref_slice %arg7[%select_n3A_1130, %dma_start3A_1134, %dma_start3A_1135] : memref<2048x8x64xf32, #tpu.memory_space<hbm>> -> memref<32x8x64xf32, #tpu.memory_space<hbm>>
      %dma_start3A_1137 = arith.constant 0 : i32
      %dma_start3A_1138 = arith.constant 0 : i32
      %dma_start3A_1139 = tpu.memref_slice %arg7[%select_n3A_1130, %dma_start3A_1137, %dma_start3A_1138] : memref<2048x8x64xf32, #tpu.memory_space<hbm>> -> memref<32x8x64xf32, #tpu.memory_space<hbm>>
      %dma_start3A_1140 = arith.constant 32 : i32
      %dma_start3A_1141 = arith.constant 0 : i32
      %dma_start3A_1142 = arith.constant 0 : i32
      %dma_start3A_1143 = tpu.memref_slice %arg10[%dma_start3A_1140, %dma_start3A_1141, %dma_start3A_1142] : memref<64x8x64xf32, #tpu.memory_space<vmem>> -> memref<32x8x64xf32, #tpu.memory_space<vmem>>
      tpu.enqueue_dma source(%dma_start3A_1143 : memref<32x8x64xf32, #tpu.memory_space<vmem>>) target(%dma_start3A_1139 : memref<32x8x64xf32, #tpu.memory_space<hbm>>) target_semaphore(%run_scoped3A : memref<!tpu.dma_semaphore, #tpu.memory_space<semaphore_mem>>)
      %dma_wait3A_1144 = arith.constant 32 : i32
      %dma_wait3A_1145 = arith.constant 0 : i32
      %dma_wait3A_1146 = arith.constant 0 : i32
      %dma_wait3A_1147 = tpu.memref_slice %arg10[%dma_wait3A_1144, %dma_wait3A_1145, %dma_wait3A_1146] : memref<64x8x64xf32, #tpu.memory_space<vmem>> -> memref<32x8x64xf32, #tpu.memory_space<vmem>>
      %dma_wait3A_1148 = arith.constant 0 : i32
      %dma_wait3A_1149 = arith.constant 0 : i32
      %dma_wait3A_1150 = tpu.memref_slice %arg7[%select_n3A_1130, %dma_wait3A_1148, %dma_wait3A_1149] : memref<2048x8x64xf32, #tpu.memory_space<hbm>> -> memref<32x8x64xf32, #tpu.memory_space<hbm>>
      %dma_wait3A_1151 = arith.constant 0 : i32
      %dma_wait3A_1152 = arith.constant 0 : i32
      %dma_wait3A_1153 = tpu.memref_slice %arg7[%select_n3A_1130, %dma_wait3A_1151, %dma_wait3A_1152] : memref<2048x8x64xf32, #tpu.memory_space<hbm>> -> memref<32x8x64xf32, #tpu.memory_space<hbm>>
      %dma_wait3A_1154 = arith.constant 32 : i32
      %dma_wait3A_1155 = arith.constant 0 : i32
      %dma_wait3A_1156 = arith.constant 0 : i32
      %dma_wait3A_1157 = tpu.memref_slice %arg10[%dma_wait3A_1154, %dma_wait3A_1155, %dma_wait3A_1156] : memref<64x8x64xf32, #tpu.memory_space<vmem>> -> memref<32x8x64xf32, #tpu.memory_space<vmem>>
      tpu.wait_dma2 semaphore(%run_scoped3A : memref<!tpu.dma_semaphore, #tpu.memory_space<semaphore_mem>>) src(%dma_wait3A_1157 : memref<32x8x64xf32, #tpu.memory_space<vmem>>) dst(%dma_wait3A_1153 : memref<32x8x64xf32, #tpu.memory_space<hbm>>)
      tpu.yield
    }) : () -> ()
    return
  }
}

module attributes {stable_mosaic.version = 14 : i64} {
  func.func @_combine_body(%arg0: i32, %arg1: memref<2048x128xf32, #tpu.memory_space<vmem>>, %arg2: memref<128x64xf32, #tpu.memory_space<vmem>>, %arg3: memref<1x64xf32, #tpu.memory_space<vmem>>, %arg4: memref<2048x64xf32, #tpu.memory_space<vmem>>, %arg5: memref<2048x64xf32, #tpu.memory_space<vmem>>, %arg6: memref<2048xf32, #tpu.memory_space<vmem>>) attributes {dimension_semantics = [#tpu.dimension_semantics<arbitrary>], iteration_bounds = array<i64: 8>, scalar_prefetch = 0 : i64, scratch_operands = 0 : i64, tpu.core_type = #tpu.core_type<tc>, window_params = [{transform_indices = @transform_0, window_bounds = array<i64: 2048, 128>}, {pipeline_mode = #tpu.pipeline_mode<synchronous>, transform_indices = @transform_1, window_bounds = array<i64: 128, 64>}, {pipeline_mode = #tpu.pipeline_mode<synchronous>, transform_indices = @transform_2, window_bounds = array<i64: 1, 64>}, {transform_indices = @transform_3, window_bounds = array<i64: 2048, 64>}, {transform_indices = @transform_4, window_bounds = array<i64: 2048, 64>}, {transform_indices = @transform_5, window_bounds = array<i64: 2048>}]} {
    %get3A = arith.constant 0 : index
    %get3A_0 = arith.constant 0 : index
    %get3A_1 = vector.load %arg1[%get3A, %get3A_0] : memref<2048x128xf32, #tpu.memory_space<vmem>>, vector<2048x128xf32>
    %get3A_2 = arith.constant 0 : index
    %get3A_3 = arith.constant 0 : index
    %get3A_4 = vector.load %arg2[%get3A_2, %get3A_3] : memref<128x64xf32, #tpu.memory_space<vmem>>, vector<128x64xf32>
    %dot_general3A = arith.constant dense<0.000000e+00> : vector<2048x64xf32>
    %dot_general3A_5 = tpu.matmul %get3A_1, %get3A_4, %dot_general3A {dimension_numbers = #tpu.dot_dimension_numbers<[1], [0], [0], [1], [0, 0, 1, 1], [], []>, transpose_lhs_hint = false} : vector<2048x128xf32>, vector<128x64xf32>, vector<2048x64xf32> -> vector<2048x64xf32>
    %get3A_6 = arith.constant 0 : index
    %get3A_7 = arith.constant 0 : index
    %get3A_8 = vector.load %arg5[%get3A_6, %get3A_7] : memref<2048x64xf32, #tpu.memory_space<vmem>>, vector<2048x64xf32>
    %add3A = arith.addf %get3A_8, %dot_general3A_5 : vector<2048x64xf32>
    %get3A_9 = arith.constant 0 : index
    %get3A_10 = arith.constant 0 : index
    %get3A_11 = vector.load %arg3[%get3A_9, %get3A_10] : memref<1x64xf32, #tpu.memory_space<vmem>>, vector<1x64xf32>
    %add3A_12 = vector.broadcast %get3A_11 : vector<1x64xf32> to vector<2048x64xf32>
    %add3A_13 = arith.addf %add3A, %add3A_12 : vector<2048x64xf32>
    %get3A_14 = arith.constant 0 : index
    %get3A_15 = arith.constant 0 : index
    %get3A_16 = vector.load %arg4[%get3A_14, %get3A_15] : memref<2048x64xf32, #tpu.memory_space<vmem>>, vector<2048x64xf32>
    %mul3A = arith.mulf %get3A_16, %add3A_13 : vector<2048x64xf32>
    %reduce_sum3A = arith.constant dense<0.000000e+00> : vector<2048xf32>
    %reduce_sum3A_17 = vector.multi_reduction <add>, %mul3A, %reduce_sum3A [1] : vector<2048x64xf32> to vector<2048xf32>
    %swap3A = arith.constant 0 : index
    %swap3A_18 = vector.load %arg6[%swap3A] : memref<2048xf32, #tpu.memory_space<vmem>>, vector<2048xf32>
    tpu.vector_store %arg6[%swap3A], %reduce_sum3A_17 {strides = array<i32>} : memref<2048xf32, #tpu.memory_space<vmem>>, vector<2048xf32>,
    return
  }
  func.func @transform_0(%arg0: i32) -> (i32, i32) {
    %c0_i32 = arith.constant 0 : i32
    %c0_i32_0 = arith.constant 0 : i32
    return %arg0, %c0_i32 : i32, i32
  }
  func.func @transform_1(%arg0: i32) -> (i32, i32) {
    %c0_i32 = arith.constant 0 : i32
    %c0_i32_0 = arith.constant 0 : i32
    %c0_i32_1 = arith.constant 0 : i32
    return %c0_i32, %c0_i32_0 : i32, i32
  }
  func.func @transform_2(%arg0: i32) -> (i32, i32) {
    %c0_i32 = arith.constant 0 : i32
    %c0_i32_0 = arith.constant 0 : i32
    %c0_i32_1 = arith.constant 0 : i32
    return %c0_i32, %c0_i32_0 : i32, i32
  }
  func.func @transform_3(%arg0: i32) -> (i32, i32) {
    %c0_i32 = arith.constant 0 : i32
    %c0_i32_0 = arith.constant 0 : i32
    return %arg0, %c0_i32 : i32, i32
  }
  func.func @transform_4(%arg0: i32) -> (i32, i32) {
    %c0_i32 = arith.constant 0 : i32
    %c0_i32_0 = arith.constant 0 : i32
    return %arg0, %c0_i32 : i32, i32
  }
  func.func @transform_5(%arg0: i32) -> i32 {
    %c0_i32 = arith.constant 0 : i32
    return %arg0 : i32
  }
}

</mosaic_0001>

<sc_bundles>
// kernel: kernel.4.cloned.1.call-start
scs
__scs_entry_jumppad:
0x0: {  	(pc) =	sbr.rel $0x88, $3  }
0x1: {  	(tag) =	ssettag $0x0;
	lr =	simm.s32 $0x1  }
0x2: {  	[smem:$0x3F9A] =	sst lr;
	_ =	strace $0xD0000000  }
0x3: {  	_ = 	snop  }
0x4: {  	_ = 	snop  }
0x5: {  	_ = 	snop  }
0x6: {  	_ = 	snop  }
0x7: {  	_ = 	snop  }
__scs_overlays_trampoline_lowered:
0x8: {  	[smem:$0x3FA9] =	sst s0  }
0x9: {  	[smem:$0x3FAA] =	sst s1  }
0xa: {  	[smem:$0x3FAB] =	sst s2  }
0xb: {  	[smem:$0x3FAC] =	sst s3  }
0xc: {  	[smem:$0x3FAD] =	sst s4  }
0xd: {  	[smem:$0x3FAE] =	sst s5  }
0xe: {  	[smem:$0x3FAF] =	sst s6  }
0xf: {  	[smem:$0x3FB0] =	sst s7  }
0x10: {  	[smem:$0x3FB1] =	sst s8  }
0x11: {  	[smem:$0x3FB2] =	sst s9;
	s0 =	simm.s32 @!p0 $0x0  }
0x12: {  	s1 =	sld [smem:$0x3F98];
	s0 =	simm.s32 @p0 $0x1  }
0x13: {  	[smem:$0x3FB3] =	sst s0;
	s0 =	simm.s32 @!p1 $0x0  }
0x14: {  	s2 =	sld [smem:$0x3F97];
	s0 =	simm.s32 @p1 $0x1  }
0x15: {  	[smem:$0x3FB4] =	sst s0;
	s0 =	simm.s32 @!p2 $0x0  }
0x16: {  	s3 =	sld [smem:$0x3FDB];
	s0 =	simm.s32 @p2 $0x1  }
0x17: {  	s4 =	simm.s32 $0x1BF5;
	[smem:$0x3FB6] =	sst s0  }
0x18: {  	s0 =	sld [smem:$0x3F99];
	_ =	swait.ge [sflag:s4], $0x0  }
0x19: {  	s7 =	sld [smem:$0x3F9A]  }
0x1a: {  	s8 =	sadd.s32 $0xFFFFE003, lr  }
0x1b: {  	s9 =	sadd.s32 $0xFFFFFEF7, lr;
	s5 =	simm.s32 $0xFFFFFFFF;
	p2 =	slt.u32 s8, $0xFFFFF086  }
0x1c: {  	p1 =	slt.u32 s9, $0xF7A;
	s5 =	simm.s32 @!p2 $0x0  }
0x1d: {  	s5 =	simm.s32 @p1 $0x1;
	p0 =	seq.s32 s7, s2  }
0x1e: {  	s7 =	smul.u32 @!p0 $0xF7A, s2;
	p2 =	seq.s32 @!p0 s5, $0x0  }
0x1f: {  	s9 =	smul.u32 $0xF7A, s1;
	s8 =	simm.s32 @!p0 $0x1BF5;
	p2 =	por !p2, p0  }
0x20: {  	[sflag:s8] =	ssyncset.s32 @!p0 $0xFFFFF086;
	s6 =	sadd.s32 @!p0 s3, s7;
	s7 =	simm.s32 @!p0 $0x108  }
0x21: {  	s3 =	sadd.s32 s3, s9;
	s6 =	sadd.s32 @!p0 $0x88, s6;
	s7 =	simm.s32 @p2 $0x1082  }
0x22: {  	[simem:s7], [sflag:s8] =	dma.local @!p0 [hbm:s6], $0xF7A  }
0x23: {  	s9 =	sor.u32 $0xD0000000, s2;
	s6 =	simm.s32 $0x108;
	_ =	swait.ge @!p0 [sflag:s8], $0x0  }
0x24: {  	s3 =	sadd.s32 $0x88, s3;
	s6 =	simm.s32 @!p1 $0x1082;
	[sflag:s4] =	ssyncset.s32 $0xFFFFF086  }
0x25: {  	[simem:s6], [sflag:s4] =	dma.local [hbm:s3], $0xF7A  }
0x26: {  	[smem:$0x3F9A] =	sst s1;
	(tag) =	ssettag s2;
	_ =	strace s9  }
0x27: {  	s1 =	sld [smem:$0x3FAA]  }
0x28: {  	s2 =	sld [smem:$0x3FAB]  }
0x29: {  	s4 =	sld [smem:$0x3FAD]  }
0x2a: {  	p0 =	seq.s32 s5, $0x0;
	s5 =	sld [smem:$0x3FAE]  }
0x2b: {  	s6 =	sld [smem:$0x3FAF]  }
0x2c: {  	s7 =	sld [smem:$0x3FB0]  }
0x2d: {  	s3 =	simm.s32 $0x108;
	s8 =	sld [smem:$0x3FB1]  }
0x2e: {  	s3 =	simm.s32 @!p0 $0x1082;
	s9 =	sld [smem:$0x3FB2]  }
0x2f: {  	lr =	sadd.s32 s0, s3;
	s0 =	sld [smem:$0x3FA9]  }
0x30: {  	s3 =	sld [smem:$0x3FAC]  }
0x31: {  	[smem:$0x3FB5] =	sst s10  }
0x32: {  	s10 =	sld [smem:$0x3FB3];
	_ =	sdelay $0x3  }
0x33: {  	p0 =	seq.s32 s10, $0x1;
	s10 =	sld [smem:$0x3FB5];
	_ =	sdelay $0x3  }
0x34: {  	[smem:$0x3FB5] =	sst s10  }
0x35: {  	s10 =	sld [smem:$0x3FB4];
	_ =	sdelay $0x3  }
0x36: {  	p1 =	seq.s32 s10, $0x1;
	s10 =	sld [smem:$0x3FB5];
	_ =	sdelay $0x3  }
0x37: {  	[smem:$0x3FB5] =	sst s10  }
0x38: {  	s10 =	sld [smem:$0x3FB6]  }
0x39: {  	_ = 	snop;
	(pc) =	sbr.ind lr, $3  }
0x3a: {  	_ = 	snop  }
0x3b: {  	_ = 	snop  }
0x3c: {  	p2 =	seq.s32 s10, $0x1;
	s10 =	sld [smem:$0x3FB5]  }
0x3d: {  	_ =	shalt  }
0x3e: {  	_ =	shalt  }
0x3f: {  	_ =	shalt  }
0x40: {  	_ =	shalt  }
0x41: {  	_ =	shalt  }
0x42: {  	_ =	shalt  }
0x43: {  	_ =	shalt  }
0x44: {  	_ =	shalt  }
0x45: {  	_ =	shalt  }
0x46: {  	_ =	shalt  }
0x47: {  	_ =	shalt  }
0x48: {  	_ =	shalt  }
0x49: {  	_ =	shalt  }
0x4a: {  	_ =	shalt  }
0x4b: {  	_ =	shalt  }
0x4c: {  	_ =	shalt  }
0x4d: {  	_ =	shalt  }
0x4e: {  	_ =	shalt  }
0x4f: {  	_ =	shalt  }
0x50: {  	_ =	shalt  }
0x51: {  	_ =	shalt  }
0x52: {  	_ =	shalt  }
0x53: {  	_ =	shalt  }
0x54: {  	_ =	shalt  }
0x55: {  	_ =	shalt  }
0x56: {  	_ =	shalt  }
0x57: {  	_ =	shalt  }
0x58: {  	_ =	shalt  }
0x59: {  	_ =	shalt  }
0x5a: {  	_ =	shalt  }
0x5b: {  	_ =	shalt  }
0x5c: {  	_ =	shalt  }
0x5d: {  	_ =	shalt  }
0x5e: {  	_ =	shalt  }
0x5f: {  	_ =	shalt  }
0x60: {  	_ =	shalt  }
0x61: {  	_ =	shalt  }
0x62: {  	_ =	shalt  }
0x63: {  	_ =	shalt  }
0x64: {  	_ =	shalt  }
0x65: {  	_ =	shalt  }
0x66: {  	_ =	shalt  }
0x67: {  	_ =	shalt  }
0x68: {  	_ =	shalt  }
0x69: {  	_ =	shalt  }
0x6a: {  	_ =	shalt  }
0x6b: {  	_ =	shalt  }
0x6c: {  	_ =	shalt  }
0x6d: {  	_ =	shalt  }
0x6e: {  	_ =	shalt  }
0x6f: {  	_ =	shalt  }
0x70: {  	_ =	shalt  }
0x71: {  	_ =	shalt  }
0x72: {  	_ =	shalt  }
0x73: {  	_ =	shalt  }
0x74: {  	_ =	shalt  }
0x75: {  	_ =	shalt  }
0x76: {  	_ =	shalt  }
0x77: {  	_ =	shalt  }
0x78: {  	_ =	shalt  }
0x79: {  	_ =	shalt  }
0x7a: {  	_ =	shalt  }
0x7b: {  	_ =	shalt  }
0x7c: {  	_ =	shalt  }
0x7d: {  	_ =	shalt  }
0x7e: {  	_ =	shalt  }
0x7f: {  	_ =	shalt  }
0x80: {  	_ =	shalt  }
0x81: {  	_ =	shalt  }
0x82: {  	_ =	shalt  }
0x83: {  	_ =	shalt  }
0x84: {  	_ =	shalt  }
0x85: {  	_ =	shalt  }
0x86: {  	_ =	shalt  }
0x87: {  	_ =	shalt  }
.Lfunc_end0:
.L_simem_size_0:
called_computation_lowered:
.L_overlay_start_0:
0x88: {  	s2 =	sld [smem:$0x3FD9]  }
0x89: {  	s3 =	sld [smem:$0x3FFE];
	_ =	sdelay $0x1  }
0x8a: {  	s1 =	srdreg.scid  }
0x8b: {  	s0 =	sand.u32 $0x1, s1  }
0x8c: {  	s17 =	sshll.u32 s0, $0xA;
	s2 =	sadd.s32 s3, s2  }
0x8d: {  	s2 =	sadd.s32 s2, s17  }
0x8e: {  	[smem:$0x3FC1] =	sst s2  }
0x8f: {  	_ = 	snop  }
0x90: {  	s2 =	sld [smem:$0x3FC9]  }
0x91: {  	s18 =	sld [smem:$0x3FC8];
	(tm) =	ssettm $0x1  }
0x92: {  	s4 =	sld [smem:$0x3FFB];
	_ =	sdelay $0x3  }
0x93: {  	_ =	strace s4  }
0x94: {  	s4 =	sld [smem:$0x3FFC];
	_ =	sdelay $0x3  }
0x95: {  	_ =	strace s4  }
0x96: {  	s4 =	sld [smem:$0x3FFD];
	_ =	sdelay $0x3  }
0x97: {  	_ =	strace s4  }
0x98: {  	_ =	strace $0x8FFFFFFF  }
0x99: {  	s19 =	sld [smem:$0x3FDB];
	_ =	sdelay $0x1  }
0x9a: {  	s5 =	simm.s32 $_scs_section_size  }
0x9b: {  	s6 =	simm.s32 $_size__tile_overlayer_lowered;
	s7 =	simm.s32 $_tile_overlayer_lowered  }
0x9c: {  	s22 =	simm.s32 $0x1BFF;
	s21 =	sshll.u32 s7, $0x1;
	s4 =	sadd.s32 s5, s19  }
0x9d: {  	s8 =	simm.s32 $0x0;
	s20 =	sshll.u32 s6, $0x1;
	s6 =	sadd.s32 s21, s4  }
0x9e: {  	[timem:s8], [sflag:s22] =	dma.local [hbm:s6], s20  }
0x9f: {  	_ =	swait.ge [sflag:s22], s20  }
0xa0: {  	s5 =	ssub.s32 $0x0, s20;
	[sflag:s22] =	ssyncset.done $0x0  }
0xa1: {  	[sflag:s22] =	ssyncadd.s32 s5;
	_ =	sdelay $0x1  }
0xa2: {  	s23 =	simm.s32 $0x1B8B  }
0xa3: {  	_ =	swait.ge [sflag:s23], $0x1  }
0xa4: {  	[sflag:s23] =	ssyncset.done $0x0  }
0xa5: {  	s25 =	simm.s32 $0x1B8E;
	s24 =	sld [smem:$0x3FFE];
	[sflag:s23] =	ssyncadd.s32 $0xFFFFFFFF  }
0xa6: {  	s26 =	simm.s32 $execute0_lowered;
	[smem:$0x3FD2] =	sst s25  }
0xa7: {  	s6 =	sshll.u32 s26, $0x1;
	_ =	strace $0x80000046;
	[dreg:$0x1] =	wrdreg $0xFFFFFFFF  }
0xa8: {  	s28 =	simm.s32 $_size_execute0_lowered;
	s4 =	sadd.s32 s4, s6;
	[dreg:$0x0] =	wrdreg $0x0  }
0xa9: {  	s6 =	sshll.u32 s28, $0x1;
	[dreg:$0x2] =	wrdreg s4  }
0xaa: {  	[dreg:$0x3] =	wrdreg s6  }
0xab: {  	[dreg:$0x4] =	wrdreg $0xC0  }
0xac: {  	_ =	task [dreg:s8], $0x5FFFF  }
0xad: {  	[dreg:$0x1] =	wrdreg $0xFFFFFFFF  }
0xae: {  	[dreg:$0x0] =	wrdreg $0x60  }
0xaf: {  	[dreg:$0x2] =	wrdreg s2  }
0xb0: {  	[dreg:$0x3] =	wrdreg s18  }
0xb1: {  	[dreg:$0x4] =	wrdreg s24  }
0xb2: {  	[dreg:$0x5] =	wrdreg $0x9  }
0xb3: {  	_ =	task.clear_ibuf [dreg:s8], $0x6FFFF;
	_ =	strace $0x90000046  }
0xb4: {  	s29 =	simm.s32 $0x9;
	_ =	strace $0x80000048  }
0xb5: {  	_ =	swait.ge [sflag:s29], $0x1  }
0xb6: {  	[sflag:s29] =	ssyncadd.s32 $0xFFFFFFFF  }
0xb7: {  	_ =	strace $0x90000048  }
0xb8: {  	_ =	sfence  }
0xb9: {  	s30 =	sld [smem:$0x0];
	_ =	sdelay $0x2  }
0xba: {  	s31 =	sshll.u32 s1, $0xD;
	s1 =	sshrl.u32 s1, $0x2  }
0xbb: {  	s3 =	sand.u32 $0x4000, s31;
	s1 =	sadd.s32 s1, s30  }
0xbc: {  	s0 =	sor.u32 s3, s0;
	s1 =	sshll.u32 s1, $0x11  }
0xbd: {  	s0 =	sor.u32 s1, s0  }
0xbe: {  	s0 =	sadd.s32 $0x8F2B, s0  }
0xbf: {  	[sflag:s0] =	ssyncadd.remote.s32 $0x1  }
0xc0: {  	_ =	sfence.sel $0xFFFF  }
0xc1: {  	[dreg:$0x0] =	wrdreg $0xFFFFFFFF;
	(pc) =	sbr.abs _section_cstart, $3  }
0xc2: {  	[dreg:$0x1] =	wrdreg $0xFFFFFFFF  }
0xc3: {  	_ =	task.clear_ibuf [dreg:s8], $0x2FFFF;
	_ =	strace $0x9FFFFFFF  }
0xc4: {  	(tm) =	ssettm $0x7FFFFFFF  }
0xc5: {  	_ =	shalt  }
tec
execute0_lowered:
.L_overlay_start_1:
0x0: {  	(tag) =	ssettag $0x1  }
0x1: {  	s5 =	rddreg [dreg:$0x0]  }
0x2: {  	s6 =	rddreg [dreg:$0x1]  }
0x3: {  	s7 =	rddreg [dreg:$0x2]  }
0x4: {  	s0 =	rddreg [dreg:$0x3]  }
0x5: {  	s1 =	simm.s32 $0x0;
	s8 =	srdreg.scid;
	s2 =	stileid.u32  }
0x6: {  	s14 =	simm.s32 $0x2;
	s15 =	simm.s32 $0x400;
	s16 =	simm.s32 $0x8400  }
0x7: {  	s17 =	simm.s32 $0x0;
	[smem:$0x7FF] =	sst s1;
	s3 =	sadd.s32 $0x1200, s7  }
0x8: {  	s4 =	sadd.s32 $0xF43600, s7;
	s8 =	sand.u32 $0x1, s8;
	s10 =	sshll.u32 s2, $0xA  }
0x9: {  	s11 =	sadd.s32 $0x10CA000, s7;
	s9 =	ssub.s32 $0x2, s8;
	s8 =	sshll.u32 s8, $0x9  }
0xa: {  	s29 =	sadd.s32 $0x110A000, s7;
	_ =	strace $0x80000047;
	s8 =	sor.u32 s8, s10  }
.Ltmp0:
0xb: {  	s12 =	sshrl.u32 s9, $0x1;
	s30 =	sshrl.u32 s8, $0x3;
	(pc) =	sbr.rel .LBB2_1-.Ltmp0, $4  }
0xc: {  	s12 =	ssub.s32 s9, s12;
	s31 =	sshll.u32 s8, $0x4;
	s5 =	sadd.s32 s5, s30  }
0xd: {  	s6 =	sadd.s32 s6, s30;
	s7 =	sadd.s32 s11, s31;
	s13 =	sor.u32 $0x1000, s31  }
0xe: {  	s8 =	sadd.s32 s29, s31;
	s9 =	sadd.s32 s11, s13;
	s10 =	sadd.s32 s29, s13  }
0xf: {  	s11 =	smax.u32 s12, $0x1;
	s12 =	simm.s32 $0x3;
	s13 =	simm.s32 $0x1  }
.LBB2_9:
0x10: {  	_ =	swait.ge [sflag:s13], $0x80  }
0x11: {  	[sflag:s13] =	ssyncset.done $0x0  }
0x12: {  	[sflag:s13] =	ssyncadd.s32 $0xFFFFFF80  }
0x13: {  	_ =	swait.ge [sflag:s13], $0x80  }
0x14: {  	[sflag:s13] =	ssyncset.done $0x0  }
0x15: {  	[sflag:s13] =	ssyncadd.s32 $0xFFFFFF80  }
0x16: {  	_ =	swait.ge [sflag:s13], $0x80  }
0x17: {  	[sflag:s13] =	ssyncset.done $0x0  }
0x18: {  	[sflag:s13] =	ssyncadd.s32 $0xFFFFFF80  }
0x19: {  	_ =	swait.ge [sflag:s13], $0x80  }
0x1a: {  	[sflag:s13] =	ssyncset.done $0x0  }
0x1b: {  	[sflag:s13] =	ssyncadd.s32 $0xFFFFFF80  }
0x1c: {  	_ =	swait.ge [sflag:s13], $0x80  }
0x1d: {  	[sflag:s13] =	ssyncset.done $0x0  }
0x1e: {  	[sflag:s13] =	ssyncadd.s32 $0xFFFFFF80  }
0x1f: {  	_ =	swait.ge [sflag:s13], $0x80  }
0x20: {  	[sflag:s13] =	ssyncset.done $0x0  }
0x21: {  	[sflag:s13] =	ssyncadd.s32 $0xFFFFFF80  }
0x22: {  	_ =	swait.ge [sflag:s13], $0x80  }
0x23: {  	[sflag:s13] =	ssyncset.done $0x0  }
0x24: {  	[sflag:s13] =	ssyncadd.s32 $0xFFFFFF80  }
0x25: {  	_ =	swait.ge [sflag:s13], $0x80  }
0x26: {  	[sflag:s13] =	ssyncset.done $0x0  }
0x27: {  	[sflag:s13] =	ssyncadd.s32 $0xFFFFFF80  }
0x28: {  	_ =	swait.ge [sflag:s13], $0x80  }
0x29: {  	[sflag:s13] =	ssyncset.done $0x0  }
0x2a: {  	[sflag:s13] =	ssyncadd.s32 $0xFFFFFF80  }
0x2b: {  	_ =	swait.ge [sflag:s13], $0x80  }
0x2c: {  	[sflag:s13] =	ssyncset.done $0x0  }
0x2d: {  	[sflag:s13] =	ssyncadd.s32 $0xFFFFFF80  }
0x2e: {  	_ =	swait.ge [sflag:s13], $0x80  }
0x2f: {  	[sflag:s13] =	ssyncset.done $0x0  }
0x30: {  	[sflag:s13] =	ssyncadd.s32 $0xFFFFFF80  }
0x31: {  	_ =	swait.ge [sflag:s13], $0x80  }
0x32: {  	[sflag:s13] =	ssyncset.done $0x0  }
0x33: {  	[sflag:s13] =	ssyncadd.s32 $0xFFFFFF80  }
0x34: {  	_ =	swait.ge [sflag:s13], $0x80  }
0x35: {  	[sflag:s13] =	ssyncset.done $0x0  }
0x36: {  	[sflag:s13] =	ssyncadd.s32 $0xFFFFFF80  }
0x37: {  	_ =	swait.ge [sflag:s13], $0x80  }
0x38: {  	[sflag:s13] =	ssyncset.done $0x0  }
0x39: {  	[sflag:s13] =	ssyncadd.s32 $0xFFFFFF80  }
0x3a: {  	_ =	swait.ge [sflag:s13], $0x80  }
0x3b: {  	[sflag:s13] =	ssyncset.done $0x0  }
0x3c: {  	[sflag:s13] =	ssyncadd.s32 $0xFFFFFF80  }
0x3d: {  	_ =	swait.ge [sflag:s13], $0x80  }
0x3e: {  	[sflag:s13] =	ssyncset.done $0x0  }
0x3f: {  	[sflag:s13] =	ssyncadd.s32 $0xFFFFFF80  }
0x40: {  	_ =	swait.ge [sflag:s14], $0x80  }
0x41: {  	[sflag:s14] =	ssyncset.done $0x0  }
0x42: {  	[sflag:s14] =	ssyncadd.s32 $0xFFFFFF80  }
0x43: {  	_ =	swait.ge [sflag:s14], $0x80  }
0x44: {  	[sflag:s14] =	ssyncset.done $0x0  }
0x45: {  	[sflag:s14] =	ssyncadd.s32 $0xFFFFFF80  }
0x46: {  	_ =	swait.ge [sflag:s14], $0x80  }
0x47: {  	[sflag:s14] =	ssyncset.done $0x0  }
0x48: {  	[sflag:s14] =	ssyncadd.s32 $0xFFFFFF80  }
0x49: {  	_ =	swait.ge [sflag:s14], $0x80  }
0x4a: {  	[sflag:s14] =	ssyncset.done $0x0  }
0x4b: {  	[sflag:s14] =	ssyncadd.s32 $0xFFFFFF80  }
0x4c: {  	_ =	swait.ge [sflag:s14], $0x80  }
0x4d: {  	[sflag:s14] =	ssyncset.done $0x0  }
0x4e: {  	[sflag:s14] =	ssyncadd.s32 $0xFFFFFF80  }
0x4f: {  	_ =	swait.ge [sflag:s14], $0x80  }
0x50: {  	[sflag:s14] =	ssyncset.done $0x0  }
0x51: {  	[sflag:s14] =	ssyncadd.s32 $0xFFFFFF80  }
0x52: {  	_ =	swait.ge [sflag:s14], $0x80  }
0x53: {  	[sflag:s14] =	ssyncset.done $0x0  }
0x54: {  	[sflag:s14] =	ssyncadd.s32 $0xFFFFFF80  }
0x55: {  	_ =	swait.ge [sflag:s14], $0x80  }
0x56: {  	[sflag:s14] =	ssyncset.done $0x0  }
0x57: {  	[sflag:s14] =	ssyncadd.s32 $0xFFFFFF80  }
0x58: {  	_ =	swait.ge [sflag:s14], $0x80  }
0x59: {  	[sflag:s14] =	ssyncset.done $0x0  }
0x5a: {  	[sflag:s14] =	ssyncadd.s32 $0xFFFFFF80  }
0x5b: {  	_ =	swait.ge [sflag:s14], $0x80  }
0x5c: {  	[sflag:s14] =	ssyncset.done $0x0  }
0x5d: {  	[sflag:s14] =	ssyncadd.s32 $0xFFFFFF80  }
0x5e: {  	_ =	swait.ge [sflag:s14], $0x80  }
0x5f: {  	[sflag:s14] =	ssyncset.done $0x0  }
0x60: {  	[sflag:s14] =	ssyncadd.s32 $0xFFFFFF80  }
0x61: {  	_ =	swait.ge [sflag:s14], $0x80  }
0x62: {  	[sflag:s14] =	ssyncset.done $0x0  }
0x63: {  	[sflag:s14] =	ssyncadd.s32 $0xFFFFFF80  }
0x64: {  	_ =	swait.ge [sflag:s14], $0x80  }
0x65: {  	[sflag:s14] =	ssyncset.done $0x0  }
0x66: {  	[sflag:s14] =	ssyncadd.s32 $0xFFFFFF80  }
0x67: {  	_ =	swait.ge [sflag:s14], $0x80  }
0x68: {  	[sflag:s14] =	ssyncset.done $0x0  }
0x69: {  	[sflag:s14] =	ssyncadd.s32 $0xFFFFFF80  }
0x6a: {  	_ =	swait.ge [sflag:s14], $0x80  }
0x6b: {  	[sflag:s14] =	ssyncset.done $0x0  }
0x6c: {  	[sflag:s14] =	ssyncadd.s32 $0xFFFFFF80  }
0x6d: {  	_ =	swait.ge [sflag:s14], $0x80  }
0x6e: {  	[sflag:s14] =	ssyncset.done $0x0  }
0x6f: {  	[sflag:s14] =	ssyncadd.s32 $0xFFFFFF80  }
0x70: {  	[hbm4b:s9+s1] =	stream.linear.scatter [tilespmem:s15], [sflag:$0x3], $0x8000, $0x38;
	[tilespmem:$0x10400] =	vst v63  }
0x71: {  	s17 =	sadd.s32 $0x1, s17;
	_ =	swait.ge [sflag:s12], $0x8000  }
0x72: {  	p0 =	sne.s32 s17, s11;
	[sflag:s12] =	ssyncset.done $0x0  }
.Ltmp1:
0x73: {  	[sflag:s12] =	ssyncadd.s32 $0xFFFF8000;
	(pc) =	sbr.rel @!p0 .LBB2_10-.Ltmp1, $4  }
0x74: {  	[hbm4b:s10+s1] =	stream.linear.scatter [tilespmem:s16], [sflag:$0x3], $0x8000, $0x38;
	[tilespmem:$0x10400] =	vst v63  }
0x75: {  	_ =	swait.ge [sflag:s12], $0x8000  }
0x76: {  	[sflag:s12] =	ssyncset.done $0x0  }
0x77: {  	[sflag:s12] =	ssyncadd.s32 $0xFFFF8000  }
.LBB2_1:
0x78: {  	[tilespmem:s1], [sflag:$0x3] =	stream.linear.gather [hbm4b:s5+s1], $0x200, $0x38;
	[tilespmem:$0x10400] =	vst v63  }
0x79: {  	_ =	swait.ge [sflag:s12], $0x200  }
0x7a: {  	[sflag:s12] =	ssyncset.done $0x0  }
.Ltmp2:
0x7b: {  	s18 =	simm.s32 $0x200;
	[sflag:s12] =	ssyncadd.s32 $0xFFFFFE00;
	(pc) =	sbr.rel .LBB2_2-.Ltmp2, $4  }
0x7c: {  	[tilespmem:s18], [sflag:$0x3] =	stream.linear.gather [hbm4b:s6+s1], $0x200, $0x38;
	[tilespmem:$0x10400] =	vst v63  }
0x7d: {  	_ =	swait.ge [sflag:s12], $0x200  }
0x7e: {  	[sflag:s12] =	ssyncset.done $0x0  }
0x7f: {  	s19 =	simm.s32 $0x0;
	s20 =	simm.s32 $0x0;
	[sflag:s12] =	ssyncadd.s32 $0xFFFFFE00  }
.LBB2_4:
0x80: {  	s20 =	sadd.s32 $0x2000, s20  }
0x81: {  	p0 =	sne.s32 s20, $0x20000  }
.Ltmp3:
0x82: {  	_ = 	snop;
	(pc) =	sbr.rel @!p0 .LBB2_5-.Ltmp3, $2  }
0x83: {  	_ =	sdelay $0x2  }
0x84: {  	s19 =	sadd.s32 $0x10, s19;
	s18 =	sadd.s32 $0x10, s18  }
.LBB2_2:
0x85: {  	v0 =	vld [tilespmem:s19+$0x0];
	_ =	sdelay $0x4  }
0x86: {  	v1 =	vshrl.u32 v0, $0x3  }
0x87: {  	v0 =	vand.u32 $0x7, v0;
	v1 =	vshll.u32 v1, $0xA  }
0x88: {  	v0 =	vshll.u32 v0, $0x7;
	(v2sf) =	vpush v1, $0x0  }
0x89: {  	(v2sf) =	vpush v0, $0x0;
	_ =	sdelay $0x2  }
0x8a: {  	(v2sf) =	vpush v1, $0x1  }
0x8b: {  	(v2sf) =	vpush v0, $0x1;
	_ =	sdelay $0x1  }
0x8c: {  	(v2sf) =	vpush v1, $0x2;
	_ =	sdelay $0x1  }
0x8d: {  	(v2sf) =	vpush v0, $0x2;
	_ =	sdelay $0x5  }
0x8e: {  	s21 =	spop (v2sf);
	(v2sf) =	vpush v1, $0x3  }
0x8f: {  	s22 =	spop (v2sf);
	(v2sf) =	vpush v0, $0x3;
	_ =	sdelay $0x2  }
0x90: {  	s30 =	spop (v2sf);
	(v2sf) =	vpush v1, $0x4  }
0x91: {  	s31 =	spop (v2sf);
	(v2sf) =	vpush v0, $0x4;
	_ =	sdelay $0x1  }
0x92: {  	s25 =	spop (v2sf);
	(v2sf) =	vpush v1, $0x5;
	_ =	sdelay $0x1  }
0x93: {  	s26 =	spop (v2sf);
	(v2sf) =	vpush v0, $0x5;
	_ =	sdelay $0x1  }
0x94: {  	s22 =	sor.u32 s22, s21  }
0x95: {  	s21 =	sshra.s32 s20, $0x2;
	s22 =	sshrl.u32 s22, $0x3  }
0x96: {  	s23 =	sadd.s32 $0x400, s21;
	s22 =	sadd.s32 s3, s22  }
0x97: {  	v2 =	vld [tilespmem:s18+$0x0];
	[tilespmem:s23], [sflag:$0x1] =	stream.linear.gather [hbm4b:s22+s1], $0x80, $0x38  }
0x98: {  	s22 =	sor.u32 s31, s30;
	s29 =	spop (v2sf);
	(v2sf) =	vpush v1, $0x6  }
0x99: {  	s22 =	sshrl.u32 s22, $0x3;
	s30 =	spop (v2sf);
	(v2sf) =	vpush v0, $0x6  }
0x9a: {  	s24 =	sadd.s32 $0x480, s21;
	s22 =	sadd.s32 s3, s22  }
0x9b: {  	[tilespmem:s24], [sflag:$0x1] =	stream.linear.gather [hbm4b:s22+s1], $0x80, $0x38;
	[tilespmem:$0x10400] =	vst v63  }
0x9c: {  	s23 =	spop (v2sf);
	(v2sf) =	vpush v1, $0x7  }
0x9d: {  	s22 =	sor.u32 s26, s25;
	s24 =	spop (v2sf);
	(v2sf) =	vpush v0, $0x7  }
0x9e: {  	s22 =	sshrl.u32 s22, $0x3  }
0x9f: {  	s28 =	sadd.s32 $0x500, s21;
	s22 =	sadd.s32 s3, s22;
	s26 =	spop (v2sf);
	(v2sf) =	vpush v1, $0x8  }
0xa0: {  	[tilespmem:s28], [sflag:$0x1] =	stream.linear.gather [hbm4b:s22+s1], $0x80, $0x38;
	[tilespmem:$0x10400] =	vst v63  }
0xa1: {  	s28 =	spop (v2sf);
	(v2sf) =	vpush v0, $0x8  }
0xa2: {  	s22 =	sor.u32 s30, s29  }
0xa3: {  	s22 =	sshrl.u32 s22, $0x3  }
0xa4: {  	s31 =	sadd.s32 $0x580, s21;
	s22 =	sadd.s32 s3, s22  }
0xa5: {  	[tilespmem:s31], [sflag:$0x1] =	stream.linear.gather [hbm4b:s22+s1], $0x80, $0x38;
	[tilespmem:$0x10400] =	vst v63  }
0xa6: {  	s22 =	sor.u32 s24, s23  }
0xa7: {  	s22 =	sshrl.u32 s22, $0x3;
	s30 =	spop (v2sf);
	(v2sf) =	vpush v1, $0x9  }
0xa8: {  	s25 =	sadd.s32 $0x600, s21;
	s22 =	sadd.s32 s3, s22;
	s31 =	spop (v2sf);
	(v2sf) =	vpush v0, $0x9  }
0xa9: {  	[tilespmem:s25], [sflag:$0x1] =	stream.linear.gather [hbm4b:s22+s1], $0x80, $0x38;
	[tilespmem:$0x10400] =	vst v63  }
0xaa: {  	s22 =	sor.u32 s28, s26  }
0xab: {  	s22 =	sshrl.u32 s22, $0x3;
	s25 =	spop (v2sf);
	(v2sf) =	vpush v1, $0xA  }
0xac: {  	s29 =	sadd.s32 $0x680, s21;
	s22 =	sadd.s32 s3, s22;
	s26 =	spop (v2sf);
	(v2sf) =	vpush v0, $0xA  }
0xad: {  	[tilespmem:s29], [sflag:$0x1] =	stream.linear.gather [hbm4b:s22+s1], $0x80, $0x38;
	[tilespmem:$0x10400] =	vst v63  }
0xae: {  	s29 =	spop (v2sf);
	(v2sf) =	vpush v1, $0xB;
	_ =	sdelay $0x1  }
0xaf: {  	s22 =	sor.u32 s31, s30;
	s30 =	spop (v2sf);
	(v2sf) =	vpush v0, $0xB;
	_ =	sdelay $0x2  }
0xb0: {  	s22 =	sshrl.u32 s22, $0x3  }
0xb1: {  	s24 =	sadd.s32 $0x700, s21;
	s22 =	sadd.s32 s3, s22  }
0xb2: {  	[tilespmem:s24], [sflag:$0x1] =	stream.linear.gather [hbm4b:s22+s1], $0x80, $0x38;
	[tilespmem:$0x10400] =	vst v63  }
0xb3: {  	s22 =	sor.u32 s26, s25;
	s23 =	spop (v2sf);
	(v2sf) =	vpush v1, $0xC  }
0xb4: {  	s22 =	sshrl.u32 s22, $0x3;
	s24 =	spop (v2sf);
	(v2sf) =	vpush v0, $0xC  }
0xb5: {  	s28 =	sadd.s32 $0x780, s21;
	s22 =	sadd.s32 s3, s22  }
0xb6: {  	[tilespmem:s28], [sflag:$0x1] =	stream.linear.gather [hbm4b:s22+s1], $0x80, $0x38;
	[tilespmem:$0x10400] =	vst v63  }
0xb7: {  	s26 =	spop (v2sf);
	(v2sf) =	vpush v1, $0xD  }
0xb8: {  	s22 =	sor.u32 s30, s29;
	s28 =	spop (v2sf);
	(v2sf) =	vpush v0, $0xD  }
0xb9: {  	s22 =	sshrl.u32 s22, $0x3  }
0xba: {  	s31 =	sadd.s32 $0x800, s21;
	s22 =	sadd.s32 s3, s22;
	s30 =	spop (v2sf);
	(v2sf) =	vpush v1, $0xE  }
0xbb: {  	[tilespmem:s31], [sflag:$0x1] =	stream.linear.gather [hbm4b:s22+s1], $0x80, $0x38;
	[tilespmem:$0x10400] =	vst v63  }
0xbc: {  	s31 =	spop (v2sf);
	(v2sf) =	vpush v0, $0xE;
	_ =	sdelay $0x1  }
0xbd: {  	s22 =	sor.u32 s24, s23  }
0xbe: {  	s22 =	sshrl.u32 s22, $0x3  }
0xbf: {  	s25 =	sadd.s32 $0x880, s21;
	s22 =	sadd.s32 s3, s22  }
0xc0: {  	[tilespmem:s25], [sflag:$0x1] =	stream.linear.gather [hbm4b:s22+s1], $0x80, $0x38;
	[tilespmem:$0x10400] =	vst v63  }
0xc1: {  	s22 =	sor.u32 s28, s26;
	s25 =	spop (v2sf);
	(v2sf) =	vpush v1, $0xF  }
0xc2: {  	s22 =	sshrl.u32 s22, $0x3;
	s26 =	spop (v2sf);
	(v2sf) =	vpush v0, $0xF  }
0xc3: {  	v62 =	vshrl.u32 v2, $0x3;
	s29 =	sadd.s32 $0x900, s21;
	s22 =	sadd.s32 s3, s22  }
0xc4: {  	v63 =	vand.u32 $0x7, v2;
	[tilespmem:s29], [sflag:$0x1] =	stream.linear.gather [hbm4b:s22+s1], $0x80, $0x38;
	v0 =	vshll.u32 v62, $0xA;
	[tilespmem:$0x10400] =	vst v63  }
0xc5: {  	v1 =	vshll.u32 v63, $0x7;
	s29 =	spop (v2sf);
	(v2sf) =	vpush v0, $0x0  }
0xc6: {  	s22 =	sor.u32 s31, s30;
	s30 =	spop (v2sf);
	(v2sf) =	vpush v1, $0x0  }
0xc7: {  	s22 =	sshrl.u32 s22, $0x3  }
0xc8: {  	s24 =	sadd.s32 $0x980, s21;
	s22 =	sadd.s32 s3, s22;
	s23 =	spop (v2sf);
	(v2sf) =	vpush v0, $0x1  }
0xc9: {  	[tilespmem:s24], [sflag:$0x1] =	stream.linear.gather [hbm4b:s22+s1], $0x80, $0x38;
	[tilespmem:$0x10400] =	vst v63  }
0xca: {  	s24 =	spop (v2sf);
	(v2sf) =	vpush v1, $0x1  }
0xcb: {  	s22 =	sor.u32 s26, s25  }
0xcc: {  	s22 =	sshrl.u32 s22, $0x3  }
0xcd: {  	s28 =	sadd.s32 $0xA00, s21;
	s22 =	sadd.s32 s3, s22  }
0xce: {  	[tilespmem:s28], [sflag:$0x1] =	stream.linear.gather [hbm4b:s22+s1], $0x80, $0x38;
	[tilespmem:$0x10400] =	vst v63  }
0xcf: {  	s22 =	sor.u32 s30, s29  }
0xd0: {  	s22 =	sshrl.u32 s22, $0x3;
	s26 =	spop (v2sf);
	(v2sf) =	vpush v0, $0x2  }
0xd1: {  	s31 =	sadd.s32 $0xA80, s21;
	s22 =	sadd.s32 s3, s22;
	s28 =	spop (v2sf);
	(v2sf) =	vpush v1, $0x2  }
0xd2: {  	[tilespmem:s31], [sflag:$0x1] =	stream.linear.gather [hbm4b:s22+s1], $0x80, $0x38;
	[tilespmem:$0x10400] =	vst v63  }
0xd3: {  	s22 =	sor.u32 s24, s23  }
0xd4: {  	s22 =	sshrl.u32 s22, $0x3;
	s30 =	spop (v2sf);
	(v2sf) =	vpush v0, $0x3  }
0xd5: {  	s25 =	sadd.s32 $0xB00, s21;
	s22 =	sadd.s32 s3, s22;
	s31 =	spop (v2sf);
	(v2sf) =	vpush v1, $0x3  }
0xd6: {  	[tilespmem:s25], [sflag:$0x1] =	stream.linear.gather [hbm4b:s22+s1], $0x80, $0x38;
	[tilespmem:$0x10400] =	vst v63  }
0xd7: {  	s25 =	spop (v2sf);
	(v2sf) =	vpush v0, $0x4;
	_ =	sdelay $0x1  }
0xd8: {  	s22 =	sor.u32 s28, s26;
	s26 =	spop (v2sf);
	(v2sf) =	vpush v1, $0x4;
	_ =	sdelay $0x2  }
0xd9: {  	s22 =	sshrl.u32 s22, $0x3  }
0xda: {  	s29 =	sadd.s32 $0xB80, s21;
	s22 =	sadd.s32 s3, s22  }
0xdb: {  	[tilespmem:s29], [sflag:$0x1] =	stream.linear.gather [hbm4b:s22+s1], $0x80, $0x38;
	[tilespmem:$0x10400] =	vst v63  }
0xdc: {  	s22 =	sor.u32 s31, s30;
	s29 =	spop (v2sf);
	(v2sf) =	vpush v0, $0x5  }
0xdd: {  	s22 =	sshrl.u32 s22, $0x3;
	s30 =	spop (v2sf);
	(v2sf) =	vpush v1, $0x5  }
0xde: {  	s24 =	sadd.s32 $0x8400, s21;
	s22 =	sadd.s32 s4, s22  }
0xdf: {  	[tilespmem:s24], [sflag:$0x2] =	stream.linear.gather [hbm4b:s22+s1], $0x80, $0x38;
	[tilespmem:$0x10400] =	vst v63  }
0xe0: {  	s23 =	spop (v2sf);
	(v2sf) =	vpush v0, $0x6  }
0xe1: {  	s22 =	sor.u32 s26, s25;
	s24 =	spop (v2sf);
	(v2sf) =	vpush v1, $0x6  }
0xe2: {  	s22 =	sshrl.u32 s22, $0x3  }
0xe3: {  	s28 =	sadd.s32 $0x8480, s21;
	s22 =	sadd.s32 s4, s22;
	s26 =	spop (v2sf);
	(v2sf) =	vpush v0, $0x7  }
0xe4: {  	[tilespmem:s28], [sflag:$0x2] =	stream.linear.gather [hbm4b:s22+s1], $0x80, $0x38;
	[tilespmem:$0x10400] =	vst v63  }
0xe5: {  	s28 =	spop (v2sf);
	(v2sf) =	vpush v1, $0x7  }
0xe6: {  	s22 =	sor.u32 s30, s29  }
0xe7: {  	s22 =	sshrl.u32 s22, $0x3  }
0xe8: {  	s31 =	sadd.s32 $0x8500, s21;
	s22 =	sadd.s32 s4, s22  }
0xe9: {  	[tilespmem:s31], [sflag:$0x2] =	stream.linear.gather [hbm4b:s22+s1], $0x80, $0x38;
	[tilespmem:$0x10400] =	vst v63  }
0xea: {  	s22 =	sor.u32 s24, s23  }
0xeb: {  	s22 =	sshrl.u32 s22, $0x3;
	s30 =	spop (v2sf);
	(v2sf) =	vpush v0, $0x8  }
0xec: {  	s25 =	sadd.s32 $0x8580, s21;
	s22 =	sadd.s32 s4, s22;
	s31 =	spop (v2sf);
	(v2sf) =	vpush v1, $0x8  }
0xed: {  	[tilespmem:s25], [sflag:$0x2] =	stream.linear.gather [hbm4b:s22+s1], $0x80, $0x38;
	[tilespmem:$0x10400] =	vst v63  }
0xee: {  	s22 =	sor.u32 s28, s26  }
0xef: {  	s22 =	sshrl.u32 s22, $0x3;
	s25 =	spop (v2sf);
	(v2sf) =	vpush v0, $0x9  }
0xf0: {  	s29 =	sadd.s32 $0x8600, s21;
	s22 =	sadd.s32 s4, s22;
	s26 =	spop (v2sf);
	(v2sf) =	vpush v1, $0x9  }
0xf1: {  	[tilespmem:s29], [sflag:$0x2] =	stream.linear.gather [hbm4b:s22+s1], $0x80, $0x38;
	[tilespmem:$0x10400] =	vst v63  }
0xf2: {  	s22 =	sor.u32 s31, s30;
	s29 =	spop (v2sf);
	(v2sf) =	vpush v0, $0xA  }
0xf3: {  	s22 =	sshrl.u32 s22, $0x3  }
0xf4: {  	s24 =	sadd.s32 $0x8680, s21;
	s22 =	sadd.s32 s4, s22;
	s30 =	spop (v2sf);
	(v2sf) =	vpush v1, $0xA  }
0xf5: {  	[tilespmem:s24], [sflag:$0x2] =	stream.linear.gather [hbm4b:s22+s1], $0x80, $0x38;
	[tilespmem:$0x10400] =	vst v63  }
0xf6: {  	s22 =	sor.u32 s26, s25  }
0xf7: {  	s22 =	sshrl.u32 s22, $0x3  }
0xf8: {  	s28 =	sadd.s32 $0x8700, s21;
	s22 =	sadd.s32 s4, s22  }
0xf9: {  	[tilespmem:s28], [sflag:$0x2] =	stream.linear.gather [hbm4b:s22+s1], $0x80, $0x38;
	[tilespmem:$0x10400] =	vst v63  }
0xfa: {  	s22 =	sor.u32 s30, s29;
	s23 =	spop (v2sf);
	(v2sf) =	vpush v0, $0xB  }
0xfb: {  	s22 =	sshrl.u32 s22, $0x3;
	s24 =	spop (v2sf);
	(v2sf) =	vpush v1, $0xB  }
0xfc: {  	s31 =	sadd.s32 $0x8780, s21;
	s22 =	sadd.s32 s4, s22  }
0xfd: {  	[tilespmem:s31], [sflag:$0x2] =	stream.linear.gather [hbm4b:s22+s1], $0x80, $0x38;
	[tilespmem:$0x10400] =	vst v63  }
0xfe: {  	s26 =	spop (v2sf);
	(v2sf) =	vpush v0, $0xC  }
0xff: {  	s22 =	sor.u32 s24, s23;
	s28 =	spop (v2sf);
	(v2sf) =	vpush v1, $0xC  }
0x100: {  	s22 =	sshrl.u32 s22, $0x3  }
0x101: {  	s25 =	sadd.s32 $0x8800, s21;
	s22 =	sadd.s32 s4, s22;
	s30 =	spop (v2sf)  }
0x102: {  	(v2sf) =	vpush v0, $0xD;
	[tilespmem:s25], [sflag:$0x2] =	stream.linear.gather [hbm4b:s22+s1], $0x80, $0x38;
	[tilespmem:$0x10400] =	vst v63  }
0x103: {  	s31 =	spop (v2sf);
	(v2sf) =	vpush v1, $0xD  }
0x104: {  	s22 =	sor.u32 s28, s26  }
0x105: {  	s22 =	sshrl.u32 s22, $0x3  }
0x106: {  	s29 =	sadd.s32 $0x8880, s21;
	s22 =	sadd.s32 s4, s22  }
0x107: {  	[tilespmem:s29], [sflag:$0x2] =	stream.linear.gather [hbm4b:s22+s1], $0x80, $0x38;
	[tilespmem:$0x10400] =	vst v63  }
0x108: {  	s22 =	sor.u32 s31, s30  }
0x109: {  	s22 =	sshrl.u32 s22, $0x3;
	s25 =	spop (v2sf);
	(v2sf) =	vpush v0, $0xE  }
0x10a: {  	s24 =	sadd.s32 $0x8900, s21;
	s22 =	sadd.s32 s4, s22;
	s26 =	spop (v2sf);
	(v2sf) =	vpush v1, $0xE  }
0x10b: {  	[tilespmem:s24], [sflag:$0x2] =	stream.linear.gather [hbm4b:s22+s1], $0x80, $0x38;
	[tilespmem:$0x10400] =	vst v63  }
0x10c: {  	s22 =	sor.u32 s26, s25  }
0x10d: {  	s29 =	spop (v2sf);
	(v2sf) =	vpush v0, $0xF;
	s22 =	sshrl.u32 s22, $0x3  }
0x10e: {  	s28 =	sadd.s32 $0x8980, s21;
	s30 =	spop (v2sf);
	s22 =	sadd.s32 s4, s22  }
0x10f: {  	(v2sf) =	vpush v1, $0xF;
	[tilespmem:s28], [sflag:$0x2] =	stream.linear.gather [hbm4b:s22+s1], $0x80, $0x38;
	[tilespmem:$0x10400] =	vst v63  }
0x110: {  	s22 =	sor.u32 s30, s29  }
0x111: {  	s23 =	spop (v2sf);
	s22 =	sshrl.u32 s22, $0x3  }
0x112: {  	s31 =	sadd.s32 $0x8A00, s21;
	s24 =	spop (v2sf);
	s22 =	sadd.s32 s4, s22  }
0x113: {  	[tilespmem:s31], [sflag:$0x2] =	stream.linear.gather [hbm4b:s22+s1], $0x80, $0x38;
	[tilespmem:$0x10400] =	vst v63  }
0x114: {  	s22 =	sor.u32 s24, s23  }
0x115: {  	s22 =	sshrl.u32 s22, $0x3  }
0x116: {  	s25 =	sadd.s32 $0x8A80, s21;
	s22 =	sadd.s32 s4, s22  }
0x117: {  	[tilespmem:s25], [sflag:$0x2] =	stream.linear.gather [hbm4b:s22+s1], $0x80, $0x38;
	[tilespmem:$0x10400] =	vst v63  }
0x118: {  	s26 =	spop (v2sf)  }
0x119: {  	s28 =	spop (v2sf)  }
0x11a: {  	s22 =	sor.u32 s28, s26  }
0x11b: {  	p0 =	seq.s32 s20, $0x0;
	s22 =	sshrl.u32 s22, $0x3  }
0x11c: {  	s29 =	sadd.s32 $0x8B00, s21;
	s30 =	spop (v2sf);
	s22 =	sadd.s32 s4, s22  }
0x11d: {  	[tilespmem:s29], [sflag:$0x2] =	stream.linear.gather [hbm4b:s22+s1], $0x80, $0x38;
	[tilespmem:$0x10400] =	vst v63  }
.Ltmp4:
0x11e: {  	s31 =	spop (v2sf);
	(pc) =	sbr.rel @p0 .LBB2_4-.Ltmp4, $4  }
0x11f: {  	s22 =	sor.u32 s31, s30  }
0x120: {  	s22 =	sshrl.u32 s22, $0x3  }
0x121: {  	s21 =	sadd.s32 $0x8B80, s21;
	s22 =	sadd.s32 s4, s22  }
0x122: {  	[tilespmem:s21], [sflag:$0x2] =	stream.linear.gather [hbm4b:s22+s1], $0x80, $0x38;
	[tilespmem:$0x10400] =	vst v63  }
0x123: {  	_ =	swait.ge [sflag:s13], $0x80  }
0x124: {  	[sflag:s13] =	ssyncset.done $0x0  }
0x125: {  	[sflag:s13] =	ssyncadd.s32 $0xFFFFFF80  }
0x126: {  	_ =	swait.ge [sflag:s13], $0x80  }
0x127: {  	[sflag:s13] =	ssyncset.done $0x0  }
0x128: {  	[sflag:s13] =	ssyncadd.s32 $0xFFFFFF80  }
0x129: {  	_ =	swait.ge [sflag:s13], $0x80  }
0x12a: {  	[sflag:s13] =	ssyncset.done $0x0  }
0x12b: {  	[sflag:s13] =	ssyncadd.s32 $0xFFFFFF80  }
0x12c: {  	_ =	swait.ge [sflag:s13], $0x80  }
0x12d: {  	[sflag:s13] =	ssyncset.done $0x0  }
0x12e: {  	[sflag:s13] =	ssyncadd.s32 $0xFFFFFF80  }
0x12f: {  	_ =	swait.ge [sflag:s13], $0x80  }
0x130: {  	[sflag:s13] =	ssyncset.done $0x0  }
0x131: {  	[sflag:s13] =	ssyncadd.s32 $0xFFFFFF80  }
0x132: {  	_ =	swait.ge [sflag:s13], $0x80  }
0x133: {  	[sflag:s13] =	ssyncset.done $0x0  }
0x134: {  	[sflag:s13] =	ssyncadd.s32 $0xFFFFFF80  }
0x135: {  	_ =	swait.ge [sflag:s13], $0x80  }
0x136: {  	[sflag:s13] =	ssyncset.done $0x0  }
0x137: {  	[sflag:s13] =	ssyncadd.s32 $0xFFFFFF80  }
0x138: {  	_ =	swait.ge [sflag:s13], $0x80  }
0x139: {  	[sflag:s13] =	ssyncset.done $0x0  }
0x13a: {  	[sflag:s13] =	ssyncadd.s32 $0xFFFFFF80  }
0x13b: {  	_ =	swait.ge [sflag:s13], $0x80  }
0x13c: {  	[sflag:s13] =	ssyncset.done $0x0  }
0x13d: {  	[sflag:s13] =	ssyncadd.s32 $0xFFFFFF80  }
0x13e: {  	_ =	swait.ge [sflag:s13], $0x80  }
0x13f: {  	[sflag:s13] =	ssyncset.done $0x0  }
0x140: {  	[sflag:s13] =	ssyncadd.s32 $0xFFFFFF80  }
0x141: {  	_ =	swait.ge [sflag:s13], $0x80  }
0x142: {  	[sflag:s13] =	ssyncset.done $0x0  }
0x143: {  	[sflag:s13] =	ssyncadd.s32 $0xFFFFFF80  }
0x144: {  	_ =	swait.ge [sflag:s13], $0x80  }
0x145: {  	[sflag:s13] =	ssyncset.done $0x0  }
0x146: {  	[sflag:s13] =	ssyncadd.s32 $0xFFFFFF80  }
0x147: {  	_ =	swait.ge [sflag:s13], $0x80  }
0x148: {  	[sflag:s13] =	ssyncset.done $0x0  }
0x149: {  	[sflag:s13] =	ssyncadd.s32 $0xFFFFFF80  }
0x14a: {  	_ =	swait.ge [sflag:s13], $0x80  }
0x14b: {  	[sflag:s13] =	ssyncset.done $0x0  }
0x14c: {  	[sflag:s13] =	ssyncadd.s32 $0xFFFFFF80  }
0x14d: {  	_ =	swait.ge [sflag:s13], $0x80  }
0x14e: {  	[sflag:s13] =	ssyncset.done $0x0  }
0x14f: {  	[sflag:s13] =	ssyncadd.s32 $0xFFFFFF80  }
0x150: {  	_ =	swait.ge [sflag:s13], $0x80  }
0x151: {  	[sflag:s13] =	ssyncset.done $0x0  }
0x152: {  	[sflag:s13] =	ssyncadd.s32 $0xFFFFFF80  }
0x153: {  	_ =	swait.ge [sflag:s14], $0x80  }
0x154: {  	[sflag:s14] =	ssyncset.done $0x0  }
0x155: {  	[sflag:s14] =	ssyncadd.s32 $0xFFFFFF80  }
0x156: {  	_ =	swait.ge [sflag:s14], $0x80  }
0x157: {  	[sflag:s14] =	ssyncset.done $0x0  }
0x158: {  	[sflag:s14] =	ssyncadd.s32 $0xFFFFFF80  }
0x159: {  	_ =	swait.ge [sflag:s14], $0x80  }
0x15a: {  	[sflag:s14] =	ssyncset.done $0x0  }
0x15b: {  	[sflag:s14] =	ssyncadd.s32 $0xFFFFFF80  }
0x15c: {  	_ =	swait.ge [sflag:s14], $0x80  }
0x15d: {  	[sflag:s14] =	ssyncset.done $0x0  }
0x15e: {  	[sflag:s14] =	ssyncadd.s32 $0xFFFFFF80  }
0x15f: {  	_ =	swait.ge [sflag:s14], $0x80  }
0x160: {  	[sflag:s14] =	ssyncset.done $0x0  }
0x161: {  	[sflag:s14] =	ssyncadd.s32 $0xFFFFFF80  }
0x162: {  	_ =	swait.ge [sflag:s14], $0x80  }
0x163: {  	[sflag:s14] =	ssyncset.done $0x0  }
0x164: {  	[sflag:s14] =	ssyncadd.s32 $0xFFFFFF80  }
0x165: {  	_ =	swait.ge [sflag:s14], $0x80  }
0x166: {  	[sflag:s14] =	ssyncset.done $0x0  }
0x167: {  	[sflag:s14] =	ssyncadd.s32 $0xFFFFFF80  }
0x168: {  	_ =	swait.ge [sflag:s14], $0x80  }
0x169: {  	[sflag:s14] =	ssyncset.done $0x0  }
0x16a: {  	[sflag:s14] =	ssyncadd.s32 $0xFFFFFF80  }
0x16b: {  	_ =	swait.ge [sflag:s14], $0x80  }
0x16c: {  	[sflag:s14] =	ssyncset.done $0x0  }
0x16d: {  	[sflag:s14] =	ssyncadd.s32 $0xFFFFFF80  }
0x16e: {  	_ =	swait.ge [sflag:s14], $0x80  }
0x16f: {  	[sflag:s14] =	ssyncset.done $0x0  }
0x170: {  	[sflag:s14] =	ssyncadd.s32 $0xFFFFFF80  }
0x171: {  	_ =	swait.ge [sflag:s14], $0x80  }
0x172: {  	[sflag:s14] =	ssyncset.done $0x0  }
0x173: {  	[sflag:s14] =	ssyncadd.s32 $0xFFFFFF80  }
0x174: {  	_ =	swait.ge [sflag:s14], $0x80  }
0x175: {  	[sflag:s14] =	ssyncset.done $0x0  }
0x176: {  	[sflag:s14] =	ssyncadd.s32 $0xFFFFFF80  }
0x177: {  	_ =	swait.ge [sflag:s14], $0x80  }
0x178: {  	[sflag:s14] =	ssyncset.done $0x0  }
0x179: {  	[sflag:s14] =	ssyncadd.s32 $0xFFFFFF80  }
0x17a: {  	_ =	swait.ge [sflag:s14], $0x80  }
0x17b: {  	[sflag:s14] =	ssyncset.done $0x0  }
0x17c: {  	[sflag:s14] =	ssyncadd.s32 $0xFFFFFF80  }
0x17d: {  	_ =	swait.ge [sflag:s14], $0x80  }
.Ltmp5:
0x17e: {  	[sflag:s14] =	ssyncset.done $0x0;
	(pc) =	sbr.rel .LBB2_4-.Ltmp5, $4  }
0x17f: {  	[sflag:s14] =	ssyncadd.s32 $0xFFFFFF80  }
0x180: {  	_ =	swait.ge [sflag:s14], $0x80  }
0x181: {  	[sflag:s14] =	ssyncset.done $0x0  }
0x182: {  	[sflag:s14] =	ssyncadd.s32 $0xFFFFFF80  }
.LBB2_5:
0x183: {  	_ =	swait.ge [sflag:s13], $0x80  }
0x184: {  	[sflag:s13] =	ssyncset.done $0x0  }
0x185: {  	[sflag:s13] =	ssyncadd.s32 $0xFFFFFF80  }
0x186: {  	_ =	swait.ge [sflag:s13], $0x80  }
0x187: {  	[sflag:s13] =	ssyncset.done $0x0  }
0x188: {  	[sflag:s13] =	ssyncadd.s32 $0xFFFFFF80  }
0x189: {  	_ =	swait.ge [sflag:s13], $0x80  }
0x18a: {  	[sflag:s13] =	ssyncset.done $0x0  }
0x18b: {  	[sflag:s13] =	ssyncadd.s32 $0xFFFFFF80  }
0x18c: {  	_ =	swait.ge [sflag:s13], $0x80  }
0x18d: {  	[sflag:s13] =	ssyncset.done $0x0  }
0x18e: {  	[sflag:s13] =	ssyncadd.s32 $0xFFFFFF80  }
0x18f: {  	_ =	swait.ge [sflag:s13], $0x80  }
0x190: {  	[sflag:s13] =	ssyncset.done $0x0  }
0x191: {  	[sflag:s13] =	ssyncadd.s32 $0xFFFFFF80  }
0x192: {  	_ =	swait.ge [sflag:s13], $0x80  }
0x193: {  	[sflag:s13] =	ssyncset.done $0x0  }
0x194: {  	[sflag:s13] =	ssyncadd.s32 $0xFFFFFF80  }
0x195: {  	_ =	swait.ge [sflag:s13], $0x80  }
0x196: {  	[sflag:s13] =	ssyncset.done $0x0  }
0x197: {  	[sflag:s13] =	ssyncadd.s32 $0xFFFFFF80  }
0x198: {  	_ =	swait.ge [sflag:s13], $0x80  }
0x199: {  	[sflag:s13] =	ssyncset.done $0x0  }
0x19a: {  	[sflag:s13] =	ssyncadd.s32 $0xFFFFFF80  }
0x19b: {  	_ =	swait.ge [sflag:s13], $0x80  }
0x19c: {  	[sflag:s13] =	ssyncset.done $0x0  }
0x19d: {  	[sflag:s13] =	ssyncadd.s32 $0xFFFFFF80  }
0x19e: {  	_ =	swait.ge [sflag:s13], $0x80  }
0x19f: {  	[sflag:s13] =	ssyncset.done $0x0  }
0x1a0: {  	[sflag:s13] =	ssyncadd.s32 $0xFFFFFF80  }
0x1a1: {  	_ =	swait.ge [sflag:s13], $0x80  }
0x1a2: {  	[sflag:s13] =	ssyncset.done $0x0  }
0x1a3: {  	[sflag:s13] =	ssyncadd.s32 $0xFFFFFF80  }
0x1a4: {  	_ =	swait.ge [sflag:s13], $0x80  }
0x1a5: {  	[sflag:s13] =	ssyncset.done $0x0  }
0x1a6: {  	[sflag:s13] =	ssyncadd.s32 $0xFFFFFF80  }
0x1a7: {  	_ =	swait.ge [sflag:s13], $0x80  }
0x1a8: {  	[sflag:s13] =	ssyncset.done $0x0  }
0x1a9: {  	[sflag:s13] =	ssyncadd.s32 $0xFFFFFF80  }
0x1aa: {  	_ =	swait.ge [sflag:s13], $0x80  }
0x1ab: {  	[sflag:s13] =	ssyncset.done $0x0  }
0x1ac: {  	[sflag:s13] =	ssyncadd.s32 $0xFFFFFF80  }
0x1ad: {  	_ =	swait.ge [sflag:s13], $0x80  }
0x1ae: {  	[sflag:s13] =	ssyncset.done $0x0  }
0x1af: {  	[sflag:s13] =	ssyncadd.s32 $0xFFFFFF80  }
0x1b0: {  	_ =	swait.ge [sflag:s13], $0x80  }
0x1b1: {  	[sflag:s13] =	ssyncset.done $0x0  }
0x1b2: {  	[sflag:s13] =	ssyncadd.s32 $0xFFFFFF80  }
0x1b3: {  	_ =	swait.ge [sflag:s14], $0x80  }
0x1b4: {  	[sflag:s14] =	ssyncset.done $0x0  }
0x1b5: {  	[sflag:s14] =	ssyncadd.s32 $0xFFFFFF80  }
0x1b6: {  	_ =	swait.ge [sflag:s14], $0x80  }
0x1b7: {  	[sflag:s14] =	ssyncset.done $0x0  }
0x1b8: {  	[sflag:s14] =	ssyncadd.s32 $0xFFFFFF80  }
0x1b9: {  	_ =	swait.ge [sflag:s14], $0x80  }
0x1ba: {  	[sflag:s14] =	ssyncset.done $0x0  }
0x1bb: {  	[sflag:s14] =	ssyncadd.s32 $0xFFFFFF80  }
0x1bc: {  	_ =	swait.ge [sflag:s14], $0x80  }
0x1bd: {  	[sflag:s14] =	ssyncset.done $0x0  }
0x1be: {  	[sflag:s14] =	ssyncadd.s32 $0xFFFFFF80  }
0x1bf: {  	_ =	swait.ge [sflag:s14], $0x80  }
0x1c0: {  	[sflag:s14] =	ssyncset.done $0x0  }
0x1c1: {  	[sflag:s14] =	ssyncadd.s32 $0xFFFFFF80  }
0x1c2: {  	_ =	swait.ge [sflag:s14], $0x80  }
0x1c3: {  	[sflag:s14] =	ssyncset.done $0x0  }
0x1c4: {  	[sflag:s14] =	ssyncadd.s32 $0xFFFFFF80  }
0x1c5: {  	_ =	swait.ge [sflag:s14], $0x80  }
0x1c6: {  	[sflag:s14] =	ssyncset.done $0x0  }
0x1c7: {  	[sflag:s14] =	ssyncadd.s32 $0xFFFFFF80  }
0x1c8: {  	_ =	swait.ge [sflag:s14], $0x80  }
0x1c9: {  	[sflag:s14] =	ssyncset.done $0x0  }
0x1ca: {  	[sflag:s14] =	ssyncadd.s32 $0xFFFFFF80  }
0x1cb: {  	_ =	swait.ge [sflag:s14], $0x80  }
0x1cc: {  	[sflag:s14] =	ssyncset.done $0x0  }
0x1cd: {  	[sflag:s14] =	ssyncadd.s32 $0xFFFFFF80  }
0x1ce: {  	_ =	swait.ge [sflag:s14], $0x80  }
0x1cf: {  	[sflag:s14] =	ssyncset.done $0x0  }
0x1d0: {  	[sflag:s14] =	ssyncadd.s32 $0xFFFFFF80  }
0x1d1: {  	_ =	swait.ge [sflag:s14], $0x80  }
0x1d2: {  	[sflag:s14] =	ssyncset.done $0x0  }
0x1d3: {  	[sflag:s14] =	ssyncadd.s32 $0xFFFFFF80  }
0x1d4: {  	_ =	swait.ge [sflag:s14], $0x80  }
0x1d5: {  	[sflag:s14] =	ssyncset.done $0x0  }
0x1d6: {  	[sflag:s14] =	ssyncadd.s32 $0xFFFFFF80  }
0x1d7: {  	_ =	swait.ge [sflag:s14], $0x80  }
0x1d8: {  	[sflag:s14] =	ssyncset.done $0x0  }
0x1d9: {  	[sflag:s14] =	ssyncadd.s32 $0xFFFFFF80  }
0x1da: {  	_ =	swait.ge [sflag:s14], $0x80  }
0x1db: {  	[sflag:s14] =	ssyncset.done $0x0  }
0x1dc: {  	[sflag:s14] =	ssyncadd.s32 $0xFFFFFF80  }
0x1dd: {  	_ =	swait.ge [sflag:s14], $0x80  }
0x1de: {  	[sflag:s14] =	ssyncset.done $0x0  }
0x1df: {  	[sflag:s14] =	ssyncadd.s32 $0xFFFFFF80  }
0x1e0: {  	_ =	swait.ge [sflag:s14], $0x80  }
0x1e1: {  	[sflag:s14] =	ssyncset.done $0x0  }
0x1e2: {  	s18 =	simm.s32 $0x0;
	[sflag:s14] =	ssyncadd.s32 $0xFFFFFF80  }
0x1e3: {  	[hbm4b:s7+s18] =	stream.linear.scatter [tilespmem:s15], [sflag:$0x3], $0x8000, $0x38;
	[tilespmem:$0x10400] =	vst v63  }
0x1e4: {  	_ =	swait.ge [sflag:s12], $0x8000  }
0x1e5: {  	[sflag:s12] =	ssyncset.done $0x0  }
.Ltmp6:
0x1e6: {  	[sflag:s12] =	ssyncadd.s32 $0xFFFF8000;
	(pc) =	sbr.rel .LBB2_6-.Ltmp6, $4  }
0x1e7: {  	[hbm4b:s8+s18] =	stream.linear.scatter [tilespmem:s16], [sflag:$0x3], $0x8000, $0x38;
	[tilespmem:$0x10400] =	vst v63  }
0x1e8: {  	_ =	swait.ge [sflag:s12], $0x8000  }
0x1e9: {  	[sflag:s12] =	ssyncset.done $0x0  }
0x1ea: {  	s19 =	simm.s32 $0x100;
	s20 =	simm.s32 $0x300;
	[sflag:s12] =	ssyncadd.s32 $0xFFFF8000  }
.LBB2_8:
0x1eb: {  	s18 =	sadd.s32 $0x2000, s18  }
0x1ec: {  	p0 =	sne.s32 s18, $0x20000  }
.Ltmp7:
0x1ed: {  	_ = 	snop;
	(pc) =	sbr.rel @!p0 .LBB2_9-.Ltmp7, $2  }
0x1ee: {  	_ =	sdelay $0x2  }
0x1ef: {  	s19 =	sadd.s32 $0x10, s19;
	s20 =	sadd.s32 $0x10, s20  }
.LBB2_6:
0x1f0: {  	v0 =	vld [tilespmem:s19+$0x0];
	_ =	sdelay $0x4  }
0x1f1: {  	v1 =	vshrl.u32 v0, $0x3  }
0x1f2: {  	v0 =	vand.u32 $0x7, v0;
	v1 =	vshll.u32 v1, $0xA  }
0x1f3: {  	v0 =	vshll.u32 v0, $0x7;
	(v2sf) =	vpush v1, $0x0  }
0x1f4: {  	(v2sf) =	vpush v0, $0x0;
	_ =	sdelay $0x2  }
0x1f5: {  	(v2sf) =	vpush v1, $0x1  }
0x1f6: {  	(v2sf) =	vpush v0, $0x1;
	_ =	sdelay $0x1  }
0x1f7: {  	(v2sf) =	vpush v1, $0x2;
	_ =	sdelay $0x1  }
0x1f8: {  	(v2sf) =	vpush v0, $0x2;
	_ =	sdelay $0x5  }
0x1f9: {  	s21 =	spop (v2sf);
	(v2sf) =	vpush v1, $0x3  }
0x1fa: {  	s22 =	spop (v2sf);
	(v2sf) =	vpush v0, $0x3;
	_ =	sdelay $0x2  }
0x1fb: {  	s30 =	spop (v2sf);
	(v2sf) =	vpush v1, $0x4  }
0x1fc: {  	s31 =	spop (v2sf);
	(v2sf) =	vpush v0, $0x4;
	_ =	sdelay $0x1  }
0x1fd: {  	s25 =	spop (v2sf);
	(v2sf) =	vpush v1, $0x5;
	_ =	sdelay $0x1  }
0x1fe: {  	s26 =	spop (v2sf);
	(v2sf) =	vpush v0, $0x5;
	_ =	sdelay $0x1  }
0x1ff: {  	s22 =	sor.u32 s22, s21  }
0x200: {  	s21 =	sshra.s32 s18, $0x2;
	s22 =	sshrl.u32 s22, $0x3  }
0x201: {  	s23 =	sadd.s32 $0x400, s21;
	s22 =	sadd.s32 s3, s22  }
0x202: {  	v2 =	vld [tilespmem:s20+$0x0];
	[tilespmem:s23], [sflag:$0x1] =	stream.linear.gather [hbm4b:s22+s1], $0x80, $0x38  }
0x203: {  	s22 =	sor.u32 s31, s30;
	s29 =	spop (v2sf);
	(v2sf) =	vpush v1, $0x6  }
0x204: {  	s22 =	sshrl.u32 s22, $0x3;
	s30 =	spop (v2sf);
	(v2sf) =	vpush v0, $0x6  }
0x205: {  	s24 =	sadd.s32 $0x480, s21;
	s22 =	sadd.s32 s3, s22  }
0x206: {  	[tilespmem:s24], [sflag:$0x1] =	stream.linear.gather [hbm4b:s22+s1], $0x80, $0x38;
	[tilespmem:$0x10400] =	vst v63  }
0x207: {  	s23 =	spop (v2sf);
	(v2sf) =	vpush v1, $0x7  }
0x208: {  	s22 =	sor.u32 s26, s25;
	s24 =	spop (v2sf);
	(v2sf) =	vpush v0, $0x7  }
0x209: {  	s22 =	sshrl.u32 s22, $0x3  }
0x20a: {  	s28 =	sadd.s32 $0x500, s21;
	s22 =	sadd.s32 s3, s22;
	s26 =	spop (v2sf);
	(v2sf) =	vpush v1, $0x8  }
0x20b: {  	[tilespmem:s28], [sflag:$0x1] =	stream.linear.gather [hbm4b:s22+s1], $0x80, $0x38;
	[tilespmem:$0x10400] =	vst v63  }
0x20c: {  	s28 =	spop (v2sf);
	(v2sf) =	vpush v0, $0x8  }
0x20d: {  	s22 =	sor.u32 s30, s29  }
0x20e: {  	s22 =	sshrl.u32 s22, $0x3  }
0x20f: {  	s31 =	sadd.s32 $0x580, s21;
	s22 =	sadd.s32 s3, s22  }
0x210: {  	[tilespmem:s31], [sflag:$0x1] =	stream.linear.gather [hbm4b:s22+s1], $0x80, $0x38;
	[tilespmem:$0x10400] =	vst v63  }
0x211: {  	s22 =	sor.u32 s24, s23  }
0x212: {  	s22 =	sshrl.u32 s22, $0x3;
	s30 =	spop (v2sf);
	(v2sf) =	vpush v1, $0x9  }
0x213: {  	s25 =	sadd.s32 $0x600, s21;
	s22 =	sadd.s32 s3, s22;
	s31 =	spop (v2sf);
	(v2sf) =	vpush v0, $0x9  }
0x214: {  	[tilespmem:s25], [sflag:$0x1] =	stream.linear.gather [hbm4b:s22+s1], $0x80, $0x38;
	[tilespmem:$0x10400] =	vst v63  }
0x215: {  	s22 =	sor.u32 s28, s26  }
0x216: {  	s22 =	sshrl.u32 s22, $0x3;
	s25 =	spop (v2sf);
	(v2sf) =	vpush v1, $0xA  }
0x217: {  	s29 =	sadd.s32 $0x680, s21;
	s22 =	sadd.s32 s3, s22;
	s26 =	spop (v2sf);
	(v2sf) =	vpush v0, $0xA  }
0x218: {  	[tilespmem:s29], [sflag:$0x1] =	stream.linear.gather [hbm4b:s22+s1], $0x80, $0x38;
	[tilespmem:$0x10400] =	vst v63  }
0x219: {  	s29 =	spop (v2sf);
	(v2sf) =	vpush v1, $0xB;
	_ =	sdelay $0x1  }
0x21a: {  	s22 =	sor.u32 s31, s30;
	s30 =	spop (v2sf);
	(v2sf) =	vpush v0, $0xB;
	_ =	sdelay $0x2  }
0x21b: {  	s22 =	sshrl.u32 s22, $0x3  }
0x21c: {  	s24 =	sadd.s32 $0x700, s21;
	s22 =	sadd.s32 s3, s22  }
0x21d: {  	[tilespmem:s24], [sflag:$0x1] =	stream.linear.gather [hbm4b:s22+s1], $0x80, $0x38;
	[tilespmem:$0x10400] =	vst v63  }
0x21e: {  	s22 =	sor.u32 s26, s25;
	s23 =	spop (v2sf);
	(v2sf) =	vpush v1, $0xC  }
0x21f: {  	s22 =	sshrl.u32 s22, $0x3;
	s24 =	spop (v2sf);
	(v2sf) =	vpush v0, $0xC  }
0x220: {  	s28 =	sadd.s32 $0x780, s21;
	s22 =	sadd.s32 s3, s22  }
0x221: {  	[tilespmem:s28], [sflag:$0x1] =	stream.linear.gather [hbm4b:s22+s1], $0x80, $0x38;
	[tilespmem:$0x10400] =	vst v63  }
0x222: {  	s26 =	spop (v2sf);
	(v2sf) =	vpush v1, $0xD  }
0x223: {  	s22 =	sor.u32 s30, s29;
	s28 =	spop (v2sf);
	(v2sf) =	vpush v0, $0xD  }
0x224: {  	s22 =	sshrl.u32 s22, $0x3  }
0x225: {  	s31 =	sadd.s32 $0x800, s21;
	s22 =	sadd.s32 s3, s22;
	s30 =	spop (v2sf);
	(v2sf) =	vpush v1, $0xE  }
0x226: {  	[tilespmem:s31], [sflag:$0x1] =	stream.linear.gather [hbm4b:s22+s1], $0x80, $0x38;
	[tilespmem:$0x10400] =	vst v63  }
0x227: {  	s31 =	spop (v2sf);
	(v2sf) =	vpush v0, $0xE;
	_ =	sdelay $0x1  }
0x228: {  	s22 =	sor.u32 s24, s23  }
0x229: {  	s22 =	sshrl.u32 s22, $0x3  }
0x22a: {  	s25 =	sadd.s32 $0x880, s21;
	s22 =	sadd.s32 s3, s22  }
0x22b: {  	[tilespmem:s25], [sflag:$0x1] =	stream.linear.gather [hbm4b:s22+s1], $0x80, $0x38;
	[tilespmem:$0x10400] =	vst v63  }
0x22c: {  	s22 =	sor.u32 s28, s26;
	s25 =	spop (v2sf);
	(v2sf) =	vpush v1, $0xF  }
0x22d: {  	s22 =	sshrl.u32 s22, $0x3;
	s26 =	spop (v2sf);
	(v2sf) =	vpush v0, $0xF  }
0x22e: {  	v62 =	vshrl.u32 v2, $0x3;
	s29 =	sadd.s32 $0x900, s21;
	s22 =	sadd.s32 s3, s22  }
0x22f: {  	v63 =	vand.u32 $0x7, v2;
	[tilespmem:s29], [sflag:$0x1] =	stream.linear.gather [hbm4b:s22+s1], $0x80, $0x38;
	v0 =	vshll.u32 v62, $0xA;
	[tilespmem:$0x10400] =	vst v63  }
0x230: {  	v1 =	vshll.u32 v63, $0x7;
	s29 =	spop (v2sf);
	(v2sf) =	vpush v0, $0x0  }
0x231: {  	s22 =	sor.u32 s31, s30;
	s30 =	spop (v2sf);
	(v2sf) =	vpush v1, $0x0  }
0x232: {  	s22 =	sshrl.u32 s22, $0x3  }
0x233: {  	s24 =	sadd.s32 $0x980, s21;
	s22 =	sadd.s32 s3, s22;
	s23 =	spop (v2sf);
	(v2sf) =	vpush v0, $0x1  }
0x234: {  	[tilespmem:s24], [sflag:$0x1] =	stream.linear.gather [hbm4b:s22+s1], $0x80, $0x38;
	[tilespmem:$0x10400] =	vst v63  }
0x235: {  	s24 =	spop (v2sf);
	(v2sf) =	vpush v1, $0x1  }
0x236: {  	s22 =	sor.u32 s26, s25  }
0x237: {  	s22 =	sshrl.u32 s22, $0x3  }
0x238: {  	s28 =	sadd.s32 $0xA00, s21;
	s22 =	sadd.s32 s3, s22  }
0x239: {  	[tilespmem:s28], [sflag:$0x1] =	stream.linear.gather [hbm4b:s22+s1], $0x80, $0x38;
	[tilespmem:$0x10400] =	vst v63  }
0x23a: {  	s22 =	sor.u32 s30, s29  }
0x23b: {  	s22 =	sshrl.u32 s22, $0x3;
	s26 =	spop (v2sf);
	(v2sf) =	vpush v0, $0x2  }
0x23c: {  	s31 =	sadd.s32 $0xA80, s21;
	s22 =	sadd.s32 s3, s22;
	s28 =	spop (v2sf);
	(v2sf) =	vpush v1, $0x2  }
0x23d: {  	[tilespmem:s31], [sflag:$0x1] =	stream.linear.gather [hbm4b:s22+s1], $0x80, $0x38;
	[tilespmem:$0x10400] =	vst v63  }
0x23e: {  	s22 =	sor.u32 s24, s23  }
0x23f: {  	s22 =	sshrl.u32 s22, $0x3;
	s30 =	spop (v2sf);
	(v2sf) =	vpush v0, $0x3  }
0x240: {  	s25 =	sadd.s32 $0xB00, s21;
	s22 =	sadd.s32 s3, s22;
	s31 =	spop (v2sf);
	(v2sf) =	vpush v1, $0x3  }
0x241: {  	[tilespmem:s25], [sflag:$0x1] =	stream.linear.gather [hbm4b:s22+s1], $0x80, $0x38;
	[tilespmem:$0x10400] =	vst v63  }
0x242: {  	s25 =	spop (v2sf);
	(v2sf) =	vpush v0, $0x4;
	_ =	sdelay $0x1  }
0x243: {  	s22 =	sor.u32 s28, s26;
	s26 =	spop (v2sf);
	(v2sf) =	vpush v1, $0x4;
	_ =	sdelay $0x2  }
0x244: {  	s22 =	sshrl.u32 s22, $0x3  }
0x245: {  	s29 =	sadd.s32 $0xB80, s21;
	s22 =	sadd.s32 s3, s22  }
0x246: {  	[tilespmem:s29], [sflag:$0x1] =	stream.linear.gather [hbm4b:s22+s1], $0x80, $0x38;
	[tilespmem:$0x10400] =	vst v63  }
0x247: {  	s22 =	sor.u32 s31, s30;
	s29 =	spop (v2sf);
	(v2sf) =	vpush v0, $0x5  }
0x248: {  	s22 =	sshrl.u32 s22, $0x3;
	s30 =	spop (v2sf);
	(v2sf) =	vpush v1, $0x5  }
0x249: {  	s24 =	sadd.s32 $0x8400, s21;
	s22 =	sadd.s32 s4, s22  }
0x24a: {  	[tilespmem:s24], [sflag:$0x2] =	stream.linear.gather [hbm4b:s22+s1], $0x80, $0x38;
	[tilespmem:$0x10400] =	vst v63  }
0x24b: {  	s23 =	spop (v2sf);
	(v2sf) =	vpush v0, $0x6  }
0x24c: {  	s22 =	sor.u32 s26, s25;
	s24 =	spop (v2sf);
	(v2sf) =	vpush v1, $0x6  }
0x24d: {  	s22 =	sshrl.u32 s22, $0x3  }
0x24e: {  	s28 =	sadd.s32 $0x8480, s21;
	s22 =	sadd.s32 s4, s22;
	s26 =	spop (v2sf);
	(v2sf) =	vpush v0, $0x7  }
0x24f: {  	[tilespmem:s28], [sflag:$0x2] =	stream.linear.gather [hbm4b:s22+s1], $0x80, $0x38;
	[tilespmem:$0x10400] =	vst v63  }
0x250: {  	s28 =	spop (v2sf);
	(v2sf) =	vpush v1, $0x7  }
0x251: {  	s22 =	sor.u32 s30, s29  }
0x252: {  	s22 =	sshrl.u32 s22, $0x3  }
0x253: {  	s31 =	sadd.s32 $0x8500, s21;
	s22 =	sadd.s32 s4, s22  }
0x254: {  	[tilespmem:s31], [sflag:$0x2] =	stream.linear.gather [hbm4b:s22+s1], $0x80, $0x38;
	[tilespmem:$0x10400] =	vst v63  }
0x255: {  	s22 =	sor.u32 s24, s23  }
0x256: {  	s22 =	sshrl.u32 s22, $0x3;
	s30 =	spop (v2sf);
	(v2sf) =	vpush v0, $0x8  }
0x257: {  	s25 =	sadd.s32 $0x8580, s21;
	s22 =	sadd.s32 s4, s22;
	s31 =	spop (v2sf);
	(v2sf) =	vpush v1, $0x8  }
0x258: {  	[tilespmem:s25], [sflag:$0x2] =	stream.linear.gather [hbm4b:s22+s1], $0x80, $0x38;
	[tilespmem:$0x10400] =	vst v63  }
0x259: {  	s22 =	sor.u32 s28, s26  }
0x25a: {  	s22 =	sshrl.u32 s22, $0x3;
	s25 =	spop (v2sf);
	(v2sf) =	vpush v0, $0x9  }
0x25b: {  	s29 =	sadd.s32 $0x8600, s21;
	s22 =	sadd.s32 s4, s22;
	s26 =	spop (v2sf);
	(v2sf) =	vpush v1, $0x9  }
0x25c: {  	[tilespmem:s29], [sflag:$0x2] =	stream.linear.gather [hbm4b:s22+s1], $0x80, $0x38;
	[tilespmem:$0x10400] =	vst v63  }
0x25d: {  	s22 =	sor.u32 s31, s30;
	s29 =	spop (v2sf);
	(v2sf) =	vpush v0, $0xA  }
0x25e: {  	s22 =	sshrl.u32 s22, $0x3  }
0x25f: {  	s24 =	sadd.s32 $0x8680, s21;
	s22 =	sadd.s32 s4, s22;
	s30 =	spop (v2sf);
	(v2sf) =	vpush v1, $0xA  }
0x260: {  	[tilespmem:s24], [sflag:$0x2] =	stream.linear.gather [hbm4b:s22+s1], $0x80, $0x38;
	[tilespmem:$0x10400] =	vst v63  }
0x261: {  	s22 =	sor.u32 s26, s25  }
0x262: {  	s22 =	sshrl.u32 s22, $0x3  }
0x263: {  	s28 =	sadd.s32 $0x8700, s21;
	s22 =	sadd.s32 s4, s22  }
0x264: {  	[tilespmem:s28], [sflag:$0x2] =	stream.linear.gather [hbm4b:s22+s1], $0x80, $0x38;
	[tilespmem:$0x10400] =	vst v63  }
0x265: {  	s22 =	sor.u32 s30, s29;
	s23 =	spop (v2sf);
	(v2sf) =	vpush v0, $0xB  }
0x266: {  	s22 =	sshrl.u32 s22, $0x3;
	s24 =	spop (v2sf);
	(v2sf) =	vpush v1, $0xB  }
0x267: {  	s31 =	sadd.s32 $0x8780, s21;
	s22 =	sadd.s32 s4, s22  }
0x268: {  	[tilespmem:s31], [sflag:$0x2] =	stream.linear.gather [hbm4b:s22+s1], $0x80, $0x38;
	[tilespmem:$0x10400] =	vst v63  }
0x269: {  	s26 =	spop (v2sf);
	(v2sf) =	vpush v0, $0xC  }
0x26a: {  	s22 =	sor.u32 s24, s23;
	s28 =	spop (v2sf);
	(v2sf) =	vpush v1, $0xC  }
0x26b: {  	s22 =	sshrl.u32 s22, $0x3  }
0x26c: {  	s25 =	sadd.s32 $0x8800, s21;
	s22 =	sadd.s32 s4, s22;
	s30 =	spop (v2sf)  }
0x26d: {  	(v2sf) =	vpush v0, $0xD;
	[tilespmem:s25], [sflag:$0x2] =	stream.linear.gather [hbm4b:s22+s1], $0x80, $0x38;
	[tilespmem:$0x10400] =	vst v63  }
0x26e: {  	s31 =	spop (v2sf);
	(v2sf) =	vpush v1, $0xD  }
0x26f: {  	s22 =	sor.u32 s28, s26  }
0x270: {  	s22 =	sshrl.u32 s22, $0x3  }
0x271: {  	s29 =	sadd.s32 $0x8880, s21;
	s22 =	sadd.s32 s4, s22  }
0x272: {  	[tilespmem:s29], [sflag:$0x2] =	stream.linear.gather [hbm4b:s22+s1], $0x80, $0x38;
	[tilespmem:$0x10400] =	vst v63  }
0x273: {  	s22 =	sor.u32 s31, s30  }
0x274: {  	s22 =	sshrl.u32 s22, $0x3;
	s25 =	spop (v2sf);
	(v2sf) =	vpush v0, $0xE  }
0x275: {  	s24 =	sadd.s32 $0x8900, s21;
	s22 =	sadd.s32 s4, s22;
	s26 =	spop (v2sf);
	(v2sf) =	vpush v1, $0xE  }
0x276: {  	[tilespmem:s24], [sflag:$0x2] =	stream.linear.gather [hbm4b:s22+s1], $0x80, $0x38;
	[tilespmem:$0x10400] =	vst v63  }
0x277: {  	s22 =	sor.u32 s26, s25  }
0x278: {  	s29 =	spop (v2sf);
	(v2sf) =	vpush v0, $0xF;
	s22 =	sshrl.u32 s22, $0x3  }
0x279: {  	s28 =	sadd.s32 $0x8980, s21;
	s30 =	spop (v2sf);
	s22 =	sadd.s32 s4, s22  }
0x27a: {  	(v2sf) =	vpush v1, $0xF;
	[tilespmem:s28], [sflag:$0x2] =	stream.linear.gather [hbm4b:s22+s1], $0x80, $0x38;
	[tilespmem:$0x10400] =	vst v63  }
0x27b: {  	s22 =	sor.u32 s30, s29  }
0x27c: {  	s23 =	spop (v2sf);
	s22 =	sshrl.u32 s22, $0x3  }
0x27d: {  	s31 =	sadd.s32 $0x8A00, s21;
	s24 =	spop (v2sf);
	s22 =	sadd.s32 s4, s22  }
0x27e: {  	[tilespmem:s31], [sflag:$0x2] =	stream.linear.gather [hbm4b:s22+s1], $0x80, $0x38;
	[tilespmem:$0x10400] =	vst v63  }
0x27f: {  	s22 =	sor.u32 s24, s23  }
0x280: {  	s22 =	sshrl.u32 s22, $0x3  }
0x281: {  	s25 =	sadd.s32 $0x8A80, s21;
	s22 =	sadd.s32 s4, s22  }
0x282: {  	[tilespmem:s25], [sflag:$0x2] =	stream.linear.gather [hbm4b:s22+s1], $0x80, $0x38;
	[tilespmem:$0x10400] =	vst v63  }
0x283: {  	s26 =	spop (v2sf)  }
0x284: {  	s28 =	spop (v2sf)  }
0x285: {  	s22 =	sor.u32 s28, s26  }
0x286: {  	p0 =	seq.s32 s18, $0x0;
	s22 =	sshrl.u32 s22, $0x3  }
0x287: {  	s29 =	sadd.s32 $0x8B00, s21;
	s30 =	spop (v2sf);
	s22 =	sadd.s32 s4, s22  }
0x288: {  	[tilespmem:s29], [sflag:$0x2] =	stream.linear.gather [hbm4b:s22+s1], $0x80, $0x38;
	[tilespmem:$0x10400] =	vst v63  }
.Ltmp8:
0x289: {  	s31 =	spop (v2sf);
	(pc) =	sbr.rel @p0 .LBB2_8-.Ltmp8, $4  }
0x28a: {  	s22 =	sor.u32 s31, s30  }
0x28b: {  	s22 =	sshrl.u32 s22, $0x3  }
0x28c: {  	s21 =	sadd.s32 $0x8B80, s21;
	s22 =	sadd.s32 s4, s22  }
0x28d: {  	[tilespmem:s21], [sflag:$0x2] =	stream.linear.gather [hbm4b:s22+s1], $0x80, $0x38;
	[tilespmem:$0x10400] =	vst v63  }
0x28e: {  	_ =	swait.ge [sflag:s13], $0x80  }
0x28f: {  	[sflag:s13] =	ssyncset.done $0x0  }
0x290: {  	[sflag:s13] =	ssyncadd.s32 $0xFFFFFF80  }
0x291: {  	_ =	swait.ge [sflag:s13], $0x80  }
0x292: {  	[sflag:s13] =	ssyncset.done $0x0  }
0x293: {  	[sflag:s13] =	ssyncadd.s32 $0xFFFFFF80  }
0x294: {  	_ =	swait.ge [sflag:s13], $0x80  }
0x295: {  	[sflag:s13] =	ssyncset.done $0x0  }
0x296: {  	[sflag:s13] =	ssyncadd.s32 $0xFFFFFF80  }
0x297: {  	_ =	swait.ge [sflag:s13], $0x80  }
0x298: {  	[sflag:s13] =	ssyncset.done $0x0  }
0x299: {  	[sflag:s13] =	ssyncadd.s32 $0xFFFFFF80  }
0x29a: {  	_ =	swait.ge [sflag:s13], $0x80  }
0x29b: {  	[sflag:s13] =	ssyncset.done $0x0  }
0x29c: {  	[sflag:s13] =	ssyncadd.s32 $0xFFFFFF80  }
0x29d: {  	_ =	swait.ge [sflag:s13], $0x80  }
0x29e: {  	[sflag:s13] =	ssyncset.done $0x0  }
0x29f: {  	[sflag:s13] =	ssyncadd.s32 $0xFFFFFF80  }
0x2a0: {  	_ =	swait.ge [sflag:s13], $0x80  }
0x2a1: {  	[sflag:s13] =	ssyncset.done $0x0  }
0x2a2: {  	[sflag:s13] =	ssyncadd.s32 $0xFFFFFF80  }
0x2a3: {  	_ =	swait.ge [sflag:s13], $0x80  }
0x2a4: {  	[sflag:s13] =	ssyncset.done $0x0  }
0x2a5: {  	[sflag:s13] =	ssyncadd.s32 $0xFFFFFF80  }
0x2a6: {  	_ =	swait.ge [sflag:s13], $0x80  }
0x2a7: {  	[sflag:s13] =	ssyncset.done $0x0  }
0x2a8: {  	[sflag:s13] =	ssyncadd.s32 $0xFFFFFF80  }
0x2a9: {  	_ =	swait.ge [sflag:s13], $0x80  }
0x2aa: {  	[sflag:s13] =	ssyncset.done $0x0  }
0x2ab: {  	[sflag:s13] =	ssyncadd.s32 $0xFFFFFF80  }
0x2ac: {  	_ =	swait.ge [sflag:s13], $0x80  }
0x2ad: {  	[sflag:s13] =	ssyncset.done $0x0  }
0x2ae: {  	[sflag:s13] =	ssyncadd.s32 $0xFFFFFF80  }
0x2af: {  	_ =	swait.ge [sflag:s13], $0x80  }
0x2b0: {  	[sflag:s13] =	ssyncset.done $0x0  }
0x2b1: {  	[sflag:s13] =	ssyncadd.s32 $0xFFFFFF80  }
0x2b2: {  	_ =	swait.ge [sflag:s13], $0x80  }
0x2b3: {  	[sflag:s13] =	ssyncset.done $0x0  }
0x2b4: {  	[sflag:s13] =	ssyncadd.s32 $0xFFFFFF80  }
0x2b5: {  	_ =	swait.ge [sflag:s13], $0x80  }
0x2b6: {  	[sflag:s13] =	ssyncset.done $0x0  }
0x2b7: {  	[sflag:s13] =	ssyncadd.s32 $0xFFFFFF80  }
0x2b8: {  	_ =	swait.ge [sflag:s13], $0x80  }
0x2b9: {  	[sflag:s13] =	ssyncset.done $0x0  }
0x2ba: {  	[sflag:s13] =	ssyncadd.s32 $0xFFFFFF80  }
0x2bb: {  	_ =	swait.ge [sflag:s13], $0x80  }
0x2bc: {  	[sflag:s13] =	ssyncset.done $0x0  }
0x2bd: {  	[sflag:s13] =	ssyncadd.s32 $0xFFFFFF80  }
0x2be: {  	_ =	swait.ge [sflag:s14], $0x80  }
0x2bf: {  	[sflag:s14] =	ssyncset.done $0x0  }
0x2c0: {  	[sflag:s14] =	ssyncadd.s32 $0xFFFFFF80  }
0x2c1: {  	_ =	swait.ge [sflag:s14], $0x80  }
0x2c2: {  	[sflag:s14] =	ssyncset.done $0x0  }
0x2c3: {  	[sflag:s14] =	ssyncadd.s32 $0xFFFFFF80  }
0x2c4: {  	_ =	swait.ge [sflag:s14], $0x80  }
0x2c5: {  	[sflag:s14] =	ssyncset.done $0x0  }
0x2c6: {  	[sflag:s14] =	ssyncadd.s32 $0xFFFFFF80  }
0x2c7: {  	_ =	swait.ge [sflag:s14], $0x80  }
0x2c8: {  	[sflag:s14] =	ssyncset.done $0x0  }
0x2c9: {  	[sflag:s14] =	ssyncadd.s32 $0xFFFFFF80  }
0x2ca: {  	_ =	swait.ge [sflag:s14], $0x80  }
0x2cb: {  	[sflag:s14] =	ssyncset.done $0x0  }
0x2cc: {  	[sflag:s14] =	ssyncadd.s32 $0xFFFFFF80  }
0x2cd: {  	_ =	swait.ge [sflag:s14], $0x80  }
0x2ce: {  	[sflag:s14] =	ssyncset.done $0x0  }
0x2cf: {  	[sflag:s14] =	ssyncadd.s32 $0xFFFFFF80  }
0x2d0: {  	_ =	swait.ge [sflag:s14], $0x80  }
0x2d1: {  	[sflag:s14] =	ssyncset.done $0x0  }
0x2d2: {  	[sflag:s14] =	ssyncadd.s32 $0xFFFFFF80  }
0x2d3: {  	_ =	swait.ge [sflag:s14], $0x80  }
0x2d4: {  	[sflag:s14] =	ssyncset.done $0x0  }
0x2d5: {  	[sflag:s14] =	ssyncadd.s32 $0xFFFFFF80  }
0x2d6: {  	_ =	swait.ge [sflag:s14], $0x80  }
0x2d7: {  	[sflag:s14] =	ssyncset.done $0x0  }
0x2d8: {  	[sflag:s14] =	ssyncadd.s32 $0xFFFFFF80  }
0x2d9: {  	_ =	swait.ge [sflag:s14], $0x80  }
0x2da: {  	[sflag:s14] =	ssyncset.done $0x0  }
0x2db: {  	[sflag:s14] =	ssyncadd.s32 $0xFFFFFF80  }
0x2dc: {  	_ =	swait.ge [sflag:s14], $0x80  }
0x2dd: {  	[sflag:s14] =	ssyncset.done $0x0  }
0x2de: {  	[sflag:s14] =	ssyncadd.s32 $0xFFFFFF80  }
0x2df: {  	_ =	swait.ge [sflag:s14], $0x80  }
0x2e0: {  	[sflag:s14] =	ssyncset.done $0x0  }
0x2e1: {  	[sflag:s14] =	ssyncadd.s32 $0xFFFFFF80  }
0x2e2: {  	_ =	swait.ge [sflag:s14], $0x80  }
0x2e3: {  	[sflag:s14] =	ssyncset.done $0x0  }
0x2e4: {  	[sflag:s14] =	ssyncadd.s32 $0xFFFFFF80  }
0x2e5: {  	_ =	swait.ge [sflag:s14], $0x80  }
0x2e6: {  	[sflag:s14] =	ssyncset.done $0x0  }
0x2e7: {  	[sflag:s14] =	ssyncadd.s32 $0xFFFFFF80  }
0x2e8: {  	_ =	swait.ge [sflag:s14], $0x80  }
.Ltmp9:
0x2e9: {  	[sflag:s14] =	ssyncset.done $0x0;
	(pc) =	sbr.rel .LBB2_8-.Ltmp9, $4  }
0x2ea: {  	[sflag:s14] =	ssyncadd.s32 $0xFFFFFF80  }
0x2eb: {  	_ =	swait.ge [sflag:s14], $0x80  }
0x2ec: {  	[sflag:s14] =	ssyncset.done $0x0  }
0x2ed: {  	[sflag:s14] =	ssyncadd.s32 $0xFFFFFF80  }
.LBB2_10:
0x2ee: {  	_ =	sfence.sel $0x180000  }
0x2ef: {  	[bflag:$0x0] =	sbarrier.arrive $0xFFFF  }
0x2f0: {  	p0 =	sne.s32 s2, $0x0;
	_ =	strace $0x90000047  }
0x2f1: {  	s0 =	sadd.s32 @!p0 $0x100000, s0;
	[bflag:$0x2] =	sbarrier.arrive $0xFFFF  }
0x2f2: {  	[sflag:s0] =	ssyncadd.tile.s32 @!p0 $0x1;
	_ =	shalt  }
.Lfunc_end2:
_tile_overlayer_lowered:
.L_overlay_start_2:
0x2f3: {  	(tag) =	ssettag $0x2  }
0x2f4: {  	s0 =	rddreg [dreg:$0x0];
	s2 =	stileid.u32  }
0x2f5: {  	s1 =	rddreg [dreg:$0x1];
	p0 =	sne.s32 s2, $0x0  }
0x2f6: {  	s3 =	rddreg [dreg:$0x2];
	[bflag:$0x3] =	sbarrier.arrive $0xFFFF;
	s2 =	simm.s32 @!p0 $0x1C03  }
0x2f7: {  	[timem:s3], [sflag:s2] =	dma.local @!p0 [hbm:s0], s1  }
0x2f8: {  	s0 =	simm.s32 @!p0 $0x3  }
0x2f9: {  	_ =	swait.ge @!p0 [sflag:s0], s1  }
0x2fa: {  	s1 =	ssub.s32 @!p0 $0x0, s1;
	[sflag:s0] =	ssyncset.done @!p0 $0x0  }
0x2fb: {  	[sflag:s0] =	ssyncadd.s32 @!p0 s1  }
0x2fc: {  	[bflag:$0x3] =	sbarrier.arrive $0xFFFF  }
0x2fd: {  	_ =	shalt  }

</sc_bundles>
